<compile_context>
chip_gen: v7x
topology: tpu7x:2x2x1
jax: 0.10.2.dev20260603
libtpu: 0.0.44.dev20260713+nightly
codegen_flags: <defaults>
</compile_context>

<pallas_src>
import functools

import jax
import jax.numpy as jnp
from jax import lax
from jax.experimental import pallas as pl
from jax.experimental.pallas import tpu as pltpu
from jax.experimental.pallas import tpu_sc as plsc

B = 16384
D = 32
L = 16
NC = 2
NS = 16
NW = NC * NS
BPW = B // NW
Q = 128
NQ = BPW // Q
QG = Q // L
V = 1_000_000
VR = (V * D) // 128


def _make_sc_kernel():
    mesh = plsc.VectorSubcoreMesh(core_axis_name="c", subcore_axis_name="s")

    @functools.partial(
        pl.kernel,
        mesh=mesh,
        compiler_params=pltpu.CompilerParams(needs_layout_passes=False),
        out_type=(
            jax.ShapeDtypeStruct((B,), jnp.float32),
            jax.ShapeDtypeStruct((B,), jnp.float32),
        ),
        scratch_types=[
            pltpu.VMEM((BPW,), jnp.int32),
            pltpu.VMEM((BPW,), jnp.int32),
            pltpu.VMEM((BPW,), jnp.int32),
            pltpu.VMEM((BPW,), jnp.int32),
            pltpu.VMEM((BPW,), jnp.int32),
            pltpu.VMEM((BPW,), jnp.int32),
            [[pltpu.VMEM((Q, 128), jnp.float32) for _ in range(3)]
             for _ in range(2)],
            pltpu.VMEM((BPW,), jnp.float32),
            pltpu.VMEM((BPW,), jnp.float32),
            pltpu.VMEM((BPW,), jnp.float32),
            pltpu.VMEM((BPW,), jnp.float32),
            pltpu.VMEM((BPW,), jnp.float32),
            pltpu.VMEM((L,), jnp.float32),
            pltpu.SemaphoreType.DMA,
        ],
    )
    def k(user_hbm, item_i_hbm, item_j_hbm, eu_hbm, ei_hbm, bu_hbm, bi_hbm,
          gb_hbm, out_i_hbm, out_j_hbm,
          idx_u, idx_i, idx_j, row_u, row_i, row_j, bufs,
          bu_v, bi_iv, bi_jv, out_iv, out_jv, gb_v, sem):
        wid = lax.axis_index("s") * NC + lax.axis_index("c")
        base = wid * BPW

        pltpu.sync_copy(user_hbm.at[pl.ds(base, BPW)], idx_u)
        pltpu.sync_copy(item_i_hbm.at[pl.ds(base, BPW)], idx_i)
        pltpu.sync_copy(item_j_hbm.at[pl.ds(base, BPW)], idx_j)
        pltpu.sync_copy(gb_hbm, gb_v)

        bias_copies = []
        for c in range(NQ):
            s = pl.ds(c * Q, Q)
            bias_copies.append(pltpu.async_copy(bu_hbm.at[idx_u.at[s]], bu_v.at[s], sem))
            bias_copies.append(pltpu.async_copy(bi_hbm.at[idx_i.at[s]], bi_iv.at[s], sem))
            bias_copies.append(pltpu.async_copy(bi_hbm.at[idx_j.at[s]], bi_jv.at[s], sem))

        def rowgen(g, carry):
            s = pl.ds(g * L, L)
            row_u[s] = idx_u[s] >> 2
            row_i[s] = idx_i[s] >> 2
            row_j[s] = idx_j[s] >> 2
            return carry
        lax.fori_loop(0, BPW // L, rowgen, 0)

        def fire(q, bset):
            s = pl.ds(q * Q, Q)
            return [
                pltpu.async_copy(eu_hbm.at[row_u.at[s]], bufs[bset][0], sem),
                pltpu.async_copy(ei_hbm.at[row_i.at[s]], bufs[bset][1], sem),
                pltpu.async_copy(ei_hbm.at[row_j.at[s]], bufs[bset][2], sem),
            ]

        gb = gb_v[...]

        def compute(q, bset):
            gu, gi, gj = bufs[bset]

            def group_body(g, carry):
                e = q * Q + g * L
                bs = pl.ds(e, L)
                lb = g * L + lax.iota(jnp.int32, L)
                cu = (idx_u[bs] & 3) << 5
                ci = (idx_i[bs] & 3) << 5
                cj = (idx_j[bs] & 3) << 5
                acc_i = gb + bu_v[bs] + bi_iv[bs]
                acc_j = gb + bu_v[bs] + bi_jv[bs]
                for d in range(D):
                    u = plsc.load_gather(gu, [lb, cu + d])
                    vi = plsc.load_gather(gi, [lb, ci + d])
                    vj = plsc.load_gather(gj, [lb, cj + d])
                    acc_i = acc_i + u * vi
                    acc_j = acc_j + u * vj
                out_iv[bs] = acc_i
                out_jv[bs] = acc_j
                return carry

            lax.fori_loop(0, QG, group_body, 0)

        cps = fire(0, 0)
        nxt = fire(1, 1)
        for q in range(NQ):
            for cp in cps:
                cp.wait()
            compute(q, q % 2)
            pending = fire(q + 2, q % 2) if q + 2 < NQ else None
            cps, nxt = nxt, pending

        for cp in bias_copies:
            cp.wait()

        pltpu.sync_copy(out_iv, out_i_hbm.at[pl.ds(base, BPW)])
        pltpu.sync_copy(out_jv, out_j_hbm.at[pl.ds(base, BPW)])

    return k


_SC_KERNEL = _make_sc_kernel()


def kernel(user, item_i, item_j, embed_user, embed_item, bias_user, bias_item,
           global_bias):
    gb16 = jnp.broadcast_to(global_bias.astype(jnp.float32), (L,))
    return _SC_KERNEL(
        user.astype(jnp.int32),
        item_i.astype(jnp.int32),
        item_j.astype(jnp.int32),
        embed_user.reshape(VR, 128),
        embed_item.reshape(VR, 128),
        bias_user.reshape(-1),
        bias_item.reshape(-1),
        gb16,
    )

# --- scband reference (transcript-rebuilt; emitter-appended) ---
"""Pipeline reference for scband-fmbackbone-14516989460590 (READ-ONLY COPY).

The authoritative reference and input builder live on the scoring server;
editing this copy changes nothing except your own understanding.
"""

import jax, jax.numpy as jnp
import numpy as np

USER_NUM = 1000000
ITEM_NUM = 1000000
EMBED_DIM = 32
BATCH = 16384


def setup_inputs(seed: int = 0) -> dict:
    key = jax.random.key(seed)
    k1, k2, k3, k4, k5 = jax.random.split(key, 5)
    user = jax.random.randint(k1, (BATCH,), 0, USER_NUM)
    item_i = jax.random.randint(k2, (BATCH,), 0, ITEM_NUM)
    item_j = jax.random.randint(k3, (BATCH,), 0, ITEM_NUM)
    # learned params, initialized per FMBackbone.__init__
    embed_user = jax.random.normal(k4, (USER_NUM, EMBED_DIM), dtype=jnp.float32) * 0.01
    embed_item = jax.random.normal(k5, (ITEM_NUM, EMBED_DIM), dtype=jnp.float32) * 0.01
    bias_user = jnp.zeros((USER_NUM, 1), dtype=jnp.float32)
    bias_item = jnp.zeros((ITEM_NUM, 1), dtype=jnp.float32)
    global_bias = jnp.zeros((), dtype=jnp.float32)
    return {
        "user": user,
        "item_i": item_i,
        "item_j": item_j,
        "embed_user": embed_user,
        "embed_item": embed_item,
        "bias_user": bias_user,
        "bias_item": bias_item,
        "global_bias": global_bias,
    }


def reference(user, item_i, item_j, embed_user, embed_item, bias_user, bias_item, global_bias):
    # FMBackbone.predict_matching
    user_emb = jnp.take(embed_user, user, axis=0)
    item_i_emb = jnp.take(embed_item, item_i, axis=0)
    prediction_matching_i = (
        global_bias
        + jnp.take(bias_user, user, axis=0)[:, 0]
        + jnp.take(bias_item, item_i, axis=0)[:, 0]
        + jnp.sum(user_emb * item_i_emb, axis=-1)
    )
    item_j_emb = jnp.take(embed_item, item_j, axis=0)
    prediction_matching_j = (
        global_bias
        + jnp.take(bias_user, user, axis=0)[:, 0]
        + jnp.take(bias_item, item_j, axis=0)[:, 0]
        + jnp.sum(user_emb * item_j_emb, axis=-1)
    )
    return (prediction_matching_i, prediction_matching_j)

if __name__ == "__main__":
    import jax
    _d = setup_inputs()
    print(jax.jit(kernel)(*tuple(_d.values())))

</pallas_src>

<mosaic_0001>
#map = affine_map<(d0, d1) -> (0)>
#map1 = affine_map<(d0, d1) -> (0, 0)>
module attributes {stable_mosaic.version = 14 : i64} {
  func.func @k(%arg0: i32, %arg1: i32, %arg2: memref<16384xi32, #tpu.memory_space<hbm>>, %arg3: memref<16384xi32, #tpu.memory_space<hbm>>, %arg4: memref<16384xi32, #tpu.memory_space<hbm>>, %arg5: memref<250000x128xf32, #tpu.memory_space<hbm>>, %arg6: memref<250000x128xf32, #tpu.memory_space<hbm>>, %arg7: memref<1000000xf32, #tpu.memory_space<hbm>>, %arg8: memref<1000000xf32, #tpu.memory_space<hbm>>, %arg9: memref<16xf32, #tpu.memory_space<hbm>>, %arg10: memref<16384xf32, #tpu.memory_space<hbm>>, %arg11: memref<16384xf32, #tpu.memory_space<hbm>>, %arg12: memref<512xi32, #tpu.memory_space<vmem>>, %arg13: memref<512xi32, #tpu.memory_space<vmem>>, %arg14: memref<512xi32, #tpu.memory_space<vmem>>, %arg15: memref<512xi32, #tpu.memory_space<vmem>>, %arg16: memref<512xi32, #tpu.memory_space<vmem>>, %arg17: memref<512xi32, #tpu.memory_space<vmem>>, %arg18: memref<128x128xf32, #tpu.memory_space<vmem>>, %arg19: memref<128x128xf32, #tpu.memory_space<vmem>>, %arg20: memref<128x128xf32, #tpu.memory_space<vmem>>, %arg21: memref<128x128xf32, #tpu.memory_space<vmem>>, %arg22: memref<128x128xf32, #tpu.memory_space<vmem>>, %arg23: memref<128x128xf32, #tpu.memory_space<vmem>>, %arg24: memref<512xf32, #tpu.memory_space<vmem>>, %arg25: memref<512xf32, #tpu.memory_space<vmem>>, %arg26: memref<512xf32, #tpu.memory_space<vmem>>, %arg27: memref<512xf32, #tpu.memory_space<vmem>>, %arg28: memref<512xf32, #tpu.memory_space<vmem>>, %arg29: memref<16xf32, #tpu.memory_space<vmem>>, %arg30: memref<!tpu.dma_semaphore, #tpu.memory_space<semaphore_mem>>) attributes {dimension_semantics = [#tpu.dimension_semantics<core_parallel>, #tpu.dimension_semantics<subcore_parallel>], iteration_bounds = array<i64: 2, 16>, scalar_prefetch = 0 : i64, scratch_operands = 19 : i64, tpu.core_type = #tpu.core_type<sc_vector_subcore>, window_params = [{transform_indices = #map}, {transform_indices = #map}, {transform_indices = #map}, {transform_indices = #map1}, {transform_indices = #map1}, {transform_indices = #map}, {transform_indices = #map}, {transform_indices = #map}, {transform_indices = #map}, {transform_indices = #map}]} {
    %mul3A = arith.constant 2 : i32
    %mul3A_0 = arith.muli %arg1, %mul3A : i32
    %add3A = arith.addi %mul3A_0, %arg0 : i32
    %mul3A_1 = arith.constant 512 : i32
    %mul3A_2 = arith.muli %add3A, %mul3A_1 : i32
    "tpu.region"() ({
      %run_scoped3A = tpu.sem_alloc : memref<!tpu.dma_semaphore, #tpu.memory_space<semaphore_mem>>
      %dma_start3A_295 = tpu.memref_slice %arg2[%mul3A_2] : memref<16384xi32, #tpu.memory_space<hbm>> -> memref<512xi32, #tpu.memory_space<hbm>>
      %dma_start3A_296 = tpu.memref_slice %arg2[%mul3A_2] : memref<16384xi32, #tpu.memory_space<hbm>> -> memref<512xi32, #tpu.memory_space<hbm>>
      tpu.enqueue_dma source(%dma_start3A_296 : memref<512xi32, #tpu.memory_space<hbm>>) target(%arg12 : memref<512xi32, #tpu.memory_space<vmem>>) target_semaphore(%run_scoped3A : memref<!tpu.dma_semaphore, #tpu.memory_space<semaphore_mem>>)
      %dma_wait3A_297 = tpu.memref_slice %arg2[%mul3A_2] : memref<16384xi32, #tpu.memory_space<hbm>> -> memref<512xi32, #tpu.memory_space<hbm>>
      %dma_wait3A_298 = tpu.memref_slice %arg2[%mul3A_2] : memref<16384xi32, #tpu.memory_space<hbm>> -> memref<512xi32, #tpu.memory_space<hbm>>
      tpu.wait_dma2 semaphore(%run_scoped3A : memref<!tpu.dma_semaphore, #tpu.memory_space<semaphore_mem>>) src(%dma_wait3A_298 : memref<512xi32, #tpu.memory_space<hbm>>) dst(%arg12 : memref<512xi32, #tpu.memory_space<vmem>>)
      tpu.yield
    }) : () -> ()
    "tpu.region"() ({
      %run_scoped3A = tpu.sem_alloc : memref<!tpu.dma_semaphore, #tpu.memory_space<semaphore_mem>>
      %dma_start3A_295 = tpu.memref_slice %arg3[%mul3A_2] : memref<16384xi32, #tpu.memory_space<hbm>> -> memref<512xi32, #tpu.memory_space<hbm>>
      %dma_start3A_296 = tpu.memref_slice %arg3[%mul3A_2] : memref<16384xi32, #tpu.memory_space<hbm>> -> memref<512xi32, #tpu.memory_space<hbm>>
      tpu.enqueue_dma source(%dma_start3A_296 : memref<512xi32, #tpu.memory_space<hbm>>) target(%arg13 : memref<512xi32, #tpu.memory_space<vmem>>) target_semaphore(%run_scoped3A : memref<!tpu.dma_semaphore, #tpu.memory_space<semaphore_mem>>)
      %dma_wait3A_297 = tpu.memref_slice %arg3[%mul3A_2] : memref<16384xi32, #tpu.memory_space<hbm>> -> memref<512xi32, #tpu.memory_space<hbm>>
      %dma_wait3A_298 = tpu.memref_slice %arg3[%mul3A_2] : memref<16384xi32, #tpu.memory_space<hbm>> -> memref<512xi32, #tpu.memory_space<hbm>>
      tpu.wait_dma2 semaphore(%run_scoped3A : memref<!tpu.dma_semaphore, #tpu.memory_space<semaphore_mem>>) src(%dma_wait3A_298 : memref<512xi32, #tpu.memory_space<hbm>>) dst(%arg13 : memref<512xi32, #tpu.memory_space<vmem>>)
      tpu.yield
    }) : () -> ()
    "tpu.region"() ({
      %run_scoped3A = tpu.sem_alloc : memref<!tpu.dma_semaphore, #tpu.memory_space<semaphore_mem>>
      %dma_start3A_295 = tpu.memref_slice %arg4[%mul3A_2] : memref<16384xi32, #tpu.memory_space<hbm>> -> memref<512xi32, #tpu.memory_space<hbm>>
      %dma_start3A_296 = tpu.memref_slice %arg4[%mul3A_2] : memref<16384xi32, #tpu.memory_space<hbm>> -> memref<512xi32, #tpu.memory_space<hbm>>
      tpu.enqueue_dma source(%dma_start3A_296 : memref<512xi32, #tpu.memory_space<hbm>>) target(%arg14 : memref<512xi32, #tpu.memory_space<vmem>>) target_semaphore(%run_scoped3A : memref<!tpu.dma_semaphore, #tpu.memory_space<semaphore_mem>>)
      %dma_wait3A_297 = tpu.memref_slice %arg4[%mul3A_2] : memref<16384xi32, #tpu.memory_space<hbm>> -> memref<512xi32, #tpu.memory_space<hbm>>
      %dma_wait3A_298 = tpu.memref_slice %arg4[%mul3A_2] : memref<16384xi32, #tpu.memory_space<hbm>> -> memref<512xi32, #tpu.memory_space<hbm>>
      tpu.wait_dma2 semaphore(%run_scoped3A : memref<!tpu.dma_semaphore, #tpu.memory_space<semaphore_mem>>) src(%dma_wait3A_298 : memref<512xi32, #tpu.memory_space<hbm>>) dst(%arg14 : memref<512xi32, #tpu.memory_space<vmem>>)
      tpu.yield
    }) : () -> ()
    "tpu.region"() ({
      %run_scoped3A = tpu.sem_alloc : memref<!tpu.dma_semaphore, #tpu.memory_space<semaphore_mem>>
      tpu.enqueue_dma source(%arg9 : memref<16xf32, #tpu.memory_space<hbm>>) target(%arg29 : memref<16xf32, #tpu.memory_space<vmem>>) target_semaphore(%run_scoped3A : memref<!tpu.dma_semaphore, #tpu.memory_space<semaphore_mem>>)
      tpu.wait_dma2 semaphore(%run_scoped3A : memref<!tpu.dma_semaphore, #tpu.memory_space<semaphore_mem>>) src(%arg9 : memref<16xf32, #tpu.memory_space<hbm>>) dst(%arg29 : memref<16xf32, #tpu.memory_space<vmem>>)
      tpu.yield
    }) : () -> ()
    %dma_start3A = arith.constant 0 : i32
    %dma_start3A_3 = tpu.memref_slice %arg24[%dma_start3A] : memref<512xf32, #tpu.memory_space<vmem>> -> memref<128xf32, #tpu.memory_space<vmem>>
    %dma_start3A_4 = arith.constant 0 : i32
    %dma_start3A_5 = tpu.memref_slice %arg12[%dma_start3A_4] : memref<512xi32, #tpu.memory_space<vmem>> -> memref<128xi32, #tpu.memory_space<vmem>>
    %dma_start3A_6 = arith.constant 0 : i32
    %dma_start3A_7 = tpu.memref_slice %arg7[%dma_start3A_6] : memref<1000000xf32, #tpu.memory_space<hbm>> -> memref<1000000xf32, #tpu.memory_space<hbm>>
    tpu.enqueue_indirect_dma source(%dma_start3A_7 : memref<1000000xf32, #tpu.memory_space<hbm>>) target(%dma_start3A_3 : memref<128xf32, #tpu.memory_space<vmem>>) offsets(%dma_start3A_5 : memref<128xi32, #tpu.memory_space<vmem>>) semaphore(%arg30 : memref<!tpu.dma_semaphore, #tpu.memory_space<semaphore_mem>>)
    %dma_start3A_8 = arith.constant 0 : i32
    %dma_start3A_9 = tpu.memref_slice %arg25[%dma_start3A_8] : memref<512xf32, #tpu.memory_space<vmem>> -> memref<128xf32, #tpu.memory_space<vmem>>
    %dma_start3A_10 = arith.constant 0 : i32
    %dma_start3A_11 = tpu.memref_slice %arg13[%dma_start3A_10] : memref<512xi32, #tpu.memory_space<vmem>> -> memref<128xi32, #tpu.memory_space<vmem>>
    %dma_start3A_12 = arith.constant 0 : i32
    %dma_start3A_13 = tpu.memref_slice %arg8[%dma_start3A_12] : memref<1000000xf32, #tpu.memory_space<hbm>> -> memref<1000000xf32, #tpu.memory_space<hbm>>
    tpu.enqueue_indirect_dma source(%dma_start3A_13 : memref<1000000xf32, #tpu.memory_space<hbm>>) target(%dma_start3A_9 : memref<128xf32, #tpu.memory_space<vmem>>) offsets(%dma_start3A_11 : memref<128xi32, #tpu.memory_space<vmem>>) semaphore(%arg30 : memref<!tpu.dma_semaphore, #tpu.memory_space<semaphore_mem>>)
    %dma_start3A_14 = arith.constant 0 : i32
    %dma_start3A_15 = tpu.memref_slice %arg26[%dma_start3A_14] : memref<512xf32, #tpu.memory_space<vmem>> -> memref<128xf32, #tpu.memory_space<vmem>>
    %dma_start3A_16 = arith.constant 0 : i32
    %dma_start3A_17 = tpu.memref_slice %arg14[%dma_start3A_16] : memref<512xi32, #tpu.memory_space<vmem>> -> memref<128xi32, #tpu.memory_space<vmem>>
    %dma_start3A_18 = arith.constant 0 : i32
    %dma_start3A_19 = tpu.memref_slice %arg8[%dma_start3A_18] : memref<1000000xf32, #tpu.memory_space<hbm>> -> memref<1000000xf32, #tpu.memory_space<hbm>>
    tpu.enqueue_indirect_dma source(%dma_start3A_19 : memref<1000000xf32, #tpu.memory_space<hbm>>) target(%dma_start3A_15 : memref<128xf32, #tpu.memory_space<vmem>>) offsets(%dma_start3A_17 : memref<128xi32, #tpu.memory_space<vmem>>) semaphore(%arg30 : memref<!tpu.dma_semaphore, #tpu.memory_space<semaphore_mem>>)
    %dma_start3A_20 = arith.constant 128 : i32
    %dma_start3A_21 = tpu.memref_slice %arg24[%dma_start3A_20] : memref<512xf32, #tpu.memory_space<vmem>> -> memref<128xf32, #tpu.memory_space<vmem>>
    %dma_start3A_22 = arith.constant 128 : i32
    %dma_start3A_23 = tpu.memref_slice %arg12[%dma_start3A_22] : memref<512xi32, #tpu.memory_space<vmem>> -> memref<128xi32, #tpu.memory_space<vmem>>
    %dma_start3A_24 = arith.constant 0 : i32
    %dma_start3A_25 = tpu.memref_slice %arg7[%dma_start3A_24] : memref<1000000xf32, #tpu.memory_space<hbm>> -> memref<1000000xf32, #tpu.memory_space<hbm>>
    tpu.enqueue_indirect_dma source(%dma_start3A_25 : memref<1000000xf32, #tpu.memory_space<hbm>>) target(%dma_start3A_21 : memref<128xf32, #tpu.memory_space<vmem>>) offsets(%dma_start3A_23 : memref<128xi32, #tpu.memory_space<vmem>>) semaphore(%arg30 : memref<!tpu.dma_semaphore, #tpu.memory_space<semaphore_mem>>)
    %dma_start3A_26 = arith.constant 128 : i32
    %dma_start3A_27 = tpu.memref_slice %arg25[%dma_start3A_26] : memref<512xf32, #tpu.memory_space<vmem>> -> memref<128xf32, #tpu.memory_space<vmem>>
    %dma_start3A_28 = arith.constant 128 : i32
    %dma_start3A_29 = tpu.memref_slice %arg13[%dma_start3A_28] : memref<512xi32, #tpu.memory_space<vmem>> -> memref<128xi32, #tpu.memory_space<vmem>>
    %dma_start3A_30 = arith.constant 0 : i32
    %dma_start3A_31 = tpu.memref_slice %arg8[%dma_start3A_30] : memref<1000000xf32, #tpu.memory_space<hbm>> -> memref<1000000xf32, #tpu.memory_space<hbm>>
    tpu.enqueue_indirect_dma source(%dma_start3A_31 : memref<1000000xf32, #tpu.memory_space<hbm>>) target(%dma_start3A_27 : memref<128xf32, #tpu.memory_space<vmem>>) offsets(%dma_start3A_29 : memref<128xi32, #tpu.memory_space<vmem>>) semaphore(%arg30 : memref<!tpu.dma_semaphore, #tpu.memory_space<semaphore_mem>>)
    %dma_start3A_32 = arith.constant 128 : i32
    %dma_start3A_33 = tpu.memref_slice %arg26[%dma_start3A_32] : memref<512xf32, #tpu.memory_space<vmem>> -> memref<128xf32, #tpu.memory_space<vmem>>
    %dma_start3A_34 = arith.constant 128 : i32
    %dma_start3A_35 = tpu.memref_slice %arg14[%dma_start3A_34] : memref<512xi32, #tpu.memory_space<vmem>> -> memref<128xi32, #tpu.memory_space<vmem>>
    %dma_start3A_36 = arith.constant 0 : i32
    %dma_start3A_37 = tpu.memref_slice %arg8[%dma_start3A_36] : memref<1000000xf32, #tpu.memory_space<hbm>> -> memref<1000000xf32, #tpu.memory_space<hbm>>
    tpu.enqueue_indirect_dma source(%dma_start3A_37 : memref<1000000xf32, #tpu.memory_space<hbm>>) target(%dma_start3A_33 : memref<128xf32, #tpu.memory_space<vmem>>) offsets(%dma_start3A_35 : memref<128xi32, #tpu.memory_space<vmem>>) semaphore(%arg30 : memref<!tpu.dma_semaphore, #tpu.memory_space<semaphore_mem>>)
    %dma_start3A_38 = arith.constant 256 : i32
    %dma_start3A_39 = tpu.memref_slice %arg24[%dma_start3A_38] : memref<512xf32, #tpu.memory_space<vmem>> -> memref<128xf32, #tpu.memory_space<vmem>>
    %dma_start3A_40 = arith.constant 256 : i32
    %dma_start3A_41 = tpu.memref_slice %arg12[%dma_start3A_40] : memref<512xi32, #tpu.memory_space<vmem>> -> memref<128xi32, #tpu.memory_space<vmem>>
    %dma_start3A_42 = arith.constant 0 : i32
    %dma_start3A_43 = tpu.memref_slice %arg7[%dma_start3A_42] : memref<1000000xf32, #tpu.memory_space<hbm>> -> memref<1000000xf32, #tpu.memory_space<hbm>>
    tpu.enqueue_indirect_dma source(%dma_start3A_43 : memref<1000000xf32, #tpu.memory_space<hbm>>) target(%dma_start3A_39 : memref<128xf32, #tpu.memory_space<vmem>>) offsets(%dma_start3A_41 : memref<128xi32, #tpu.memory_space<vmem>>) semaphore(%arg30 : memref<!tpu.dma_semaphore, #tpu.memory_space<semaphore_mem>>)
    %dma_start3A_44 = arith.constant 256 : i32
    %dma_start3A_45 = tpu.memref_slice %arg25[%dma_start3A_44] : memref<512xf32, #tpu.memory_space<vmem>> -> memref<128xf32, #tpu.memory_space<vmem>>
    %dma_start3A_46 = arith.constant 256 : i32
    %dma_start3A_47 = tpu.memref_slice %arg13[%dma_start3A_46] : memref<512xi32, #tpu.memory_space<vmem>> -> memref<128xi32, #tpu.memory_space<vmem>>
    %dma_start3A_48 = arith.constant 0 : i32
    %dma_start3A_49 = tpu.memref_slice %arg8[%dma_start3A_48] : memref<1000000xf32, #tpu.memory_space<hbm>> -> memref<1000000xf32, #tpu.memory_space<hbm>>
    tpu.enqueue_indirect_dma source(%dma_start3A_49 : memref<1000000xf32, #tpu.memory_space<hbm>>) target(%dma_start3A_45 : memref<128xf32, #tpu.memory_space<vmem>>) offsets(%dma_start3A_47 : memref<128xi32, #tpu.memory_space<vmem>>) semaphore(%arg30 : memref<!tpu.dma_semaphore, #tpu.memory_space<semaphore_mem>>)
    %dma_start3A_50 = arith.constant 256 : i32
    %dma_start3A_51 = tpu.memref_slice %arg26[%dma_start3A_50] : memref<512xf32, #tpu.memory_space<vmem>> -> memref<128xf32, #tpu.memory_space<vmem>>
    %dma_start3A_52 = arith.constant 256 : i32
    %dma_start3A_53 = tpu.memref_slice %arg14[%dma_start3A_52] : memref<512xi32, #tpu.memory_space<vmem>> -> memref<128xi32, #tpu.memory_space<vmem>>
    %dma_start3A_54 = arith.constant 0 : i32
    %dma_start3A_55 = tpu.memref_slice %arg8[%dma_start3A_54] : memref<1000000xf32, #tpu.memory_space<hbm>> -> memref<1000000xf32, #tpu.memory_space<hbm>>
    tpu.enqueue_indirect_dma source(%dma_start3A_55 : memref<1000000xf32, #tpu.memory_space<hbm>>) target(%dma_start3A_51 : memref<128xf32, #tpu.memory_space<vmem>>) offsets(%dma_start3A_53 : memref<128xi32, #tpu.memory_space<vmem>>) semaphore(%arg30 : memref<!tpu.dma_semaphore, #tpu.memory_space<semaphore_mem>>)
    %dma_start3A_56 = arith.constant 384 : i32
    %dma_start3A_57 = tpu.memref_slice %arg24[%dma_start3A_56] : memref<512xf32, #tpu.memory_space<vmem>> -> memref<128xf32, #tpu.memory_space<vmem>>
    %dma_start3A_58 = arith.constant 384 : i32
    %dma_start3A_59 = tpu.memref_slice %arg12[%dma_start3A_58] : memref<512xi32, #tpu.memory_space<vmem>> -> memref<128xi32, #tpu.memory_space<vmem>>
    %dma_start3A_60 = arith.constant 0 : i32
    %dma_start3A_61 = tpu.memref_slice %arg7[%dma_start3A_60] : memref<1000000xf32, #tpu.memory_space<hbm>> -> memref<1000000xf32, #tpu.memory_space<hbm>>
    tpu.enqueue_indirect_dma source(%dma_start3A_61 : memref<1000000xf32, #tpu.memory_space<hbm>>) target(%dma_start3A_57 : memref<128xf32, #tpu.memory_space<vmem>>) offsets(%dma_start3A_59 : memref<128xi32, #tpu.memory_space<vmem>>) semaphore(%arg30 : memref<!tpu.dma_semaphore, #tpu.memory_space<semaphore_mem>>)
    %dma_start3A_62 = arith.constant 384 : i32
    %dma_start3A_63 = tpu.memref_slice %arg25[%dma_start3A_62] : memref<512xf32, #tpu.memory_space<vmem>> -> memref<128xf32, #tpu.memory_space<vmem>>
    %dma_start3A_64 = arith.constant 384 : i32
    %dma_start3A_65 = tpu.memref_slice %arg13[%dma_start3A_64] : memref<512xi32, #tpu.memory_space<vmem>> -> memref<128xi32, #tpu.memory_space<vmem>>
    %dma_start3A_66 = arith.constant 0 : i32
    %dma_start3A_67 = tpu.memref_slice %arg8[%dma_start3A_66] : memref<1000000xf32, #tpu.memory_space<hbm>> -> memref<1000000xf32, #tpu.memory_space<hbm>>
    tpu.enqueue_indirect_dma source(%dma_start3A_67 : memref<1000000xf32, #tpu.memory_space<hbm>>) target(%dma_start3A_63 : memref<128xf32, #tpu.memory_space<vmem>>) offsets(%dma_start3A_65 : memref<128xi32, #tpu.memory_space<vmem>>) semaphore(%arg30 : memref<!tpu.dma_semaphore, #tpu.memory_space<semaphore_mem>>)
    %dma_start3A_68 = arith.constant 384 : i32
    %dma_start3A_69 = tpu.memref_slice %arg26[%dma_start3A_68] : memref<512xf32, #tpu.memory_space<vmem>> -> memref<128xf32, #tpu.memory_space<vmem>>
    %dma_start3A_70 = arith.constant 384 : i32
    %dma_start3A_71 = tpu.memref_slice %arg14[%dma_start3A_70] : memref<512xi32, #tpu.memory_space<vmem>> -> memref<128xi32, #tpu.memory_space<vmem>>
    %dma_start3A_72 = arith.constant 0 : i32
    %dma_start3A_73 = tpu.memref_slice %arg8[%dma_start3A_72] : memref<1000000xf32, #tpu.memory_space<hbm>> -> memref<1000000xf32, #tpu.memory_space<hbm>>
    tpu.enqueue_indirect_dma source(%dma_start3A_73 : memref<1000000xf32, #tpu.memory_space<hbm>>) target(%dma_start3A_69 : memref<128xf32, #tpu.memory_space<vmem>>) offsets(%dma_start3A_71 : memref<128xi32, #tpu.memory_space<vmem>>) semaphore(%arg30 : memref<!tpu.dma_semaphore, #tpu.memory_space<semaphore_mem>>)
    %scan3A = arith.constant 0 : i32
    %scan3A_74 = arith.constant 0 : i32
    %scan3A_75 = arith.constant 32 : i32
    %scan3A_76 = arith.addi %scan3A_74, %scan3A_75 : i32
    %scan3A_77 = arith.constant 1 : i32
    scf.for %scan3A_295 = %scan3A_74 to %scan3A_76 step %scan3A_77  : i32 {
      %mul3A_296 = arith.constant 16 : i32
      %mul3A_297 = arith.muli %scan3A_295, %mul3A_296 : i32
      %get3A_298 = arith.index_cast %mul3A_297 : i32 to index
      %get3A_299 = tpu.vector_load %arg12[%get3A_298] {strides = array<i32>} : memref<512xi32, #tpu.memory_space<vmem>>, vector<16xi32>,
      %shift_right_arithmetic3A = arith.constant 2 : i32
      %shift_right_arithmetic3A_300 = vector.broadcast %shift_right_arithmetic3A : i32 to vector<16xi32>
      %shift_right_arithmetic3A_301 = arith.shrsi %get3A_299, %shift_right_arithmetic3A_300 : vector<16xi32>
      %swap3A = arith.index_cast %mul3A_297 : i32 to index
      %swap3A_302 = tpu.vector_load %arg15[%swap3A] {strides = array<i32>} : memref<512xi32, #tpu.memory_space<vmem>>, vector<16xi32>,
      tpu.vector_store %arg15[%swap3A], %shift_right_arithmetic3A_301 {strides = array<i32>} : memref<512xi32, #tpu.memory_space<vmem>>, vector<16xi32>,
      %get3A_303 = arith.index_cast %mul3A_297 : i32 to index
      %get3A_304 = tpu.vector_load %arg13[%get3A_303] {strides = array<i32>} : memref<512xi32, #tpu.memory_space<vmem>>, vector<16xi32>,
      %shift_right_arithmetic3A_305 = arith.constant 2 : i32
      %shift_right_arithmetic3A_306 = vector.broadcast %shift_right_arithmetic3A_305 : i32 to vector<16xi32>
      %shift_right_arithmetic3A_307 = arith.shrsi %get3A_304, %shift_right_arithmetic3A_306 : vector<16xi32>
      %swap3A_308 = arith.index_cast %mul3A_297 : i32 to index
      %swap3A_309 = tpu.vector_load %arg16[%swap3A_308] {strides = array<i32>} : memref<512xi32, #tpu.memory_space<vmem>>, vector<16xi32>,
      tpu.vector_store %arg16[%swap3A_308], %shift_right_arithmetic3A_307 {strides = array<i32>} : memref<512xi32, #tpu.memory_space<vmem>>, vector<16xi32>,
      %get3A_310 = arith.index_cast %mul3A_297 : i32 to index
      %get3A_311 = tpu.vector_load %arg14[%get3A_310] {strides = array<i32>} : memref<512xi32, #tpu.memory_space<vmem>>, vector<16xi32>,
      %shift_right_arithmetic3A_312 = arith.constant 2 : i32
      %shift_right_arithmetic3A_313 = vector.broadcast %shift_right_arithmetic3A_312 : i32 to vector<16xi32>
      %shift_right_arithmetic3A_314 = arith.shrsi %get3A_311, %shift_right_arithmetic3A_313 : vector<16xi32>
      %swap3A_315 = arith.index_cast %mul3A_297 : i32 to index
      %swap3A_316 = tpu.vector_load %arg17[%swap3A_315] {strides = array<i32>} : memref<512xi32, #tpu.memory_space<vmem>>, vector<16xi32>,
      tpu.vector_store %arg17[%swap3A_315], %shift_right_arithmetic3A_314 {strides = array<i32>} : memref<512xi32, #tpu.memory_space<vmem>>, vector<16xi32>,
    }
    %scan3A_78 = arith.constant 32 : i32
    %get3A = arith.constant 0 : index
    %get3A_79 = tpu.vector_load %arg29[%get3A] {strides = array<i32>} : memref<16xf32, #tpu.memory_space<vmem>>, vector<16xf32>,
    %dma_start3A_80 = arith.constant 0 : i32
    %dma_start3A_81 = tpu.memref_slice %arg15[%dma_start3A_80] : memref<512xi32, #tpu.memory_space<vmem>> -> memref<128xi32, #tpu.memory_space<vmem>>
    %dma_start3A_82 = arith.constant 0 : i32
    %dma_start3A_83 = arith.constant 0 : i32
    %dma_start3A_84 = tpu.memref_slice %arg5[%dma_start3A_82, %dma_start3A_83] : memref<250000x128xf32, #tpu.memory_space<hbm>> -> memref<250000x128xf32, #tpu.memory_space<hbm>>
    tpu.enqueue_indirect_dma source(%dma_start3A_84 : memref<250000x128xf32, #tpu.memory_space<hbm>>) target(%arg18 : memref<128x128xf32, #tpu.memory_space<vmem>>) offsets(%dma_start3A_81 : memref<128xi32, #tpu.memory_space<vmem>>) semaphore(%arg30 : memref<!tpu.dma_semaphore, #tpu.memory_space<semaphore_mem>>)
    %dma_start3A_85 = arith.constant 0 : i32
    %dma_start3A_86 = tpu.memref_slice %arg16[%dma_start3A_85] : memref<512xi32, #tpu.memory_space<vmem>> -> memref<128xi32, #tpu.memory_space<vmem>>
    %dma_start3A_87 = arith.constant 0 : i32
    %dma_start3A_88 = arith.constant 0 : i32
    %dma_start3A_89 = tpu.memref_slice %arg6[%dma_start3A_87, %dma_start3A_88] : memref<250000x128xf32, #tpu.memory_space<hbm>> -> memref<250000x128xf32, #tpu.memory_space<hbm>>
    tpu.enqueue_indirect_dma source(%dma_start3A_89 : memref<250000x128xf32, #tpu.memory_space<hbm>>) target(%arg19 : memref<128x128xf32, #tpu.memory_space<vmem>>) offsets(%dma_start3A_86 : memref<128xi32, #tpu.memory_space<vmem>>) semaphore(%arg30 : memref<!tpu.dma_semaphore, #tpu.memory_space<semaphore_mem>>)
    %dma_start3A_90 = arith.constant 0 : i32
    %dma_start3A_91 = tpu.memref_slice %arg17[%dma_start3A_90] : memref<512xi32, #tpu.memory_space<vmem>> -> memref<128xi32, #tpu.memory_space<vmem>>
    %dma_start3A_92 = arith.constant 0 : i32
    %dma_start3A_93 = arith.constant 0 : i32
    %dma_start3A_94 = tpu.memref_slice %arg6[%dma_start3A_92, %dma_start3A_93] : memref<250000x128xf32, #tpu.memory_space<hbm>> -> memref<250000x128xf32, #tpu.memory_space<hbm>>
    tpu.enqueue_indirect_dma source(%dma_start3A_94 : memref<250000x128xf32, #tpu.memory_space<hbm>>) target(%arg20 : memref<128x128xf32, #tpu.memory_space<vmem>>) offsets(%dma_start3A_91 : memref<128xi32, #tpu.memory_space<vmem>>) semaphore(%arg30 : memref<!tpu.dma_semaphore, #tpu.memory_space<semaphore_mem>>)
    %dma_start3A_95 = arith.constant 128 : i32
    %dma_start3A_96 = tpu.memref_slice %arg15[%dma_start3A_95] : memref<512xi32, #tpu.memory_space<vmem>> -> memref<128xi32, #tpu.memory_space<vmem>>
    %dma_start3A_97 = arith.constant 0 : i32
    %dma_start3A_98 = arith.constant 0 : i32
    %dma_start3A_99 = tpu.memref_slice %arg5[%dma_start3A_97, %dma_start3A_98] : memref<250000x128xf32, #tpu.memory_space<hbm>> -> memref<250000x128xf32, #tpu.memory_space<hbm>>
    tpu.enqueue_indirect_dma source(%dma_start3A_99 : memref<250000x128xf32, #tpu.memory_space<hbm>>) target(%arg21 : memref<128x128xf32, #tpu.memory_space<vmem>>) offsets(%dma_start3A_96 : memref<128xi32, #tpu.memory_space<vmem>>) semaphore(%arg30 : memref<!tpu.dma_semaphore, #tpu.memory_space<semaphore_mem>>)
    %dma_start3A_100 = arith.constant 128 : i32
    %dma_start3A_101 = tpu.memref_slice %arg16[%dma_start3A_100] : memref<512xi32, #tpu.memory_space<vmem>> -> memref<128xi32, #tpu.memory_space<vmem>>
    %dma_start3A_102 = arith.constant 0 : i32
    %dma_start3A_103 = arith.constant 0 : i32
    %dma_start3A_104 = tpu.memref_slice %arg6[%dma_start3A_102, %dma_start3A_103] : memref<250000x128xf32, #tpu.memory_space<hbm>> -> memref<250000x128xf32, #tpu.memory_space<hbm>>
    tpu.enqueue_indirect_dma source(%dma_start3A_104 : memref<250000x128xf32, #tpu.memory_space<hbm>>) target(%arg22 : memref<128x128xf32, #tpu.memory_space<vmem>>) offsets(%dma_start3A_101 : memref<128xi32, #tpu.memory_space<vmem>>) semaphore(%arg30 : memref<!tpu.dma_semaphore, #tpu.memory_space<semaphore_mem>>)
    %dma_start3A_105 = arith.constant 128 : i32
    %dma_start3A_106 = tpu.memref_slice %arg17[%dma_start3A_105] : memref<512xi32, #tpu.memory_space<vmem>> -> memref<128xi32, #tpu.memory_space<vmem>>
    %dma_start3A_107 = arith.constant 0 : i32
    %dma_start3A_108 = arith.constant 0 : i32
    %dma_start3A_109 = tpu.memref_slice %arg6[%dma_start3A_107, %dma_start3A_108] : memref<250000x128xf32, #tpu.memory_space<hbm>> -> memref<250000x128xf32, #tpu.memory_space<hbm>>
    tpu.enqueue_indirect_dma source(%dma_start3A_109 : memref<250000x128xf32, #tpu.memory_space<hbm>>) target(%arg23 : memref<128x128xf32, #tpu.memory_space<vmem>>) offsets(%dma_start3A_106 : memref<128xi32, #tpu.memory_space<vmem>>) semaphore(%arg30 : memref<!tpu.dma_semaphore, #tpu.memory_space<semaphore_mem>>)
    %dma_wait3A = arith.constant 0 : i32
    %dma_wait3A_110 = tpu.memref_slice %arg15[%dma_wait3A] : memref<512xi32, #tpu.memory_space<vmem>> -> memref<128xi32, #tpu.memory_space<vmem>>
    %dma_wait3A_111 = arith.constant 0 : i32
    %dma_wait3A_112 = arith.constant 0 : i32
    %dma_wait3A_113 = tpu.memref_slice %arg5[%dma_wait3A_111, %dma_wait3A_112] : memref<250000x128xf32, #tpu.memory_space<hbm>> -> memref<250000x128xf32, #tpu.memory_space<hbm>>
    tpu.wait_indirect_dma semaphore(%arg30 : memref<!tpu.dma_semaphore, #tpu.memory_space<semaphore_mem>>) src(%dma_wait3A_113 : memref<250000x128xf32, #tpu.memory_space<hbm>>) dst(%arg18 : memref<128x128xf32, #tpu.memory_space<vmem>>)
    %dma_wait3A_114 = arith.constant 0 : i32
    %dma_wait3A_115 = tpu.memref_slice %arg16[%dma_wait3A_114] : memref<512xi32, #tpu.memory_space<vmem>> -> memref<128xi32, #tpu.memory_space<vmem>>
    %dma_wait3A_116 = arith.constant 0 : i32
    %dma_wait3A_117 = arith.constant 0 : i32
    %dma_wait3A_118 = tpu.memref_slice %arg6[%dma_wait3A_116, %dma_wait3A_117] : memref<250000x128xf32, #tpu.memory_space<hbm>> -> memref<250000x128xf32, #tpu.memory_space<hbm>>
    tpu.wait_indirect_dma semaphore(%arg30 : memref<!tpu.dma_semaphore, #tpu.memory_space<semaphore_mem>>) src(%dma_wait3A_118 : memref<250000x128xf32, #tpu.memory_space<hbm>>) dst(%arg19 : memref<128x128xf32, #tpu.memory_space<vmem>>)
    %dma_wait3A_119 = arith.constant 0 : i32
    %dma_wait3A_120 = tpu.memref_slice %arg17[%dma_wait3A_119] : memref<512xi32, #tpu.memory_space<vmem>> -> memref<128xi32, #tpu.memory_space<vmem>>
    %dma_wait3A_121 = arith.constant 0 : i32
    %dma_wait3A_122 = arith.constant 0 : i32
    %dma_wait3A_123 = tpu.memref_slice %arg6[%dma_wait3A_121, %dma_wait3A_122] : memref<250000x128xf32, #tpu.memory_space<hbm>> -> memref<250000x128xf32, #tpu.memory_space<hbm>>
    tpu.wait_indirect_dma semaphore(%arg30 : memref<!tpu.dma_semaphore, #tpu.memory_space<semaphore_mem>>) src(%dma_wait3A_123 : memref<250000x128xf32, #tpu.memory_space<hbm>>) dst(%arg20 : memref<128x128xf32, #tpu.memory_space<vmem>>)
    %scan3A_124 = arith.constant 0 : i32
    %scan3A_125 = arith.constant 0 : i32
    %scan3A_126 = arith.constant 8 : i32
    %scan3A_127 = arith.addi %scan3A_125, %scan3A_126 : i32
    %scan3A_128 = arith.constant 1 : i32
    scf.for %scan3A_295 = %scan3A_125 to %scan3A_127 step %scan3A_128  : i32 {
      %mul3A_296 = arith.constant 16 : i32
      %mul3A_297 = arith.muli %scan3A_295, %mul3A_296 : i32
      %add3A_298 = arith.constant 0 : i32
      %add3A_299 = arith.addi %add3A_298, %mul3A_297 : i32
      %mul3A_300 = arith.constant 16 : i32
      %mul3A_301 = arith.muli %scan3A_295, %mul3A_300 : i32
      %iota3A = tpu.iota {dimensions = array<i32: 0>} : vector<16xi32>
      %add3A_302 = vector.broadcast %mul3A_301 : i32 to vector<16xi32>
      %add3A_303 = arith.addi %add3A_302, %iota3A : vector<16xi32>
      %get3A_304 = arith.index_cast %add3A_299 : i32 to index
      %get3A_305 = tpu.vector_load %arg12[%get3A_304] {strides = array<i32>} : memref<512xi32, #tpu.memory_space<vmem>>, vector<16xi32>,
      %and3A = arith.constant 3 : i32
      %and3A_306 = vector.broadcast %and3A : i32 to vector<16xi32>
      %and3A_307 = arith.andi %get3A_305, %and3A_306 : vector<16xi32>
      %shift_left3A = arith.constant 5 : i32
      %shift_left3A_308 = vector.broadcast %shift_left3A : i32 to vector<16xi32>
      %shift_left3A_309 = arith.shli %and3A_307, %shift_left3A_308 : vector<16xi32>
      %get3A_310 = arith.index_cast %add3A_299 : i32 to index
      %get3A_311 = tpu.vector_load %arg13[%get3A_310] {strides = array<i32>} : memref<512xi32, #tpu.memory_space<vmem>>, vector<16xi32>,
      %and3A_312 = arith.constant 3 : i32
      %and3A_313 = vector.broadcast %and3A_312 : i32 to vector<16xi32>
      %and3A_314 = arith.andi %get3A_311, %and3A_313 : vector<16xi32>
      %shift_left3A_315 = arith.constant 5 : i32
      %shift_left3A_316 = vector.broadcast %shift_left3A_315 : i32 to vector<16xi32>
      %shift_left3A_317 = arith.shli %and3A_314, %shift_left3A_316 : vector<16xi32>
      %get3A_318 = arith.index_cast %add3A_299 : i32 to index
      %get3A_319 = tpu.vector_load %arg14[%get3A_318] {strides = array<i32>} : memref<512xi32, #tpu.memory_space<vmem>>, vector<16xi32>,
      %and3A_320 = arith.constant 3 : i32
      %and3A_321 = vector.broadcast %and3A_320 : i32 to vector<16xi32>
      %and3A_322 = arith.andi %get3A_319, %and3A_321 : vector<16xi32>
      %shift_left3A_323 = arith.constant 5 : i32
      %shift_left3A_324 = vector.broadcast %shift_left3A_323 : i32 to vector<16xi32>
      %shift_left3A_325 = arith.shli %and3A_322, %shift_left3A_324 : vector<16xi32>
      %get3A_326 = arith.index_cast %add3A_299 : i32 to index
      %get3A_327 = tpu.vector_load %arg24[%get3A_326] {strides = array<i32>} : memref<512xf32, #tpu.memory_space<vmem>>, vector<16xf32>,
      %add3A_328 = arith.addf %get3A_79, %get3A_327 : vector<16xf32>
      %get3A_329 = arith.index_cast %add3A_299 : i32 to index
      %get3A_330 = tpu.vector_load %arg25[%get3A_329] {strides = array<i32>} : memref<512xf32, #tpu.memory_space<vmem>>, vector<16xf32>,
      %add3A_331 = arith.addf %add3A_328, %get3A_330 : vector<16xf32>
      %get3A_332 = arith.index_cast %add3A_299 : i32 to index
      %get3A_333 = tpu.vector_load %arg24[%get3A_332] {strides = array<i32>} : memref<512xf32, #tpu.memory_space<vmem>>, vector<16xf32>,
      %add3A_334 = arith.addf %get3A_79, %get3A_333 : vector<16xf32>
      %get3A_335 = arith.index_cast %add3A_299 : i32 to index
      %get3A_336 = tpu.vector_load %arg26[%get3A_335] {strides = array<i32>} : memref<512xf32, #tpu.memory_space<vmem>>, vector<16xf32>,
      %add3A_337 = arith.addf %add3A_334, %get3A_336 : vector<16xf32>
      %add3A_338 = arith.constant 0 : i32
      %add3A_339 = vector.broadcast %add3A_338 : i32 to vector<16xi32>
      %add3A_340 = arith.addi %shift_left3A_309, %add3A_339 : vector<16xi32>
      %gather3A = tpu.vector_load_idx %arg18[%add3A_303, %add3A_340] : memref<128x128xf32, #tpu.memory_space<vmem>>[vector<16xi32>, vector<16xi32>], vector<16xf32>,
      %add3A_341 = arith.constant 0 : i32
      %add3A_342 = vector.broadcast %add3A_341 : i32 to vector<16xi32>
      %add3A_343 = arith.addi %shift_left3A_317, %add3A_342 : vector<16xi32>
      %gather3A_344 = tpu.vector_load_idx %arg19[%add3A_303, %add3A_343] : memref<128x128xf32, #tpu.memory_space<vmem>>[vector<16xi32>, vector<16xi32>], vector<16xf32>,
      %add3A_345 = arith.constant 0 : i32
      %add3A_346 = vector.broadcast %add3A_345 : i32 to vector<16xi32>
      %add3A_347 = arith.addi %shift_left3A_325, %add3A_346 : vector<16xi32>
      %gather3A_348 = tpu.vector_load_idx %arg20[%add3A_303, %add3A_347] : memref<128x128xf32, #tpu.memory_space<vmem>>[vector<16xi32>, vector<16xi32>], vector<16xf32>,
      %mul3A_349 = arith.mulf %gather3A, %gather3A_344 : vector<16xf32>
      %add3A_350 = arith.addf %add3A_331, %mul3A_349 : vector<16xf32>
      %mul3A_351 = arith.mulf %gather3A, %gather3A_348 : vector<16xf32>
      %add3A_352 = arith.addf %add3A_337, %mul3A_351 : vector<16xf32>
      %add3A_353 = arith.constant 1 : i32
      %add3A_354 = vector.broadcast %add3A_353 : i32 to vector<16xi32>
      %add3A_355 = arith.addi %shift_left3A_309, %add3A_354 : vector<16xi32>
      %gather3A_356 = tpu.vector_load_idx %arg18[%add3A_303, %add3A_355] : memref<128x128xf32, #tpu.memory_space<vmem>>[vector<16xi32>, vector<16xi32>], vector<16xf32>,
      %add3A_357 = arith.constant 1 : i32
      %add3A_358 = vector.broadcast %add3A_357 : i32 to vector<16xi32>
      %add3A_359 = arith.addi %shift_left3A_317, %add3A_358 : vector<16xi32>
      %gather3A_360 = tpu.vector_load_idx %arg19[%add3A_303, %add3A_359] : memref<128x128xf32, #tpu.memory_space<vmem>>[vector<16xi32>, vector<16xi32>], vector<16xf32>,
      %add3A_361 = arith.constant 1 : i32
      %add3A_362 = vector.broadcast %add3A_361 : i32 to vector<16xi32>
      %add3A_363 = arith.addi %shift_left3A_325, %add3A_362 : vector<16xi32>
      %gather3A_364 = tpu.vector_load_idx %arg20[%add3A_303, %add3A_363] : memref<128x128xf32, #tpu.memory_space<vmem>>[vector<16xi32>, vector<16xi32>], vector<16xf32>,
      %mul3A_365 = arith.mulf %gather3A_356, %gather3A_360 : vector<16xf32>
      %add3A_366 = arith.addf %add3A_350, %mul3A_365 : vector<16xf32>
      %mul3A_367 = arith.mulf %gather3A_356, %gather3A_364 : vector<16xf32>
      %add3A_368 = arith.addf %add3A_352, %mul3A_367 : vector<16xf32>
      %add3A_369 = arith.constant 2 : i32
      %add3A_370 = vector.broadcast %add3A_369 : i32 to vector<16xi32>
      %add3A_371 = arith.addi %shift_left3A_309, %add3A_370 : vector<16xi32>
      %gather3A_372 = tpu.vector_load_idx %arg18[%add3A_303, %add3A_371] : memref<128x128xf32, #tpu.memory_space<vmem>>[vector<16xi32>, vector<16xi32>], vector<16xf32>,
      %add3A_373 = arith.constant 2 : i32
      %add3A_374 = vector.broadcast %add3A_373 : i32 to vector<16xi32>
      %add3A_375 = arith.addi %shift_left3A_317, %add3A_374 : vector<16xi32>
      %gather3A_376 = tpu.vector_load_idx %arg19[%add3A_303, %add3A_375] : memref<128x128xf32, #tpu.memory_space<vmem>>[vector<16xi32>, vector<16xi32>], vector<16xf32>,
      %add3A_377 = arith.constant 2 : i32
      %add3A_378 = vector.broadcast %add3A_377 : i32 to vector<16xi32>
      %add3A_379 = arith.addi %shift_left3A_325, %add3A_378 : vector<16xi32>
      %gather3A_380 = tpu.vector_load_idx %arg20[%add3A_303, %add3A_379] : memref<128x128xf32, #tpu.memory_space<vmem>>[vector<16xi32>, vector<16xi32>], vector<16xf32>,
      %mul3A_381 = arith.mulf %gather3A_372, %gather3A_376 : vector<16xf32>
      %add3A_382 = arith.addf %add3A_366, %mul3A_381 : vector<16xf32>
      %mul3A_383 = arith.mulf %gather3A_372, %gather3A_380 : vector<16xf32>
      %add3A_384 = arith.addf %add3A_368, %mul3A_383 : vector<16xf32>
      %add3A_385 = arith.constant 3 : i32
      %add3A_386 = vector.broadcast %add3A_385 : i32 to vector<16xi32>
      %add3A_387 = arith.addi %shift_left3A_309, %add3A_386 : vector<16xi32>
      %gather3A_388 = tpu.vector_load_idx %arg18[%add3A_303, %add3A_387] : memref<128x128xf32, #tpu.memory_space<vmem>>[vector<16xi32>, vector<16xi32>], vector<16xf32>,
      %add3A_389 = arith.constant 3 : i32
      %add3A_390 = vector.broadcast %add3A_389 : i32 to vector<16xi32>
      %add3A_391 = arith.addi %shift_left3A_317, %add3A_390 : vector<16xi32>
      %gather3A_392 = tpu.vector_load_idx %arg19[%add3A_303, %add3A_391] : memref<128x128xf32, #tpu.memory_space<vmem>>[vector<16xi32>, vector<16xi32>], vector<16xf32>,
      %add3A_393 = arith.constant 3 : i32
      %add3A_394 = vector.broadcast %add3A_393 : i32 to vector<16xi32>
      %add3A_395 = arith.addi %shift_left3A_325, %add3A_394 : vector<16xi32>
      %gather3A_396 = tpu.vector_load_idx %arg20[%add3A_303, %add3A_395] : memref<128x128xf32, #tpu.memory_space<vmem>>[vector<16xi32>, vector<16xi32>], vector<16xf32>,
      %mul3A_397 = arith.mulf %gather3A_388, %gather3A_392 : vector<16xf32>
      %add3A_398 = arith.addf %add3A_382, %mul3A_397 : vector<16xf32>
      %mul3A_399 = arith.mulf %gather3A_388, %gather3A_396 : vector<16xf32>
      %add3A_400 = arith.addf %add3A_384, %mul3A_399 : vector<16xf32>
      %add3A_401 = arith.constant 4 : i32
      %add3A_402 = vector.broadcast %add3A_401 : i32 to vector<16xi32>
      %add3A_403 = arith.addi %shift_left3A_309, %add3A_402 : vector<16xi32>
      %gather3A_404 = tpu.vector_load_idx %arg18[%add3A_303, %add3A_403] : memref<128x128xf32, #tpu.memory_space<vmem>>[vector<16xi32>, vector<16xi32>], vector<16xf32>,
      %add3A_405 = arith.constant 4 : i32
      %add3A_406 = vector.broadcast %add3A_405 : i32 to vector<16xi32>
      %add3A_407 = arith.addi %shift_left3A_317, %add3A_406 : vector<16xi32>
      %gather3A_408 = tpu.vector_load_idx %arg19[%add3A_303, %add3A_407] : memref<128x128xf32, #tpu.memory_space<vmem>>[vector<16xi32>, vector<16xi32>], vector<16xf32>,
      %add3A_409 = arith.constant 4 : i32
      %add3A_410 = vector.broadcast %add3A_409 : i32 to vector<16xi32>
      %add3A_411 = arith.addi %shift_left3A_325, %add3A_410 : vector<16xi32>
      %gather3A_412 = tpu.vector_load_idx %arg20[%add3A_303, %add3A_411] : memref<128x128xf32, #tpu.memory_space<vmem>>[vector<16xi32>, vector<16xi32>], vector<16xf32>,
      %mul3A_413 = arith.mulf %gather3A_404, %gather3A_408 : vector<16xf32>
      %add3A_414 = arith.addf %add3A_398, %mul3A_413 : vector<16xf32>
      %mul3A_415 = arith.mulf %gather3A_404, %gather3A_412 : vector<16xf32>
      %add3A_416 = arith.addf %add3A_400, %mul3A_415 : vector<16xf32>
      %add3A_417 = arith.constant 5 : i32
      %add3A_418 = vector.broadcast %add3A_417 : i32 to vector<16xi32>
      %add3A_419 = arith.addi %shift_left3A_309, %add3A_418 : vector<16xi32>
      %gather3A_420 = tpu.vector_load_idx %arg18[%add3A_303, %add3A_419] : memref<128x128xf32, #tpu.memory_space<vmem>>[vector<16xi32>, vector<16xi32>], vector<16xf32>,
      %add3A_421 = arith.constant 5 : i32
      %add3A_422 = vector.broadcast %add3A_421 : i32 to vector<16xi32>
      %add3A_423 = arith.addi %shift_left3A_317, %add3A_422 : vector<16xi32>
      %gather3A_424 = tpu.vector_load_idx %arg19[%add3A_303, %add3A_423] : memref<128x128xf32, #tpu.memory_space<vmem>>[vector<16xi32>, vector<16xi32>], vector<16xf32>,
      %add3A_425 = arith.constant 5 : i32
      %add3A_426 = vector.broadcast %add3A_425 : i32 to vector<16xi32>
      %add3A_427 = arith.addi %shift_left3A_325, %add3A_426 : vector<16xi32>
      %gather3A_428 = tpu.vector_load_idx %arg20[%add3A_303, %add3A_427] : memref<128x128xf32, #tpu.memory_space<vmem>>[vector<16xi32>, vector<16xi32>], vector<16xf32>,
      %mul3A_429 = arith.mulf %gather3A_420, %gather3A_424 : vector<16xf32>
      %add3A_430 = arith.addf %add3A_414, %mul3A_429 : vector<16xf32>
      %mul3A_431 = arith.mulf %gather3A_420, %gather3A_428 : vector<16xf32>
      %add3A_432 = arith.addf %add3A_416, %mul3A_431 : vector<16xf32>
      %add3A_433 = arith.constant 6 : i32
      %add3A_434 = vector.broadcast %add3A_433 : i32 to vector<16xi32>
      %add3A_435 = arith.addi %shift_left3A_309, %add3A_434 : vector<16xi32>
      %gather3A_436 = tpu.vector_load_idx %arg18[%add3A_303, %add3A_435] : memref<128x128xf32, #tpu.memory_space<vmem>>[vector<16xi32>, vector<16xi32>], vector<16xf32>,
      %add3A_437 = arith.constant 6 : i32
      %add3A_438 = vector.broadcast %add3A_437 : i32 to vector<16xi32>
      %add3A_439 = arith.addi %shift_left3A_317, %add3A_438 : vector<16xi32>
      %gather3A_440 = tpu.vector_load_idx %arg19[%add3A_303, %add3A_439] : memref<128x128xf32, #tpu.memory_space<vmem>>[vector<16xi32>, vector<16xi32>], vector<16xf32>,
      %add3A_441 = arith.constant 6 : i32
      %add3A_442 = vector.broadcast %add3A_441 : i32 to vector<16xi32>
      %add3A_443 = arith.addi %shift_left3A_325, %add3A_442 : vector<16xi32>
      %gather3A_444 = tpu.vector_load_idx %arg20[%add3A_303, %add3A_443] : memref<128x128xf32, #tpu.memory_space<vmem>>[vector<16xi32>, vector<16xi32>], vector<16xf32>,
      %mul3A_445 = arith.mulf %gather3A_436, %gather3A_440 : vector<16xf32>
      %add3A_446 = arith.addf %add3A_430, %mul3A_445 : vector<16xf32>
      %mul3A_447 = arith.mulf %gather3A_436, %gather3A_444 : vector<16xf32>
      %add3A_448 = arith.addf %add3A_432, %mul3A_447 : vector<16xf32>
      %add3A_449 = arith.constant 7 : i32
      %add3A_450 = vector.broadcast %add3A_449 : i32 to vector<16xi32>
      %add3A_451 = arith.addi %shift_left3A_309, %add3A_450 : vector<16xi32>
      %gather3A_452 = tpu.vector_load_idx %arg18[%add3A_303, %add3A_451] : memref<128x128xf32, #tpu.memory_space<vmem>>[vector<16xi32>, vector<16xi32>], vector<16xf32>,
      %add3A_453 = arith.constant 7 : i32
      %add3A_454 = vector.broadcast %add3A_453 : i32 to vector<16xi32>
      %add3A_455 = arith.addi %shift_left3A_317, %add3A_454 : vector<16xi32>
      %gather3A_456 = tpu.vector_load_idx %arg19[%add3A_303, %add3A_455] : memref<128x128xf32, #tpu.memory_space<vmem>>[vector<16xi32>, vector<16xi32>], vector<16xf32>,
      %add3A_457 = arith.constant 7 : i32
      %add3A_458 = vector.broadcast %add3A_457 : i32 to vector<16xi32>
      %add3A_459 = arith.addi %shift_left3A_325, %add3A_458 : vector<16xi32>
      %gather3A_460 = tpu.vector_load_idx %arg20[%add3A_303, %add3A_459] : memref<128x128xf32, #tpu.memory_space<vmem>>[vector<16xi32>, vector<16xi32>], vector<16xf32>,
      %mul3A_461 = arith.mulf %gather3A_452, %gather3A_456 : vector<16xf32>
      %add3A_462 = arith.addf %add3A_446, %mul3A_461 : vector<16xf32>
      %mul3A_463 = arith.mulf %gather3A_452, %gather3A_460 : vector<16xf32>
      %add3A_464 = arith.addf %add3A_448, %mul3A_463 : vector<16xf32>
      %add3A_465 = arith.constant 8 : i32
      %add3A_466 = vector.broadcast %add3A_465 : i32 to vector<16xi32>
      %add3A_467 = arith.addi %shift_left3A_309, %add3A_466 : vector<16xi32>
      %gather3A_468 = tpu.vector_load_idx %arg18[%add3A_303, %add3A_467] : memref<128x128xf32, #tpu.memory_space<vmem>>[vector<16xi32>, vector<16xi32>], vector<16xf32>,
      %add3A_469 = arith.constant 8 : i32
      %add3A_470 = vector.broadcast %add3A_469 : i32 to vector<16xi32>
      %add3A_471 = arith.addi %shift_left3A_317, %add3A_470 : vector<16xi32>
      %gather3A_472 = tpu.vector_load_idx %arg19[%add3A_303, %add3A_471] : memref<128x128xf32, #tpu.memory_space<vmem>>[vector<16xi32>, vector<16xi32>], vector<16xf32>,
      %add3A_473 = arith.constant 8 : i32
      %add3A_474 = vector.broadcast %add3A_473 : i32 to vector<16xi32>
      %add3A_475 = arith.addi %shift_left3A_325, %add3A_474 : vector<16xi32>
      %gather3A_476 = tpu.vector_load_idx %arg20[%add3A_303, %add3A_475] : memref<128x128xf32, #tpu.memory_space<vmem>>[vector<16xi32>, vector<16xi32>], vector<16xf32>,
      %mul3A_477 = arith.mulf %gather3A_468, %gather3A_472 : vector<16xf32>
      %add3A_478 = arith.addf %add3A_462, %mul3A_477 : vector<16xf32>
      %mul3A_479 = arith.mulf %gather3A_468, %gather3A_476 : vector<16xf32>
      %add3A_480 = arith.addf %add3A_464, %mul3A_479 : vector<16xf32>
      %add3A_481 = arith.constant 9 : i32
      %add3A_482 = vector.broadcast %add3A_481 : i32 to vector<16xi32>
      %add3A_483 = arith.addi %shift_left3A_309, %add3A_482 : vector<16xi32>
      %gather3A_484 = tpu.vector_load_idx %arg18[%add3A_303, %add3A_483] : memref<128x128xf32, #tpu.memory_space<vmem>>[vector<16xi32>, vector<16xi32>], vector<16xf32>,
      %add3A_485 = arith.constant 9 : i32
      %add3A_486 = vector.broadcast %add3A_485 : i32 to vector<16xi32>
      %add3A_487 = arith.addi %shift_left3A_317, %add3A_486 : vector<16xi32>
      %gather3A_488 = tpu.vector_load_idx %arg19[%add3A_303, %add3A_487] : memref<128x128xf32, #tpu.memory_space<vmem>>[vector<16xi32>, vector<16xi32>], vector<16xf32>,
      %add3A_489 = arith.constant 9 : i32
      %add3A_490 = vector.broadcast %add3A_489 : i32 to vector<16xi32>
      %add3A_491 = arith.addi %shift_left3A_325, %add3A_490 : vector<16xi32>
      %gather3A_492 = tpu.vector_load_idx %arg20[%add3A_303, %add3A_491] : memref<128x128xf32, #tpu.memory_space<vmem>>[vector<16xi32>, vector<16xi32>], vector<16xf32>,
      %mul3A_493 = arith.mulf %gather3A_484, %gather3A_488 : vector<16xf32>
      %add3A_494 = arith.addf %add3A_478, %mul3A_493 : vector<16xf32>
      %mul3A_495 = arith.mulf %gather3A_484, %gather3A_492 : vector<16xf32>
      %add3A_496 = arith.addf %add3A_480, %mul3A_495 : vector<16xf32>
      %add3A_497 = arith.constant 10 : i32
      %add3A_498 = vector.broadcast %add3A_497 : i32 to vector<16xi32>
      %add3A_499 = arith.addi %shift_left3A_309, %add3A_498 : vector<16xi32>
      %gather3A_500 = tpu.vector_load_idx %arg18[%add3A_303, %add3A_499] : memref<128x128xf32, #tpu.memory_space<vmem>>[vector<16xi32>, vector<16xi32>], vector<16xf32>,
      %add3A_501 = arith.constant 10 : i32
      %add3A_502 = vector.broadcast %add3A_501 : i32 to vector<16xi32>
      %add3A_503 = arith.addi %shift_left3A_317, %add3A_502 : vector<16xi32>
      %gather3A_504 = tpu.vector_load_idx %arg19[%add3A_303, %add3A_503] : memref<128x128xf32, #tpu.memory_space<vmem>>[vector<16xi32>, vector<16xi32>], vector<16xf32>,
      %add3A_505 = arith.constant 10 : i32
      %add3A_506 = vector.broadcast %add3A_505 : i32 to vector<16xi32>
      %add3A_507 = arith.addi %shift_left3A_325, %add3A_506 : vector<16xi32>
      %gather3A_508 = tpu.vector_load_idx %arg20[%add3A_303, %add3A_507] : memref<128x128xf32, #tpu.memory_space<vmem>>[vector<16xi32>, vector<16xi32>], vector<16xf32>,
      %mul3A_509 = arith.mulf %gather3A_500, %gather3A_504 : vector<16xf32>
      %add3A_510 = arith.addf %add3A_494, %mul3A_509 : vector<16xf32>
      %mul3A_511 = arith.mulf %gather3A_500, %gather3A_508 : vector<16xf32>
      %add3A_512 = arith.addf %add3A_496, %mul3A_511 : vector<16xf32>
      %add3A_513 = arith.constant 11 : i32
      %add3A_514 = vector.broadcast %add3A_513 : i32 to vector<16xi32>
      %add3A_515 = arith.addi %shift_left3A_309, %add3A_514 : vector<16xi32>
      %gather3A_516 = tpu.vector_load_idx %arg18[%add3A_303, %add3A_515] : memref<128x128xf32, #tpu.memory_space<vmem>>[vector<16xi32>, vector<16xi32>], vector<16xf32>,
      %add3A_517 = arith.constant 11 : i32
      %add3A_518 = vector.broadcast %add3A_517 : i32 to vector<16xi32>
      %add3A_519 = arith.addi %shift_left3A_317, %add3A_518 : vector<16xi32>
      %gather3A_520 = tpu.vector_load_idx %arg19[%add3A_303, %add3A_519] : memref<128x128xf32, #tpu.memory_space<vmem>>[vector<16xi32>, vector<16xi32>], vector<16xf32>,
      %add3A_521 = arith.constant 11 : i32
      %add3A_522 = vector.broadcast %add3A_521 : i32 to vector<16xi32>
      %add3A_523 = arith.addi %shift_left3A_325, %add3A_522 : vector<16xi32>
      %gather3A_524 = tpu.vector_load_idx %arg20[%add3A_303, %add3A_523] : memref<128x128xf32, #tpu.memory_space<vmem>>[vector<16xi32>, vector<16xi32>], vector<16xf32>,
      %mul3A_525 = arith.mulf %gather3A_516, %gather3A_520 : vector<16xf32>
      %add3A_526 = arith.addf %add3A_510, %mul3A_525 : vector<16xf32>
      %mul3A_527 = arith.mulf %gather3A_516, %gather3A_524 : vector<16xf32>
      %add3A_528 = arith.addf %add3A_512, %mul3A_527 : vector<16xf32>
      %add3A_529 = arith.constant 12 : i32
      %add3A_530 = vector.broadcast %add3A_529 : i32 to vector<16xi32>
      %add3A_531 = arith.addi %shift_left3A_309, %add3A_530 : vector<16xi32>
      %gather3A_532 = tpu.vector_load_idx %arg18[%add3A_303, %add3A_531] : memref<128x128xf32, #tpu.memory_space<vmem>>[vector<16xi32>, vector<16xi32>], vector<16xf32>,
      %add3A_533 = arith.constant 12 : i32
      %add3A_534 = vector.broadcast %add3A_533 : i32 to vector<16xi32>
      %add3A_535 = arith.addi %shift_left3A_317, %add3A_534 : vector<16xi32>
      %gather3A_536 = tpu.vector_load_idx %arg19[%add3A_303, %add3A_535] : memref<128x128xf32, #tpu.memory_space<vmem>>[vector<16xi32>, vector<16xi32>], vector<16xf32>,
      %add3A_537 = arith.constant 12 : i32
      %add3A_538 = vector.broadcast %add3A_537 : i32 to vector<16xi32>
      %add3A_539 = arith.addi %shift_left3A_325, %add3A_538 : vector<16xi32>
      %gather3A_540 = tpu.vector_load_idx %arg20[%add3A_303, %add3A_539] : memref<128x128xf32, #tpu.memory_space<vmem>>[vector<16xi32>, vector<16xi32>], vector<16xf32>,
      %mul3A_541 = arith.mulf %gather3A_532, %gather3A_536 : vector<16xf32>
      %add3A_542 = arith.addf %add3A_526, %mul3A_541 : vector<16xf32>
      %mul3A_543 = arith.mulf %gather3A_532, %gather3A_540 : vector<16xf32>
      %add3A_544 = arith.addf %add3A_528, %mul3A_543 : vector<16xf32>
      %add3A_545 = arith.constant 13 : i32
      %add3A_546 = vector.broadcast %add3A_545 : i32 to vector<16xi32>
      %add3A_547 = arith.addi %shift_left3A_309, %add3A_546 : vector<16xi32>
      %gather3A_548 = tpu.vector_load_idx %arg18[%add3A_303, %add3A_547] : memref<128x128xf32, #tpu.memory_space<vmem>>[vector<16xi32>, vector<16xi32>], vector<16xf32>,
      %add3A_549 = arith.constant 13 : i32
      %add3A_550 = vector.broadcast %add3A_549 : i32 to vector<16xi32>
      %add3A_551 = arith.addi %shift_left3A_317, %add3A_550 : vector<16xi32>
      %gather3A_552 = tpu.vector_load_idx %arg19[%add3A_303, %add3A_551] : memref<128x128xf32, #tpu.memory_space<vmem>>[vector<16xi32>, vector<16xi32>], vector<16xf32>,
      %add3A_553 = arith.constant 13 : i32
      %add3A_554 = vector.broadcast %add3A_553 : i32 to vector<16xi32>
      %add3A_555 = arith.addi %shift_left3A_325, %add3A_554 : vector<16xi32>
      %gather3A_556 = tpu.vector_load_idx %arg20[%add3A_303, %add3A_555] : memref<128x128xf32, #tpu.memory_space<vmem>>[vector<16xi32>, vector<16xi32>], vector<16xf32>,
      %mul3A_557 = arith.mulf %gather3A_548, %gather3A_552 : vector<16xf32>
      %add3A_558 = arith.addf %add3A_542, %mul3A_557 : vector<16xf32>
      %mul3A_559 = arith.mulf %gather3A_548, %gather3A_556 : vector<16xf32>
      %add3A_560 = arith.addf %add3A_544, %mul3A_559 : vector<16xf32>
      %add3A_561 = arith.constant 14 : i32
      %add3A_562 = vector.broadcast %add3A_561 : i32 to vector<16xi32>
      %add3A_563 = arith.addi %shift_left3A_309, %add3A_562 : vector<16xi32>
      %gather3A_564 = tpu.vector_load_idx %arg18[%add3A_303, %add3A_563] : memref<128x128xf32, #tpu.memory_space<vmem>>[vector<16xi32>, vector<16xi32>], vector<16xf32>,
      %add3A_565 = arith.constant 14 : i32
      %add3A_566 = vector.broadcast %add3A_565 : i32 to vector<16xi32>
      %add3A_567 = arith.addi %shift_left3A_317, %add3A_566 : vector<16xi32>
      %gather3A_568 = tpu.vector_load_idx %arg19[%add3A_303, %add3A_567] : memref<128x128xf32, #tpu.memory_space<vmem>>[vector<16xi32>, vector<16xi32>], vector<16xf32>,
      %add3A_569 = arith.constant 14 : i32
      %add3A_570 = vector.broadcast %add3A_569 : i32 to vector<16xi32>
      %add3A_571 = arith.addi %shift_left3A_325, %add3A_570 : vector<16xi32>
      %gather3A_572 = tpu.vector_load_idx %arg20[%add3A_303, %add3A_571] : memref<128x128xf32, #tpu.memory_space<vmem>>[vector<16xi32>, vector<16xi32>], vector<16xf32>,
      %mul3A_573 = arith.mulf %gather3A_564, %gather3A_568 : vector<16xf32>
      %add3A_574 = arith.addf %add3A_558, %mul3A_573 : vector<16xf32>
      %mul3A_575 = arith.mulf %gather3A_564, %gather3A_572 : vector<16xf32>
      %add3A_576 = arith.addf %add3A_560, %mul3A_575 : vector<16xf32>
      %add3A_577 = arith.constant 15 : i32
      %add3A_578 = vector.broadcast %add3A_577 : i32 to vector<16xi32>
      %add3A_579 = arith.addi %shift_left3A_309, %add3A_578 : vector<16xi32>
      %gather3A_580 = tpu.vector_load_idx %arg18[%add3A_303, %add3A_579] : memref<128x128xf32, #tpu.memory_space<vmem>>[vector<16xi32>, vector<16xi32>], vector<16xf32>,
      %add3A_581 = arith.constant 15 : i32
      %add3A_582 = vector.broadcast %add3A_581 : i32 to vector<16xi32>
      %add3A_583 = arith.addi %shift_left3A_317, %add3A_582 : vector<16xi32>
      %gather3A_584 = tpu.vector_load_idx %arg19[%add3A_303, %add3A_583] : memref<128x128xf32, #tpu.memory_space<vmem>>[vector<16xi32>, vector<16xi32>], vector<16xf32>,
      %add3A_585 = arith.constant 15 : i32
      %add3A_586 = vector.broadcast %add3A_585 : i32 to vector<16xi32>
      %add3A_587 = arith.addi %shift_left3A_325, %add3A_586 : vector<16xi32>
      %gather3A_588 = tpu.vector_load_idx %arg20[%add3A_303, %add3A_587] : memref<128x128xf32, #tpu.memory_space<vmem>>[vector<16xi32>, vector<16xi32>], vector<16xf32>,
      %mul3A_589 = arith.mulf %gather3A_580, %gather3A_584 : vector<16xf32>
      %add3A_590 = arith.addf %add3A_574, %mul3A_589 : vector<16xf32>
      %mul3A_591 = arith.mulf %gather3A_580, %gather3A_588 : vector<16xf32>
      %add3A_592 = arith.addf %add3A_576, %mul3A_591 : vector<16xf32>
      %add3A_593 = arith.constant 16 : i32
      %add3A_594 = vector.broadcast %add3A_593 : i32 to vector<16xi32>
      %add3A_595 = arith.addi %shift_left3A_309, %add3A_594 : vector<16xi32>
      %gather3A_596 = tpu.vector_load_idx %arg18[%add3A_303, %add3A_595] : memref<128x128xf32, #tpu.memory_space<vmem>>[vector<16xi32>, vector<16xi32>], vector<16xf32>,
      %add3A_597 = arith.constant 16 : i32
      %add3A_598 = vector.broadcast %add3A_597 : i32 to vector<16xi32>
      %add3A_599 = arith.addi %shift_left3A_317, %add3A_598 : vector<16xi32>
      %gather3A_600 = tpu.vector_load_idx %arg19[%add3A_303, %add3A_599] : memref<128x128xf32, #tpu.memory_space<vmem>>[vector<16xi32>, vector<16xi32>], vector<16xf32>,
      %add3A_601 = arith.constant 16 : i32
      %add3A_602 = vector.broadcast %add3A_601 : i32 to vector<16xi32>
      %add3A_603 = arith.addi %shift_left3A_325, %add3A_602 : vector<16xi32>
      %gather3A_604 = tpu.vector_load_idx %arg20[%add3A_303, %add3A_603] : memref<128x128xf32, #tpu.memory_space<vmem>>[vector<16xi32>, vector<16xi32>], vector<16xf32>,
      %mul3A_605 = arith.mulf %gather3A_596, %gather3A_600 : vector<16xf32>
      %add3A_606 = arith.addf %add3A_590, %mul3A_605 : vector<16xf32>
      %mul3A_607 = arith.mulf %gather3A_596, %gather3A_604 : vector<16xf32>
      %add3A_608 = arith.addf %add3A_592, %mul3A_607 : vector<16xf32>
      %add3A_609 = arith.constant 17 : i32
      %add3A_610 = vector.broadcast %add3A_609 : i32 to vector<16xi32>
      %add3A_611 = arith.addi %shift_left3A_309, %add3A_610 : vector<16xi32>
      %gather3A_612 = tpu.vector_load_idx %arg18[%add3A_303, %add3A_611] : memref<128x128xf32, #tpu.memory_space<vmem>>[vector<16xi32>, vector<16xi32>], vector<16xf32>,
      %add3A_613 = arith.constant 17 : i32
      %add3A_614 = vector.broadcast %add3A_613 : i32 to vector<16xi32>
      %add3A_615 = arith.addi %shift_left3A_317, %add3A_614 : vector<16xi32>
      %gather3A_616 = tpu.vector_load_idx %arg19[%add3A_303, %add3A_615] : memref<128x128xf32, #tpu.memory_space<vmem>>[vector<16xi32>, vector<16xi32>], vector<16xf32>,
      %add3A_617 = arith.constant 17 : i32
      %add3A_618 = vector.broadcast %add3A_617 : i32 to vector<16xi32>
      %add3A_619 = arith.addi %shift_left3A_325, %add3A_618 : vector<16xi32>
      %gather3A_620 = tpu.vector_load_idx %arg20[%add3A_303, %add3A_619] : memref<128x128xf32, #tpu.memory_space<vmem>>[vector<16xi32>, vector<16xi32>], vector<16xf32>,
      %mul3A_621 = arith.mulf %gather3A_612, %gather3A_616 : vector<16xf32>
      %add3A_622 = arith.addf %add3A_606, %mul3A_621 : vector<16xf32>
      %mul3A_623 = arith.mulf %gather3A_612, %gather3A_620 : vector<16xf32>
      %add3A_624 = arith.addf %add3A_608, %mul3A_623 : vector<16xf32>
      %add3A_625 = arith.constant 18 : i32
      %add3A_626 = vector.broadcast %add3A_625 : i32 to vector<16xi32>
      %add3A_627 = arith.addi %shift_left3A_309, %add3A_626 : vector<16xi32>
      %gather3A_628 = tpu.vector_load_idx %arg18[%add3A_303, %add3A_627] : memref<128x128xf32, #tpu.memory_space<vmem>>[vector<16xi32>, vector<16xi32>], vector<16xf32>,
      %add3A_629 = arith.constant 18 : i32
      %add3A_630 = vector.broadcast %add3A_629 : i32 to vector<16xi32>
      %add3A_631 = arith.addi %shift_left3A_317, %add3A_630 : vector<16xi32>
      %gather3A_632 = tpu.vector_load_idx %arg19[%add3A_303, %add3A_631] : memref<128x128xf32, #tpu.memory_space<vmem>>[vector<16xi32>, vector<16xi32>], vector<16xf32>,
      %add3A_633 = arith.constant 18 : i32
      %add3A_634 = vector.broadcast %add3A_633 : i32 to vector<16xi32>
      %add3A_635 = arith.addi %shift_left3A_325, %add3A_634 : vector<16xi32>
      %gather3A_636 = tpu.vector_load_idx %arg20[%add3A_303, %add3A_635] : memref<128x128xf32, #tpu.memory_space<vmem>>[vector<16xi32>, vector<16xi32>], vector<16xf32>,
      %mul3A_637 = arith.mulf %gather3A_628, %gather3A_632 : vector<16xf32>
      %add3A_638 = arith.addf %add3A_622, %mul3A_637 : vector<16xf32>
      %mul3A_639 = arith.mulf %gather3A_628, %gather3A_636 : vector<16xf32>
      %add3A_640 = arith.addf %add3A_624, %mul3A_639 : vector<16xf32>
      %add3A_641 = arith.constant 19 : i32
      %add3A_642 = vector.broadcast %add3A_641 : i32 to vector<16xi32>
      %add3A_643 = arith.addi %shift_left3A_309, %add3A_642 : vector<16xi32>
      %gather3A_644 = tpu.vector_load_idx %arg18[%add3A_303, %add3A_643] : memref<128x128xf32, #tpu.memory_space<vmem>>[vector<16xi32>, vector<16xi32>], vector<16xf32>,
      %add3A_645 = arith.constant 19 : i32
      %add3A_646 = vector.broadcast %add3A_645 : i32 to vector<16xi32>
      %add3A_647 = arith.addi %shift_left3A_317, %add3A_646 : vector<16xi32>
      %gather3A_648 = tpu.vector_load_idx %arg19[%add3A_303, %add3A_647] : memref<128x128xf32, #tpu.memory_space<vmem>>[vector<16xi32>, vector<16xi32>], vector<16xf32>,
      %add3A_649 = arith.constant 19 : i32
      %add3A_650 = vector.broadcast %add3A_649 : i32 to vector<16xi32>
      %add3A_651 = arith.addi %shift_left3A_325, %add3A_650 : vector<16xi32>
      %gather3A_652 = tpu.vector_load_idx %arg20[%add3A_303, %add3A_651] : memref<128x128xf32, #tpu.memory_space<vmem>>[vector<16xi32>, vector<16xi32>], vector<16xf32>,
      %mul3A_653 = arith.mulf %gather3A_644, %gather3A_648 : vector<16xf32>
      %add3A_654 = arith.addf %add3A_638, %mul3A_653 : vector<16xf32>
      %mul3A_655 = arith.mulf %gather3A_644, %gather3A_652 : vector<16xf32>
      %add3A_656 = arith.addf %add3A_640, %mul3A_655 : vector<16xf32>
      %add3A_657 = arith.constant 20 : i32
      %add3A_658 = vector.broadcast %add3A_657 : i32 to vector<16xi32>
      %add3A_659 = arith.addi %shift_left3A_309, %add3A_658 : vector<16xi32>
      %gather3A_660 = tpu.vector_load_idx %arg18[%add3A_303, %add3A_659] : memref<128x128xf32, #tpu.memory_space<vmem>>[vector<16xi32>, vector<16xi32>], vector<16xf32>,
      %add3A_661 = arith.constant 20 : i32
      %add3A_662 = vector.broadcast %add3A_661 : i32 to vector<16xi32>
      %add3A_663 = arith.addi %shift_left3A_317, %add3A_662 : vector<16xi32>
      %gather3A_664 = tpu.vector_load_idx %arg19[%add3A_303, %add3A_663] : memref<128x128xf32, #tpu.memory_space<vmem>>[vector<16xi32>, vector<16xi32>], vector<16xf32>,
      %add3A_665 = arith.constant 20 : i32
      %add3A_666 = vector.broadcast %add3A_665 : i32 to vector<16xi32>
      %add3A_667 = arith.addi %shift_left3A_325, %add3A_666 : vector<16xi32>
      %gather3A_668 = tpu.vector_load_idx %arg20[%add3A_303, %add3A_667] : memref<128x128xf32, #tpu.memory_space<vmem>>[vector<16xi32>, vector<16xi32>], vector<16xf32>,
      %mul3A_669 = arith.mulf %gather3A_660, %gather3A_664 : vector<16xf32>
      %add3A_670 = arith.addf %add3A_654, %mul3A_669 : vector<16xf32>
      %mul3A_671 = arith.mulf %gather3A_660, %gather3A_668 : vector<16xf32>
      %add3A_672 = arith.addf %add3A_656, %mul3A_671 : vector<16xf32>
      %add3A_673 = arith.constant 21 : i32
      %add3A_674 = vector.broadcast %add3A_673 : i32 to vector<16xi32>
      %add3A_675 = arith.addi %shift_left3A_309, %add3A_674 : vector<16xi32>
      %gather3A_676 = tpu.vector_load_idx %arg18[%add3A_303, %add3A_675] : memref<128x128xf32, #tpu.memory_space<vmem>>[vector<16xi32>, vector<16xi32>], vector<16xf32>,
      %add3A_677 = arith.constant 21 : i32
      %add3A_678 = vector.broadcast %add3A_677 : i32 to vector<16xi32>
      %add3A_679 = arith.addi %shift_left3A_317, %add3A_678 : vector<16xi32>
      %gather3A_680 = tpu.vector_load_idx %arg19[%add3A_303, %add3A_679] : memref<128x128xf32, #tpu.memory_space<vmem>>[vector<16xi32>, vector<16xi32>], vector<16xf32>,
      %add3A_681 = arith.constant 21 : i32
      %add3A_682 = vector.broadcast %add3A_681 : i32 to vector<16xi32>
      %add3A_683 = arith.addi %shift_left3A_325, %add3A_682 : vector<16xi32>
      %gather3A_684 = tpu.vector_load_idx %arg20[%add3A_303, %add3A_683] : memref<128x128xf32, #tpu.memory_space<vmem>>[vector<16xi32>, vector<16xi32>], vector<16xf32>,
      %mul3A_685 = arith.mulf %gather3A_676, %gather3A_680 : vector<16xf32>
      %add3A_686 = arith.addf %add3A_670, %mul3A_685 : vector<16xf32>
      %mul3A_687 = arith.mulf %gather3A_676, %gather3A_684 : vector<16xf32>
      %add3A_688 = arith.addf %add3A_672, %mul3A_687 : vector<16xf32>
      %add3A_689 = arith.constant 22 : i32
      %add3A_690 = vector.broadcast %add3A_689 : i32 to vector<16xi32>
      %add3A_691 = arith.addi %shift_left3A_309, %add3A_690 : vector<16xi32>
      %gather3A_692 = tpu.vector_load_idx %arg18[%add3A_303, %add3A_691] : memref<128x128xf32, #tpu.memory_space<vmem>>[vector<16xi32>, vector<16xi32>], vector<16xf32>,
      %add3A_693 = arith.constant 22 : i32
      %add3A_694 = vector.broadcast %add3A_693 : i32 to vector<16xi32>
      %add3A_695 = arith.addi %shift_left3A_317, %add3A_694 : vector<16xi32>
      %gather3A_696 = tpu.vector_load_idx %arg19[%add3A_303, %add3A_695] : memref<128x128xf32, #tpu.memory_space<vmem>>[vector<16xi32>, vector<16xi32>], vector<16xf32>,
      %add3A_697 = arith.constant 22 : i32
      %add3A_698 = vector.broadcast %add3A_697 : i32 to vector<16xi32>
      %add3A_699 = arith.addi %shift_left3A_325, %add3A_698 : vector<16xi32>
      %gather3A_700 = tpu.vector_load_idx %arg20[%add3A_303, %add3A_699] : memref<128x128xf32, #tpu.memory_space<vmem>>[vector<16xi32>, vector<16xi32>], vector<16xf32>,
      %mul3A_701 = arith.mulf %gather3A_692, %gather3A_696 : vector<16xf32>
      %add3A_702 = arith.addf %add3A_686, %mul3A_701 : vector<16xf32>
      %mul3A_703 = arith.mulf %gather3A_692, %gather3A_700 : vector<16xf32>
      %add3A_704 = arith.addf %add3A_688, %mul3A_703 : vector<16xf32>
      %add3A_705 = arith.constant 23 : i32
      %add3A_706 = vector.broadcast %add3A_705 : i32 to vector<16xi32>
      %add3A_707 = arith.addi %shift_left3A_309, %add3A_706 : vector<16xi32>
      %gather3A_708 = tpu.vector_load_idx %arg18[%add3A_303, %add3A_707] : memref<128x128xf32, #tpu.memory_space<vmem>>[vector<16xi32>, vector<16xi32>], vector<16xf32>,
      %add3A_709 = arith.constant 23 : i32
      %add3A_710 = vector.broadcast %add3A_709 : i32 to vector<16xi32>
      %add3A_711 = arith.addi %shift_left3A_317, %add3A_710 : vector<16xi32>
      %gather3A_712 = tpu.vector_load_idx %arg19[%add3A_303, %add3A_711] : memref<128x128xf32, #tpu.memory_space<vmem>>[vector<16xi32>, vector<16xi32>], vector<16xf32>,
      %add3A_713 = arith.constant 23 : i32
      %add3A_714 = vector.broadcast %add3A_713 : i32 to vector<16xi32>
      %add3A_715 = arith.addi %shift_left3A_325, %add3A_714 : vector<16xi32>
      %gather3A_716 = tpu.vector_load_idx %arg20[%add3A_303, %add3A_715] : memref<128x128xf32, #tpu.memory_space<vmem>>[vector<16xi32>, vector<16xi32>], vector<16xf32>,
      %mul3A_717 = arith.mulf %gather3A_708, %gather3A_712 : vector<16xf32>
      %add3A_718 = arith.addf %add3A_702, %mul3A_717 : vector<16xf32>
      %mul3A_719 = arith.mulf %gather3A_708, %gather3A_716 : vector<16xf32>
      %add3A_720 = arith.addf %add3A_704, %mul3A_719 : vector<16xf32>
      %add3A_721 = arith.constant 24 : i32
      %add3A_722 = vector.broadcast %add3A_721 : i32 to vector<16xi32>
      %add3A_723 = arith.addi %shift_left3A_309, %add3A_722 : vector<16xi32>
      %gather3A_724 = tpu.vector_load_idx %arg18[%add3A_303, %add3A_723] : memref<128x128xf32, #tpu.memory_space<vmem>>[vector<16xi32>, vector<16xi32>], vector<16xf32>,
      %add3A_725 = arith.constant 24 : i32
      %add3A_726 = vector.broadcast %add3A_725 : i32 to vector<16xi32>
      %add3A_727 = arith.addi %shift_left3A_317, %add3A_726 : vector<16xi32>
      %gather3A_728 = tpu.vector_load_idx %arg19[%add3A_303, %add3A_727] : memref<128x128xf32, #tpu.memory_space<vmem>>[vector<16xi32>, vector<16xi32>], vector<16xf32>,
      %add3A_729 = arith.constant 24 : i32
      %add3A_730 = vector.broadcast %add3A_729 : i32 to vector<16xi32>
      %add3A_731 = arith.addi %shift_left3A_325, %add3A_730 : vector<16xi32>
      %gather3A_732 = tpu.vector_load_idx %arg20[%add3A_303, %add3A_731] : memref<128x128xf32, #tpu.memory_space<vmem>>[vector<16xi32>, vector<16xi32>], vector<16xf32>,
      %mul3A_733 = arith.mulf %gather3A_724, %gather3A_728 : vector<16xf32>
      %add3A_734 = arith.addf %add3A_718, %mul3A_733 : vector<16xf32>
      %mul3A_735 = arith.mulf %gather3A_724, %gather3A_732 : vector<16xf32>
      %add3A_736 = arith.addf %add3A_720, %mul3A_735 : vector<16xf32>
      %add3A_737 = arith.constant 25 : i32
      %add3A_738 = vector.broadcast %add3A_737 : i32 to vector<16xi32>
      %add3A_739 = arith.addi %shift_left3A_309, %add3A_738 : vector<16xi32>
      %gather3A_740 = tpu.vector_load_idx %arg18[%add3A_303, %add3A_739] : memref<128x128xf32, #tpu.memory_space<vmem>>[vector<16xi32>, vector<16xi32>], vector<16xf32>,
      %add3A_741 = arith.constant 25 : i32
      %add3A_742 = vector.broadcast %add3A_741 : i32 to vector<16xi32>
      %add3A_743 = arith.addi %shift_left3A_317, %add3A_742 : vector<16xi32>
      %gather3A_744 = tpu.vector_load_idx %arg19[%add3A_303, %add3A_743] : memref<128x128xf32, #tpu.memory_space<vmem>>[vector<16xi32>, vector<16xi32>], vector<16xf32>,
      %add3A_745 = arith.constant 25 : i32
      %add3A_746 = vector.broadcast %add3A_745 : i32 to vector<16xi32>
      %add3A_747 = arith.addi %shift_left3A_325, %add3A_746 : vector<16xi32>
      %gather3A_748 = tpu.vector_load_idx %arg20[%add3A_303, %add3A_747] : memref<128x128xf32, #tpu.memory_space<vmem>>[vector<16xi32>, vector<16xi32>], vector<16xf32>,
      %mul3A_749 = arith.mulf %gather3A_740, %gather3A_744 : vector<16xf32>
      %add3A_750 = arith.addf %add3A_734, %mul3A_749 : vector<16xf32>
      %mul3A_751 = arith.mulf %gather3A_740, %gather3A_748 : vector<16xf32>
      %add3A_752 = arith.addf %add3A_736, %mul3A_751 : vector<16xf32>
      %add3A_753 = arith.constant 26 : i32
      %add3A_754 = vector.broadcast %add3A_753 : i32 to vector<16xi32>
      %add3A_755 = arith.addi %shift_left3A_309, %add3A_754 : vector<16xi32>
      %gather3A_756 = tpu.vector_load_idx %arg18[%add3A_303, %add3A_755] : memref<128x128xf32, #tpu.memory_space<vmem>>[vector<16xi32>, vector<16xi32>], vector<16xf32>,
      %add3A_757 = arith.constant 26 : i32
      %add3A_758 = vector.broadcast %add3A_757 : i32 to vector<16xi32>
      %add3A_759 = arith.addi %shift_left3A_317, %add3A_758 : vector<16xi32>
      %gather3A_760 = tpu.vector_load_idx %arg19[%add3A_303, %add3A_759] : memref<128x128xf32, #tpu.memory_space<vmem>>[vector<16xi32>, vector<16xi32>], vector<16xf32>,
      %add3A_761 = arith.constant 26 : i32
      %add3A_762 = vector.broadcast %add3A_761 : i32 to vector<16xi32>
      %add3A_763 = arith.addi %shift_left3A_325, %add3A_762 : vector<16xi32>
      %gather3A_764 = tpu.vector_load_idx %arg20[%add3A_303, %add3A_763] : memref<128x128xf32, #tpu.memory_space<vmem>>[vector<16xi32>, vector<16xi32>], vector<16xf32>,
      %mul3A_765 = arith.mulf %gather3A_756, %gather3A_760 : vector<16xf32>
      %add3A_766 = arith.addf %add3A_750, %mul3A_765 : vector<16xf32>
      %mul3A_767 = arith.mulf %gather3A_756, %gather3A_764 : vector<16xf32>
      %add3A_768 = arith.addf %add3A_752, %mul3A_767 : vector<16xf32>
      %add3A_769 = arith.constant 27 : i32
      %add3A_770 = vector.broadcast %add3A_769 : i32 to vector<16xi32>
      %add3A_771 = arith.addi %shift_left3A_309, %add3A_770 : vector<16xi32>
      %gather3A_772 = tpu.vector_load_idx %arg18[%add3A_303, %add3A_771] : memref<128x128xf32, #tpu.memory_space<vmem>>[vector<16xi32>, vector<16xi32>], vector<16xf32>,
      %add3A_773 = arith.constant 27 : i32
      %add3A_774 = vector.broadcast %add3A_773 : i32 to vector<16xi32>
      %add3A_775 = arith.addi %shift_left3A_317, %add3A_774 : vector<16xi32>
      %gather3A_776 = tpu.vector_load_idx %arg19[%add3A_303, %add3A_775] : memref<128x128xf32, #tpu.memory_space<vmem>>[vector<16xi32>, vector<16xi32>], vector<16xf32>,
      %add3A_777 = arith.constant 27 : i32
      %add3A_778 = vector.broadcast %add3A_777 : i32 to vector<16xi32>
      %add3A_779 = arith.addi %shift_left3A_325, %add3A_778 : vector<16xi32>
      %gather3A_780 = tpu.vector_load_idx %arg20[%add3A_303, %add3A_779] : memref<128x128xf32, #tpu.memory_space<vmem>>[vector<16xi32>, vector<16xi32>], vector<16xf32>,
      %mul3A_781 = arith.mulf %gather3A_772, %gather3A_776 : vector<16xf32>
      %add3A_782 = arith.addf %add3A_766, %mul3A_781 : vector<16xf32>
      %mul3A_783 = arith.mulf %gather3A_772, %gather3A_780 : vector<16xf32>
      %add3A_784 = arith.addf %add3A_768, %mul3A_783 : vector<16xf32>
      %add3A_785 = arith.constant 28 : i32
      %add3A_786 = vector.broadcast %add3A_785 : i32 to vector<16xi32>
      %add3A_787 = arith.addi %shift_left3A_309, %add3A_786 : vector<16xi32>
      %gather3A_788 = tpu.vector_load_idx %arg18[%add3A_303, %add3A_787] : memref<128x128xf32, #tpu.memory_space<vmem>>[vector<16xi32>, vector<16xi32>], vector<16xf32>,
      %add3A_789 = arith.constant 28 : i32
      %add3A_790 = vector.broadcast %add3A_789 : i32 to vector<16xi32>
      %add3A_791 = arith.addi %shift_left3A_317, %add3A_790 : vector<16xi32>
      %gather3A_792 = tpu.vector_load_idx %arg19[%add3A_303, %add3A_791] : memref<128x128xf32, #tpu.memory_space<vmem>>[vector<16xi32>, vector<16xi32>], vector<16xf32>,
      %add3A_793 = arith.constant 28 : i32
      %add3A_794 = vector.broadcast %add3A_793 : i32 to vector<16xi32>
      %add3A_795 = arith.addi %shift_left3A_325, %add3A_794 : vector<16xi32>
      %gather3A_796 = tpu.vector_load_idx %arg20[%add3A_303, %add3A_795] : memref<128x128xf32, #tpu.memory_space<vmem>>[vector<16xi32>, vector<16xi32>], vector<16xf32>,
      %mul3A_797 = arith.mulf %gather3A_788, %gather3A_792 : vector<16xf32>
      %add3A_798 = arith.addf %add3A_782, %mul3A_797 : vector<16xf32>
      %mul3A_799 = arith.mulf %gather3A_788, %gather3A_796 : vector<16xf32>
      %add3A_800 = arith.addf %add3A_784, %mul3A_799 : vector<16xf32>
      %add3A_801 = arith.constant 29 : i32
      %add3A_802 = vector.broadcast %add3A_801 : i32 to vector<16xi32>
      %add3A_803 = arith.addi %shift_left3A_309, %add3A_802 : vector<16xi32>
      %gather3A_804 = tpu.vector_load_idx %arg18[%add3A_303, %add3A_803] : memref<128x128xf32, #tpu.memory_space<vmem>>[vector<16xi32>, vector<16xi32>], vector<16xf32>,
      %add3A_805 = arith.constant 29 : i32
      %add3A_806 = vector.broadcast %add3A_805 : i32 to vector<16xi32>
      %add3A_807 = arith.addi %shift_left3A_317, %add3A_806 : vector<16xi32>
      %gather3A_808 = tpu.vector_load_idx %arg19[%add3A_303, %add3A_807] : memref<128x128xf32, #tpu.memory_space<vmem>>[vector<16xi32>, vector<16xi32>], vector<16xf32>,
      %add3A_809 = arith.constant 29 : i32
      %add3A_810 = vector.broadcast %add3A_809 : i32 to vector<16xi32>
      %add3A_811 = arith.addi %shift_left3A_325, %add3A_810 : vector<16xi32>
      %gather3A_812 = tpu.vector_load_idx %arg20[%add3A_303, %add3A_811] : memref<128x128xf32, #tpu.memory_space<vmem>>[vector<16xi32>, vector<16xi32>], vector<16xf32>,
      %mul3A_813 = arith.mulf %gather3A_804, %gather3A_808 : vector<16xf32>
      %add3A_814 = arith.addf %add3A_798, %mul3A_813 : vector<16xf32>
      %mul3A_815 = arith.mulf %gather3A_804, %gather3A_812 : vector<16xf32>
      %add3A_816 = arith.addf %add3A_800, %mul3A_815 : vector<16xf32>
      %add3A_817 = arith.constant 30 : i32
      %add3A_818 = vector.broadcast %add3A_817 : i32 to vector<16xi32>
      %add3A_819 = arith.addi %shift_left3A_309, %add3A_818 : vector<16xi32>
      %gather3A_820 = tpu.vector_load_idx %arg18[%add3A_303, %add3A_819] : memref<128x128xf32, #tpu.memory_space<vmem>>[vector<16xi32>, vector<16xi32>], vector<16xf32>,
      %add3A_821 = arith.constant 30 : i32
      %add3A_822 = vector.broadcast %add3A_821 : i32 to vector<16xi32>
      %add3A_823 = arith.addi %shift_left3A_317, %add3A_822 : vector<16xi32>
      %gather3A_824 = tpu.vector_load_idx %arg19[%add3A_303, %add3A_823] : memref<128x128xf32, #tpu.memory_space<vmem>>[vector<16xi32>, vector<16xi32>], vector<16xf32>,
      %add3A_825 = arith.constant 30 : i32
      %add3A_826 = vector.broadcast %add3A_825 : i32 to vector<16xi32>
      %add3A_827 = arith.addi %shift_left3A_325, %add3A_826 : vector<16xi32>
      %gather3A_828 = tpu.vector_load_idx %arg20[%add3A_303, %add3A_827] : memref<128x128xf32, #tpu.memory_space<vmem>>[vector<16xi32>, vector<16xi32>], vector<16xf32>,
      %mul3A_829 = arith.mulf %gather3A_820, %gather3A_824 : vector<16xf32>
      %add3A_830 = arith.addf %add3A_814, %mul3A_829 : vector<16xf32>
      %mul3A_831 = arith.mulf %gather3A_820, %gather3A_828 : vector<16xf32>
      %add3A_832 = arith.addf %add3A_816, %mul3A_831 : vector<16xf32>
      %add3A_833 = arith.constant 31 : i32
      %add3A_834 = vector.broadcast %add3A_833 : i32 to vector<16xi32>
      %add3A_835 = arith.addi %shift_left3A_309, %add3A_834 : vector<16xi32>
      %gather3A_836 = tpu.vector_load_idx %arg18[%add3A_303, %add3A_835] : memref<128x128xf32, #tpu.memory_space<vmem>>[vector<16xi32>, vector<16xi32>], vector<16xf32>,
      %add3A_837 = arith.constant 31 : i32
      %add3A_838 = vector.broadcast %add3A_837 : i32 to vector<16xi32>
      %add3A_839 = arith.addi %shift_left3A_317, %add3A_838 : vector<16xi32>
      %gather3A_840 = tpu.vector_load_idx %arg19[%add3A_303, %add3A_839] : memref<128x128xf32, #tpu.memory_space<vmem>>[vector<16xi32>, vector<16xi32>], vector<16xf32>,
      %add3A_841 = arith.constant 31 : i32
      %add3A_842 = vector.broadcast %add3A_841 : i32 to vector<16xi32>
      %add3A_843 = arith.addi %shift_left3A_325, %add3A_842 : vector<16xi32>
      %gather3A_844 = tpu.vector_load_idx %arg20[%add3A_303, %add3A_843] : memref<128x128xf32, #tpu.memory_space<vmem>>[vector<16xi32>, vector<16xi32>], vector<16xf32>,
      %mul3A_845 = arith.mulf %gather3A_836, %gather3A_840 : vector<16xf32>
      %add3A_846 = arith.addf %add3A_830, %mul3A_845 : vector<16xf32>
      %mul3A_847 = arith.mulf %gather3A_836, %gather3A_844 : vector<16xf32>
      %add3A_848 = arith.addf %add3A_832, %mul3A_847 : vector<16xf32>
      %swap3A = arith.index_cast %add3A_299 : i32 to index
      %swap3A_849 = tpu.vector_load %arg27[%swap3A] {strides = array<i32>} : memref<512xf32, #tpu.memory_space<vmem>>, vector<16xf32>,
      tpu.vector_store %arg27[%swap3A], %add3A_846 {strides = array<i32>} : memref<512xf32, #tpu.memory_space<vmem>>, vector<16xf32>,
      %swap3A_850 = arith.index_cast %add3A_299 : i32 to index
      %swap3A_851 = tpu.vector_load %arg28[%swap3A_850] {strides = array<i32>} : memref<512xf32, #tpu.memory_space<vmem>>, vector<16xf32>,
      tpu.vector_store %arg28[%swap3A_850], %add3A_848 {strides = array<i32>} : memref<512xf32, #tpu.memory_space<vmem>>, vector<16xf32>,
    }
    %scan3A_129 = arith.constant 8 : i32
    %dma_start3A_130 = arith.constant 256 : i32
    %dma_start3A_131 = tpu.memref_slice %arg15[%dma_start3A_130] : memref<512xi32, #tpu.memory_space<vmem>> -> memref<128xi32, #tpu.memory_space<vmem>>
    %dma_start3A_132 = arith.constant 0 : i32
    %dma_start3A_133 = arith.constant 0 : i32
    %dma_start3A_134 = tpu.memref_slice %arg5[%dma_start3A_132, %dma_start3A_133] : memref<250000x128xf32, #tpu.memory_space<hbm>> -> memref<250000x128xf32, #tpu.memory_space<hbm>>
    tpu.enqueue_indirect_dma source(%dma_start3A_134 : memref<250000x128xf32, #tpu.memory_space<hbm>>) target(%arg18 : memref<128x128xf32, #tpu.memory_space<vmem>>) offsets(%dma_start3A_131 : memref<128xi32, #tpu.memory_space<vmem>>) semaphore(%arg30 : memref<!tpu.dma_semaphore, #tpu.memory_space<semaphore_mem>>)
    %dma_start3A_135 = arith.constant 256 : i32
    %dma_start3A_136 = tpu.memref_slice %arg16[%dma_start3A_135] : memref<512xi32, #tpu.memory_space<vmem>> -> memref<128xi32, #tpu.memory_space<vmem>>
    %dma_start3A_137 = arith.constant 0 : i32
    %dma_start3A_138 = arith.constant 0 : i32
    %dma_start3A_139 = tpu.memref_slice %arg6[%dma_start3A_137, %dma_start3A_138] : memref<250000x128xf32, #tpu.memory_space<hbm>> -> memref<250000x128xf32, #tpu.memory_space<hbm>>
    tpu.enqueue_indirect_dma source(%dma_start3A_139 : memref<250000x128xf32, #tpu.memory_space<hbm>>) target(%arg19 : memref<128x128xf32, #tpu.memory_space<vmem>>) offsets(%dma_start3A_136 : memref<128xi32, #tpu.memory_space<vmem>>) semaphore(%arg30 : memref<!tpu.dma_semaphore, #tpu.memory_space<semaphore_mem>>)
    %dma_start3A_140 = arith.constant 256 : i32
    %dma_start3A_141 = tpu.memref_slice %arg17[%dma_start3A_140] : memref<512xi32, #tpu.memory_space<vmem>> -> memref<128xi32, #tpu.memory_space<vmem>>
    %dma_start3A_142 = arith.constant 0 : i32
    %dma_start3A_143 = arith.constant 0 : i32
    %dma_start3A_144 = tpu.memref_slice %arg6[%dma_start3A_142, %dma_start3A_143] : memref<250000x128xf32, #tpu.memory_space<hbm>> -> memref<250000x128xf32, #tpu.memory_space<hbm>>
    tpu.enqueue_indirect_dma source(%dma_start3A_144 : memref<250000x128xf32, #tpu.memory_space<hbm>>) target(%arg20 : memref<128x128xf32, #tpu.memory_space<vmem>>) offsets(%dma_start3A_141 : memref<128xi32, #tpu.memory_space<vmem>>) semaphore(%arg30 : memref<!tpu.dma_semaphore, #tpu.memory_space<semaphore_mem>>)
    %dma_wait3A_145 = arith.constant 128 : i32
    %dma_wait3A_146 = tpu.memref_slice %arg15[%dma_wait3A_145] : memref<512xi32, #tpu.memory_space<vmem>> -> memref<128xi32, #tpu.memory_space<vmem>>
    %dma_wait3A_147 = arith.constant 0 : i32
    %dma_wait3A_148 = arith.constant 0 : i32
    %dma_wait3A_149 = tpu.memref_slice %arg5[%dma_wait3A_147, %dma_wait3A_148] : memref<250000x128xf32, #tpu.memory_space<hbm>> -> memref<250000x128xf32, #tpu.memory_space<hbm>>
    tpu.wait_indirect_dma semaphore(%arg30 : memref<!tpu.dma_semaphore, #tpu.memory_space<semaphore_mem>>) src(%dma_wait3A_149 : memref<250000x128xf32, #tpu.memory_space<hbm>>) dst(%arg21 : memref<128x128xf32, #tpu.memory_space<vmem>>)
    %dma_wait3A_150 = arith.constant 128 : i32
    %dma_wait3A_151 = tpu.memref_slice %arg16[%dma_wait3A_150] : memref<512xi32, #tpu.memory_space<vmem>> -> memref<128xi32, #tpu.memory_space<vmem>>
    %dma_wait3A_152 = arith.constant 0 : i32
    %dma_wait3A_153 = arith.constant 0 : i32
    %dma_wait3A_154 = tpu.memref_slice %arg6[%dma_wait3A_152, %dma_wait3A_153] : memref<250000x128xf32, #tpu.memory_space<hbm>> -> memref<250000x128xf32, #tpu.memory_space<hbm>>
    tpu.wait_indirect_dma semaphore(%arg30 : memref<!tpu.dma_semaphore, #tpu.memory_space<semaphore_mem>>) src(%dma_wait3A_154 : memref<250000x128xf32, #tpu.memory_space<hbm>>) dst(%arg22 : memref<128x128xf32, #tpu.memory_space<vmem>>)
    %dma_wait3A_155 = arith.constant 128 : i32
    %dma_wait3A_156 = tpu.memref_slice %arg17[%dma_wait3A_155] : memref<512xi32, #tpu.memory_space<vmem>> -> memref<128xi32, #tpu.memory_space<vmem>>
    %dma_wait3A_157 = arith.constant 0 : i32
    %dma_wait3A_158 = arith.constant 0 : i32
    %dma_wait3A_159 = tpu.memref_slice %arg6[%dma_wait3A_157, %dma_wait3A_158] : memref<250000x128xf32, #tpu.memory_space<hbm>> -> memref<250000x128xf32, #tpu.memory_space<hbm>>
    tpu.wait_indirect_dma semaphore(%arg30 : memref<!tpu.dma_semaphore, #tpu.memory_space<semaphore_mem>>) src(%dma_wait3A_159 : memref<250000x128xf32, #tpu.memory_space<hbm>>) dst(%arg23 : memref<128x128xf32, #tpu.memory_space<vmem>>)
    %scan3A_160 = arith.constant 0 : i32
    %scan3A_161 = arith.constant 0 : i32
    %scan3A_162 = arith.constant 8 : i32
    %scan3A_163 = arith.addi %scan3A_161, %scan3A_162 : i32
    %scan3A_164 = arith.constant 1 : i32
    scf.for %scan3A_295 = %scan3A_161 to %scan3A_163 step %scan3A_164  : i32 {
      %mul3A_296 = arith.constant 16 : i32
      %mul3A_297 = arith.muli %scan3A_295, %mul3A_296 : i32
      %add3A_298 = arith.constant 128 : i32
      %add3A_299 = arith.addi %add3A_298, %mul3A_297 : i32
      %mul3A_300 = arith.constant 16 : i32
      %mul3A_301 = arith.muli %scan3A_295, %mul3A_300 : i32
      %iota3A = tpu.iota {dimensions = array<i32: 0>} : vector<16xi32>
      %add3A_302 = vector.broadcast %mul3A_301 : i32 to vector<16xi32>
      %add3A_303 = arith.addi %add3A_302, %iota3A : vector<16xi32>
      %get3A_304 = arith.index_cast %add3A_299 : i32 to index
      %get3A_305 = tpu.vector_load %arg12[%get3A_304] {strides = array<i32>} : memref<512xi32, #tpu.memory_space<vmem>>, vector<16xi32>,
      %and3A = arith.constant 3 : i32
      %and3A_306 = vector.broadcast %and3A : i32 to vector<16xi32>
      %and3A_307 = arith.andi %get3A_305, %and3A_306 : vector<16xi32>
      %shift_left3A = arith.constant 5 : i32
      %shift_left3A_308 = vector.broadcast %shift_left3A : i32 to vector<16xi32>
      %shift_left3A_309 = arith.shli %and3A_307, %shift_left3A_308 : vector<16xi32>
      %get3A_310 = arith.index_cast %add3A_299 : i32 to index
      %get3A_311 = tpu.vector_load %arg13[%get3A_310] {strides = array<i32>} : memref<512xi32, #tpu.memory_space<vmem>>, vector<16xi32>,
      %and3A_312 = arith.constant 3 : i32
      %and3A_313 = vector.broadcast %and3A_312 : i32 to vector<16xi32>
      %and3A_314 = arith.andi %get3A_311, %and3A_313 : vector<16xi32>
      %shift_left3A_315 = arith.constant 5 : i32
      %shift_left3A_316 = vector.broadcast %shift_left3A_315 : i32 to vector<16xi32>
      %shift_left3A_317 = arith.shli %and3A_314, %shift_left3A_316 : vector<16xi32>
      %get3A_318 = arith.index_cast %add3A_299 : i32 to index
      %get3A_319 = tpu.vector_load %arg14[%get3A_318] {strides = array<i32>} : memref<512xi32, #tpu.memory_space<vmem>>, vector<16xi32>,
      %and3A_320 = arith.constant 3 : i32
      %and3A_321 = vector.broadcast %and3A_320 : i32 to vector<16xi32>
      %and3A_322 = arith.andi %get3A_319, %and3A_321 : vector<16xi32>
      %shift_left3A_323 = arith.constant 5 : i32
      %shift_left3A_324 = vector.broadcast %shift_left3A_323 : i32 to vector<16xi32>
      %shift_left3A_325 = arith.shli %and3A_322, %shift_left3A_324 : vector<16xi32>
      %get3A_326 = arith.index_cast %add3A_299 : i32 to index
      %get3A_327 = tpu.vector_load %arg24[%get3A_326] {strides = array<i32>} : memref<512xf32, #tpu.memory_space<vmem>>, vector<16xf32>,
      %add3A_328 = arith.addf %get3A_79, %get3A_327 : vector<16xf32>
      %get3A_329 = arith.index_cast %add3A_299 : i32 to index
      %get3A_330 = tpu.vector_load %arg25[%get3A_329] {strides = array<i32>} : memref<512xf32, #tpu.memory_space<vmem>>, vector<16xf32>,
      %add3A_331 = arith.addf %add3A_328, %get3A_330 : vector<16xf32>
      %get3A_332 = arith.index_cast %add3A_299 : i32 to index
      %get3A_333 = tpu.vector_load %arg24[%get3A_332] {strides = array<i32>} : memref<512xf32, #tpu.memory_space<vmem>>, vector<16xf32>,
      %add3A_334 = arith.addf %get3A_79, %get3A_333 : vector<16xf32>
      %get3A_335 = arith.index_cast %add3A_299 : i32 to index
      %get3A_336 = tpu.vector_load %arg26[%get3A_335] {strides = array<i32>} : memref<512xf32, #tpu.memory_space<vmem>>, vector<16xf32>,
      %add3A_337 = arith.addf %add3A_334, %get3A_336 : vector<16xf32>
      %add3A_338 = arith.constant 0 : i32
      %add3A_339 = vector.broadcast %add3A_338 : i32 to vector<16xi32>
      %add3A_340 = arith.addi %shift_left3A_309, %add3A_339 : vector<16xi32>
      %gather3A = tpu.vector_load_idx %arg21[%add3A_303, %add3A_340] : memref<128x128xf32, #tpu.memory_space<vmem>>[vector<16xi32>, vector<16xi32>], vector<16xf32>,
      %add3A_341 = arith.constant 0 : i32
      %add3A_342 = vector.broadcast %add3A_341 : i32 to vector<16xi32>
      %add3A_343 = arith.addi %shift_left3A_317, %add3A_342 : vector<16xi32>
      %gather3A_344 = tpu.vector_load_idx %arg22[%add3A_303, %add3A_343] : memref<128x128xf32, #tpu.memory_space<vmem>>[vector<16xi32>, vector<16xi32>], vector<16xf32>,
      %add3A_345 = arith.constant 0 : i32
      %add3A_346 = vector.broadcast %add3A_345 : i32 to vector<16xi32>
      %add3A_347 = arith.addi %shift_left3A_325, %add3A_346 : vector<16xi32>
      %gather3A_348 = tpu.vector_load_idx %arg23[%add3A_303, %add3A_347] : memref<128x128xf32, #tpu.memory_space<vmem>>[vector<16xi32>, vector<16xi32>], vector<16xf32>,
      %mul3A_349 = arith.mulf %gather3A, %gather3A_344 : vector<16xf32>
      %add3A_350 = arith.addf %add3A_331, %mul3A_349 : vector<16xf32>
      %mul3A_351 = arith.mulf %gather3A, %gather3A_348 : vector<16xf32>
      %add3A_352 = arith.addf %add3A_337, %mul3A_351 : vector<16xf32>
      %add3A_353 = arith.constant 1 : i32
      %add3A_354 = vector.broadcast %add3A_353 : i32 to vector<16xi32>
      %add3A_355 = arith.addi %shift_left3A_309, %add3A_354 : vector<16xi32>
      %gather3A_356 = tpu.vector_load_idx %arg21[%add3A_303, %add3A_355] : memref<128x128xf32, #tpu.memory_space<vmem>>[vector<16xi32>, vector<16xi32>], vector<16xf32>,
      %add3A_357 = arith.constant 1 : i32
      %add3A_358 = vector.broadcast %add3A_357 : i32 to vector<16xi32>
      %add3A_359 = arith.addi %shift_left3A_317, %add3A_358 : vector<16xi32>
      %gather3A_360 = tpu.vector_load_idx %arg22[%add3A_303, %add3A_359] : memref<128x128xf32, #tpu.memory_space<vmem>>[vector<16xi32>, vector<16xi32>], vector<16xf32>,
      %add3A_361 = arith.constant 1 : i32
      %add3A_362 = vector.broadcast %add3A_361 : i32 to vector<16xi32>
      %add3A_363 = arith.addi %shift_left3A_325, %add3A_362 : vector<16xi32>
      %gather3A_364 = tpu.vector_load_idx %arg23[%add3A_303, %add3A_363] : memref<128x128xf32, #tpu.memory_space<vmem>>[vector<16xi32>, vector<16xi32>], vector<16xf32>,
      %mul3A_365 = arith.mulf %gather3A_356, %gather3A_360 : vector<16xf32>
      %add3A_366 = arith.addf %add3A_350, %mul3A_365 : vector<16xf32>
      %mul3A_367 = arith.mulf %gather3A_356, %gather3A_364 : vector<16xf32>
      %add3A_368 = arith.addf %add3A_352, %mul3A_367 : vector<16xf32>
      %add3A_369 = arith.constant 2 : i32
      %add3A_370 = vector.broadcast %add3A_369 : i32 to vector<16xi32>
      %add3A_371 = arith.addi %shift_left3A_309, %add3A_370 : vector<16xi32>
      %gather3A_372 = tpu.vector_load_idx %arg21[%add3A_303, %add3A_371] : memref<128x128xf32, #tpu.memory_space<vmem>>[vector<16xi32>, vector<16xi32>], vector<16xf32>,
      %add3A_373 = arith.constant 2 : i32
      %add3A_374 = vector.broadcast %add3A_373 : i32 to vector<16xi32>
      %add3A_375 = arith.addi %shift_left3A_317, %add3A_374 : vector<16xi32>
      %gather3A_376 = tpu.vector_load_idx %arg22[%add3A_303, %add3A_375] : memref<128x128xf32, #tpu.memory_space<vmem>>[vector<16xi32>, vector<16xi32>], vector<16xf32>,
      %add3A_377 = arith.constant 2 : i32
      %add3A_378 = vector.broadcast %add3A_377 : i32 to vector<16xi32>
      %add3A_379 = arith.addi %shift_left3A_325, %add3A_378 : vector<16xi32>
      %gather3A_380 = tpu.vector_load_idx %arg23[%add3A_303, %add3A_379] : memref<128x128xf32, #tpu.memory_space<vmem>>[vector<16xi32>, vector<16xi32>], vector<16xf32>,
      %mul3A_381 = arith.mulf %gather3A_372, %gather3A_376 : vector<16xf32>
      %add3A_382 = arith.addf %add3A_366, %mul3A_381 : vector<16xf32>
      %mul3A_383 = arith.mulf %gather3A_372, %gather3A_380 : vector<16xf32>
      %add3A_384 = arith.addf %add3A_368, %mul3A_383 : vector<16xf32>
      %add3A_385 = arith.constant 3 : i32
      %add3A_386 = vector.broadcast %add3A_385 : i32 to vector<16xi32>
      %add3A_387 = arith.addi %shift_left3A_309, %add3A_386 : vector<16xi32>
      %gather3A_388 = tpu.vector_load_idx %arg21[%add3A_303, %add3A_387] : memref<128x128xf32, #tpu.memory_space<vmem>>[vector<16xi32>, vector<16xi32>], vector<16xf32>,
      %add3A_389 = arith.constant 3 : i32
      %add3A_390 = vector.broadcast %add3A_389 : i32 to vector<16xi32>
      %add3A_391 = arith.addi %shift_left3A_317, %add3A_390 : vector<16xi32>
      %gather3A_392 = tpu.vector_load_idx %arg22[%add3A_303, %add3A_391] : memref<128x128xf32, #tpu.memory_space<vmem>>[vector<16xi32>, vector<16xi32>], vector<16xf32>,
      %add3A_393 = arith.constant 3 : i32
      %add3A_394 = vector.broadcast %add3A_393 : i32 to vector<16xi32>
      %add3A_395 = arith.addi %shift_left3A_325, %add3A_394 : vector<16xi32>
      %gather3A_396 = tpu.vector_load_idx %arg23[%add3A_303, %add3A_395] : memref<128x128xf32, #tpu.memory_space<vmem>>[vector<16xi32>, vector<16xi32>], vector<16xf32>,
      %mul3A_397 = arith.mulf %gather3A_388, %gather3A_392 : vector<16xf32>
      %add3A_398 = arith.addf %add3A_382, %mul3A_397 : vector<16xf32>
      %mul3A_399 = arith.mulf %gather3A_388, %gather3A_396 : vector<16xf32>
      %add3A_400 = arith.addf %add3A_384, %mul3A_399 : vector<16xf32>
      %add3A_401 = arith.constant 4 : i32
      %add3A_402 = vector.broadcast %add3A_401 : i32 to vector<16xi32>
      %add3A_403 = arith.addi %shift_left3A_309, %add3A_402 : vector<16xi32>
      %gather3A_404 = tpu.vector_load_idx %arg21[%add3A_303, %add3A_403] : memref<128x128xf32, #tpu.memory_space<vmem>>[vector<16xi32>, vector<16xi32>], vector<16xf32>,
      %add3A_405 = arith.constant 4 : i32
      %add3A_406 = vector.broadcast %add3A_405 : i32 to vector<16xi32>
      %add3A_407 = arith.addi %shift_left3A_317, %add3A_406 : vector<16xi32>
      %gather3A_408 = tpu.vector_load_idx %arg22[%add3A_303, %add3A_407] : memref<128x128xf32, #tpu.memory_space<vmem>>[vector<16xi32>, vector<16xi32>], vector<16xf32>,
      %add3A_409 = arith.constant 4 : i32
      %add3A_410 = vector.broadcast %add3A_409 : i32 to vector<16xi32>
      %add3A_411 = arith.addi %shift_left3A_325, %add3A_410 : vector<16xi32>
      %gather3A_412 = tpu.vector_load_idx %arg23[%add3A_303, %add3A_411] : memref<128x128xf32, #tpu.memory_space<vmem>>[vector<16xi32>, vector<16xi32>], vector<16xf32>,
      %mul3A_413 = arith.mulf %gather3A_404, %gather3A_408 : vector<16xf32>
      %add3A_414 = arith.addf %add3A_398, %mul3A_413 : vector<16xf32>
      %mul3A_415 = arith.mulf %gather3A_404, %gather3A_412 : vector<16xf32>
      %add3A_416 = arith.addf %add3A_400, %mul3A_415 : vector<16xf32>
      %add3A_417 = arith.constant 5 : i32
      %add3A_418 = vector.broadcast %add3A_417 : i32 to vector<16xi32>
      %add3A_419 = arith.addi %shift_left3A_309, %add3A_418 : vector<16xi32>
      %gather3A_420 = tpu.vector_load_idx %arg21[%add3A_303, %add3A_419] : memref<128x128xf32, #tpu.memory_space<vmem>>[vector<16xi32>, vector<16xi32>], vector<16xf32>,
      %add3A_421 = arith.constant 5 : i32
      %add3A_422 = vector.broadcast %add3A_421 : i32 to vector<16xi32>
      %add3A_423 = arith.addi %shift_left3A_317, %add3A_422 : vector<16xi32>
      %gather3A_424 = tpu.vector_load_idx %arg22[%add3A_303, %add3A_423] : memref<128x128xf32, #tpu.memory_space<vmem>>[vector<16xi32>, vector<16xi32>], vector<16xf32>,
      %add3A_425 = arith.constant 5 : i32
      %add3A_426 = vector.broadcast %add3A_425 : i32 to vector<16xi32>
      %add3A_427 = arith.addi %shift_left3A_325, %add3A_426 : vector<16xi32>
      %gather3A_428 = tpu.vector_load_idx %arg23[%add3A_303, %add3A_427] : memref<128x128xf32, #tpu.memory_space<vmem>>[vector<16xi32>, vector<16xi32>], vector<16xf32>,
      %mul3A_429 = arith.mulf %gather3A_420, %gather3A_424 : vector<16xf32>
      %add3A_430 = arith.addf %add3A_414, %mul3A_429 : vector<16xf32>
      %mul3A_431 = arith.mulf %gather3A_420, %gather3A_428 : vector<16xf32>
      %add3A_432 = arith.addf %add3A_416, %mul3A_431 : vector<16xf32>
      %add3A_433 = arith.constant 6 : i32
      %add3A_434 = vector.broadcast %add3A_433 : i32 to vector<16xi32>
      %add3A_435 = arith.addi %shift_left3A_309, %add3A_434 : vector<16xi32>
      %gather3A_436 = tpu.vector_load_idx %arg21[%add3A_303, %add3A_435] : memref<128x128xf32, #tpu.memory_space<vmem>>[vector<16xi32>, vector<16xi32>], vector<16xf32>,
      %add3A_437 = arith.constant 6 : i32
      %add3A_438 = vector.broadcast %add3A_437 : i32 to vector<16xi32>
      %add3A_439 = arith.addi %shift_left3A_317, %add3A_438 : vector<16xi32>
      %gather3A_440 = tpu.vector_load_idx %arg22[%add3A_303, %add3A_439] : memref<128x128xf32, #tpu.memory_space<vmem>>[vector<16xi32>, vector<16xi32>], vector<16xf32>,
      %add3A_441 = arith.constant 6 : i32
      %add3A_442 = vector.broadcast %add3A_441 : i32 to vector<16xi32>
      %add3A_443 = arith.addi %shift_left3A_325, %add3A_442 : vector<16xi32>
      %gather3A_444 = tpu.vector_load_idx %arg23[%add3A_303, %add3A_443] : memref<128x128xf32, #tpu.memory_space<vmem>>[vector<16xi32>, vector<16xi32>], vector<16xf32>,
      %mul3A_445 = arith.mulf %gather3A_436, %gather3A_440 : vector<16xf32>
      %add3A_446 = arith.addf %add3A_430, %mul3A_445 : vector<16xf32>
      %mul3A_447 = arith.mulf %gather3A_436, %gather3A_444 : vector<16xf32>
      %add3A_448 = arith.addf %add3A_432, %mul3A_447 : vector<16xf32>
      %add3A_449 = arith.constant 7 : i32
      %add3A_450 = vector.broadcast %add3A_449 : i32 to vector<16xi32>
      %add3A_451 = arith.addi %shift_left3A_309, %add3A_450 : vector<16xi32>
      %gather3A_452 = tpu.vector_load_idx %arg21[%add3A_303, %add3A_451] : memref<128x128xf32, #tpu.memory_space<vmem>>[vector<16xi32>, vector<16xi32>], vector<16xf32>,
      %add3A_453 = arith.constant 7 : i32
      %add3A_454 = vector.broadcast %add3A_453 : i32 to vector<16xi32>
      %add3A_455 = arith.addi %shift_left3A_317, %add3A_454 : vector<16xi32>
      %gather3A_456 = tpu.vector_load_idx %arg22[%add3A_303, %add3A_455] : memref<128x128xf32, #tpu.memory_space<vmem>>[vector<16xi32>, vector<16xi32>], vector<16xf32>,
      %add3A_457 = arith.constant 7 : i32
      %add3A_458 = vector.broadcast %add3A_457 : i32 to vector<16xi32>
      %add3A_459 = arith.addi %shift_left3A_325, %add3A_458 : vector<16xi32>
      %gather3A_460 = tpu.vector_load_idx %arg23[%add3A_303, %add3A_459] : memref<128x128xf32, #tpu.memory_space<vmem>>[vector<16xi32>, vector<16xi32>], vector<16xf32>,
      %mul3A_461 = arith.mulf %gather3A_452, %gather3A_456 : vector<16xf32>
      %add3A_462 = arith.addf %add3A_446, %mul3A_461 : vector<16xf32>
      %mul3A_463 = arith.mulf %gather3A_452, %gather3A_460 : vector<16xf32>
      %add3A_464 = arith.addf %add3A_448, %mul3A_463 : vector<16xf32>
      %add3A_465 = arith.constant 8 : i32
      %add3A_466 = vector.broadcast %add3A_465 : i32 to vector<16xi32>
      %add3A_467 = arith.addi %shift_left3A_309, %add3A_466 : vector<16xi32>
      %gather3A_468 = tpu.vector_load_idx %arg21[%add3A_303, %add3A_467] : memref<128x128xf32, #tpu.memory_space<vmem>>[vector<16xi32>, vector<16xi32>], vector<16xf32>,
      %add3A_469 = arith.constant 8 : i32
      %add3A_470 = vector.broadcast %add3A_469 : i32 to vector<16xi32>
      %add3A_471 = arith.addi %shift_left3A_317, %add3A_470 : vector<16xi32>
      %gather3A_472 = tpu.vector_load_idx %arg22[%add3A_303, %add3A_471] : memref<128x128xf32, #tpu.memory_space<vmem>>[vector<16xi32>, vector<16xi32>], vector<16xf32>,
      %add3A_473 = arith.constant 8 : i32
      %add3A_474 = vector.broadcast %add3A_473 : i32 to vector<16xi32>
      %add3A_475 = arith.addi %shift_left3A_325, %add3A_474 : vector<16xi32>
      %gather3A_476 = tpu.vector_load_idx %arg23[%add3A_303, %add3A_475] : memref<128x128xf32, #tpu.memory_space<vmem>>[vector<16xi32>, vector<16xi32>], vector<16xf32>,
      %mul3A_477 = arith.mulf %gather3A_468, %gather3A_472 : vector<16xf32>
      %add3A_478 = arith.addf %add3A_462, %mul3A_477 : vector<16xf32>
      %mul3A_479 = arith.mulf %gather3A_468, %gather3A_476 : vector<16xf32>
      %add3A_480 = arith.addf %add3A_464, %mul3A_479 : vector<16xf32>
      %add3A_481 = arith.constant 9 : i32
      %add3A_482 = vector.broadcast %add3A_481 : i32 to vector<16xi32>
      %add3A_483 = arith.addi %shift_left3A_309, %add3A_482 : vector<16xi32>
      %gather3A_484 = tpu.vector_load_idx %arg21[%add3A_303, %add3A_483] : memref<128x128xf32, #tpu.memory_space<vmem>>[vector<16xi32>, vector<16xi32>], vector<16xf32>,
      %add3A_485 = arith.constant 9 : i32
      %add3A_486 = vector.broadcast %add3A_485 : i32 to vector<16xi32>
      %add3A_487 = arith.addi %shift_left3A_317, %add3A_486 : vector<16xi32>
      %gather3A_488 = tpu.vector_load_idx %arg22[%add3A_303, %add3A_487] : memref<128x128xf32, #tpu.memory_space<vmem>>[vector<16xi32>, vector<16xi32>], vector<16xf32>,
      %add3A_489 = arith.constant 9 : i32
      %add3A_490 = vector.broadcast %add3A_489 : i32 to vector<16xi32>
      %add3A_491 = arith.addi %shift_left3A_325, %add3A_490 : vector<16xi32>
      %gather3A_492 = tpu.vector_load_idx %arg23[%add3A_303, %add3A_491] : memref<128x128xf32, #tpu.memory_space<vmem>>[vector<16xi32>, vector<16xi32>], vector<16xf32>,
      %mul3A_493 = arith.mulf %gather3A_484, %gather3A_488 : vector<16xf32>
      %add3A_494 = arith.addf %add3A_478, %mul3A_493 : vector<16xf32>
      %mul3A_495 = arith.mulf %gather3A_484, %gather3A_492 : vector<16xf32>
      %add3A_496 = arith.addf %add3A_480, %mul3A_495 : vector<16xf32>
      %add3A_497 = arith.constant 10 : i32
      %add3A_498 = vector.broadcast %add3A_497 : i32 to vector<16xi32>
      %add3A_499 = arith.addi %shift_left3A_309, %add3A_498 : vector<16xi32>
      %gather3A_500 = tpu.vector_load_idx %arg21[%add3A_303, %add3A_499] : memref<128x128xf32, #tpu.memory_space<vmem>>[vector<16xi32>, vector<16xi32>], vector<16xf32>,
      %add3A_501 = arith.constant 10 : i32
      %add3A_502 = vector.broadcast %add3A_501 : i32 to vector<16xi32>
      %add3A_503 = arith.addi %shift_left3A_317, %add3A_502 : vector<16xi32>
      %gather3A_504 = tpu.vector_load_idx %arg22[%add3A_303, %add3A_503] : memref<128x128xf32, #tpu.memory_space<vmem>>[vector<16xi32>, vector<16xi32>], vector<16xf32>,
      %add3A_505 = arith.constant 10 : i32
      %add3A_506 = vector.broadcast %add3A_505 : i32 to vector<16xi32>
      %add3A_507 = arith.addi %shift_left3A_325, %add3A_506 : vector<16xi32>
      %gather3A_508 = tpu.vector_load_idx %arg23[%add3A_303, %add3A_507] : memref<128x128xf32, #tpu.memory_space<vmem>>[vector<16xi32>, vector<16xi32>], vector<16xf32>,
      %mul3A_509 = arith.mulf %gather3A_500, %gather3A_504 : vector<16xf32>
      %add3A_510 = arith.addf %add3A_494, %mul3A_509 : vector<16xf32>
      %mul3A_511 = arith.mulf %gather3A_500, %gather3A_508 : vector<16xf32>
      %add3A_512 = arith.addf %add3A_496, %mul3A_511 : vector<16xf32>
      %add3A_513 = arith.constant 11 : i32
      %add3A_514 = vector.broadcast %add3A_513 : i32 to vector<16xi32>
      %add3A_515 = arith.addi %shift_left3A_309, %add3A_514 : vector<16xi32>
      %gather3A_516 = tpu.vector_load_idx %arg21[%add3A_303, %add3A_515] : memref<128x128xf32, #tpu.memory_space<vmem>>[vector<16xi32>, vector<16xi32>], vector<16xf32>,
      %add3A_517 = arith.constant 11 : i32
      %add3A_518 = vector.broadcast %add3A_517 : i32 to vector<16xi32>
      %add3A_519 = arith.addi %shift_left3A_317, %add3A_518 : vector<16xi32>
      %gather3A_520 = tpu.vector_load_idx %arg22[%add3A_303, %add3A_519] : memref<128x128xf32, #tpu.memory_space<vmem>>[vector<16xi32>, vector<16xi32>], vector<16xf32>,
      %add3A_521 = arith.constant 11 : i32
      %add3A_522 = vector.broadcast %add3A_521 : i32 to vector<16xi32>
      %add3A_523 = arith.addi %shift_left3A_325, %add3A_522 : vector<16xi32>
      %gather3A_524 = tpu.vector_load_idx %arg23[%add3A_303, %add3A_523] : memref<128x128xf32, #tpu.memory_space<vmem>>[vector<16xi32>, vector<16xi32>], vector<16xf32>,
      %mul3A_525 = arith.mulf %gather3A_516, %gather3A_520 : vector<16xf32>
      %add3A_526 = arith.addf %add3A_510, %mul3A_525 : vector<16xf32>
      %mul3A_527 = arith.mulf %gather3A_516, %gather3A_524 : vector<16xf32>
      %add3A_528 = arith.addf %add3A_512, %mul3A_527 : vector<16xf32>
      %add3A_529 = arith.constant 12 : i32
      %add3A_530 = vector.broadcast %add3A_529 : i32 to vector<16xi32>
      %add3A_531 = arith.addi %shift_left3A_309, %add3A_530 : vector<16xi32>
      %gather3A_532 = tpu.vector_load_idx %arg21[%add3A_303, %add3A_531] : memref<128x128xf32, #tpu.memory_space<vmem>>[vector<16xi32>, vector<16xi32>], vector<16xf32>,
      %add3A_533 = arith.constant 12 : i32
      %add3A_534 = vector.broadcast %add3A_533 : i32 to vector<16xi32>
      %add3A_535 = arith.addi %shift_left3A_317, %add3A_534 : vector<16xi32>
      %gather3A_536 = tpu.vector_load_idx %arg22[%add3A_303, %add3A_535] : memref<128x128xf32, #tpu.memory_space<vmem>>[vector<16xi32>, vector<16xi32>], vector<16xf32>,
      %add3A_537 = arith.constant 12 : i32
      %add3A_538 = vector.broadcast %add3A_537 : i32 to vector<16xi32>
      %add3A_539 = arith.addi %shift_left3A_325, %add3A_538 : vector<16xi32>
      %gather3A_540 = tpu.vector_load_idx %arg23[%add3A_303, %add3A_539] : memref<128x128xf32, #tpu.memory_space<vmem>>[vector<16xi32>, vector<16xi32>], vector<16xf32>,
      %mul3A_541 = arith.mulf %gather3A_532, %gather3A_536 : vector<16xf32>
      %add3A_542 = arith.addf %add3A_526, %mul3A_541 : vector<16xf32>
      %mul3A_543 = arith.mulf %gather3A_532, %gather3A_540 : vector<16xf32>
      %add3A_544 = arith.addf %add3A_528, %mul3A_543 : vector<16xf32>
      %add3A_545 = arith.constant 13 : i32
      %add3A_546 = vector.broadcast %add3A_545 : i32 to vector<16xi32>
      %add3A_547 = arith.addi %shift_left3A_309, %add3A_546 : vector<16xi32>
      %gather3A_548 = tpu.vector_load_idx %arg21[%add3A_303, %add3A_547] : memref<128x128xf32, #tpu.memory_space<vmem>>[vector<16xi32>, vector<16xi32>], vector<16xf32>,
      %add3A_549 = arith.constant 13 : i32
      %add3A_550 = vector.broadcast %add3A_549 : i32 to vector<16xi32>
      %add3A_551 = arith.addi %shift_left3A_317, %add3A_550 : vector<16xi32>
      %gather3A_552 = tpu.vector_load_idx %arg22[%add3A_303, %add3A_551] : memref<128x128xf32, #tpu.memory_space<vmem>>[vector<16xi32>, vector<16xi32>], vector<16xf32>,
      %add3A_553 = arith.constant 13 : i32
      %add3A_554 = vector.broadcast %add3A_553 : i32 to vector<16xi32>
      %add3A_555 = arith.addi %shift_left3A_325, %add3A_554 : vector<16xi32>
      %gather3A_556 = tpu.vector_load_idx %arg23[%add3A_303, %add3A_555] : memref<128x128xf32, #tpu.memory_space<vmem>>[vector<16xi32>, vector<16xi32>], vector<16xf32>,
      %mul3A_557 = arith.mulf %gather3A_548, %gather3A_552 : vector<16xf32>
      %add3A_558 = arith.addf %add3A_542, %mul3A_557 : vector<16xf32>
      %mul3A_559 = arith.mulf %gather3A_548, %gather3A_556 : vector<16xf32>
      %add3A_560 = arith.addf %add3A_544, %mul3A_559 : vector<16xf32>
      %add3A_561 = arith.constant 14 : i32
      %add3A_562 = vector.broadcast %add3A_561 : i32 to vector<16xi32>
      %add3A_563 = arith.addi %shift_left3A_309, %add3A_562 : vector<16xi32>
      %gather3A_564 = tpu.vector_load_idx %arg21[%add3A_303, %add3A_563] : memref<128x128xf32, #tpu.memory_space<vmem>>[vector<16xi32>, vector<16xi32>], vector<16xf32>,
      %add3A_565 = arith.constant 14 : i32
      %add3A_566 = vector.broadcast %add3A_565 : i32 to vector<16xi32>
      %add3A_567 = arith.addi %shift_left3A_317, %add3A_566 : vector<16xi32>
      %gather3A_568 = tpu.vector_load_idx %arg22[%add3A_303, %add3A_567] : memref<128x128xf32, #tpu.memory_space<vmem>>[vector<16xi32>, vector<16xi32>], vector<16xf32>,
      %add3A_569 = arith.constant 14 : i32
      %add3A_570 = vector.broadcast %add3A_569 : i32 to vector<16xi32>
      %add3A_571 = arith.addi %shift_left3A_325, %add3A_570 : vector<16xi32>
      %gather3A_572 = tpu.vector_load_idx %arg23[%add3A_303, %add3A_571] : memref<128x128xf32, #tpu.memory_space<vmem>>[vector<16xi32>, vector<16xi32>], vector<16xf32>,
      %mul3A_573 = arith.mulf %gather3A_564, %gather3A_568 : vector<16xf32>
      %add3A_574 = arith.addf %add3A_558, %mul3A_573 : vector<16xf32>
      %mul3A_575 = arith.mulf %gather3A_564, %gather3A_572 : vector<16xf32>
      %add3A_576 = arith.addf %add3A_560, %mul3A_575 : vector<16xf32>
      %add3A_577 = arith.constant 15 : i32
      %add3A_578 = vector.broadcast %add3A_577 : i32 to vector<16xi32>
      %add3A_579 = arith.addi %shift_left3A_309, %add3A_578 : vector<16xi32>
      %gather3A_580 = tpu.vector_load_idx %arg21[%add3A_303, %add3A_579] : memref<128x128xf32, #tpu.memory_space<vmem>>[vector<16xi32>, vector<16xi32>], vector<16xf32>,
      %add3A_581 = arith.constant 15 : i32
      %add3A_582 = vector.broadcast %add3A_581 : i32 to vector<16xi32>
      %add3A_583 = arith.addi %shift_left3A_317, %add3A_582 : vector<16xi32>
      %gather3A_584 = tpu.vector_load_idx %arg22[%add3A_303, %add3A_583] : memref<128x128xf32, #tpu.memory_space<vmem>>[vector<16xi32>, vector<16xi32>], vector<16xf32>,
      %add3A_585 = arith.constant 15 : i32
      %add3A_586 = vector.broadcast %add3A_585 : i32 to vector<16xi32>
      %add3A_587 = arith.addi %shift_left3A_325, %add3A_586 : vector<16xi32>
      %gather3A_588 = tpu.vector_load_idx %arg23[%add3A_303, %add3A_587] : memref<128x128xf32, #tpu.memory_space<vmem>>[vector<16xi32>, vector<16xi32>], vector<16xf32>,
      %mul3A_589 = arith.mulf %gather3A_580, %gather3A_584 : vector<16xf32>
      %add3A_590 = arith.addf %add3A_574, %mul3A_589 : vector<16xf32>
      %mul3A_591 = arith.mulf %gather3A_580, %gather3A_588 : vector<16xf32>
      %add3A_592 = arith.addf %add3A_576, %mul3A_591 : vector<16xf32>
      %add3A_593 = arith.constant 16 : i32
      %add3A_594 = vector.broadcast %add3A_593 : i32 to vector<16xi32>
      %add3A_595 = arith.addi %shift_left3A_309, %add3A_594 : vector<16xi32>
      %gather3A_596 = tpu.vector_load_idx %arg21[%add3A_303, %add3A_595] : memref<128x128xf32, #tpu.memory_space<vmem>>[vector<16xi32>, vector<16xi32>], vector<16xf32>,
      %add3A_597 = arith.constant 16 : i32
      %add3A_598 = vector.broadcast %add3A_597 : i32 to vector<16xi32>
      %add3A_599 = arith.addi %shift_left3A_317, %add3A_598 : vector<16xi32>
      %gather3A_600 = tpu.vector_load_idx %arg22[%add3A_303, %add3A_599] : memref<128x128xf32, #tpu.memory_space<vmem>>[vector<16xi32>, vector<16xi32>], vector<16xf32>,
      %add3A_601 = arith.constant 16 : i32
      %add3A_602 = vector.broadcast %add3A_601 : i32 to vector<16xi32>
      %add3A_603 = arith.addi %shift_left3A_325, %add3A_602 : vector<16xi32>
      %gather3A_604 = tpu.vector_load_idx %arg23[%add3A_303, %add3A_603] : memref<128x128xf32, #tpu.memory_space<vmem>>[vector<16xi32>, vector<16xi32>], vector<16xf32>,
      %mul3A_605 = arith.mulf %gather3A_596, %gather3A_600 : vector<16xf32>
      %add3A_606 = arith.addf %add3A_590, %mul3A_605 : vector<16xf32>
      %mul3A_607 = arith.mulf %gather3A_596, %gather3A_604 : vector<16xf32>
      %add3A_608 = arith.addf %add3A_592, %mul3A_607 : vector<16xf32>
      %add3A_609 = arith.constant 17 : i32
      %add3A_610 = vector.broadcast %add3A_609 : i32 to vector<16xi32>
      %add3A_611 = arith.addi %shift_left3A_309, %add3A_610 : vector<16xi32>
      %gather3A_612 = tpu.vector_load_idx %arg21[%add3A_303, %add3A_611] : memref<128x128xf32, #tpu.memory_space<vmem>>[vector<16xi32>, vector<16xi32>], vector<16xf32>,
      %add3A_613 = arith.constant 17 : i32
      %add3A_614 = vector.broadcast %add3A_613 : i32 to vector<16xi32>
      %add3A_615 = arith.addi %shift_left3A_317, %add3A_614 : vector<16xi32>
      %gather3A_616 = tpu.vector_load_idx %arg22[%add3A_303, %add3A_615] : memref<128x128xf32, #tpu.memory_space<vmem>>[vector<16xi32>, vector<16xi32>], vector<16xf32>,
      %add3A_617 = arith.constant 17 : i32
      %add3A_618 = vector.broadcast %add3A_617 : i32 to vector<16xi32>
      %add3A_619 = arith.addi %shift_left3A_325, %add3A_618 : vector<16xi32>
      %gather3A_620 = tpu.vector_load_idx %arg23[%add3A_303, %add3A_619] : memref<128x128xf32, #tpu.memory_space<vmem>>[vector<16xi32>, vector<16xi32>], vector<16xf32>,
      %mul3A_621 = arith.mulf %gather3A_612, %gather3A_616 : vector<16xf32>
      %add3A_622 = arith.addf %add3A_606, %mul3A_621 : vector<16xf32>
      %mul3A_623 = arith.mulf %gather3A_612, %gather3A_620 : vector<16xf32>
      %add3A_624 = arith.addf %add3A_608, %mul3A_623 : vector<16xf32>
      %add3A_625 = arith.constant 18 : i32
      %add3A_626 = vector.broadcast %add3A_625 : i32 to vector<16xi32>
      %add3A_627 = arith.addi %shift_left3A_309, %add3A_626 : vector<16xi32>
      %gather3A_628 = tpu.vector_load_idx %arg21[%add3A_303, %add3A_627] : memref<128x128xf32, #tpu.memory_space<vmem>>[vector<16xi32>, vector<16xi32>], vector<16xf32>,
      %add3A_629 = arith.constant 18 : i32
      %add3A_630 = vector.broadcast %add3A_629 : i32 to vector<16xi32>
      %add3A_631 = arith.addi %shift_left3A_317, %add3A_630 : vector<16xi32>
      %gather3A_632 = tpu.vector_load_idx %arg22[%add3A_303, %add3A_631] : memref<128x128xf32, #tpu.memory_space<vmem>>[vector<16xi32>, vector<16xi32>], vector<16xf32>,
      %add3A_633 = arith.constant 18 : i32
      %add3A_634 = vector.broadcast %add3A_633 : i32 to vector<16xi32>
      %add3A_635 = arith.addi %shift_left3A_325, %add3A_634 : vector<16xi32>
      %gather3A_636 = tpu.vector_load_idx %arg23[%add3A_303, %add3A_635] : memref<128x128xf32, #tpu.memory_space<vmem>>[vector<16xi32>, vector<16xi32>], vector<16xf32>,
      %mul3A_637 = arith.mulf %gather3A_628, %gather3A_632 : vector<16xf32>
      %add3A_638 = arith.addf %add3A_622, %mul3A_637 : vector<16xf32>
      %mul3A_639 = arith.mulf %gather3A_628, %gather3A_636 : vector<16xf32>
      %add3A_640 = arith.addf %add3A_624, %mul3A_639 : vector<16xf32>
      %add3A_641 = arith.constant 19 : i32
      %add3A_642 = vector.broadcast %add3A_641 : i32 to vector<16xi32>
      %add3A_643 = arith.addi %shift_left3A_309, %add3A_642 : vector<16xi32>
      %gather3A_644 = tpu.vector_load_idx %arg21[%add3A_303, %add3A_643] : memref<128x128xf32, #tpu.memory_space<vmem>>[vector<16xi32>, vector<16xi32>], vector<16xf32>,
      %add3A_645 = arith.constant 19 : i32
      %add3A_646 = vector.broadcast %add3A_645 : i32 to vector<16xi32>
      %add3A_647 = arith.addi %shift_left3A_317, %add3A_646 : vector<16xi32>
      %gather3A_648 = tpu.vector_load_idx %arg22[%add3A_303, %add3A_647] : memref<128x128xf32, #tpu.memory_space<vmem>>[vector<16xi32>, vector<16xi32>], vector<16xf32>,
      %add3A_649 = arith.constant 19 : i32
      %add3A_650 = vector.broadcast %add3A_649 : i32 to vector<16xi32>
      %add3A_651 = arith.addi %shift_left3A_325, %add3A_650 : vector<16xi32>
      %gather3A_652 = tpu.vector_load_idx %arg23[%add3A_303, %add3A_651] : memref<128x128xf32, #tpu.memory_space<vmem>>[vector<16xi32>, vector<16xi32>], vector<16xf32>,
      %mul3A_653 = arith.mulf %gather3A_644, %gather3A_648 : vector<16xf32>
      %add3A_654 = arith.addf %add3A_638, %mul3A_653 : vector<16xf32>
      %mul3A_655 = arith.mulf %gather3A_644, %gather3A_652 : vector<16xf32>
      %add3A_656 = arith.addf %add3A_640, %mul3A_655 : vector<16xf32>
      %add3A_657 = arith.constant 20 : i32
      %add3A_658 = vector.broadcast %add3A_657 : i32 to vector<16xi32>
      %add3A_659 = arith.addi %shift_left3A_309, %add3A_658 : vector<16xi32>
      %gather3A_660 = tpu.vector_load_idx %arg21[%add3A_303, %add3A_659] : memref<128x128xf32, #tpu.memory_space<vmem>>[vector<16xi32>, vector<16xi32>], vector<16xf32>,
      %add3A_661 = arith.constant 20 : i32
      %add3A_662 = vector.broadcast %add3A_661 : i32 to vector<16xi32>
      %add3A_663 = arith.addi %shift_left3A_317, %add3A_662 : vector<16xi32>
      %gather3A_664 = tpu.vector_load_idx %arg22[%add3A_303, %add3A_663] : memref<128x128xf32, #tpu.memory_space<vmem>>[vector<16xi32>, vector<16xi32>], vector<16xf32>,
      %add3A_665 = arith.constant 20 : i32
      %add3A_666 = vector.broadcast %add3A_665 : i32 to vector<16xi32>
      %add3A_667 = arith.addi %shift_left3A_325, %add3A_666 : vector<16xi32>
      %gather3A_668 = tpu.vector_load_idx %arg23[%add3A_303, %add3A_667] : memref<128x128xf32, #tpu.memory_space<vmem>>[vector<16xi32>, vector<16xi32>], vector<16xf32>,
      %mul3A_669 = arith.mulf %gather3A_660, %gather3A_664 : vector<16xf32>
      %add3A_670 = arith.addf %add3A_654, %mul3A_669 : vector<16xf32>
      %mul3A_671 = arith.mulf %gather3A_660, %gather3A_668 : vector<16xf32>
      %add3A_672 = arith.addf %add3A_656, %mul3A_671 : vector<16xf32>
      %add3A_673 = arith.constant 21 : i32
      %add3A_674 = vector.broadcast %add3A_673 : i32 to vector<16xi32>
      %add3A_675 = arith.addi %shift_left3A_309, %add3A_674 : vector<16xi32>
      %gather3A_676 = tpu.vector_load_idx %arg21[%add3A_303, %add3A_675] : memref<128x128xf32, #tpu.memory_space<vmem>>[vector<16xi32>, vector<16xi32>], vector<16xf32>,
      %add3A_677 = arith.constant 21 : i32
      %add3A_678 = vector.broadcast %add3A_677 : i32 to vector<16xi32>
      %add3A_679 = arith.addi %shift_left3A_317, %add3A_678 : vector<16xi32>
      %gather3A_680 = tpu.vector_load_idx %arg22[%add3A_303, %add3A_679] : memref<128x128xf32, #tpu.memory_space<vmem>>[vector<16xi32>, vector<16xi32>], vector<16xf32>,
      %add3A_681 = arith.constant 21 : i32
      %add3A_682 = vector.broadcast %add3A_681 : i32 to vector<16xi32>
      %add3A_683 = arith.addi %shift_left3A_325, %add3A_682 : vector<16xi32>
      %gather3A_684 = tpu.vector_load_idx %arg23[%add3A_303, %add3A_683] : memref<128x128xf32, #tpu.memory_space<vmem>>[vector<16xi32>, vector<16xi32>], vector<16xf32>,
      %mul3A_685 = arith.mulf %gather3A_676, %gather3A_680 : vector<16xf32>
      %add3A_686 = arith.addf %add3A_670, %mul3A_685 : vector<16xf32>
      %mul3A_687 = arith.mulf %gather3A_676, %gather3A_684 : vector<16xf32>
      %add3A_688 = arith.addf %add3A_672, %mul3A_687 : vector<16xf32>
      %add3A_689 = arith.constant 22 : i32
      %add3A_690 = vector.broadcast %add3A_689 : i32 to vector<16xi32>
      %add3A_691 = arith.addi %shift_left3A_309, %add3A_690 : vector<16xi32>
      %gather3A_692 = tpu.vector_load_idx %arg21[%add3A_303, %add3A_691] : memref<128x128xf32, #tpu.memory_space<vmem>>[vector<16xi32>, vector<16xi32>], vector<16xf32>,
      %add3A_693 = arith.constant 22 : i32
      %add3A_694 = vector.broadcast %add3A_693 : i32 to vector<16xi32>
      %add3A_695 = arith.addi %shift_left3A_317, %add3A_694 : vector<16xi32>
      %gather3A_696 = tpu.vector_load_idx %arg22[%add3A_303, %add3A_695] : memref<128x128xf32, #tpu.memory_space<vmem>>[vector<16xi32>, vector<16xi32>], vector<16xf32>,
      %add3A_697 = arith.constant 22 : i32
      %add3A_698 = vector.broadcast %add3A_697 : i32 to vector<16xi32>
      %add3A_699 = arith.addi %shift_left3A_325, %add3A_698 : vector<16xi32>
      %gather3A_700 = tpu.vector_load_idx %arg23[%add3A_303, %add3A_699] : memref<128x128xf32, #tpu.memory_space<vmem>>[vector<16xi32>, vector<16xi32>], vector<16xf32>,
      %mul3A_701 = arith.mulf %gather3A_692, %gather3A_696 : vector<16xf32>
      %add3A_702 = arith.addf %add3A_686, %mul3A_701 : vector<16xf32>
      %mul3A_703 = arith.mulf %gather3A_692, %gather3A_700 : vector<16xf32>
      %add3A_704 = arith.addf %add3A_688, %mul3A_703 : vector<16xf32>
      %add3A_705 = arith.constant 23 : i32
      %add3A_706 = vector.broadcast %add3A_705 : i32 to vector<16xi32>
      %add3A_707 = arith.addi %shift_left3A_309, %add3A_706 : vector<16xi32>
      %gather3A_708 = tpu.vector_load_idx %arg21[%add3A_303, %add3A_707] : memref<128x128xf32, #tpu.memory_space<vmem>>[vector<16xi32>, vector<16xi32>], vector<16xf32>,
      %add3A_709 = arith.constant 23 : i32
      %add3A_710 = vector.broadcast %add3A_709 : i32 to vector<16xi32>
      %add3A_711 = arith.addi %shift_left3A_317, %add3A_710 : vector<16xi32>
      %gather3A_712 = tpu.vector_load_idx %arg22[%add3A_303, %add3A_711] : memref<128x128xf32, #tpu.memory_space<vmem>>[vector<16xi32>, vector<16xi32>], vector<16xf32>,
      %add3A_713 = arith.constant 23 : i32
      %add3A_714 = vector.broadcast %add3A_713 : i32 to vector<16xi32>
      %add3A_715 = arith.addi %shift_left3A_325, %add3A_714 : vector<16xi32>
      %gather3A_716 = tpu.vector_load_idx %arg23[%add3A_303, %add3A_715] : memref<128x128xf32, #tpu.memory_space<vmem>>[vector<16xi32>, vector<16xi32>], vector<16xf32>,
      %mul3A_717 = arith.mulf %gather3A_708, %gather3A_712 : vector<16xf32>
      %add3A_718 = arith.addf %add3A_702, %mul3A_717 : vector<16xf32>
      %mul3A_719 = arith.mulf %gather3A_708, %gather3A_716 : vector<16xf32>
      %add3A_720 = arith.addf %add3A_704, %mul3A_719 : vector<16xf32>
      %add3A_721 = arith.constant 24 : i32
      %add3A_722 = vector.broadcast %add3A_721 : i32 to vector<16xi32>
      %add3A_723 = arith.addi %shift_left3A_309, %add3A_722 : vector<16xi32>
      %gather3A_724 = tpu.vector_load_idx %arg21[%add3A_303, %add3A_723] : memref<128x128xf32, #tpu.memory_space<vmem>>[vector<16xi32>, vector<16xi32>], vector<16xf32>,
      %add3A_725 = arith.constant 24 : i32
      %add3A_726 = vector.broadcast %add3A_725 : i32 to vector<16xi32>
      %add3A_727 = arith.addi %shift_left3A_317, %add3A_726 : vector<16xi32>
      %gather3A_728 = tpu.vector_load_idx %arg22[%add3A_303, %add3A_727] : memref<128x128xf32, #tpu.memory_space<vmem>>[vector<16xi32>, vector<16xi32>], vector<16xf32>,
      %add3A_729 = arith.constant 24 : i32
      %add3A_730 = vector.broadcast %add3A_729 : i32 to vector<16xi32>
      %add3A_731 = arith.addi %shift_left3A_325, %add3A_730 : vector<16xi32>
      %gather3A_732 = tpu.vector_load_idx %arg23[%add3A_303, %add3A_731] : memref<128x128xf32, #tpu.memory_space<vmem>>[vector<16xi32>, vector<16xi32>], vector<16xf32>,
      %mul3A_733 = arith.mulf %gather3A_724, %gather3A_728 : vector<16xf32>
      %add3A_734 = arith.addf %add3A_718, %mul3A_733 : vector<16xf32>
      %mul3A_735 = arith.mulf %gather3A_724, %gather3A_732 : vector<16xf32>
      %add3A_736 = arith.addf %add3A_720, %mul3A_735 : vector<16xf32>
      %add3A_737 = arith.constant 25 : i32
      %add3A_738 = vector.broadcast %add3A_737 : i32 to vector<16xi32>
      %add3A_739 = arith.addi %shift_left3A_309, %add3A_738 : vector<16xi32>
      %gather3A_740 = tpu.vector_load_idx %arg21[%add3A_303, %add3A_739] : memref<128x128xf32, #tpu.memory_space<vmem>>[vector<16xi32>, vector<16xi32>], vector<16xf32>,
      %add3A_741 = arith.constant 25 : i32
      %add3A_742 = vector.broadcast %add3A_741 : i32 to vector<16xi32>
      %add3A_743 = arith.addi %shift_left3A_317, %add3A_742 : vector<16xi32>
      %gather3A_744 = tpu.vector_load_idx %arg22[%add3A_303, %add3A_743] : memref<128x128xf32, #tpu.memory_space<vmem>>[vector<16xi32>, vector<16xi32>], vector<16xf32>,
      %add3A_745 = arith.constant 25 : i32
      %add3A_746 = vector.broadcast %add3A_745 : i32 to vector<16xi32>
      %add3A_747 = arith.addi %shift_left3A_325, %add3A_746 : vector<16xi32>
      %gather3A_748 = tpu.vector_load_idx %arg23[%add3A_303, %add3A_747] : memref<128x128xf32, #tpu.memory_space<vmem>>[vector<16xi32>, vector<16xi32>], vector<16xf32>,
      %mul3A_749 = arith.mulf %gather3A_740, %gather3A_744 : vector<16xf32>
      %add3A_750 = arith.addf %add3A_734, %mul3A_749 : vector<16xf32>
      %mul3A_751 = arith.mulf %gather3A_740, %gather3A_748 : vector<16xf32>
      %add3A_752 = arith.addf %add3A_736, %mul3A_751 : vector<16xf32>
      %add3A_753 = arith.constant 26 : i32
      %add3A_754 = vector.broadcast %add3A_753 : i32 to vector<16xi32>
      %add3A_755 = arith.addi %shift_left3A_309, %add3A_754 : vector<16xi32>
      %gather3A_756 = tpu.vector_load_idx %arg21[%add3A_303, %add3A_755] : memref<128x128xf32, #tpu.memory_space<vmem>>[vector<16xi32>, vector<16xi32>], vector<16xf32>,
      %add3A_757 = arith.constant 26 : i32
      %add3A_758 = vector.broadcast %add3A_757 : i32 to vector<16xi32>
      %add3A_759 = arith.addi %shift_left3A_317, %add3A_758 : vector<16xi32>
      %gather3A_760 = tpu.vector_load_idx %arg22[%add3A_303, %add3A_759] : memref<128x128xf32, #tpu.memory_space<vmem>>[vector<16xi32>, vector<16xi32>], vector<16xf32>,
      %add3A_761 = arith.constant 26 : i32
      %add3A_762 = vector.broadcast %add3A_761 : i32 to vector<16xi32>
      %add3A_763 = arith.addi %shift_left3A_325, %add3A_762 : vector<16xi32>
      %gather3A_764 = tpu.vector_load_idx %arg23[%add3A_303, %add3A_763] : memref<128x128xf32, #tpu.memory_space<vmem>>[vector<16xi32>, vector<16xi32>], vector<16xf32>,
      %mul3A_765 = arith.mulf %gather3A_756, %gather3A_760 : vector<16xf32>
      %add3A_766 = arith.addf %add3A_750, %mul3A_765 : vector<16xf32>
      %mul3A_767 = arith.mulf %gather3A_756, %gather3A_764 : vector<16xf32>
      %add3A_768 = arith.addf %add3A_752, %mul3A_767 : vector<16xf32>
      %add3A_769 = arith.constant 27 : i32
      %add3A_770 = vector.broadcast %add3A_769 : i32 to vector<16xi32>
      %add3A_771 = arith.addi %shift_left3A_309, %add3A_770 : vector<16xi32>
      %gather3A_772 = tpu.vector_load_idx %arg21[%add3A_303, %add3A_771] : memref<128x128xf32, #tpu.memory_space<vmem>>[vector<16xi32>, vector<16xi32>], vector<16xf32>,
      %add3A_773 = arith.constant 27 : i32
      %add3A_774 = vector.broadcast %add3A_773 : i32 to vector<16xi32>
      %add3A_775 = arith.addi %shift_left3A_317, %add3A_774 : vector<16xi32>
      %gather3A_776 = tpu.vector_load_idx %arg22[%add3A_303, %add3A_775] : memref<128x128xf32, #tpu.memory_space<vmem>>[vector<16xi32>, vector<16xi32>], vector<16xf32>,
      %add3A_777 = arith.constant 27 : i32
      %add3A_778 = vector.broadcast %add3A_777 : i32 to vector<16xi32>
      %add3A_779 = arith.addi %shift_left3A_325, %add3A_778 : vector<16xi32>
      %gather3A_780 = tpu.vector_load_idx %arg23[%add3A_303, %add3A_779] : memref<128x128xf32, #tpu.memory_space<vmem>>[vector<16xi32>, vector<16xi32>], vector<16xf32>,
      %mul3A_781 = arith.mulf %gather3A_772, %gather3A_776 : vector<16xf32>
      %add3A_782 = arith.addf %add3A_766, %mul3A_781 : vector<16xf32>
      %mul3A_783 = arith.mulf %gather3A_772, %gather3A_780 : vector<16xf32>
      %add3A_784 = arith.addf %add3A_768, %mul3A_783 : vector<16xf32>
      %add3A_785 = arith.constant 28 : i32
      %add3A_786 = vector.broadcast %add3A_785 : i32 to vector<16xi32>
      %add3A_787 = arith.addi %shift_left3A_309, %add3A_786 : vector<16xi32>
      %gather3A_788 = tpu.vector_load_idx %arg21[%add3A_303, %add3A_787] : memref<128x128xf32, #tpu.memory_space<vmem>>[vector<16xi32>, vector<16xi32>], vector<16xf32>,
      %add3A_789 = arith.constant 28 : i32
      %add3A_790 = vector.broadcast %add3A_789 : i32 to vector<16xi32>
      %add3A_791 = arith.addi %shift_left3A_317, %add3A_790 : vector<16xi32>
      %gather3A_792 = tpu.vector_load_idx %arg22[%add3A_303, %add3A_791] : memref<128x128xf32, #tpu.memory_space<vmem>>[vector<16xi32>, vector<16xi32>], vector<16xf32>,
      %add3A_793 = arith.constant 28 : i32
      %add3A_794 = vector.broadcast %add3A_793 : i32 to vector<16xi32>
      %add3A_795 = arith.addi %shift_left3A_325, %add3A_794 : vector<16xi32>
      %gather3A_796 = tpu.vector_load_idx %arg23[%add3A_303, %add3A_795] : memref<128x128xf32, #tpu.memory_space<vmem>>[vector<16xi32>, vector<16xi32>], vector<16xf32>,
      %mul3A_797 = arith.mulf %gather3A_788, %gather3A_792 : vector<16xf32>
      %add3A_798 = arith.addf %add3A_782, %mul3A_797 : vector<16xf32>
      %mul3A_799 = arith.mulf %gather3A_788, %gather3A_796 : vector<16xf32>
      %add3A_800 = arith.addf %add3A_784, %mul3A_799 : vector<16xf32>
      %add3A_801 = arith.constant 29 : i32
      %add3A_802 = vector.broadcast %add3A_801 : i32 to vector<16xi32>
      %add3A_803 = arith.addi %shift_left3A_309, %add3A_802 : vector<16xi32>
      %gather3A_804 = tpu.vector_load_idx %arg21[%add3A_303, %add3A_803] : memref<128x128xf32, #tpu.memory_space<vmem>>[vector<16xi32>, vector<16xi32>], vector<16xf32>,
      %add3A_805 = arith.constant 29 : i32
      %add3A_806 = vector.broadcast %add3A_805 : i32 to vector<16xi32>
      %add3A_807 = arith.addi %shift_left3A_317, %add3A_806 : vector<16xi32>
      %gather3A_808 = tpu.vector_load_idx %arg22[%add3A_303, %add3A_807] : memref<128x128xf32, #tpu.memory_space<vmem>>[vector<16xi32>, vector<16xi32>], vector<16xf32>,
      %add3A_809 = arith.constant 29 : i32
      %add3A_810 = vector.broadcast %add3A_809 : i32 to vector<16xi32>
      %add3A_811 = arith.addi %shift_left3A_325, %add3A_810 : vector<16xi32>
      %gather3A_812 = tpu.vector_load_idx %arg23[%add3A_303, %add3A_811] : memref<128x128xf32, #tpu.memory_space<vmem>>[vector<16xi32>, vector<16xi32>], vector<16xf32>,
      %mul3A_813 = arith.mulf %gather3A_804, %gather3A_808 : vector<16xf32>
      %add3A_814 = arith.addf %add3A_798, %mul3A_813 : vector<16xf32>
      %mul3A_815 = arith.mulf %gather3A_804, %gather3A_812 : vector<16xf32>
      %add3A_816 = arith.addf %add3A_800, %mul3A_815 : vector<16xf32>
      %add3A_817 = arith.constant 30 : i32
      %add3A_818 = vector.broadcast %add3A_817 : i32 to vector<16xi32>
      %add3A_819 = arith.addi %shift_left3A_309, %add3A_818 : vector<16xi32>
      %gather3A_820 = tpu.vector_load_idx %arg21[%add3A_303, %add3A_819] : memref<128x128xf32, #tpu.memory_space<vmem>>[vector<16xi32>, vector<16xi32>], vector<16xf32>,
      %add3A_821 = arith.constant 30 : i32
      %add3A_822 = vector.broadcast %add3A_821 : i32 to vector<16xi32>
      %add3A_823 = arith.addi %shift_left3A_317, %add3A_822 : vector<16xi32>
      %gather3A_824 = tpu.vector_load_idx %arg22[%add3A_303, %add3A_823] : memref<128x128xf32, #tpu.memory_space<vmem>>[vector<16xi32>, vector<16xi32>], vector<16xf32>,
      %add3A_825 = arith.constant 30 : i32
      %add3A_826 = vector.broadcast %add3A_825 : i32 to vector<16xi32>
      %add3A_827 = arith.addi %shift_left3A_325, %add3A_826 : vector<16xi32>
      %gather3A_828 = tpu.vector_load_idx %arg23[%add3A_303, %add3A_827] : memref<128x128xf32, #tpu.memory_space<vmem>>[vector<16xi32>, vector<16xi32>], vector<16xf32>,
      %mul3A_829 = arith.mulf %gather3A_820, %gather3A_824 : vector<16xf32>
      %add3A_830 = arith.addf %add3A_814, %mul3A_829 : vector<16xf32>
      %mul3A_831 = arith.mulf %gather3A_820, %gather3A_828 : vector<16xf32>
      %add3A_832 = arith.addf %add3A_816, %mul3A_831 : vector<16xf32>
      %add3A_833 = arith.constant 31 : i32
      %add3A_834 = vector.broadcast %add3A_833 : i32 to vector<16xi32>
      %add3A_835 = arith.addi %shift_left3A_309, %add3A_834 : vector<16xi32>
      %gather3A_836 = tpu.vector_load_idx %arg21[%add3A_303, %add3A_835] : memref<128x128xf32, #tpu.memory_space<vmem>>[vector<16xi32>, vector<16xi32>], vector<16xf32>,
      %add3A_837 = arith.constant 31 : i32
      %add3A_838 = vector.broadcast %add3A_837 : i32 to vector<16xi32>
      %add3A_839 = arith.addi %shift_left3A_317, %add3A_838 : vector<16xi32>
      %gather3A_840 = tpu.vector_load_idx %arg22[%add3A_303, %add3A_839] : memref<128x128xf32, #tpu.memory_space<vmem>>[vector<16xi32>, vector<16xi32>], vector<16xf32>,
      %add3A_841 = arith.constant 31 : i32
      %add3A_842 = vector.broadcast %add3A_841 : i32 to vector<16xi32>
      %add3A_843 = arith.addi %shift_left3A_325, %add3A_842 : vector<16xi32>
      %gather3A_844 = tpu.vector_load_idx %arg23[%add3A_303, %add3A_843] : memref<128x128xf32, #tpu.memory_space<vmem>>[vector<16xi32>, vector<16xi32>], vector<16xf32>,
      %mul3A_845 = arith.mulf %gather3A_836, %gather3A_840 : vector<16xf32>
      %add3A_846 = arith.addf %add3A_830, %mul3A_845 : vector<16xf32>
      %mul3A_847 = arith.mulf %gather3A_836, %gather3A_844 : vector<16xf32>
      %add3A_848 = arith.addf %add3A_832, %mul3A_847 : vector<16xf32>
      %swap3A = arith.index_cast %add3A_299 : i32 to index
      %swap3A_849 = tpu.vector_load %arg27[%swap3A] {strides = array<i32>} : memref<512xf32, #tpu.memory_space<vmem>>, vector<16xf32>,
      tpu.vector_store %arg27[%swap3A], %add3A_846 {strides = array<i32>} : memref<512xf32, #tpu.memory_space<vmem>>, vector<16xf32>,
      %swap3A_850 = arith.index_cast %add3A_299 : i32 to index
      %swap3A_851 = tpu.vector_load %arg28[%swap3A_850] {strides = array<i32>} : memref<512xf32, #tpu.memory_space<vmem>>, vector<16xf32>,
      tpu.vector_store %arg28[%swap3A_850], %add3A_848 {strides = array<i32>} : memref<512xf32, #tpu.memory_space<vmem>>, vector<16xf32>,
    }
    %scan3A_165 = arith.constant 8 : i32
    %dma_start3A_166 = arith.constant 384 : i32
    %dma_start3A_167 = tpu.memref_slice %arg15[%dma_start3A_166] : memref<512xi32, #tpu.memory_space<vmem>> -> memref<128xi32, #tpu.memory_space<vmem>>
    %dma_start3A_168 = arith.constant 0 : i32
    %dma_start3A_169 = arith.constant 0 : i32
    %dma_start3A_170 = tpu.memref_slice %arg5[%dma_start3A_168, %dma_start3A_169] : memref<250000x128xf32, #tpu.memory_space<hbm>> -> memref<250000x128xf32, #tpu.memory_space<hbm>>
    tpu.enqueue_indirect_dma source(%dma_start3A_170 : memref<250000x128xf32, #tpu.memory_space<hbm>>) target(%arg21 : memref<128x128xf32, #tpu.memory_space<vmem>>) offsets(%dma_start3A_167 : memref<128xi32, #tpu.memory_space<vmem>>) semaphore(%arg30 : memref<!tpu.dma_semaphore, #tpu.memory_space<semaphore_mem>>)
    %dma_start3A_171 = arith.constant 384 : i32
    %dma_start3A_172 = tpu.memref_slice %arg16[%dma_start3A_171] : memref<512xi32, #tpu.memory_space<vmem>> -> memref<128xi32, #tpu.memory_space<vmem>>
    %dma_start3A_173 = arith.constant 0 : i32
    %dma_start3A_174 = arith.constant 0 : i32
    %dma_start3A_175 = tpu.memref_slice %arg6[%dma_start3A_173, %dma_start3A_174] : memref<250000x128xf32, #tpu.memory_space<hbm>> -> memref<250000x128xf32, #tpu.memory_space<hbm>>
    tpu.enqueue_indirect_dma source(%dma_start3A_175 : memref<250000x128xf32, #tpu.memory_space<hbm>>) target(%arg22 : memref<128x128xf32, #tpu.memory_space<vmem>>) offsets(%dma_start3A_172 : memref<128xi32, #tpu.memory_space<vmem>>) semaphore(%arg30 : memref<!tpu.dma_semaphore, #tpu.memory_space<semaphore_mem>>)
    %dma_start3A_176 = arith.constant 384 : i32
    %dma_start3A_177 = tpu.memref_slice %arg17[%dma_start3A_176] : memref<512xi32, #tpu.memory_space<vmem>> -> memref<128xi32, #tpu.memory_space<vmem>>
    %dma_start3A_178 = arith.constant 0 : i32
    %dma_start3A_179 = arith.constant 0 : i32
    %dma_start3A_180 = tpu.memref_slice %arg6[%dma_start3A_178, %dma_start3A_179] : memref<250000x128xf32, #tpu.memory_space<hbm>> -> memref<250000x128xf32, #tpu.memory_space<hbm>>
    tpu.enqueue_indirect_dma source(%dma_start3A_180 : memref<250000x128xf32, #tpu.memory_space<hbm>>) target(%arg23 : memref<128x128xf32, #tpu.memory_space<vmem>>) offsets(%dma_start3A_177 : memref<128xi32, #tpu.memory_space<vmem>>) semaphore(%arg30 : memref<!tpu.dma_semaphore, #tpu.memory_space<semaphore_mem>>)
    %dma_wait3A_181 = arith.constant 256 : i32
    %dma_wait3A_182 = tpu.memref_slice %arg15[%dma_wait3A_181] : memref<512xi32, #tpu.memory_space<vmem>> -> memref<128xi32, #tpu.memory_space<vmem>>
    %dma_wait3A_183 = arith.constant 0 : i32
    %dma_wait3A_184 = arith.constant 0 : i32
    %dma_wait3A_185 = tpu.memref_slice %arg5[%dma_wait3A_183, %dma_wait3A_184] : memref<250000x128xf32, #tpu.memory_space<hbm>> -> memref<250000x128xf32, #tpu.memory_space<hbm>>
    tpu.wait_indirect_dma semaphore(%arg30 : memref<!tpu.dma_semaphore, #tpu.memory_space<semaphore_mem>>) src(%dma_wait3A_185 : memref<250000x128xf32, #tpu.memory_space<hbm>>) dst(%arg18 : memref<128x128xf32, #tpu.memory_space<vmem>>)
    %dma_wait3A_186 = arith.constant 256 : i32
    %dma_wait3A_187 = tpu.memref_slice %arg16[%dma_wait3A_186] : memref<512xi32, #tpu.memory_space<vmem>> -> memref<128xi32, #tpu.memory_space<vmem>>
    %dma_wait3A_188 = arith.constant 0 : i32
    %dma_wait3A_189 = arith.constant 0 : i32
    %dma_wait3A_190 = tpu.memref_slice %arg6[%dma_wait3A_188, %dma_wait3A_189] : memref<250000x128xf32, #tpu.memory_space<hbm>> -> memref<250000x128xf32, #tpu.memory_space<hbm>>
    tpu.wait_indirect_dma semaphore(%arg30 : memref<!tpu.dma_semaphore, #tpu.memory_space<semaphore_mem>>) src(%dma_wait3A_190 : memref<250000x128xf32, #tpu.memory_space<hbm>>) dst(%arg19 : memref<128x128xf32, #tpu.memory_space<vmem>>)
    %dma_wait3A_191 = arith.constant 256 : i32
    %dma_wait3A_192 = tpu.memref_slice %arg17[%dma_wait3A_191] : memref<512xi32, #tpu.memory_space<vmem>> -> memref<128xi32, #tpu.memory_space<vmem>>
    %dma_wait3A_193 = arith.constant 0 : i32
    %dma_wait3A_194 = arith.constant 0 : i32
    %dma_wait3A_195 = tpu.memref_slice %arg6[%dma_wait3A_193, %dma_wait3A_194] : memref<250000x128xf32, #tpu.memory_space<hbm>> -> memref<250000x128xf32, #tpu.memory_space<hbm>>
    tpu.wait_indirect_dma semaphore(%arg30 : memref<!tpu.dma_semaphore, #tpu.memory_space<semaphore_mem>>) src(%dma_wait3A_195 : memref<250000x128xf32, #tpu.memory_space<hbm>>) dst(%arg20 : memref<128x128xf32, #tpu.memory_space<vmem>>)
    %scan3A_196 = arith.constant 0 : i32
    %scan3A_197 = arith.constant 0 : i32
    %scan3A_198 = arith.constant 8 : i32
    %scan3A_199 = arith.addi %scan3A_197, %scan3A_198 : i32
    %scan3A_200 = arith.constant 1 : i32
    scf.for %scan3A_295 = %scan3A_197 to %scan3A_199 step %scan3A_200  : i32 {
      %mul3A_296 = arith.constant 16 : i32
      %mul3A_297 = arith.muli %scan3A_295, %mul3A_296 : i32
      %add3A_298 = arith.constant 256 : i32
      %add3A_299 = arith.addi %add3A_298, %mul3A_297 : i32
      %mul3A_300 = arith.constant 16 : i32
      %mul3A_301 = arith.muli %scan3A_295, %mul3A_300 : i32
      %iota3A = tpu.iota {dimensions = array<i32: 0>} : vector<16xi32>
      %add3A_302 = vector.broadcast %mul3A_301 : i32 to vector<16xi32>
      %add3A_303 = arith.addi %add3A_302, %iota3A : vector<16xi32>
      %get3A_304 = arith.index_cast %add3A_299 : i32 to index
      %get3A_305 = tpu.vector_load %arg12[%get3A_304] {strides = array<i32>} : memref<512xi32, #tpu.memory_space<vmem>>, vector<16xi32>,
      %and3A = arith.constant 3 : i32
      %and3A_306 = vector.broadcast %and3A : i32 to vector<16xi32>
      %and3A_307 = arith.andi %get3A_305, %and3A_306 : vector<16xi32>
      %shift_left3A = arith.constant 5 : i32
      %shift_left3A_308 = vector.broadcast %shift_left3A : i32 to vector<16xi32>
      %shift_left3A_309 = arith.shli %and3A_307, %shift_left3A_308 : vector<16xi32>
      %get3A_310 = arith.index_cast %add3A_299 : i32 to index
      %get3A_311 = tpu.vector_load %arg13[%get3A_310] {strides = array<i32>} : memref<512xi32, #tpu.memory_space<vmem>>, vector<16xi32>,
      %and3A_312 = arith.constant 3 : i32
      %and3A_313 = vector.broadcast %and3A_312 : i32 to vector<16xi32>
      %and3A_314 = arith.andi %get3A_311, %and3A_313 : vector<16xi32>
      %shift_left3A_315 = arith.constant 5 : i32
      %shift_left3A_316 = vector.broadcast %shift_left3A_315 : i32 to vector<16xi32>
      %shift_left3A_317 = arith.shli %and3A_314, %shift_left3A_316 : vector<16xi32>
      %get3A_318 = arith.index_cast %add3A_299 : i32 to index
      %get3A_319 = tpu.vector_load %arg14[%get3A_318] {strides = array<i32>} : memref<512xi32, #tpu.memory_space<vmem>>, vector<16xi32>,
      %and3A_320 = arith.constant 3 : i32
      %and3A_321 = vector.broadcast %and3A_320 : i32 to vector<16xi32>
      %and3A_322 = arith.andi %get3A_319, %and3A_321 : vector<16xi32>
      %shift_left3A_323 = arith.constant 5 : i32
      %shift_left3A_324 = vector.broadcast %shift_left3A_323 : i32 to vector<16xi32>
      %shift_left3A_325 = arith.shli %and3A_322, %shift_left3A_324 : vector<16xi32>
      %get3A_326 = arith.index_cast %add3A_299 : i32 to index
      %get3A_327 = tpu.vector_load %arg24[%get3A_326] {strides = array<i32>} : memref<512xf32, #tpu.memory_space<vmem>>, vector<16xf32>,
      %add3A_328 = arith.addf %get3A_79, %get3A_327 : vector<16xf32>
      %get3A_329 = arith.index_cast %add3A_299 : i32 to index
      %get3A_330 = tpu.vector_load %arg25[%get3A_329] {strides = array<i32>} : memref<512xf32, #tpu.memory_space<vmem>>, vector<16xf32>,
      %add3A_331 = arith.addf %add3A_328, %get3A_330 : vector<16xf32>
      %get3A_332 = arith.index_cast %add3A_299 : i32 to index
      %get3A_333 = tpu.vector_load %arg24[%get3A_332] {strides = array<i32>} : memref<512xf32, #tpu.memory_space<vmem>>, vector<16xf32>,
      %add3A_334 = arith.addf %get3A_79, %get3A_333 : vector<16xf32>
      %get3A_335 = arith.index_cast %add3A_299 : i32 to index
      %get3A_336 = tpu.vector_load %arg26[%get3A_335] {strides = array<i32>} : memref<512xf32, #tpu.memory_space<vmem>>, vector<16xf32>,
      %add3A_337 = arith.addf %add3A_334, %get3A_336 : vector<16xf32>
      %add3A_338 = arith.constant 0 : i32
      %add3A_339 = vector.broadcast %add3A_338 : i32 to vector<16xi32>
      %add3A_340 = arith.addi %shift_left3A_309, %add3A_339 : vector<16xi32>
      %gather3A = tpu.vector_load_idx %arg18[%add3A_303, %add3A_340] : memref<128x128xf32, #tpu.memory_space<vmem>>[vector<16xi32>, vector<16xi32>], vector<16xf32>,
      %add3A_341 = arith.constant 0 : i32
      %add3A_342 = vector.broadcast %add3A_341 : i32 to vector<16xi32>
      %add3A_343 = arith.addi %shift_left3A_317, %add3A_342 : vector<16xi32>
      %gather3A_344 = tpu.vector_load_idx %arg19[%add3A_303, %add3A_343] : memref<128x128xf32, #tpu.memory_space<vmem>>[vector<16xi32>, vector<16xi32>], vector<16xf32>,
      %add3A_345 = arith.constant 0 : i32
      %add3A_346 = vector.broadcast %add3A_345 : i32 to vector<16xi32>
      %add3A_347 = arith.addi %shift_left3A_325, %add3A_346 : vector<16xi32>
      %gather3A_348 = tpu.vector_load_idx %arg20[%add3A_303, %add3A_347] : memref<128x128xf32, #tpu.memory_space<vmem>>[vector<16xi32>, vector<16xi32>], vector<16xf32>,
      %mul3A_349 = arith.mulf %gather3A, %gather3A_344 : vector<16xf32>
      %add3A_350 = arith.addf %add3A_331, %mul3A_349 : vector<16xf32>
      %mul3A_351 = arith.mulf %gather3A, %gather3A_348 : vector<16xf32>
      %add3A_352 = arith.addf %add3A_337, %mul3A_351 : vector<16xf32>
      %add3A_353 = arith.constant 1 : i32
      %add3A_354 = vector.broadcast %add3A_353 : i32 to vector<16xi32>
      %add3A_355 = arith.addi %shift_left3A_309, %add3A_354 : vector<16xi32>
      %gather3A_356 = tpu.vector_load_idx %arg18[%add3A_303, %add3A_355] : memref<128x128xf32, #tpu.memory_space<vmem>>[vector<16xi32>, vector<16xi32>], vector<16xf32>,
      %add3A_357 = arith.constant 1 : i32
      %add3A_358 = vector.broadcast %add3A_357 : i32 to vector<16xi32>
      %add3A_359 = arith.addi %shift_left3A_317, %add3A_358 : vector<16xi32>
      %gather3A_360 = tpu.vector_load_idx %arg19[%add3A_303, %add3A_359] : memref<128x128xf32, #tpu.memory_space<vmem>>[vector<16xi32>, vector<16xi32>], vector<16xf32>,
      %add3A_361 = arith.constant 1 : i32
      %add3A_362 = vector.broadcast %add3A_361 : i32 to vector<16xi32>
      %add3A_363 = arith.addi %shift_left3A_325, %add3A_362 : vector<16xi32>
      %gather3A_364 = tpu.vector_load_idx %arg20[%add3A_303, %add3A_363] : memref<128x128xf32, #tpu.memory_space<vmem>>[vector<16xi32>, vector<16xi32>], vector<16xf32>,
      %mul3A_365 = arith.mulf %gather3A_356, %gather3A_360 : vector<16xf32>
      %add3A_366 = arith.addf %add3A_350, %mul3A_365 : vector<16xf32>
      %mul3A_367 = arith.mulf %gather3A_356, %gather3A_364 : vector<16xf32>
      %add3A_368 = arith.addf %add3A_352, %mul3A_367 : vector<16xf32>
      %add3A_369 = arith.constant 2 : i32
      %add3A_370 = vector.broadcast %add3A_369 : i32 to vector<16xi32>
      %add3A_371 = arith.addi %shift_left3A_309, %add3A_370 : vector<16xi32>
      %gather3A_372 = tpu.vector_load_idx %arg18[%add3A_303, %add3A_371] : memref<128x128xf32, #tpu.memory_space<vmem>>[vector<16xi32>, vector<16xi32>], vector<16xf32>,
      %add3A_373 = arith.constant 2 : i32
      %add3A_374 = vector.broadcast %add3A_373 : i32 to vector<16xi32>
      %add3A_375 = arith.addi %shift_left3A_317, %add3A_374 : vector<16xi32>
      %gather3A_376 = tpu.vector_load_idx %arg19[%add3A_303, %add3A_375] : memref<128x128xf32, #tpu.memory_space<vmem>>[vector<16xi32>, vector<16xi32>], vector<16xf32>,
      %add3A_377 = arith.constant 2 : i32
      %add3A_378 = vector.broadcast %add3A_377 : i32 to vector<16xi32>
      %add3A_379 = arith.addi %shift_left3A_325, %add3A_378 : vector<16xi32>
      %gather3A_380 = tpu.vector_load_idx %arg20[%add3A_303, %add3A_379] : memref<128x128xf32, #tpu.memory_space<vmem>>[vector<16xi32>, vector<16xi32>], vector<16xf32>,
      %mul3A_381 = arith.mulf %gather3A_372, %gather3A_376 : vector<16xf32>
      %add3A_382 = arith.addf %add3A_366, %mul3A_381 : vector<16xf32>
      %mul3A_383 = arith.mulf %gather3A_372, %gather3A_380 : vector<16xf32>
      %add3A_384 = arith.addf %add3A_368, %mul3A_383 : vector<16xf32>
      %add3A_385 = arith.constant 3 : i32
      %add3A_386 = vector.broadcast %add3A_385 : i32 to vector<16xi32>
      %add3A_387 = arith.addi %shift_left3A_309, %add3A_386 : vector<16xi32>
      %gather3A_388 = tpu.vector_load_idx %arg18[%add3A_303, %add3A_387] : memref<128x128xf32, #tpu.memory_space<vmem>>[vector<16xi32>, vector<16xi32>], vector<16xf32>,
      %add3A_389 = arith.constant 3 : i32
      %add3A_390 = vector.broadcast %add3A_389 : i32 to vector<16xi32>
      %add3A_391 = arith.addi %shift_left3A_317, %add3A_390 : vector<16xi32>
      %gather3A_392 = tpu.vector_load_idx %arg19[%add3A_303, %add3A_391] : memref<128x128xf32, #tpu.memory_space<vmem>>[vector<16xi32>, vector<16xi32>], vector<16xf32>,
      %add3A_393 = arith.constant 3 : i32
      %add3A_394 = vector.broadcast %add3A_393 : i32 to vector<16xi32>
      %add3A_395 = arith.addi %shift_left3A_325, %add3A_394 : vector<16xi32>
      %gather3A_396 = tpu.vector_load_idx %arg20[%add3A_303, %add3A_395] : memref<128x128xf32, #tpu.memory_space<vmem>>[vector<16xi32>, vector<16xi32>], vector<16xf32>,
      %mul3A_397 = arith.mulf %gather3A_388, %gather3A_392 : vector<16xf32>
      %add3A_398 = arith.addf %add3A_382, %mul3A_397 : vector<16xf32>
      %mul3A_399 = arith.mulf %gather3A_388, %gather3A_396 : vector<16xf32>
      %add3A_400 = arith.addf %add3A_384, %mul3A_399 : vector<16xf32>
      %add3A_401 = arith.constant 4 : i32
      %add3A_402 = vector.broadcast %add3A_401 : i32 to vector<16xi32>
      %add3A_403 = arith.addi %shift_left3A_309, %add3A_402 : vector<16xi32>
      %gather3A_404 = tpu.vector_load_idx %arg18[%add3A_303, %add3A_403] : memref<128x128xf32, #tpu.memory_space<vmem>>[vector<16xi32>, vector<16xi32>], vector<16xf32>,
      %add3A_405 = arith.constant 4 : i32
      %add3A_406 = vector.broadcast %add3A_405 : i32 to vector<16xi32>
      %add3A_407 = arith.addi %shift_left3A_317, %add3A_406 : vector<16xi32>
      %gather3A_408 = tpu.vector_load_idx %arg19[%add3A_303, %add3A_407] : memref<128x128xf32, #tpu.memory_space<vmem>>[vector<16xi32>, vector<16xi32>], vector<16xf32>,
      %add3A_409 = arith.constant 4 : i32
      %add3A_410 = vector.broadcast %add3A_409 : i32 to vector<16xi32>
      %add3A_411 = arith.addi %shift_left3A_325, %add3A_410 : vector<16xi32>
      %gather3A_412 = tpu.vector_load_idx %arg20[%add3A_303, %add3A_411] : memref<128x128xf32, #tpu.memory_space<vmem>>[vector<16xi32>, vector<16xi32>], vector<16xf32>,
      %mul3A_413 = arith.mulf %gather3A_404, %gather3A_408 : vector<16xf32>
      %add3A_414 = arith.addf %add3A_398, %mul3A_413 : vector<16xf32>
      %mul3A_415 = arith.mulf %gather3A_404, %gather3A_412 : vector<16xf32>
      %add3A_416 = arith.addf %add3A_400, %mul3A_415 : vector<16xf32>
      %add3A_417 = arith.constant 5 : i32
      %add3A_418 = vector.broadcast %add3A_417 : i32 to vector<16xi32>
      %add3A_419 = arith.addi %shift_left3A_309, %add3A_418 : vector<16xi32>
      %gather3A_420 = tpu.vector_load_idx %arg18[%add3A_303, %add3A_419] : memref<128x128xf32, #tpu.memory_space<vmem>>[vector<16xi32>, vector<16xi32>], vector<16xf32>,
      %add3A_421 = arith.constant 5 : i32
      %add3A_422 = vector.broadcast %add3A_421 : i32 to vector<16xi32>
      %add3A_423 = arith.addi %shift_left3A_317, %add3A_422 : vector<16xi32>
      %gather3A_424 = tpu.vector_load_idx %arg19[%add3A_303, %add3A_423] : memref<128x128xf32, #tpu.memory_space<vmem>>[vector<16xi32>, vector<16xi32>], vector<16xf32>,
      %add3A_425 = arith.constant 5 : i32
      %add3A_426 = vector.broadcast %add3A_425 : i32 to vector<16xi32>
      %add3A_427 = arith.addi %shift_left3A_325, %add3A_426 : vector<16xi32>
      %gather3A_428 = tpu.vector_load_idx %arg20[%add3A_303, %add3A_427] : memref<128x128xf32, #tpu.memory_space<vmem>>[vector<16xi32>, vector<16xi32>], vector<16xf32>,
      %mul3A_429 = arith.mulf %gather3A_420, %gather3A_424 : vector<16xf32>
      %add3A_430 = arith.addf %add3A_414, %mul3A_429 : vector<16xf32>
      %mul3A_431 = arith.mulf %gather3A_420, %gather3A_428 : vector<16xf32>
      %add3A_432 = arith.addf %add3A_416, %mul3A_431 : vector<16xf32>
      %add3A_433 = arith.constant 6 : i32
      %add3A_434 = vector.broadcast %add3A_433 : i32 to vector<16xi32>
      %add3A_435 = arith.addi %shift_left3A_309, %add3A_434 : vector<16xi32>
      %gather3A_436 = tpu.vector_load_idx %arg18[%add3A_303, %add3A_435] : memref<128x128xf32, #tpu.memory_space<vmem>>[vector<16xi32>, vector<16xi32>], vector<16xf32>,
      %add3A_437 = arith.constant 6 : i32
      %add3A_438 = vector.broadcast %add3A_437 : i32 to vector<16xi32>
      %add3A_439 = arith.addi %shift_left3A_317, %add3A_438 : vector<16xi32>
      %gather3A_440 = tpu.vector_load_idx %arg19[%add3A_303, %add3A_439] : memref<128x128xf32, #tpu.memory_space<vmem>>[vector<16xi32>, vector<16xi32>], vector<16xf32>,
      %add3A_441 = arith.constant 6 : i32
      %add3A_442 = vector.broadcast %add3A_441 : i32 to vector<16xi32>
      %add3A_443 = arith.addi %shift_left3A_325, %add3A_442 : vector<16xi32>
      %gather3A_444 = tpu.vector_load_idx %arg20[%add3A_303, %add3A_443] : memref<128x128xf32, #tpu.memory_space<vmem>>[vector<16xi32>, vector<16xi32>], vector<16xf32>,
      %mul3A_445 = arith.mulf %gather3A_436, %gather3A_440 : vector<16xf32>
      %add3A_446 = arith.addf %add3A_430, %mul3A_445 : vector<16xf32>
      %mul3A_447 = arith.mulf %gather3A_436, %gather3A_444 : vector<16xf32>
      %add3A_448 = arith.addf %add3A_432, %mul3A_447 : vector<16xf32>
      %add3A_449 = arith.constant 7 : i32
      %add3A_450 = vector.broadcast %add3A_449 : i32 to vector<16xi32>
      %add3A_451 = arith.addi %shift_left3A_309, %add3A_450 : vector<16xi32>
      %gather3A_452 = tpu.vector_load_idx %arg18[%add3A_303, %add3A_451] : memref<128x128xf32, #tpu.memory_space<vmem>>[vector<16xi32>, vector<16xi32>], vector<16xf32>,
      %add3A_453 = arith.constant 7 : i32
      %add3A_454 = vector.broadcast %add3A_453 : i32 to vector<16xi32>
      %add3A_455 = arith.addi %shift_left3A_317, %add3A_454 : vector<16xi32>
      %gather3A_456 = tpu.vector_load_idx %arg19[%add3A_303, %add3A_455] : memref<128x128xf32, #tpu.memory_space<vmem>>[vector<16xi32>, vector<16xi32>], vector<16xf32>,
      %add3A_457 = arith.constant 7 : i32
      %add3A_458 = vector.broadcast %add3A_457 : i32 to vector<16xi32>
      %add3A_459 = arith.addi %shift_left3A_325, %add3A_458 : vector<16xi32>
      %gather3A_460 = tpu.vector_load_idx %arg20[%add3A_303, %add3A_459] : memref<128x128xf32, #tpu.memory_space<vmem>>[vector<16xi32>, vector<16xi32>], vector<16xf32>,
      %mul3A_461 = arith.mulf %gather3A_452, %gather3A_456 : vector<16xf32>
      %add3A_462 = arith.addf %add3A_446, %mul3A_461 : vector<16xf32>
      %mul3A_463 = arith.mulf %gather3A_452, %gather3A_460 : vector<16xf32>
      %add3A_464 = arith.addf %add3A_448, %mul3A_463 : vector<16xf32>
      %add3A_465 = arith.constant 8 : i32
      %add3A_466 = vector.broadcast %add3A_465 : i32 to vector<16xi32>
      %add3A_467 = arith.addi %shift_left3A_309, %add3A_466 : vector<16xi32>
      %gather3A_468 = tpu.vector_load_idx %arg18[%add3A_303, %add3A_467] : memref<128x128xf32, #tpu.memory_space<vmem>>[vector<16xi32>, vector<16xi32>], vector<16xf32>,
      %add3A_469 = arith.constant 8 : i32
      %add3A_470 = vector.broadcast %add3A_469 : i32 to vector<16xi32>
      %add3A_471 = arith.addi %shift_left3A_317, %add3A_470 : vector<16xi32>
      %gather3A_472 = tpu.vector_load_idx %arg19[%add3A_303, %add3A_471] : memref<128x128xf32, #tpu.memory_space<vmem>>[vector<16xi32>, vector<16xi32>], vector<16xf32>,
      %add3A_473 = arith.constant 8 : i32
      %add3A_474 = vector.broadcast %add3A_473 : i32 to vector<16xi32>
      %add3A_475 = arith.addi %shift_left3A_325, %add3A_474 : vector<16xi32>
      %gather3A_476 = tpu.vector_load_idx %arg20[%add3A_303, %add3A_475] : memref<128x128xf32, #tpu.memory_space<vmem>>[vector<16xi32>, vector<16xi32>], vector<16xf32>,
      %mul3A_477 = arith.mulf %gather3A_468, %gather3A_472 : vector<16xf32>
      %add3A_478 = arith.addf %add3A_462, %mul3A_477 : vector<16xf32>
      %mul3A_479 = arith.mulf %gather3A_468, %gather3A_476 : vector<16xf32>
      %add3A_480 = arith.addf %add3A_464, %mul3A_479 : vector<16xf32>
      %add3A_481 = arith.constant 9 : i32
      %add3A_482 = vector.broadcast %add3A_481 : i32 to vector<16xi32>
      %add3A_483 = arith.addi %shift_left3A_309, %add3A_482 : vector<16xi32>
      %gather3A_484 = tpu.vector_load_idx %arg18[%add3A_303, %add3A_483] : memref<128x128xf32, #tpu.memory_space<vmem>>[vector<16xi32>, vector<16xi32>], vector<16xf32>,
      %add3A_485 = arith.constant 9 : i32
      %add3A_486 = vector.broadcast %add3A_485 : i32 to vector<16xi32>
      %add3A_487 = arith.addi %shift_left3A_317, %add3A_486 : vector<16xi32>
      %gather3A_488 = tpu.vector_load_idx %arg19[%add3A_303, %add3A_487] : memref<128x128xf32, #tpu.memory_space<vmem>>[vector<16xi32>, vector<16xi32>], vector<16xf32>,
      %add3A_489 = arith.constant 9 : i32
      %add3A_490 = vector.broadcast %add3A_489 : i32 to vector<16xi32>
      %add3A_491 = arith.addi %shift_left3A_325, %add3A_490 : vector<16xi32>
      %gather3A_492 = tpu.vector_load_idx %arg20[%add3A_303, %add3A_491] : memref<128x128xf32, #tpu.memory_space<vmem>>[vector<16xi32>, vector<16xi32>], vector<16xf32>,
      %mul3A_493 = arith.mulf %gather3A_484, %gather3A_488 : vector<16xf32>
      %add3A_494 = arith.addf %add3A_478, %mul3A_493 : vector<16xf32>
      %mul3A_495 = arith.mulf %gather3A_484, %gather3A_492 : vector<16xf32>
      %add3A_496 = arith.addf %add3A_480, %mul3A_495 : vector<16xf32>
      %add3A_497 = arith.constant 10 : i32
      %add3A_498 = vector.broadcast %add3A_497 : i32 to vector<16xi32>
      %add3A_499 = arith.addi %shift_left3A_309, %add3A_498 : vector<16xi32>
      %gather3A_500 = tpu.vector_load_idx %arg18[%add3A_303, %add3A_499] : memref<128x128xf32, #tpu.memory_space<vmem>>[vector<16xi32>, vector<16xi32>], vector<16xf32>,
      %add3A_501 = arith.constant 10 : i32
      %add3A_502 = vector.broadcast %add3A_501 : i32 to vector<16xi32>
      %add3A_503 = arith.addi %shift_left3A_317, %add3A_502 : vector<16xi32>
      %gather3A_504 = tpu.vector_load_idx %arg19[%add3A_303, %add3A_503] : memref<128x128xf32, #tpu.memory_space<vmem>>[vector<16xi32>, vector<16xi32>], vector<16xf32>,
      %add3A_505 = arith.constant 10 : i32
      %add3A_506 = vector.broadcast %add3A_505 : i32 to vector<16xi32>
      %add3A_507 = arith.addi %shift_left3A_325, %add3A_506 : vector<16xi32>
      %gather3A_508 = tpu.vector_load_idx %arg20[%add3A_303, %add3A_507] : memref<128x128xf32, #tpu.memory_space<vmem>>[vector<16xi32>, vector<16xi32>], vector<16xf32>,
      %mul3A_509 = arith.mulf %gather3A_500, %gather3A_504 : vector<16xf32>
      %add3A_510 = arith.addf %add3A_494, %mul3A_509 : vector<16xf32>
      %mul3A_511 = arith.mulf %gather3A_500, %gather3A_508 : vector<16xf32>
      %add3A_512 = arith.addf %add3A_496, %mul3A_511 : vector<16xf32>
      %add3A_513 = arith.constant 11 : i32
      %add3A_514 = vector.broadcast %add3A_513 : i32 to vector<16xi32>
      %add3A_515 = arith.addi %shift_left3A_309, %add3A_514 : vector<16xi32>
      %gather3A_516 = tpu.vector_load_idx %arg18[%add3A_303, %add3A_515] : memref<128x128xf32, #tpu.memory_space<vmem>>[vector<16xi32>, vector<16xi32>], vector<16xf32>,
      %add3A_517 = arith.constant 11 : i32
      %add3A_518 = vector.broadcast %add3A_517 : i32 to vector<16xi32>
      %add3A_519 = arith.addi %shift_left3A_317, %add3A_518 : vector<16xi32>
      %gather3A_520 = tpu.vector_load_idx %arg19[%add3A_303, %add3A_519] : memref<128x128xf32, #tpu.memory_space<vmem>>[vector<16xi32>, vector<16xi32>], vector<16xf32>,
      %add3A_521 = arith.constant 11 : i32
      %add3A_522 = vector.broadcast %add3A_521 : i32 to vector<16xi32>
      %add3A_523 = arith.addi %shift_left3A_325, %add3A_522 : vector<16xi32>
      %gather3A_524 = tpu.vector_load_idx %arg20[%add3A_303, %add3A_523] : memref<128x128xf32, #tpu.memory_space<vmem>>[vector<16xi32>, vector<16xi32>], vector<16xf32>,
      %mul3A_525 = arith.mulf %gather3A_516, %gather3A_520 : vector<16xf32>
      %add3A_526 = arith.addf %add3A_510, %mul3A_525 : vector<16xf32>
      %mul3A_527 = arith.mulf %gather3A_516, %gather3A_524 : vector<16xf32>
      %add3A_528 = arith.addf %add3A_512, %mul3A_527 : vector<16xf32>
      %add3A_529 = arith.constant 12 : i32
      %add3A_530 = vector.broadcast %add3A_529 : i32 to vector<16xi32>
      %add3A_531 = arith.addi %shift_left3A_309, %add3A_530 : vector<16xi32>
      %gather3A_532 = tpu.vector_load_idx %arg18[%add3A_303, %add3A_531] : memref<128x128xf32, #tpu.memory_space<vmem>>[vector<16xi32>, vector<16xi32>], vector<16xf32>,
      %add3A_533 = arith.constant 12 : i32
      %add3A_534 = vector.broadcast %add3A_533 : i32 to vector<16xi32>
      %add3A_535 = arith.addi %shift_left3A_317, %add3A_534 : vector<16xi32>
      %gather3A_536 = tpu.vector_load_idx %arg19[%add3A_303, %add3A_535] : memref<128x128xf32, #tpu.memory_space<vmem>>[vector<16xi32>, vector<16xi32>], vector<16xf32>,
      %add3A_537 = arith.constant 12 : i32
      %add3A_538 = vector.broadcast %add3A_537 : i32 to vector<16xi32>
      %add3A_539 = arith.addi %shift_left3A_325, %add3A_538 : vector<16xi32>
      %gather3A_540 = tpu.vector_load_idx %arg20[%add3A_303, %add3A_539] : memref<128x128xf32, #tpu.memory_space<vmem>>[vector<16xi32>, vector<16xi32>], vector<16xf32>,
      %mul3A_541 = arith.mulf %gather3A_532, %gather3A_536 : vector<16xf32>
      %add3A_542 = arith.addf %add3A_526, %mul3A_541 : vector<16xf32>
      %mul3A_543 = arith.mulf %gather3A_532, %gather3A_540 : vector<16xf32>
      %add3A_544 = arith.addf %add3A_528, %mul3A_543 : vector<16xf32>
      %add3A_545 = arith.constant 13 : i32
      %add3A_546 = vector.broadcast %add3A_545 : i32 to vector<16xi32>
      %add3A_547 = arith.addi %shift_left3A_309, %add3A_546 : vector<16xi32>
      %gather3A_548 = tpu.vector_load_idx %arg18[%add3A_303, %add3A_547] : memref<128x128xf32, #tpu.memory_space<vmem>>[vector<16xi32>, vector<16xi32>], vector<16xf32>,
      %add3A_549 = arith.constant 13 : i32
      %add3A_550 = vector.broadcast %add3A_549 : i32 to vector<16xi32>
      %add3A_551 = arith.addi %shift_left3A_317, %add3A_550 : vector<16xi32>
      %gather3A_552 = tpu.vector_load_idx %arg19[%add3A_303, %add3A_551] : memref<128x128xf32, #tpu.memory_space<vmem>>[vector<16xi32>, vector<16xi32>], vector<16xf32>,
      %add3A_553 = arith.constant 13 : i32
      %add3A_554 = vector.broadcast %add3A_553 : i32 to vector<16xi32>
      %add3A_555 = arith.addi %shift_left3A_325, %add3A_554 : vector<16xi32>
      %gather3A_556 = tpu.vector_load_idx %arg20[%add3A_303, %add3A_555] : memref<128x128xf32, #tpu.memory_space<vmem>>[vector<16xi32>, vector<16xi32>], vector<16xf32>,
      %mul3A_557 = arith.mulf %gather3A_548, %gather3A_552 : vector<16xf32>
      %add3A_558 = arith.addf %add3A_542, %mul3A_557 : vector<16xf32>
      %mul3A_559 = arith.mulf %gather3A_548, %gather3A_556 : vector<16xf32>
      %add3A_560 = arith.addf %add3A_544, %mul3A_559 : vector<16xf32>
      %add3A_561 = arith.constant 14 : i32
      %add3A_562 = vector.broadcast %add3A_561 : i32 to vector<16xi32>
      %add3A_563 = arith.addi %shift_left3A_309, %add3A_562 : vector<16xi32>
      %gather3A_564 = tpu.vector_load_idx %arg18[%add3A_303, %add3A_563] : memref<128x128xf32, #tpu.memory_space<vmem>>[vector<16xi32>, vector<16xi32>], vector<16xf32>,
      %add3A_565 = arith.constant 14 : i32
      %add3A_566 = vector.broadcast %add3A_565 : i32 to vector<16xi32>
      %add3A_567 = arith.addi %shift_left3A_317, %add3A_566 : vector<16xi32>
      %gather3A_568 = tpu.vector_load_idx %arg19[%add3A_303, %add3A_567] : memref<128x128xf32, #tpu.memory_space<vmem>>[vector<16xi32>, vector<16xi32>], vector<16xf32>,
      %add3A_569 = arith.constant 14 : i32
      %add3A_570 = vector.broadcast %add3A_569 : i32 to vector<16xi32>
      %add3A_571 = arith.addi %shift_left3A_325, %add3A_570 : vector<16xi32>
      %gather3A_572 = tpu.vector_load_idx %arg20[%add3A_303, %add3A_571] : memref<128x128xf32, #tpu.memory_space<vmem>>[vector<16xi32>, vector<16xi32>], vector<16xf32>,
      %mul3A_573 = arith.mulf %gather3A_564, %gather3A_568 : vector<16xf32>
      %add3A_574 = arith.addf %add3A_558, %mul3A_573 : vector<16xf32>
      %mul3A_575 = arith.mulf %gather3A_564, %gather3A_572 : vector<16xf32>
      %add3A_576 = arith.addf %add3A_560, %mul3A_575 : vector<16xf32>
      %add3A_577 = arith.constant 15 : i32
      %add3A_578 = vector.broadcast %add3A_577 : i32 to vector<16xi32>
      %add3A_579 = arith.addi %shift_left3A_309, %add3A_578 : vector<16xi32>
      %gather3A_580 = tpu.vector_load_idx %arg18[%add3A_303, %add3A_579] : memref<128x128xf32, #tpu.memory_space<vmem>>[vector<16xi32>, vector<16xi32>], vector<16xf32>,
      %add3A_581 = arith.constant 15 : i32
      %add3A_582 = vector.broadcast %add3A_581 : i32 to vector<16xi32>
      %add3A_583 = arith.addi %shift_left3A_317, %add3A_582 : vector<16xi32>
      %gather3A_584 = tpu.vector_load_idx %arg19[%add3A_303, %add3A_583] : memref<128x128xf32, #tpu.memory_space<vmem>>[vector<16xi32>, vector<16xi32>], vector<16xf32>,
      %add3A_585 = arith.constant 15 : i32
      %add3A_586 = vector.broadcast %add3A_585 : i32 to vector<16xi32>
      %add3A_587 = arith.addi %shift_left3A_325, %add3A_586 : vector<16xi32>
      %gather3A_588 = tpu.vector_load_idx %arg20[%add3A_303, %add3A_587] : memref<128x128xf32, #tpu.memory_space<vmem>>[vector<16xi32>, vector<16xi32>], vector<16xf32>,
      %mul3A_589 = arith.mulf %gather3A_580, %gather3A_584 : vector<16xf32>
      %add3A_590 = arith.addf %add3A_574, %mul3A_589 : vector<16xf32>
      %mul3A_591 = arith.mulf %gather3A_580, %gather3A_588 : vector<16xf32>
      %add3A_592 = arith.addf %add3A_576, %mul3A_591 : vector<16xf32>
      %add3A_593 = arith.constant 16 : i32
      %add3A_594 = vector.broadcast %add3A_593 : i32 to vector<16xi32>
      %add3A_595 = arith.addi %shift_left3A_309, %add3A_594 : vector<16xi32>
      %gather3A_596 = tpu.vector_load_idx %arg18[%add3A_303, %add3A_595] : memref<128x128xf32, #tpu.memory_space<vmem>>[vector<16xi32>, vector<16xi32>], vector<16xf32>,
      %add3A_597 = arith.constant 16 : i32
      %add3A_598 = vector.broadcast %add3A_597 : i32 to vector<16xi32>
      %add3A_599 = arith.addi %shift_left3A_317, %add3A_598 : vector<16xi32>
      %gather3A_600 = tpu.vector_load_idx %arg19[%add3A_303, %add3A_599] : memref<128x128xf32, #tpu.memory_space<vmem>>[vector<16xi32>, vector<16xi32>], vector<16xf32>,
      %add3A_601 = arith.constant 16 : i32
      %add3A_602 = vector.broadcast %add3A_601 : i32 to vector<16xi32>
      %add3A_603 = arith.addi %shift_left3A_325, %add3A_602 : vector<16xi32>
      %gather3A_604 = tpu.vector_load_idx %arg20[%add3A_303, %add3A_603] : memref<128x128xf32, #tpu.memory_space<vmem>>[vector<16xi32>, vector<16xi32>], vector<16xf32>,
      %mul3A_605 = arith.mulf %gather3A_596, %gather3A_600 : vector<16xf32>
      %add3A_606 = arith.addf %add3A_590, %mul3A_605 : vector<16xf32>
      %mul3A_607 = arith.mulf %gather3A_596, %gather3A_604 : vector<16xf32>
      %add3A_608 = arith.addf %add3A_592, %mul3A_607 : vector<16xf32>
      %add3A_609 = arith.constant 17 : i32
      %add3A_610 = vector.broadcast %add3A_609 : i32 to vector<16xi32>
      %add3A_611 = arith.addi %shift_left3A_309, %add3A_610 : vector<16xi32>
      %gather3A_612 = tpu.vector_load_idx %arg18[%add3A_303, %add3A_611] : memref<128x128xf32, #tpu.memory_space<vmem>>[vector<16xi32>, vector<16xi32>], vector<16xf32>,
      %add3A_613 = arith.constant 17 : i32
      %add3A_614 = vector.broadcast %add3A_613 : i32 to vector<16xi32>
      %add3A_615 = arith.addi %shift_left3A_317, %add3A_614 : vector<16xi32>
      %gather3A_616 = tpu.vector_load_idx %arg19[%add3A_303, %add3A_615] : memref<128x128xf32, #tpu.memory_space<vmem>>[vector<16xi32>, vector<16xi32>], vector<16xf32>,
      %add3A_617 = arith.constant 17 : i32
      %add3A_618 = vector.broadcast %add3A_617 : i32 to vector<16xi32>
      %add3A_619 = arith.addi %shift_left3A_325, %add3A_618 : vector<16xi32>
      %gather3A_620 = tpu.vector_load_idx %arg20[%add3A_303, %add3A_619] : memref<128x128xf32, #tpu.memory_space<vmem>>[vector<16xi32>, vector<16xi32>], vector<16xf32>,
      %mul3A_621 = arith.mulf %gather3A_612, %gather3A_616 : vector<16xf32>
      %add3A_622 = arith.addf %add3A_606, %mul3A_621 : vector<16xf32>
      %mul3A_623 = arith.mulf %gather3A_612, %gather3A_620 : vector<16xf32>
      %add3A_624 = arith.addf %add3A_608, %mul3A_623 : vector<16xf32>
      %add3A_625 = arith.constant 18 : i32
      %add3A_626 = vector.broadcast %add3A_625 : i32 to vector<16xi32>
      %add3A_627 = arith.addi %shift_left3A_309, %add3A_626 : vector<16xi32>
      %gather3A_628 = tpu.vector_load_idx %arg18[%add3A_303, %add3A_627] : memref<128x128xf32, #tpu.memory_space<vmem>>[vector<16xi32>, vector<16xi32>], vector<16xf32>,
      %add3A_629 = arith.constant 18 : i32
      %add3A_630 = vector.broadcast %add3A_629 : i32 to vector<16xi32>
      %add3A_631 = arith.addi %shift_left3A_317, %add3A_630 : vector<16xi32>
      %gather3A_632 = tpu.vector_load_idx %arg19[%add3A_303, %add3A_631] : memref<128x128xf32, #tpu.memory_space<vmem>>[vector<16xi32>, vector<16xi32>], vector<16xf32>,
      %add3A_633 = arith.constant 18 : i32
      %add3A_634 = vector.broadcast %add3A_633 : i32 to vector<16xi32>
      %add3A_635 = arith.addi %shift_left3A_325, %add3A_634 : vector<16xi32>
      %gather3A_636 = tpu.vector_load_idx %arg20[%add3A_303, %add3A_635] : memref<128x128xf32, #tpu.memory_space<vmem>>[vector<16xi32>, vector<16xi32>], vector<16xf32>,
      %mul3A_637 = arith.mulf %gather3A_628, %gather3A_632 : vector<16xf32>
      %add3A_638 = arith.addf %add3A_622, %mul3A_637 : vector<16xf32>
      %mul3A_639 = arith.mulf %gather3A_628, %gather3A_636 : vector<16xf32>
      %add3A_640 = arith.addf %add3A_624, %mul3A_639 : vector<16xf32>
      %add3A_641 = arith.constant 19 : i32
      %add3A_642 = vector.broadcast %add3A_641 : i32 to vector<16xi32>
      %add3A_643 = arith.addi %shift_left3A_309, %add3A_642 : vector<16xi32>
      %gather3A_644 = tpu.vector_load_idx %arg18[%add3A_303, %add3A_643] : memref<128x128xf32, #tpu.memory_space<vmem>>[vector<16xi32>, vector<16xi32>], vector<16xf32>,
      %add3A_645 = arith.constant 19 : i32
      %add3A_646 = vector.broadcast %add3A_645 : i32 to vector<16xi32>
      %add3A_647 = arith.addi %shift_left3A_317, %add3A_646 : vector<16xi32>
      %gather3A_648 = tpu.vector_load_idx %arg19[%add3A_303, %add3A_647] : memref<128x128xf32, #tpu.memory_space<vmem>>[vector<16xi32>, vector<16xi32>], vector<16xf32>,
      %add3A_649 = arith.constant 19 : i32
      %add3A_650 = vector.broadcast %add3A_649 : i32 to vector<16xi32>
      %add3A_651 = arith.addi %shift_left3A_325, %add3A_650 : vector<16xi32>
      %gather3A_652 = tpu.vector_load_idx %arg20[%add3A_303, %add3A_651] : memref<128x128xf32, #tpu.memory_space<vmem>>[vector<16xi32>, vector<16xi32>], vector<16xf32>,
      %mul3A_653 = arith.mulf %gather3A_644, %gather3A_648 : vector<16xf32>
      %add3A_654 = arith.addf %add3A_638, %mul3A_653 : vector<16xf32>
      %mul3A_655 = arith.mulf %gather3A_644, %gather3A_652 : vector<16xf32>
      %add3A_656 = arith.addf %add3A_640, %mul3A_655 : vector<16xf32>
      %add3A_657 = arith.constant 20 : i32
      %add3A_658 = vector.broadcast %add3A_657 : i32 to vector<16xi32>
      %add3A_659 = arith.addi %shift_left3A_309, %add3A_658 : vector<16xi32>
      %gather3A_660 = tpu.vector_load_idx %arg18[%add3A_303, %add3A_659] : memref<128x128xf32, #tpu.memory_space<vmem>>[vector<16xi32>, vector<16xi32>], vector<16xf32>,
      %add3A_661 = arith.constant 20 : i32
      %add3A_662 = vector.broadcast %add3A_661 : i32 to vector<16xi32>
      %add3A_663 = arith.addi %shift_left3A_317, %add3A_662 : vector<16xi32>
      %gather3A_664 = tpu.vector_load_idx %arg19[%add3A_303, %add3A_663] : memref<128x128xf32, #tpu.memory_space<vmem>>[vector<16xi32>, vector<16xi32>], vector<16xf32>,
      %add3A_665 = arith.constant 20 : i32
      %add3A_666 = vector.broadcast %add3A_665 : i32 to vector<16xi32>
      %add3A_667 = arith.addi %shift_left3A_325, %add3A_666 : vector<16xi32>
      %gather3A_668 = tpu.vector_load_idx %arg20[%add3A_303, %add3A_667] : memref<128x128xf32, #tpu.memory_space<vmem>>[vector<16xi32>, vector<16xi32>], vector<16xf32>,
      %mul3A_669 = arith.mulf %gather3A_660, %gather3A_664 : vector<16xf32>
      %add3A_670 = arith.addf %add3A_654, %mul3A_669 : vector<16xf32>
      %mul3A_671 = arith.mulf %gather3A_660, %gather3A_668 : vector<16xf32>
      %add3A_672 = arith.addf %add3A_656, %mul3A_671 : vector<16xf32>
      %add3A_673 = arith.constant 21 : i32
      %add3A_674 = vector.broadcast %add3A_673 : i32 to vector<16xi32>
      %add3A_675 = arith.addi %shift_left3A_309, %add3A_674 : vector<16xi32>
      %gather3A_676 = tpu.vector_load_idx %arg18[%add3A_303, %add3A_675] : memref<128x128xf32, #tpu.memory_space<vmem>>[vector<16xi32>, vector<16xi32>], vector<16xf32>,
      %add3A_677 = arith.constant 21 : i32
      %add3A_678 = vector.broadcast %add3A_677 : i32 to vector<16xi32>
      %add3A_679 = arith.addi %shift_left3A_317, %add3A_678 : vector<16xi32>
      %gather3A_680 = tpu.vector_load_idx %arg19[%add3A_303, %add3A_679] : memref<128x128xf32, #tpu.memory_space<vmem>>[vector<16xi32>, vector<16xi32>], vector<16xf32>,
      %add3A_681 = arith.constant 21 : i32
      %add3A_682 = vector.broadcast %add3A_681 : i32 to vector<16xi32>
      %add3A_683 = arith.addi %shift_left3A_325, %add3A_682 : vector<16xi32>
      %gather3A_684 = tpu.vector_load_idx %arg20[%add3A_303, %add3A_683] : memref<128x128xf32, #tpu.memory_space<vmem>>[vector<16xi32>, vector<16xi32>], vector<16xf32>,
      %mul3A_685 = arith.mulf %gather3A_676, %gather3A_680 : vector<16xf32>
      %add3A_686 = arith.addf %add3A_670, %mul3A_685 : vector<16xf32>
      %mul3A_687 = arith.mulf %gather3A_676, %gather3A_684 : vector<16xf32>
      %add3A_688 = arith.addf %add3A_672, %mul3A_687 : vector<16xf32>
      %add3A_689 = arith.constant 22 : i32
      %add3A_690 = vector.broadcast %add3A_689 : i32 to vector<16xi32>
      %add3A_691 = arith.addi %shift_left3A_309, %add3A_690 : vector<16xi32>
      %gather3A_692 = tpu.vector_load_idx %arg18[%add3A_303, %add3A_691] : memref<128x128xf32, #tpu.memory_space<vmem>>[vector<16xi32>, vector<16xi32>], vector<16xf32>,
      %add3A_693 = arith.constant 22 : i32
      %add3A_694 = vector.broadcast %add3A_693 : i32 to vector<16xi32>
      %add3A_695 = arith.addi %shift_left3A_317, %add3A_694 : vector<16xi32>
      %gather3A_696 = tpu.vector_load_idx %arg19[%add3A_303, %add3A_695] : memref<128x128xf32, #tpu.memory_space<vmem>>[vector<16xi32>, vector<16xi32>], vector<16xf32>,
      %add3A_697 = arith.constant 22 : i32
      %add3A_698 = vector.broadcast %add3A_697 : i32 to vector<16xi32>
      %add3A_699 = arith.addi %shift_left3A_325, %add3A_698 : vector<16xi32>
      %gather3A_700 = tpu.vector_load_idx %arg20[%add3A_303, %add3A_699] : memref<128x128xf32, #tpu.memory_space<vmem>>[vector<16xi32>, vector<16xi32>], vector<16xf32>,
      %mul3A_701 = arith.mulf %gather3A_692, %gather3A_696 : vector<16xf32>
      %add3A_702 = arith.addf %add3A_686, %mul3A_701 : vector<16xf32>
      %mul3A_703 = arith.mulf %gather3A_692, %gather3A_700 : vector<16xf32>
      %add3A_704 = arith.addf %add3A_688, %mul3A_703 : vector<16xf32>
      %add3A_705 = arith.constant 23 : i32
      %add3A_706 = vector.broadcast %add3A_705 : i32 to vector<16xi32>
      %add3A_707 = arith.addi %shift_left3A_309, %add3A_706 : vector<16xi32>
      %gather3A_708 = tpu.vector_load_idx %arg18[%add3A_303, %add3A_707] : memref<128x128xf32, #tpu.memory_space<vmem>>[vector<16xi32>, vector<16xi32>], vector<16xf32>,
      %add3A_709 = arith.constant 23 : i32
      %add3A_710 = vector.broadcast %add3A_709 : i32 to vector<16xi32>
      %add3A_711 = arith.addi %shift_left3A_317, %add3A_710 : vector<16xi32>
      %gather3A_712 = tpu.vector_load_idx %arg19[%add3A_303, %add3A_711] : memref<128x128xf32, #tpu.memory_space<vmem>>[vector<16xi32>, vector<16xi32>], vector<16xf32>,
      %add3A_713 = arith.constant 23 : i32
      %add3A_714 = vector.broadcast %add3A_713 : i32 to vector<16xi32>
      %add3A_715 = arith.addi %shift_left3A_325, %add3A_714 : vector<16xi32>
      %gather3A_716 = tpu.vector_load_idx %arg20[%add3A_303, %add3A_715] : memref<128x128xf32, #tpu.memory_space<vmem>>[vector<16xi32>, vector<16xi32>], vector<16xf32>,
      %mul3A_717 = arith.mulf %gather3A_708, %gather3A_712 : vector<16xf32>
      %add3A_718 = arith.addf %add3A_702, %mul3A_717 : vector<16xf32>
      %mul3A_719 = arith.mulf %gather3A_708, %gather3A_716 : vector<16xf32>
      %add3A_720 = arith.addf %add3A_704, %mul3A_719 : vector<16xf32>
      %add3A_721 = arith.constant 24 : i32
      %add3A_722 = vector.broadcast %add3A_721 : i32 to vector<16xi32>
      %add3A_723 = arith.addi %shift_left3A_309, %add3A_722 : vector<16xi32>
      %gather3A_724 = tpu.vector_load_idx %arg18[%add3A_303, %add3A_723] : memref<128x128xf32, #tpu.memory_space<vmem>>[vector<16xi32>, vector<16xi32>], vector<16xf32>,
      %add3A_725 = arith.constant 24 : i32
      %add3A_726 = vector.broadcast %add3A_725 : i32 to vector<16xi32>
      %add3A_727 = arith.addi %shift_left3A_317, %add3A_726 : vector<16xi32>
      %gather3A_728 = tpu.vector_load_idx %arg19[%add3A_303, %add3A_727] : memref<128x128xf32, #tpu.memory_space<vmem>>[vector<16xi32>, vector<16xi32>], vector<16xf32>,
      %add3A_729 = arith.constant 24 : i32
      %add3A_730 = vector.broadcast %add3A_729 : i32 to vector<16xi32>
      %add3A_731 = arith.addi %shift_left3A_325, %add3A_730 : vector<16xi32>
      %gather3A_732 = tpu.vector_load_idx %arg20[%add3A_303, %add3A_731] : memref<128x128xf32, #tpu.memory_space<vmem>>[vector<16xi32>, vector<16xi32>], vector<16xf32>,
      %mul3A_733 = arith.mulf %gather3A_724, %gather3A_728 : vector<16xf32>
      %add3A_734 = arith.addf %add3A_718, %mul3A_733 : vector<16xf32>
      %mul3A_735 = arith.mulf %gather3A_724, %gather3A_732 : vector<16xf32>
      %add3A_736 = arith.addf %add3A_720, %mul3A_735 : vector<16xf32>
      %add3A_737 = arith.constant 25 : i32
      %add3A_738 = vector.broadcast %add3A_737 : i32 to vector<16xi32>
      %add3A_739 = arith.addi %shift_left3A_309, %add3A_738 : vector<16xi32>
      %gather3A_740 = tpu.vector_load_idx %arg18[%add3A_303, %add3A_739] : memref<128x128xf32, #tpu.memory_space<vmem>>[vector<16xi32>, vector<16xi32>], vector<16xf32>,
      %add3A_741 = arith.constant 25 : i32
      %add3A_742 = vector.broadcast %add3A_741 : i32 to vector<16xi32>
      %add3A_743 = arith.addi %shift_left3A_317, %add3A_742 : vector<16xi32>
      %gather3A_744 = tpu.vector_load_idx %arg19[%add3A_303, %add3A_743] : memref<128x128xf32, #tpu.memory_space<vmem>>[vector<16xi32>, vector<16xi32>], vector<16xf32>,
      %add3A_745 = arith.constant 25 : i32
      %add3A_746 = vector.broadcast %add3A_745 : i32 to vector<16xi32>
      %add3A_747 = arith.addi %shift_left3A_325, %add3A_746 : vector<16xi32>
      %gather3A_748 = tpu.vector_load_idx %arg20[%add3A_303, %add3A_747] : memref<128x128xf32, #tpu.memory_space<vmem>>[vector<16xi32>, vector<16xi32>], vector<16xf32>,
      %mul3A_749 = arith.mulf %gather3A_740, %gather3A_744 : vector<16xf32>
      %add3A_750 = arith.addf %add3A_734, %mul3A_749 : vector<16xf32>
      %mul3A_751 = arith.mulf %gather3A_740, %gather3A_748 : vector<16xf32>
      %add3A_752 = arith.addf %add3A_736, %mul3A_751 : vector<16xf32>
      %add3A_753 = arith.constant 26 : i32
      %add3A_754 = vector.broadcast %add3A_753 : i32 to vector<16xi32>
      %add3A_755 = arith.addi %shift_left3A_309, %add3A_754 : vector<16xi32>
      %gather3A_756 = tpu.vector_load_idx %arg18[%add3A_303, %add3A_755] : memref<128x128xf32, #tpu.memory_space<vmem>>[vector<16xi32>, vector<16xi32>], vector<16xf32>,
      %add3A_757 = arith.constant 26 : i32
      %add3A_758 = vector.broadcast %add3A_757 : i32 to vector<16xi32>
      %add3A_759 = arith.addi %shift_left3A_317, %add3A_758 : vector<16xi32>
      %gather3A_760 = tpu.vector_load_idx %arg19[%add3A_303, %add3A_759] : memref<128x128xf32, #tpu.memory_space<vmem>>[vector<16xi32>, vector<16xi32>], vector<16xf32>,
      %add3A_761 = arith.constant 26 : i32
      %add3A_762 = vector.broadcast %add3A_761 : i32 to vector<16xi32>
      %add3A_763 = arith.addi %shift_left3A_325, %add3A_762 : vector<16xi32>
      %gather3A_764 = tpu.vector_load_idx %arg20[%add3A_303, %add3A_763] : memref<128x128xf32, #tpu.memory_space<vmem>>[vector<16xi32>, vector<16xi32>], vector<16xf32>,
      %mul3A_765 = arith.mulf %gather3A_756, %gather3A_760 : vector<16xf32>
      %add3A_766 = arith.addf %add3A_750, %mul3A_765 : vector<16xf32>
      %mul3A_767 = arith.mulf %gather3A_756, %gather3A_764 : vector<16xf32>
      %add3A_768 = arith.addf %add3A_752, %mul3A_767 : vector<16xf32>
      %add3A_769 = arith.constant 27 : i32
      %add3A_770 = vector.broadcast %add3A_769 : i32 to vector<16xi32>
      %add3A_771 = arith.addi %shift_left3A_309, %add3A_770 : vector<16xi32>
      %gather3A_772 = tpu.vector_load_idx %arg18[%add3A_303, %add3A_771] : memref<128x128xf32, #tpu.memory_space<vmem>>[vector<16xi32>, vector<16xi32>], vector<16xf32>,
      %add3A_773 = arith.constant 27 : i32
      %add3A_774 = vector.broadcast %add3A_773 : i32 to vector<16xi32>
      %add3A_775 = arith.addi %shift_left3A_317, %add3A_774 : vector<16xi32>
      %gather3A_776 = tpu.vector_load_idx %arg19[%add3A_303, %add3A_775] : memref<128x128xf32, #tpu.memory_space<vmem>>[vector<16xi32>, vector<16xi32>], vector<16xf32>,
      %add3A_777 = arith.constant 27 : i32
      %add3A_778 = vector.broadcast %add3A_777 : i32 to vector<16xi32>
      %add3A_779 = arith.addi %shift_left3A_325, %add3A_778 : vector<16xi32>
      %gather3A_780 = tpu.vector_load_idx %arg20[%add3A_303, %add3A_779] : memref<128x128xf32, #tpu.memory_space<vmem>>[vector<16xi32>, vector<16xi32>], vector<16xf32>,
      %mul3A_781 = arith.mulf %gather3A_772, %gather3A_776 : vector<16xf32>
      %add3A_782 = arith.addf %add3A_766, %mul3A_781 : vector<16xf32>
      %mul3A_783 = arith.mulf %gather3A_772, %gather3A_780 : vector<16xf32>
      %add3A_784 = arith.addf %add3A_768, %mul3A_783 : vector<16xf32>
      %add3A_785 = arith.constant 28 : i32
      %add3A_786 = vector.broadcast %add3A_785 : i32 to vector<16xi32>
      %add3A_787 = arith.addi %shift_left3A_309, %add3A_786 : vector<16xi32>
      %gather3A_788 = tpu.vector_load_idx %arg18[%add3A_303, %add3A_787] : memref<128x128xf32, #tpu.memory_space<vmem>>[vector<16xi32>, vector<16xi32>], vector<16xf32>,
      %add3A_789 = arith.constant 28 : i32
      %add3A_790 = vector.broadcast %add3A_789 : i32 to vector<16xi32>
      %add3A_791 = arith.addi %shift_left3A_317, %add3A_790 : vector<16xi32>
      %gather3A_792 = tpu.vector_load_idx %arg19[%add3A_303, %add3A_791] : memref<128x128xf32, #tpu.memory_space<vmem>>[vector<16xi32>, vector<16xi32>], vector<16xf32>,
      %add3A_793 = arith.constant 28 : i32
      %add3A_794 = vector.broadcast %add3A_793 : i32 to vector<16xi32>
      %add3A_795 = arith.addi %shift_left3A_325, %add3A_794 : vector<16xi32>
      %gather3A_796 = tpu.vector_load_idx %arg20[%add3A_303, %add3A_795] : memref<128x128xf32, #tpu.memory_space<vmem>>[vector<16xi32>, vector<16xi32>], vector<16xf32>,
      %mul3A_797 = arith.mulf %gather3A_788, %gather3A_792 : vector<16xf32>
      %add3A_798 = arith.addf %add3A_782, %mul3A_797 : vector<16xf32>
      %mul3A_799 = arith.mulf %gather3A_788, %gather3A_796 : vector<16xf32>
      %add3A_800 = arith.addf %add3A_784, %mul3A_799 : vector<16xf32>
      %add3A_801 = arith.constant 29 : i32
      %add3A_802 = vector.broadcast %add3A_801 : i32 to vector<16xi32>
      %add3A_803 = arith.addi %shift_left3A_309, %add3A_802 : vector<16xi32>
      %gather3A_804 = tpu.vector_load_idx %arg18[%add3A_303, %add3A_803] : memref<128x128xf32, #tpu.memory_space<vmem>>[vector<16xi32>, vector<16xi32>], vector<16xf32>,
      %add3A_805 = arith.constant 29 : i32
      %add3A_806 = vector.broadcast %add3A_805 : i32 to vector<16xi32>
      %add3A_807 = arith.addi %shift_left3A_317, %add3A_806 : vector<16xi32>
      %gather3A_808 = tpu.vector_load_idx %arg19[%add3A_303, %add3A_807] : memref<128x128xf32, #tpu.memory_space<vmem>>[vector<16xi32>, vector<16xi32>], vector<16xf32>,
      %add3A_809 = arith.constant 29 : i32
      %add3A_810 = vector.broadcast %add3A_809 : i32 to vector<16xi32>
      %add3A_811 = arith.addi %shift_left3A_325, %add3A_810 : vector<16xi32>
      %gather3A_812 = tpu.vector_load_idx %arg20[%add3A_303, %add3A_811] : memref<128x128xf32, #tpu.memory_space<vmem>>[vector<16xi32>, vector<16xi32>], vector<16xf32>,
      %mul3A_813 = arith.mulf %gather3A_804, %gather3A_808 : vector<16xf32>
      %add3A_814 = arith.addf %add3A_798, %mul3A_813 : vector<16xf32>
      %mul3A_815 = arith.mulf %gather3A_804, %gather3A_812 : vector<16xf32>
      %add3A_816 = arith.addf %add3A_800, %mul3A_815 : vector<16xf32>
      %add3A_817 = arith.constant 30 : i32
      %add3A_818 = vector.broadcast %add3A_817 : i32 to vector<16xi32>
      %add3A_819 = arith.addi %shift_left3A_309, %add3A_818 : vector<16xi32>
      %gather3A_820 = tpu.vector_load_idx %arg18[%add3A_303, %add3A_819] : memref<128x128xf32, #tpu.memory_space<vmem>>[vector<16xi32>, vector<16xi32>], vector<16xf32>,
      %add3A_821 = arith.constant 30 : i32
      %add3A_822 = vector.broadcast %add3A_821 : i32 to vector<16xi32>
      %add3A_823 = arith.addi %shift_left3A_317, %add3A_822 : vector<16xi32>
      %gather3A_824 = tpu.vector_load_idx %arg19[%add3A_303, %add3A_823] : memref<128x128xf32, #tpu.memory_space<vmem>>[vector<16xi32>, vector<16xi32>], vector<16xf32>,
      %add3A_825 = arith.constant 30 : i32
      %add3A_826 = vector.broadcast %add3A_825 : i32 to vector<16xi32>
      %add3A_827 = arith.addi %shift_left3A_325, %add3A_826 : vector<16xi32>
      %gather3A_828 = tpu.vector_load_idx %arg20[%add3A_303, %add3A_827] : memref<128x128xf32, #tpu.memory_space<vmem>>[vector<16xi32>, vector<16xi32>], vector<16xf32>,
      %mul3A_829 = arith.mulf %gather3A_820, %gather3A_824 : vector<16xf32>
      %add3A_830 = arith.addf %add3A_814, %mul3A_829 : vector<16xf32>
      %mul3A_831 = arith.mulf %gather3A_820, %gather3A_828 : vector<16xf32>
      %add3A_832 = arith.addf %add3A_816, %mul3A_831 : vector<16xf32>
      %add3A_833 = arith.constant 31 : i32
      %add3A_834 = vector.broadcast %add3A_833 : i32 to vector<16xi32>
      %add3A_835 = arith.addi %shift_left3A_309, %add3A_834 : vector<16xi32>
      %gather3A_836 = tpu.vector_load_idx %arg18[%add3A_303, %add3A_835] : memref<128x128xf32, #tpu.memory_space<vmem>>[vector<16xi32>, vector<16xi32>], vector<16xf32>,
      %add3A_837 = arith.constant 31 : i32
      %add3A_838 = vector.broadcast %add3A_837 : i32 to vector<16xi32>
      %add3A_839 = arith.addi %shift_left3A_317, %add3A_838 : vector<16xi32>
      %gather3A_840 = tpu.vector_load_idx %arg19[%add3A_303, %add3A_839] : memref<128x128xf32, #tpu.memory_space<vmem>>[vector<16xi32>, vector<16xi32>], vector<16xf32>,
      %add3A_841 = arith.constant 31 : i32
      %add3A_842 = vector.broadcast %add3A_841 : i32 to vector<16xi32>
      %add3A_843 = arith.addi %shift_left3A_325, %add3A_842 : vector<16xi32>
      %gather3A_844 = tpu.vector_load_idx %arg20[%add3A_303, %add3A_843] : memref<128x128xf32, #tpu.memory_space<vmem>>[vector<16xi32>, vector<16xi32>], vector<16xf32>,
      %mul3A_845 = arith.mulf %gather3A_836, %gather3A_840 : vector<16xf32>
      %add3A_846 = arith.addf %add3A_830, %mul3A_845 : vector<16xf32>
      %mul3A_847 = arith.mulf %gather3A_836, %gather3A_844 : vector<16xf32>
      %add3A_848 = arith.addf %add3A_832, %mul3A_847 : vector<16xf32>
      %swap3A = arith.index_cast %add3A_299 : i32 to index
      %swap3A_849 = tpu.vector_load %arg27[%swap3A] {strides = array<i32>} : memref<512xf32, #tpu.memory_space<vmem>>, vector<16xf32>,
      tpu.vector_store %arg27[%swap3A], %add3A_846 {strides = array<i32>} : memref<512xf32, #tpu.memory_space<vmem>>, vector<16xf32>,
      %swap3A_850 = arith.index_cast %add3A_299 : i32 to index
      %swap3A_851 = tpu.vector_load %arg28[%swap3A_850] {strides = array<i32>} : memref<512xf32, #tpu.memory_space<vmem>>, vector<16xf32>,
      tpu.vector_store %arg28[%swap3A_850], %add3A_848 {strides = array<i32>} : memref<512xf32, #tpu.memory_space<vmem>>, vector<16xf32>,
    }
    %scan3A_201 = arith.constant 8 : i32
    %dma_wait3A_202 = arith.constant 384 : i32
    %dma_wait3A_203 = tpu.memref_slice %arg15[%dma_wait3A_202] : memref<512xi32, #tpu.memory_space<vmem>> -> memref<128xi32, #tpu.memory_space<vmem>>
    %dma_wait3A_204 = arith.constant 0 : i32
    %dma_wait3A_205 = arith.constant 0 : i32
    %dma_wait3A_206 = tpu.memref_slice %arg5[%dma_wait3A_204, %dma_wait3A_205] : memref<250000x128xf32, #tpu.memory_space<hbm>> -> memref<250000x128xf32, #tpu.memory_space<hbm>>
    tpu.wait_indirect_dma semaphore(%arg30 : memref<!tpu.dma_semaphore, #tpu.memory_space<semaphore_mem>>) src(%dma_wait3A_206 : memref<250000x128xf32, #tpu.memory_space<hbm>>) dst(%arg21 : memref<128x128xf32, #tpu.memory_space<vmem>>)
    %dma_wait3A_207 = arith.constant 384 : i32
    %dma_wait3A_208 = tpu.memref_slice %arg16[%dma_wait3A_207] : memref<512xi32, #tpu.memory_space<vmem>> -> memref<128xi32, #tpu.memory_space<vmem>>
    %dma_wait3A_209 = arith.constant 0 : i32
    %dma_wait3A_210 = arith.constant 0 : i32
    %dma_wait3A_211 = tpu.memref_slice %arg6[%dma_wait3A_209, %dma_wait3A_210] : memref<250000x128xf32, #tpu.memory_space<hbm>> -> memref<250000x128xf32, #tpu.memory_space<hbm>>
    tpu.wait_indirect_dma semaphore(%arg30 : memref<!tpu.dma_semaphore, #tpu.memory_space<semaphore_mem>>) src(%dma_wait3A_211 : memref<250000x128xf32, #tpu.memory_space<hbm>>) dst(%arg22 : memref<128x128xf32, #tpu.memory_space<vmem>>)
    %dma_wait3A_212 = arith.constant 384 : i32
    %dma_wait3A_213 = tpu.memref_slice %arg17[%dma_wait3A_212] : memref<512xi32, #tpu.memory_space<vmem>> -> memref<128xi32, #tpu.memory_space<vmem>>
    %dma_wait3A_214 = arith.constant 0 : i32
    %dma_wait3A_215 = arith.constant 0 : i32
    %dma_wait3A_216 = tpu.memref_slice %arg6[%dma_wait3A_214, %dma_wait3A_215] : memref<250000x128xf32, #tpu.memory_space<hbm>> -> memref<250000x128xf32, #tpu.memory_space<hbm>>
    tpu.wait_indirect_dma semaphore(%arg30 : memref<!tpu.dma_semaphore, #tpu.memory_space<semaphore_mem>>) src(%dma_wait3A_216 : memref<250000x128xf32, #tpu.memory_space<hbm>>) dst(%arg23 : memref<128x128xf32, #tpu.memory_space<vmem>>)
    %scan3A_217 = arith.constant 0 : i32
    %scan3A_218 = arith.constant 0 : i32
    %scan3A_219 = arith.constant 8 : i32
    %scan3A_220 = arith.addi %scan3A_218, %scan3A_219 : i32
    %scan3A_221 = arith.constant 1 : i32
    scf.for %scan3A_295 = %scan3A_218 to %scan3A_220 step %scan3A_221  : i32 {
      %mul3A_296 = arith.constant 16 : i32
      %mul3A_297 = arith.muli %scan3A_295, %mul3A_296 : i32
      %add3A_298 = arith.constant 384 : i32
      %add3A_299 = arith.addi %add3A_298, %mul3A_297 : i32
      %mul3A_300 = arith.constant 16 : i32
      %mul3A_301 = arith.muli %scan3A_295, %mul3A_300 : i32
      %iota3A = tpu.iota {dimensions = array<i32: 0>} : vector<16xi32>
      %add3A_302 = vector.broadcast %mul3A_301 : i32 to vector<16xi32>
      %add3A_303 = arith.addi %add3A_302, %iota3A : vector<16xi32>
      %get3A_304 = arith.index_cast %add3A_299 : i32 to index
      %get3A_305 = tpu.vector_load %arg12[%get3A_304] {strides = array<i32>} : memref<512xi32, #tpu.memory_space<vmem>>, vector<16xi32>,
      %and3A = arith.constant 3 : i32
      %and3A_306 = vector.broadcast %and3A : i32 to vector<16xi32>
      %and3A_307 = arith.andi %get3A_305, %and3A_306 : vector<16xi32>
      %shift_left3A = arith.constant 5 : i32
      %shift_left3A_308 = vector.broadcast %shift_left3A : i32 to vector<16xi32>
      %shift_left3A_309 = arith.shli %and3A_307, %shift_left3A_308 : vector<16xi32>
      %get3A_310 = arith.index_cast %add3A_299 : i32 to index
      %get3A_311 = tpu.vector_load %arg13[%get3A_310] {strides = array<i32>} : memref<512xi32, #tpu.memory_space<vmem>>, vector<16xi32>,
      %and3A_312 = arith.constant 3 : i32
      %and3A_313 = vector.broadcast %and3A_312 : i32 to vector<16xi32>
      %and3A_314 = arith.andi %get3A_311, %and3A_313 : vector<16xi32>
      %shift_left3A_315 = arith.constant 5 : i32
      %shift_left3A_316 = vector.broadcast %shift_left3A_315 : i32 to vector<16xi32>
      %shift_left3A_317 = arith.shli %and3A_314, %shift_left3A_316 : vector<16xi32>
      %get3A_318 = arith.index_cast %add3A_299 : i32 to index
      %get3A_319 = tpu.vector_load %arg14[%get3A_318] {strides = array<i32>} : memref<512xi32, #tpu.memory_space<vmem>>, vector<16xi32>,
      %and3A_320 = arith.constant 3 : i32
      %and3A_321 = vector.broadcast %and3A_320 : i32 to vector<16xi32>
      %and3A_322 = arith.andi %get3A_319, %and3A_321 : vector<16xi32>
      %shift_left3A_323 = arith.constant 5 : i32
      %shift_left3A_324 = vector.broadcast %shift_left3A_323 : i32 to vector<16xi32>
      %shift_left3A_325 = arith.shli %and3A_322, %shift_left3A_324 : vector<16xi32>
      %get3A_326 = arith.index_cast %add3A_299 : i32 to index
      %get3A_327 = tpu.vector_load %arg24[%get3A_326] {strides = array<i32>} : memref<512xf32, #tpu.memory_space<vmem>>, vector<16xf32>,
      %add3A_328 = arith.addf %get3A_79, %get3A_327 : vector<16xf32>
      %get3A_329 = arith.index_cast %add3A_299 : i32 to index
      %get3A_330 = tpu.vector_load %arg25[%get3A_329] {strides = array<i32>} : memref<512xf32, #tpu.memory_space<vmem>>, vector<16xf32>,
      %add3A_331 = arith.addf %add3A_328, %get3A_330 : vector<16xf32>
      %get3A_332 = arith.index_cast %add3A_299 : i32 to index
      %get3A_333 = tpu.vector_load %arg24[%get3A_332] {strides = array<i32>} : memref<512xf32, #tpu.memory_space<vmem>>, vector<16xf32>,
      %add3A_334 = arith.addf %get3A_79, %get3A_333 : vector<16xf32>
      %get3A_335 = arith.index_cast %add3A_299 : i32 to index
      %get3A_336 = tpu.vector_load %arg26[%get3A_335] {strides = array<i32>} : memref<512xf32, #tpu.memory_space<vmem>>, vector<16xf32>,
      %add3A_337 = arith.addf %add3A_334, %get3A_336 : vector<16xf32>
      %add3A_338 = arith.constant 0 : i32
      %add3A_339 = vector.broadcast %add3A_338 : i32 to vector<16xi32>
      %add3A_340 = arith.addi %shift_left3A_309, %add3A_339 : vector<16xi32>
      %gather3A = tpu.vector_load_idx %arg21[%add3A_303, %add3A_340] : memref<128x128xf32, #tpu.memory_space<vmem>>[vector<16xi32>, vector<16xi32>], vector<16xf32>,
      %add3A_341 = arith.constant 0 : i32
      %add3A_342 = vector.broadcast %add3A_341 : i32 to vector<16xi32>
      %add3A_343 = arith.addi %shift_left3A_317, %add3A_342 : vector<16xi32>
      %gather3A_344 = tpu.vector_load_idx %arg22[%add3A_303, %add3A_343] : memref<128x128xf32, #tpu.memory_space<vmem>>[vector<16xi32>, vector<16xi32>], vector<16xf32>,
      %add3A_345 = arith.constant 0 : i32
      %add3A_346 = vector.broadcast %add3A_345 : i32 to vector<16xi32>
      %add3A_347 = arith.addi %shift_left3A_325, %add3A_346 : vector<16xi32>
      %gather3A_348 = tpu.vector_load_idx %arg23[%add3A_303, %add3A_347] : memref<128x128xf32, #tpu.memory_space<vmem>>[vector<16xi32>, vector<16xi32>], vector<16xf32>,
      %mul3A_349 = arith.mulf %gather3A, %gather3A_344 : vector<16xf32>
      %add3A_350 = arith.addf %add3A_331, %mul3A_349 : vector<16xf32>
      %mul3A_351 = arith.mulf %gather3A, %gather3A_348 : vector<16xf32>
      %add3A_352 = arith.addf %add3A_337, %mul3A_351 : vector<16xf32>
      %add3A_353 = arith.constant 1 : i32
      %add3A_354 = vector.broadcast %add3A_353 : i32 to vector<16xi32>
      %add3A_355 = arith.addi %shift_left3A_309, %add3A_354 : vector<16xi32>
      %gather3A_356 = tpu.vector_load_idx %arg21[%add3A_303, %add3A_355] : memref<128x128xf32, #tpu.memory_space<vmem>>[vector<16xi32>, vector<16xi32>], vector<16xf32>,
      %add3A_357 = arith.constant 1 : i32
      %add3A_358 = vector.broadcast %add3A_357 : i32 to vector<16xi32>
      %add3A_359 = arith.addi %shift_left3A_317, %add3A_358 : vector<16xi32>
      %gather3A_360 = tpu.vector_load_idx %arg22[%add3A_303, %add3A_359] : memref<128x128xf32, #tpu.memory_space<vmem>>[vector<16xi32>, vector<16xi32>], vector<16xf32>,
      %add3A_361 = arith.constant 1 : i32
      %add3A_362 = vector.broadcast %add3A_361 : i32 to vector<16xi32>
      %add3A_363 = arith.addi %shift_left3A_325, %add3A_362 : vector<16xi32>
      %gather3A_364 = tpu.vector_load_idx %arg23[%add3A_303, %add3A_363] : memref<128x128xf32, #tpu.memory_space<vmem>>[vector<16xi32>, vector<16xi32>], vector<16xf32>,
      %mul3A_365 = arith.mulf %gather3A_356, %gather3A_360 : vector<16xf32>
      %add3A_366 = arith.addf %add3A_350, %mul3A_365 : vector<16xf32>
      %mul3A_367 = arith.mulf %gather3A_356, %gather3A_364 : vector<16xf32>
      %add3A_368 = arith.addf %add3A_352, %mul3A_367 : vector<16xf32>
      %add3A_369 = arith.constant 2 : i32
      %add3A_370 = vector.broadcast %add3A_369 : i32 to vector<16xi32>
      %add3A_371 = arith.addi %shift_left3A_309, %add3A_370 : vector<16xi32>
      %gather3A_372 = tpu.vector_load_idx %arg21[%add3A_303, %add3A_371] : memref<128x128xf32, #tpu.memory_space<vmem>>[vector<16xi32>, vector<16xi32>], vector<16xf32>,
      %add3A_373 = arith.constant 2 : i32
      %add3A_374 = vector.broadcast %add3A_373 : i32 to vector<16xi32>
      %add3A_375 = arith.addi %shift_left3A_317, %add3A_374 : vector<16xi32>
      %gather3A_376 = tpu.vector_load_idx %arg22[%add3A_303, %add3A_375] : memref<128x128xf32, #tpu.memory_space<vmem>>[vector<16xi32>, vector<16xi32>], vector<16xf32>,
      %add3A_377 = arith.constant 2 : i32
      %add3A_378 = vector.broadcast %add3A_377 : i32 to vector<16xi32>
      %add3A_379 = arith.addi %shift_left3A_325, %add3A_378 : vector<16xi32>
      %gather3A_380 = tpu.vector_load_idx %arg23[%add3A_303, %add3A_379] : memref<128x128xf32, #tpu.memory_space<vmem>>[vector<16xi32>, vector<16xi32>], vector<16xf32>,
      %mul3A_381 = arith.mulf %gather3A_372, %gather3A_376 : vector<16xf32>
      %add3A_382 = arith.addf %add3A_366, %mul3A_381 : vector<16xf32>
      %mul3A_383 = arith.mulf %gather3A_372, %gather3A_380 : vector<16xf32>
      %add3A_384 = arith.addf %add3A_368, %mul3A_383 : vector<16xf32>
      %add3A_385 = arith.constant 3 : i32
      %add3A_386 = vector.broadcast %add3A_385 : i32 to vector<16xi32>
      %add3A_387 = arith.addi %shift_left3A_309, %add3A_386 : vector<16xi32>
      %gather3A_388 = tpu.vector_load_idx %arg21[%add3A_303, %add3A_387] : memref<128x128xf32, #tpu.memory_space<vmem>>[vector<16xi32>, vector<16xi32>], vector<16xf32>,
      %add3A_389 = arith.constant 3 : i32
      %add3A_390 = vector.broadcast %add3A_389 : i32 to vector<16xi32>
      %add3A_391 = arith.addi %shift_left3A_317, %add3A_390 : vector<16xi32>
      %gather3A_392 = tpu.vector_load_idx %arg22[%add3A_303, %add3A_391] : memref<128x128xf32, #tpu.memory_space<vmem>>[vector<16xi32>, vector<16xi32>], vector<16xf32>,
      %add3A_393 = arith.constant 3 : i32
      %add3A_394 = vector.broadcast %add3A_393 : i32 to vector<16xi32>
      %add3A_395 = arith.addi %shift_left3A_325, %add3A_394 : vector<16xi32>
      %gather3A_396 = tpu.vector_load_idx %arg23[%add3A_303, %add3A_395] : memref<128x128xf32, #tpu.memory_space<vmem>>[vector<16xi32>, vector<16xi32>], vector<16xf32>,
      %mul3A_397 = arith.mulf %gather3A_388, %gather3A_392 : vector<16xf32>
      %add3A_398 = arith.addf %add3A_382, %mul3A_397 : vector<16xf32>
      %mul3A_399 = arith.mulf %gather3A_388, %gather3A_396 : vector<16xf32>
      %add3A_400 = arith.addf %add3A_384, %mul3A_399 : vector<16xf32>
      %add3A_401 = arith.constant 4 : i32
      %add3A_402 = vector.broadcast %add3A_401 : i32 to vector<16xi32>
      %add3A_403 = arith.addi %shift_left3A_309, %add3A_402 : vector<16xi32>
      %gather3A_404 = tpu.vector_load_idx %arg21[%add3A_303, %add3A_403] : memref<128x128xf32, #tpu.memory_space<vmem>>[vector<16xi32>, vector<16xi32>], vector<16xf32>,
      %add3A_405 = arith.constant 4 : i32
      %add3A_406 = vector.broadcast %add3A_405 : i32 to vector<16xi32>
      %add3A_407 = arith.addi %shift_left3A_317, %add3A_406 : vector<16xi32>
      %gather3A_408 = tpu.vector_load_idx %arg22[%add3A_303, %add3A_407] : memref<128x128xf32, #tpu.memory_space<vmem>>[vector<16xi32>, vector<16xi32>], vector<16xf32>,
      %add3A_409 = arith.constant 4 : i32
      %add3A_410 = vector.broadcast %add3A_409 : i32 to vector<16xi32>
      %add3A_411 = arith.addi %shift_left3A_325, %add3A_410 : vector<16xi32>
      %gather3A_412 = tpu.vector_load_idx %arg23[%add3A_303, %add3A_411] : memref<128x128xf32, #tpu.memory_space<vmem>>[vector<16xi32>, vector<16xi32>], vector<16xf32>,
      %mul3A_413 = arith.mulf %gather3A_404, %gather3A_408 : vector<16xf32>
      %add3A_414 = arith.addf %add3A_398, %mul3A_413 : vector<16xf32>
      %mul3A_415 = arith.mulf %gather3A_404, %gather3A_412 : vector<16xf32>
      %add3A_416 = arith.addf %add3A_400, %mul3A_415 : vector<16xf32>
      %add3A_417 = arith.constant 5 : i32
      %add3A_418 = vector.broadcast %add3A_417 : i32 to vector<16xi32>
      %add3A_419 = arith.addi %shift_left3A_309, %add3A_418 : vector<16xi32>
      %gather3A_420 = tpu.vector_load_idx %arg21[%add3A_303, %add3A_419] : memref<128x128xf32, #tpu.memory_space<vmem>>[vector<16xi32>, vector<16xi32>], vector<16xf32>,
      %add3A_421 = arith.constant 5 : i32
      %add3A_422 = vector.broadcast %add3A_421 : i32 to vector<16xi32>
      %add3A_423 = arith.addi %shift_left3A_317, %add3A_422 : vector<16xi32>
      %gather3A_424 = tpu.vector_load_idx %arg22[%add3A_303, %add3A_423] : memref<128x128xf32, #tpu.memory_space<vmem>>[vector<16xi32>, vector<16xi32>], vector<16xf32>,
      %add3A_425 = arith.constant 5 : i32
      %add3A_426 = vector.broadcast %add3A_425 : i32 to vector<16xi32>
      %add3A_427 = arith.addi %shift_left3A_325, %add3A_426 : vector<16xi32>
      %gather3A_428 = tpu.vector_load_idx %arg23[%add3A_303, %add3A_427] : memref<128x128xf32, #tpu.memory_space<vmem>>[vector<16xi32>, vector<16xi32>], vector<16xf32>,
      %mul3A_429 = arith.mulf %gather3A_420, %gather3A_424 : vector<16xf32>
      %add3A_430 = arith.addf %add3A_414, %mul3A_429 : vector<16xf32>
      %mul3A_431 = arith.mulf %gather3A_420, %gather3A_428 : vector<16xf32>
      %add3A_432 = arith.addf %add3A_416, %mul3A_431 : vector<16xf32>
      %add3A_433 = arith.constant 6 : i32
      %add3A_434 = vector.broadcast %add3A_433 : i32 to vector<16xi32>
      %add3A_435 = arith.addi %shift_left3A_309, %add3A_434 : vector<16xi32>
      %gather3A_436 = tpu.vector_load_idx %arg21[%add3A_303, %add3A_435] : memref<128x128xf32, #tpu.memory_space<vmem>>[vector<16xi32>, vector<16xi32>], vector<16xf32>,
      %add3A_437 = arith.constant 6 : i32
      %add3A_438 = vector.broadcast %add3A_437 : i32 to vector<16xi32>
      %add3A_439 = arith.addi %shift_left3A_317, %add3A_438 : vector<16xi32>
      %gather3A_440 = tpu.vector_load_idx %arg22[%add3A_303, %add3A_439] : memref<128x128xf32, #tpu.memory_space<vmem>>[vector<16xi32>, vector<16xi32>], vector<16xf32>,
      %add3A_441 = arith.constant 6 : i32
      %add3A_442 = vector.broadcast %add3A_441 : i32 to vector<16xi32>
      %add3A_443 = arith.addi %shift_left3A_325, %add3A_442 : vector<16xi32>
      %gather3A_444 = tpu.vector_load_idx %arg23[%add3A_303, %add3A_443] : memref<128x128xf32, #tpu.memory_space<vmem>>[vector<16xi32>, vector<16xi32>], vector<16xf32>,
      %mul3A_445 = arith.mulf %gather3A_436, %gather3A_440 : vector<16xf32>
      %add3A_446 = arith.addf %add3A_430, %mul3A_445 : vector<16xf32>
      %mul3A_447 = arith.mulf %gather3A_436, %gather3A_444 : vector<16xf32>
      %add3A_448 = arith.addf %add3A_432, %mul3A_447 : vector<16xf32>
      %add3A_449 = arith.constant 7 : i32
      %add3A_450 = vector.broadcast %add3A_449 : i32 to vector<16xi32>
      %add3A_451 = arith.addi %shift_left3A_309, %add3A_450 : vector<16xi32>
      %gather3A_452 = tpu.vector_load_idx %arg21[%add3A_303, %add3A_451] : memref<128x128xf32, #tpu.memory_space<vmem>>[vector<16xi32>, vector<16xi32>], vector<16xf32>,
      %add3A_453 = arith.constant 7 : i32
      %add3A_454 = vector.broadcast %add3A_453 : i32 to vector<16xi32>
      %add3A_455 = arith.addi %shift_left3A_317, %add3A_454 : vector<16xi32>
      %gather3A_456 = tpu.vector_load_idx %arg22[%add3A_303, %add3A_455] : memref<128x128xf32, #tpu.memory_space<vmem>>[vector<16xi32>, vector<16xi32>], vector<16xf32>,
      %add3A_457 = arith.constant 7 : i32
      %add3A_458 = vector.broadcast %add3A_457 : i32 to vector<16xi32>
      %add3A_459 = arith.addi %shift_left3A_325, %add3A_458 : vector<16xi32>
      %gather3A_460 = tpu.vector_load_idx %arg23[%add3A_303, %add3A_459] : memref<128x128xf32, #tpu.memory_space<vmem>>[vector<16xi32>, vector<16xi32>], vector<16xf32>,
      %mul3A_461 = arith.mulf %gather3A_452, %gather3A_456 : vector<16xf32>
      %add3A_462 = arith.addf %add3A_446, %mul3A_461 : vector<16xf32>
      %mul3A_463 = arith.mulf %gather3A_452, %gather3A_460 : vector<16xf32>
      %add3A_464 = arith.addf %add3A_448, %mul3A_463 : vector<16xf32>
      %add3A_465 = arith.constant 8 : i32
      %add3A_466 = vector.broadcast %add3A_465 : i32 to vector<16xi32>
      %add3A_467 = arith.addi %shift_left3A_309, %add3A_466 : vector<16xi32>
      %gather3A_468 = tpu.vector_load_idx %arg21[%add3A_303, %add3A_467] : memref<128x128xf32, #tpu.memory_space<vmem>>[vector<16xi32>, vector<16xi32>], vector<16xf32>,
      %add3A_469 = arith.constant 8 : i32
      %add3A_470 = vector.broadcast %add3A_469 : i32 to vector<16xi32>
      %add3A_471 = arith.addi %shift_left3A_317, %add3A_470 : vector<16xi32>
      %gather3A_472 = tpu.vector_load_idx %arg22[%add3A_303, %add3A_471] : memref<128x128xf32, #tpu.memory_space<vmem>>[vector<16xi32>, vector<16xi32>], vector<16xf32>,
      %add3A_473 = arith.constant 8 : i32
      %add3A_474 = vector.broadcast %add3A_473 : i32 to vector<16xi32>
      %add3A_475 = arith.addi %shift_left3A_325, %add3A_474 : vector<16xi32>
      %gather3A_476 = tpu.vector_load_idx %arg23[%add3A_303, %add3A_475] : memref<128x128xf32, #tpu.memory_space<vmem>>[vector<16xi32>, vector<16xi32>], vector<16xf32>,
      %mul3A_477 = arith.mulf %gather3A_468, %gather3A_472 : vector<16xf32>
      %add3A_478 = arith.addf %add3A_462, %mul3A_477 : vector<16xf32>
      %mul3A_479 = arith.mulf %gather3A_468, %gather3A_476 : vector<16xf32>
      %add3A_480 = arith.addf %add3A_464, %mul3A_479 : vector<16xf32>
      %add3A_481 = arith.constant 9 : i32
      %add3A_482 = vector.broadcast %add3A_481 : i32 to vector<16xi32>
      %add3A_483 = arith.addi %shift_left3A_309, %add3A_482 : vector<16xi32>
      %gather3A_484 = tpu.vector_load_idx %arg21[%add3A_303, %add3A_483] : memref<128x128xf32, #tpu.memory_space<vmem>>[vector<16xi32>, vector<16xi32>], vector<16xf32>,
      %add3A_485 = arith.constant 9 : i32
      %add3A_486 = vector.broadcast %add3A_485 : i32 to vector<16xi32>
      %add3A_487 = arith.addi %shift_left3A_317, %add3A_486 : vector<16xi32>
      %gather3A_488 = tpu.vector_load_idx %arg22[%add3A_303, %add3A_487] : memref<128x128xf32, #tpu.memory_space<vmem>>[vector<16xi32>, vector<16xi32>], vector<16xf32>,
      %add3A_489 = arith.constant 9 : i32
      %add3A_490 = vector.broadcast %add3A_489 : i32 to vector<16xi32>
      %add3A_491 = arith.addi %shift_left3A_325, %add3A_490 : vector<16xi32>
      %gather3A_492 = tpu.vector_load_idx %arg23[%add3A_303, %add3A_491] : memref<128x128xf32, #tpu.memory_space<vmem>>[vector<16xi32>, vector<16xi32>], vector<16xf32>,
      %mul3A_493 = arith.mulf %gather3A_484, %gather3A_488 : vector<16xf32>
      %add3A_494 = arith.addf %add3A_478, %mul3A_493 : vector<16xf32>
      %mul3A_495 = arith.mulf %gather3A_484, %gather3A_492 : vector<16xf32>
      %add3A_496 = arith.addf %add3A_480, %mul3A_495 : vector<16xf32>
      %add3A_497 = arith.constant 10 : i32
      %add3A_498 = vector.broadcast %add3A_497 : i32 to vector<16xi32>
      %add3A_499 = arith.addi %shift_left3A_309, %add3A_498 : vector<16xi32>
      %gather3A_500 = tpu.vector_load_idx %arg21[%add3A_303, %add3A_499] : memref<128x128xf32, #tpu.memory_space<vmem>>[vector<16xi32>, vector<16xi32>], vector<16xf32>,
      %add3A_501 = arith.constant 10 : i32
      %add3A_502 = vector.broadcast %add3A_501 : i32 to vector<16xi32>
      %add3A_503 = arith.addi %shift_left3A_317, %add3A_502 : vector<16xi32>
      %gather3A_504 = tpu.vector_load_idx %arg22[%add3A_303, %add3A_503] : memref<128x128xf32, #tpu.memory_space<vmem>>[vector<16xi32>, vector<16xi32>], vector<16xf32>,
      %add3A_505 = arith.constant 10 : i32
      %add3A_506 = vector.broadcast %add3A_505 : i32 to vector<16xi32>
      %add3A_507 = arith.addi %shift_left3A_325, %add3A_506 : vector<16xi32>
      %gather3A_508 = tpu.vector_load_idx %arg23[%add3A_303, %add3A_507] : memref<128x128xf32, #tpu.memory_space<vmem>>[vector<16xi32>, vector<16xi32>], vector<16xf32>,
      %mul3A_509 = arith.mulf %gather3A_500, %gather3A_504 : vector<16xf32>
      %add3A_510 = arith.addf %add3A_494, %mul3A_509 : vector<16xf32>
      %mul3A_511 = arith.mulf %gather3A_500, %gather3A_508 : vector<16xf32>
      %add3A_512 = arith.addf %add3A_496, %mul3A_511 : vector<16xf32>
      %add3A_513 = arith.constant 11 : i32
      %add3A_514 = vector.broadcast %add3A_513 : i32 to vector<16xi32>
      %add3A_515 = arith.addi %shift_left3A_309, %add3A_514 : vector<16xi32>
      %gather3A_516 = tpu.vector_load_idx %arg21[%add3A_303, %add3A_515] : memref<128x128xf32, #tpu.memory_space<vmem>>[vector<16xi32>, vector<16xi32>], vector<16xf32>,
      %add3A_517 = arith.constant 11 : i32
      %add3A_518 = vector.broadcast %add3A_517 : i32 to vector<16xi32>
      %add3A_519 = arith.addi %shift_left3A_317, %add3A_518 : vector<16xi32>
      %gather3A_520 = tpu.vector_load_idx %arg22[%add3A_303, %add3A_519] : memref<128x128xf32, #tpu.memory_space<vmem>>[vector<16xi32>, vector<16xi32>], vector<16xf32>,
      %add3A_521 = arith.constant 11 : i32
      %add3A_522 = vector.broadcast %add3A_521 : i32 to vector<16xi32>
      %add3A_523 = arith.addi %shift_left3A_325, %add3A_522 : vector<16xi32>
      %gather3A_524 = tpu.vector_load_idx %arg23[%add3A_303, %add3A_523] : memref<128x128xf32, #tpu.memory_space<vmem>>[vector<16xi32>, vector<16xi32>], vector<16xf32>,
      %mul3A_525 = arith.mulf %gather3A_516, %gather3A_520 : vector<16xf32>
      %add3A_526 = arith.addf %add3A_510, %mul3A_525 : vector<16xf32>
      %mul3A_527 = arith.mulf %gather3A_516, %gather3A_524 : vector<16xf32>
      %add3A_528 = arith.addf %add3A_512, %mul3A_527 : vector<16xf32>
      %add3A_529 = arith.constant 12 : i32
      %add3A_530 = vector.broadcast %add3A_529 : i32 to vector<16xi32>
      %add3A_531 = arith.addi %shift_left3A_309, %add3A_530 : vector<16xi32>
      %gather3A_532 = tpu.vector_load_idx %arg21[%add3A_303, %add3A_531] : memref<128x128xf32, #tpu.memory_space<vmem>>[vector<16xi32>, vector<16xi32>], vector<16xf32>,
      %add3A_533 = arith.constant 12 : i32
      %add3A_534 = vector.broadcast %add3A_533 : i32 to vector<16xi32>
      %add3A_535 = arith.addi %shift_left3A_317, %add3A_534 : vector<16xi32>
      %gather3A_536 = tpu.vector_load_idx %arg22[%add3A_303, %add3A_535] : memref<128x128xf32, #tpu.memory_space<vmem>>[vector<16xi32>, vector<16xi32>], vector<16xf32>,
      %add3A_537 = arith.constant 12 : i32
      %add3A_538 = vector.broadcast %add3A_537 : i32 to vector<16xi32>
      %add3A_539 = arith.addi %shift_left3A_325, %add3A_538 : vector<16xi32>
      %gather3A_540 = tpu.vector_load_idx %arg23[%add3A_303, %add3A_539] : memref<128x128xf32, #tpu.memory_space<vmem>>[vector<16xi32>, vector<16xi32>], vector<16xf32>,
      %mul3A_541 = arith.mulf %gather3A_532, %gather3A_536 : vector<16xf32>
      %add3A_542 = arith.addf %add3A_526, %mul3A_541 : vector<16xf32>
      %mul3A_543 = arith.mulf %gather3A_532, %gather3A_540 : vector<16xf32>
      %add3A_544 = arith.addf %add3A_528, %mul3A_543 : vector<16xf32>
      %add3A_545 = arith.constant 13 : i32
      %add3A_546 = vector.broadcast %add3A_545 : i32 to vector<16xi32>
      %add3A_547 = arith.addi %shift_left3A_309, %add3A_546 : vector<16xi32>
      %gather3A_548 = tpu.vector_load_idx %arg21[%add3A_303, %add3A_547] : memref<128x128xf32, #tpu.memory_space<vmem>>[vector<16xi32>, vector<16xi32>], vector<16xf32>,
      %add3A_549 = arith.constant 13 : i32
      %add3A_550 = vector.broadcast %add3A_549 : i32 to vector<16xi32>
      %add3A_551 = arith.addi %shift_left3A_317, %add3A_550 : vector<16xi32>
      %gather3A_552 = tpu.vector_load_idx %arg22[%add3A_303, %add3A_551] : memref<128x128xf32, #tpu.memory_space<vmem>>[vector<16xi32>, vector<16xi32>], vector<16xf32>,
      %add3A_553 = arith.constant 13 : i32
      %add3A_554 = vector.broadcast %add3A_553 : i32 to vector<16xi32>
      %add3A_555 = arith.addi %shift_left3A_325, %add3A_554 : vector<16xi32>
      %gather3A_556 = tpu.vector_load_idx %arg23[%add3A_303, %add3A_555] : memref<128x128xf32, #tpu.memory_space<vmem>>[vector<16xi32>, vector<16xi32>], vector<16xf32>,
      %mul3A_557 = arith.mulf %gather3A_548, %gather3A_552 : vector<16xf32>
      %add3A_558 = arith.addf %add3A_542, %mul3A_557 : vector<16xf32>
      %mul3A_559 = arith.mulf %gather3A_548, %gather3A_556 : vector<16xf32>
      %add3A_560 = arith.addf %add3A_544, %mul3A_559 : vector<16xf32>
      %add3A_561 = arith.constant 14 : i32
      %add3A_562 = vector.broadcast %add3A_561 : i32 to vector<16xi32>
      %add3A_563 = arith.addi %shift_left3A_309, %add3A_562 : vector<16xi32>
      %gather3A_564 = tpu.vector_load_idx %arg21[%add3A_303, %add3A_563] : memref<128x128xf32, #tpu.memory_space<vmem>>[vector<16xi32>, vector<16xi32>], vector<16xf32>,
      %add3A_565 = arith.constant 14 : i32
      %add3A_566 = vector.broadcast %add3A_565 : i32 to vector<16xi32>
      %add3A_567 = arith.addi %shift_left3A_317, %add3A_566 : vector<16xi32>
      %gather3A_568 = tpu.vector_load_idx %arg22[%add3A_303, %add3A_567] : memref<128x128xf32, #tpu.memory_space<vmem>>[vector<16xi32>, vector<16xi32>], vector<16xf32>,
      %add3A_569 = arith.constant 14 : i32
      %add3A_570 = vector.broadcast %add3A_569 : i32 to vector<16xi32>
      %add3A_571 = arith.addi %shift_left3A_325, %add3A_570 : vector<16xi32>
      %gather3A_572 = tpu.vector_load_idx %arg23[%add3A_303, %add3A_571] : memref<128x128xf32, #tpu.memory_space<vmem>>[vector<16xi32>, vector<16xi32>], vector<16xf32>,
      %mul3A_573 = arith.mulf %gather3A_564, %gather3A_568 : vector<16xf32>
      %add3A_574 = arith.addf %add3A_558, %mul3A_573 : vector<16xf32>
      %mul3A_575 = arith.mulf %gather3A_564, %gather3A_572 : vector<16xf32>
      %add3A_576 = arith.addf %add3A_560, %mul3A_575 : vector<16xf32>
      %add3A_577 = arith.constant 15 : i32
      %add3A_578 = vector.broadcast %add3A_577 : i32 to vector<16xi32>
      %add3A_579 = arith.addi %shift_left3A_309, %add3A_578 : vector<16xi32>
      %gather3A_580 = tpu.vector_load_idx %arg21[%add3A_303, %add3A_579] : memref<128x128xf32, #tpu.memory_space<vmem>>[vector<16xi32>, vector<16xi32>], vector<16xf32>,
      %add3A_581 = arith.constant 15 : i32
      %add3A_582 = vector.broadcast %add3A_581 : i32 to vector<16xi32>
      %add3A_583 = arith.addi %shift_left3A_317, %add3A_582 : vector<16xi32>
      %gather3A_584 = tpu.vector_load_idx %arg22[%add3A_303, %add3A_583] : memref<128x128xf32, #tpu.memory_space<vmem>>[vector<16xi32>, vector<16xi32>], vector<16xf32>,
      %add3A_585 = arith.constant 15 : i32
      %add3A_586 = vector.broadcast %add3A_585 : i32 to vector<16xi32>
      %add3A_587 = arith.addi %shift_left3A_325, %add3A_586 : vector<16xi32>
      %gather3A_588 = tpu.vector_load_idx %arg23[%add3A_303, %add3A_587] : memref<128x128xf32, #tpu.memory_space<vmem>>[vector<16xi32>, vector<16xi32>], vector<16xf32>,
      %mul3A_589 = arith.mulf %gather3A_580, %gather3A_584 : vector<16xf32>
      %add3A_590 = arith.addf %add3A_574, %mul3A_589 : vector<16xf32>
      %mul3A_591 = arith.mulf %gather3A_580, %gather3A_588 : vector<16xf32>
      %add3A_592 = arith.addf %add3A_576, %mul3A_591 : vector<16xf32>
      %add3A_593 = arith.constant 16 : i32
      %add3A_594 = vector.broadcast %add3A_593 : i32 to vector<16xi32>
      %add3A_595 = arith.addi %shift_left3A_309, %add3A_594 : vector<16xi32>
      %gather3A_596 = tpu.vector_load_idx %arg21[%add3A_303, %add3A_595] : memref<128x128xf32, #tpu.memory_space<vmem>>[vector<16xi32>, vector<16xi32>], vector<16xf32>,
      %add3A_597 = arith.constant 16 : i32
      %add3A_598 = vector.broadcast %add3A_597 : i32 to vector<16xi32>
      %add3A_599 = arith.addi %shift_left3A_317, %add3A_598 : vector<16xi32>
      %gather3A_600 = tpu.vector_load_idx %arg22[%add3A_303, %add3A_599] : memref<128x128xf32, #tpu.memory_space<vmem>>[vector<16xi32>, vector<16xi32>], vector<16xf32>,
      %add3A_601 = arith.constant 16 : i32
      %add3A_602 = vector.broadcast %add3A_601 : i32 to vector<16xi32>
      %add3A_603 = arith.addi %shift_left3A_325, %add3A_602 : vector<16xi32>
      %gather3A_604 = tpu.vector_load_idx %arg23[%add3A_303, %add3A_603] : memref<128x128xf32, #tpu.memory_space<vmem>>[vector<16xi32>, vector<16xi32>], vector<16xf32>,
      %mul3A_605 = arith.mulf %gather3A_596, %gather3A_600 : vector<16xf32>
      %add3A_606 = arith.addf %add3A_590, %mul3A_605 : vector<16xf32>
      %mul3A_607 = arith.mulf %gather3A_596, %gather3A_604 : vector<16xf32>
      %add3A_608 = arith.addf %add3A_592, %mul3A_607 : vector<16xf32>
      %add3A_609 = arith.constant 17 : i32
      %add3A_610 = vector.broadcast %add3A_609 : i32 to vector<16xi32>
      %add3A_611 = arith.addi %shift_left3A_309, %add3A_610 : vector<16xi32>
      %gather3A_612 = tpu.vector_load_idx %arg21[%add3A_303, %add3A_611] : memref<128x128xf32, #tpu.memory_space<vmem>>[vector<16xi32>, vector<16xi32>], vector<16xf32>,
      %add3A_613 = arith.constant 17 : i32
      %add3A_614 = vector.broadcast %add3A_613 : i32 to vector<16xi32>
      %add3A_615 = arith.addi %shift_left3A_317, %add3A_614 : vector<16xi32>
      %gather3A_616 = tpu.vector_load_idx %arg22[%add3A_303, %add3A_615] : memref<128x128xf32, #tpu.memory_space<vmem>>[vector<16xi32>, vector<16xi32>], vector<16xf32>,
      %add3A_617 = arith.constant 17 : i32
      %add3A_618 = vector.broadcast %add3A_617 : i32 to vector<16xi32>
      %add3A_619 = arith.addi %shift_left3A_325, %add3A_618 : vector<16xi32>
      %gather3A_620 = tpu.vector_load_idx %arg23[%add3A_303, %add3A_619] : memref<128x128xf32, #tpu.memory_space<vmem>>[vector<16xi32>, vector<16xi32>], vector<16xf32>,
      %mul3A_621 = arith.mulf %gather3A_612, %gather3A_616 : vector<16xf32>
      %add3A_622 = arith.addf %add3A_606, %mul3A_621 : vector<16xf32>
      %mul3A_623 = arith.mulf %gather3A_612, %gather3A_620 : vector<16xf32>
      %add3A_624 = arith.addf %add3A_608, %mul3A_623 : vector<16xf32>
      %add3A_625 = arith.constant 18 : i32
      %add3A_626 = vector.broadcast %add3A_625 : i32 to vector<16xi32>
      %add3A_627 = arith.addi %shift_left3A_309, %add3A_626 : vector<16xi32>
      %gather3A_628 = tpu.vector_load_idx %arg21[%add3A_303, %add3A_627] : memref<128x128xf32, #tpu.memory_space<vmem>>[vector<16xi32>, vector<16xi32>], vector<16xf32>,
      %add3A_629 = arith.constant 18 : i32
      %add3A_630 = vector.broadcast %add3A_629 : i32 to vector<16xi32>
      %add3A_631 = arith.addi %shift_left3A_317, %add3A_630 : vector<16xi32>
      %gather3A_632 = tpu.vector_load_idx %arg22[%add3A_303, %add3A_631] : memref<128x128xf32, #tpu.memory_space<vmem>>[vector<16xi32>, vector<16xi32>], vector<16xf32>,
      %add3A_633 = arith.constant 18 : i32
      %add3A_634 = vector.broadcast %add3A_633 : i32 to vector<16xi32>
      %add3A_635 = arith.addi %shift_left3A_325, %add3A_634 : vector<16xi32>
      %gather3A_636 = tpu.vector_load_idx %arg23[%add3A_303, %add3A_635] : memref<128x128xf32, #tpu.memory_space<vmem>>[vector<16xi32>, vector<16xi32>], vector<16xf32>,
      %mul3A_637 = arith.mulf %gather3A_628, %gather3A_632 : vector<16xf32>
      %add3A_638 = arith.addf %add3A_622, %mul3A_637 : vector<16xf32>
      %mul3A_639 = arith.mulf %gather3A_628, %gather3A_636 : vector<16xf32>
      %add3A_640 = arith.addf %add3A_624, %mul3A_639 : vector<16xf32>
      %add3A_641 = arith.constant 19 : i32
      %add3A_642 = vector.broadcast %add3A_641 : i32 to vector<16xi32>
      %add3A_643 = arith.addi %shift_left3A_309, %add3A_642 : vector<16xi32>
      %gather3A_644 = tpu.vector_load_idx %arg21[%add3A_303, %add3A_643] : memref<128x128xf32, #tpu.memory_space<vmem>>[vector<16xi32>, vector<16xi32>], vector<16xf32>,
      %add3A_645 = arith.constant 19 : i32
      %add3A_646 = vector.broadcast %add3A_645 : i32 to vector<16xi32>
      %add3A_647 = arith.addi %shift_left3A_317, %add3A_646 : vector<16xi32>
      %gather3A_648 = tpu.vector_load_idx %arg22[%add3A_303, %add3A_647] : memref<128x128xf32, #tpu.memory_space<vmem>>[vector<16xi32>, vector<16xi32>], vector<16xf32>,
      %add3A_649 = arith.constant 19 : i32
      %add3A_650 = vector.broadcast %add3A_649 : i32 to vector<16xi32>
      %add3A_651 = arith.addi %shift_left3A_325, %add3A_650 : vector<16xi32>
      %gather3A_652 = tpu.vector_load_idx %arg23[%add3A_303, %add3A_651] : memref<128x128xf32, #tpu.memory_space<vmem>>[vector<16xi32>, vector<16xi32>], vector<16xf32>,
      %mul3A_653 = arith.mulf %gather3A_644, %gather3A_648 : vector<16xf32>
      %add3A_654 = arith.addf %add3A_638, %mul3A_653 : vector<16xf32>
      %mul3A_655 = arith.mulf %gather3A_644, %gather3A_652 : vector<16xf32>
      %add3A_656 = arith.addf %add3A_640, %mul3A_655 : vector<16xf32>
      %add3A_657 = arith.constant 20 : i32
      %add3A_658 = vector.broadcast %add3A_657 : i32 to vector<16xi32>
      %add3A_659 = arith.addi %shift_left3A_309, %add3A_658 : vector<16xi32>
      %gather3A_660 = tpu.vector_load_idx %arg21[%add3A_303, %add3A_659] : memref<128x128xf32, #tpu.memory_space<vmem>>[vector<16xi32>, vector<16xi32>], vector<16xf32>,
      %add3A_661 = arith.constant 20 : i32
      %add3A_662 = vector.broadcast %add3A_661 : i32 to vector<16xi32>
      %add3A_663 = arith.addi %shift_left3A_317, %add3A_662 : vector<16xi32>
      %gather3A_664 = tpu.vector_load_idx %arg22[%add3A_303, %add3A_663] : memref<128x128xf32, #tpu.memory_space<vmem>>[vector<16xi32>, vector<16xi32>], vector<16xf32>,
      %add3A_665 = arith.constant 20 : i32
      %add3A_666 = vector.broadcast %add3A_665 : i32 to vector<16xi32>
      %add3A_667 = arith.addi %shift_left3A_325, %add3A_666 : vector<16xi32>
      %gather3A_668 = tpu.vector_load_idx %arg23[%add3A_303, %add3A_667] : memref<128x128xf32, #tpu.memory_space<vmem>>[vector<16xi32>, vector<16xi32>], vector<16xf32>,
      %mul3A_669 = arith.mulf %gather3A_660, %gather3A_664 : vector<16xf32>
      %add3A_670 = arith.addf %add3A_654, %mul3A_669 : vector<16xf32>
      %mul3A_671 = arith.mulf %gather3A_660, %gather3A_668 : vector<16xf32>
      %add3A_672 = arith.addf %add3A_656, %mul3A_671 : vector<16xf32>
      %add3A_673 = arith.constant 21 : i32
      %add3A_674 = vector.broadcast %add3A_673 : i32 to vector<16xi32>
      %add3A_675 = arith.addi %shift_left3A_309, %add3A_674 : vector<16xi32>
      %gather3A_676 = tpu.vector_load_idx %arg21[%add3A_303, %add3A_675] : memref<128x128xf32, #tpu.memory_space<vmem>>[vector<16xi32>, vector<16xi32>], vector<16xf32>,
      %add3A_677 = arith.constant 21 : i32
      %add3A_678 = vector.broadcast %add3A_677 : i32 to vector<16xi32>
      %add3A_679 = arith.addi %shift_left3A_317, %add3A_678 : vector<16xi32>
      %gather3A_680 = tpu.vector_load_idx %arg22[%add3A_303, %add3A_679] : memref<128x128xf32, #tpu.memory_space<vmem>>[vector<16xi32>, vector<16xi32>], vector<16xf32>,
      %add3A_681 = arith.constant 21 : i32
      %add3A_682 = vector.broadcast %add3A_681 : i32 to vector<16xi32>
      %add3A_683 = arith.addi %shift_left3A_325, %add3A_682 : vector<16xi32>
      %gather3A_684 = tpu.vector_load_idx %arg23[%add3A_303, %add3A_683] : memref<128x128xf32, #tpu.memory_space<vmem>>[vector<16xi32>, vector<16xi32>], vector<16xf32>,
      %mul3A_685 = arith.mulf %gather3A_676, %gather3A_680 : vector<16xf32>
      %add3A_686 = arith.addf %add3A_670, %mul3A_685 : vector<16xf32>
      %mul3A_687 = arith.mulf %gather3A_676, %gather3A_684 : vector<16xf32>
      %add3A_688 = arith.addf %add3A_672, %mul3A_687 : vector<16xf32>
      %add3A_689 = arith.constant 22 : i32
      %add3A_690 = vector.broadcast %add3A_689 : i32 to vector<16xi32>
      %add3A_691 = arith.addi %shift_left3A_309, %add3A_690 : vector<16xi32>
      %gather3A_692 = tpu.vector_load_idx %arg21[%add3A_303, %add3A_691] : memref<128x128xf32, #tpu.memory_space<vmem>>[vector<16xi32>, vector<16xi32>], vector<16xf32>,
      %add3A_693 = arith.constant 22 : i32
      %add3A_694 = vector.broadcast %add3A_693 : i32 to vector<16xi32>
      %add3A_695 = arith.addi %shift_left3A_317, %add3A_694 : vector<16xi32>
      %gather3A_696 = tpu.vector_load_idx %arg22[%add3A_303, %add3A_695] : memref<128x128xf32, #tpu.memory_space<vmem>>[vector<16xi32>, vector<16xi32>], vector<16xf32>,
      %add3A_697 = arith.constant 22 : i32
      %add3A_698 = vector.broadcast %add3A_697 : i32 to vector<16xi32>
      %add3A_699 = arith.addi %shift_left3A_325, %add3A_698 : vector<16xi32>
      %gather3A_700 = tpu.vector_load_idx %arg23[%add3A_303, %add3A_699] : memref<128x128xf32, #tpu.memory_space<vmem>>[vector<16xi32>, vector<16xi32>], vector<16xf32>,
      %mul3A_701 = arith.mulf %gather3A_692, %gather3A_696 : vector<16xf32>
      %add3A_702 = arith.addf %add3A_686, %mul3A_701 : vector<16xf32>
      %mul3A_703 = arith.mulf %gather3A_692, %gather3A_700 : vector<16xf32>
      %add3A_704 = arith.addf %add3A_688, %mul3A_703 : vector<16xf32>
      %add3A_705 = arith.constant 23 : i32
      %add3A_706 = vector.broadcast %add3A_705 : i32 to vector<16xi32>
      %add3A_707 = arith.addi %shift_left3A_309, %add3A_706 : vector<16xi32>
      %gather3A_708 = tpu.vector_load_idx %arg21[%add3A_303, %add3A_707] : memref<128x128xf32, #tpu.memory_space<vmem>>[vector<16xi32>, vector<16xi32>], vector<16xf32>,
      %add3A_709 = arith.constant 23 : i32
      %add3A_710 = vector.broadcast %add3A_709 : i32 to vector<16xi32>
      %add3A_711 = arith.addi %shift_left3A_317, %add3A_710 : vector<16xi32>
      %gather3A_712 = tpu.vector_load_idx %arg22[%add3A_303, %add3A_711] : memref<128x128xf32, #tpu.memory_space<vmem>>[vector<16xi32>, vector<16xi32>], vector<16xf32>,
      %add3A_713 = arith.constant 23 : i32
      %add3A_714 = vector.broadcast %add3A_713 : i32 to vector<16xi32>
      %add3A_715 = arith.addi %shift_left3A_325, %add3A_714 : vector<16xi32>
      %gather3A_716 = tpu.vector_load_idx %arg23[%add3A_303, %add3A_715] : memref<128x128xf32, #tpu.memory_space<vmem>>[vector<16xi32>, vector<16xi32>], vector<16xf32>,
      %mul3A_717 = arith.mulf %gather3A_708, %gather3A_712 : vector<16xf32>
      %add3A_718 = arith.addf %add3A_702, %mul3A_717 : vector<16xf32>
      %mul3A_719 = arith.mulf %gather3A_708, %gather3A_716 : vector<16xf32>
      %add3A_720 = arith.addf %add3A_704, %mul3A_719 : vector<16xf32>
      %add3A_721 = arith.constant 24 : i32
      %add3A_722 = vector.broadcast %add3A_721 : i32 to vector<16xi32>
      %add3A_723 = arith.addi %shift_left3A_309, %add3A_722 : vector<16xi32>
      %gather3A_724 = tpu.vector_load_idx %arg21[%add3A_303, %add3A_723] : memref<128x128xf32, #tpu.memory_space<vmem>>[vector<16xi32>, vector<16xi32>], vector<16xf32>,
      %add3A_725 = arith.constant 24 : i32
      %add3A_726 = vector.broadcast %add3A_725 : i32 to vector<16xi32>
      %add3A_727 = arith.addi %shift_left3A_317, %add3A_726 : vector<16xi32>
      %gather3A_728 = tpu.vector_load_idx %arg22[%add3A_303, %add3A_727] : memref<128x128xf32, #tpu.memory_space<vmem>>[vector<16xi32>, vector<16xi32>], vector<16xf32>,
      %add3A_729 = arith.constant 24 : i32
      %add3A_730 = vector.broadcast %add3A_729 : i32 to vector<16xi32>
      %add3A_731 = arith.addi %shift_left3A_325, %add3A_730 : vector<16xi32>
      %gather3A_732 = tpu.vector_load_idx %arg23[%add3A_303, %add3A_731] : memref<128x128xf32, #tpu.memory_space<vmem>>[vector<16xi32>, vector<16xi32>], vector<16xf32>,
      %mul3A_733 = arith.mulf %gather3A_724, %gather3A_728 : vector<16xf32>
      %add3A_734 = arith.addf %add3A_718, %mul3A_733 : vector<16xf32>
      %mul3A_735 = arith.mulf %gather3A_724, %gather3A_732 : vector<16xf32>
      %add3A_736 = arith.addf %add3A_720, %mul3A_735 : vector<16xf32>
      %add3A_737 = arith.constant 25 : i32
      %add3A_738 = vector.broadcast %add3A_737 : i32 to vector<16xi32>
      %add3A_739 = arith.addi %shift_left3A_309, %add3A_738 : vector<16xi32>
      %gather3A_740 = tpu.vector_load_idx %arg21[%add3A_303, %add3A_739] : memref<128x128xf32, #tpu.memory_space<vmem>>[vector<16xi32>, vector<16xi32>], vector<16xf32>,
      %add3A_741 = arith.constant 25 : i32
      %add3A_742 = vector.broadcast %add3A_741 : i32 to vector<16xi32>
      %add3A_743 = arith.addi %shift_left3A_317, %add3A_742 : vector<16xi32>
      %gather3A_744 = tpu.vector_load_idx %arg22[%add3A_303, %add3A_743] : memref<128x128xf32, #tpu.memory_space<vmem>>[vector<16xi32>, vector<16xi32>], vector<16xf32>,
      %add3A_745 = arith.constant 25 : i32
      %add3A_746 = vector.broadcast %add3A_745 : i32 to vector<16xi32>
      %add3A_747 = arith.addi %shift_left3A_325, %add3A_746 : vector<16xi32>
      %gather3A_748 = tpu.vector_load_idx %arg23[%add3A_303, %add3A_747] : memref<128x128xf32, #tpu.memory_space<vmem>>[vector<16xi32>, vector<16xi32>], vector<16xf32>,
      %mul3A_749 = arith.mulf %gather3A_740, %gather3A_744 : vector<16xf32>
      %add3A_750 = arith.addf %add3A_734, %mul3A_749 : vector<16xf32>
      %mul3A_751 = arith.mulf %gather3A_740, %gather3A_748 : vector<16xf32>
      %add3A_752 = arith.addf %add3A_736, %mul3A_751 : vector<16xf32>
      %add3A_753 = arith.constant 26 : i32
      %add3A_754 = vector.broadcast %add3A_753 : i32 to vector<16xi32>
      %add3A_755 = arith.addi %shift_left3A_309, %add3A_754 : vector<16xi32>
      %gather3A_756 = tpu.vector_load_idx %arg21[%add3A_303, %add3A_755] : memref<128x128xf32, #tpu.memory_space<vmem>>[vector<16xi32>, vector<16xi32>], vector<16xf32>,
      %add3A_757 = arith.constant 26 : i32
      %add3A_758 = vector.broadcast %add3A_757 : i32 to vector<16xi32>
      %add3A_759 = arith.addi %shift_left3A_317, %add3A_758 : vector<16xi32>
      %gather3A_760 = tpu.vector_load_idx %arg22[%add3A_303, %add3A_759] : memref<128x128xf32, #tpu.memory_space<vmem>>[vector<16xi32>, vector<16xi32>], vector<16xf32>,
      %add3A_761 = arith.constant 26 : i32
      %add3A_762 = vector.broadcast %add3A_761 : i32 to vector<16xi32>
      %add3A_763 = arith.addi %shift_left3A_325, %add3A_762 : vector<16xi32>
      %gather3A_764 = tpu.vector_load_idx %arg23[%add3A_303, %add3A_763] : memref<128x128xf32, #tpu.memory_space<vmem>>[vector<16xi32>, vector<16xi32>], vector<16xf32>,
      %mul3A_765 = arith.mulf %gather3A_756, %gather3A_760 : vector<16xf32>
      %add3A_766 = arith.addf %add3A_750, %mul3A_765 : vector<16xf32>
      %mul3A_767 = arith.mulf %gather3A_756, %gather3A_764 : vector<16xf32>
      %add3A_768 = arith.addf %add3A_752, %mul3A_767 : vector<16xf32>
      %add3A_769 = arith.constant 27 : i32
      %add3A_770 = vector.broadcast %add3A_769 : i32 to vector<16xi32>
      %add3A_771 = arith.addi %shift_left3A_309, %add3A_770 : vector<16xi32>
      %gather3A_772 = tpu.vector_load_idx %arg21[%add3A_303, %add3A_771] : memref<128x128xf32, #tpu.memory_space<vmem>>[vector<16xi32>, vector<16xi32>], vector<16xf32>,
      %add3A_773 = arith.constant 27 : i32
      %add3A_774 = vector.broadcast %add3A_773 : i32 to vector<16xi32>
      %add3A_775 = arith.addi %shift_left3A_317, %add3A_774 : vector<16xi32>
      %gather3A_776 = tpu.vector_load_idx %arg22[%add3A_303, %add3A_775] : memref<128x128xf32, #tpu.memory_space<vmem>>[vector<16xi32>, vector<16xi32>], vector<16xf32>,
      %add3A_777 = arith.constant 27 : i32
      %add3A_778 = vector.broadcast %add3A_777 : i32 to vector<16xi32>
      %add3A_779 = arith.addi %shift_left3A_325, %add3A_778 : vector<16xi32>
      %gather3A_780 = tpu.vector_load_idx %arg23[%add3A_303, %add3A_779] : memref<128x128xf32, #tpu.memory_space<vmem>>[vector<16xi32>, vector<16xi32>], vector<16xf32>,
      %mul3A_781 = arith.mulf %gather3A_772, %gather3A_776 : vector<16xf32>
      %add3A_782 = arith.addf %add3A_766, %mul3A_781 : vector<16xf32>
      %mul3A_783 = arith.mulf %gather3A_772, %gather3A_780 : vector<16xf32>
      %add3A_784 = arith.addf %add3A_768, %mul3A_783 : vector<16xf32>
      %add3A_785 = arith.constant 28 : i32
      %add3A_786 = vector.broadcast %add3A_785 : i32 to vector<16xi32>
      %add3A_787 = arith.addi %shift_left3A_309, %add3A_786 : vector<16xi32>
      %gather3A_788 = tpu.vector_load_idx %arg21[%add3A_303, %add3A_787] : memref<128x128xf32, #tpu.memory_space<vmem>>[vector<16xi32>, vector<16xi32>], vector<16xf32>,
      %add3A_789 = arith.constant 28 : i32
      %add3A_790 = vector.broadcast %add3A_789 : i32 to vector<16xi32>
      %add3A_791 = arith.addi %shift_left3A_317, %add3A_790 : vector<16xi32>
      %gather3A_792 = tpu.vector_load_idx %arg22[%add3A_303, %add3A_791] : memref<128x128xf32, #tpu.memory_space<vmem>>[vector<16xi32>, vector<16xi32>], vector<16xf32>,
      %add3A_793 = arith.constant 28 : i32
      %add3A_794 = vector.broadcast %add3A_793 : i32 to vector<16xi32>
      %add3A_795 = arith.addi %shift_left3A_325, %add3A_794 : vector<16xi32>
      %gather3A_796 = tpu.vector_load_idx %arg23[%add3A_303, %add3A_795] : memref<128x128xf32, #tpu.memory_space<vmem>>[vector<16xi32>, vector<16xi32>], vector<16xf32>,
      %mul3A_797 = arith.mulf %gather3A_788, %gather3A_792 : vector<16xf32>
      %add3A_798 = arith.addf %add3A_782, %mul3A_797 : vector<16xf32>
      %mul3A_799 = arith.mulf %gather3A_788, %gather3A_796 : vector<16xf32>
      %add3A_800 = arith.addf %add3A_784, %mul3A_799 : vector<16xf32>
      %add3A_801 = arith.constant 29 : i32
      %add3A_802 = vector.broadcast %add3A_801 : i32 to vector<16xi32>
      %add3A_803 = arith.addi %shift_left3A_309, %add3A_802 : vector<16xi32>
      %gather3A_804 = tpu.vector_load_idx %arg21[%add3A_303, %add3A_803] : memref<128x128xf32, #tpu.memory_space<vmem>>[vector<16xi32>, vector<16xi32>], vector<16xf32>,
      %add3A_805 = arith.constant 29 : i32
      %add3A_806 = vector.broadcast %add3A_805 : i32 to vector<16xi32>
      %add3A_807 = arith.addi %shift_left3A_317, %add3A_806 : vector<16xi32>
      %gather3A_808 = tpu.vector_load_idx %arg22[%add3A_303, %add3A_807] : memref<128x128xf32, #tpu.memory_space<vmem>>[vector<16xi32>, vector<16xi32>], vector<16xf32>,
      %add3A_809 = arith.constant 29 : i32
      %add3A_810 = vector.broadcast %add3A_809 : i32 to vector<16xi32>
      %add3A_811 = arith.addi %shift_left3A_325, %add3A_810 : vector<16xi32>
      %gather3A_812 = tpu.vector_load_idx %arg23[%add3A_303, %add3A_811] : memref<128x128xf32, #tpu.memory_space<vmem>>[vector<16xi32>, vector<16xi32>], vector<16xf32>,
      %mul3A_813 = arith.mulf %gather3A_804, %gather3A_808 : vector<16xf32>
      %add3A_814 = arith.addf %add3A_798, %mul3A_813 : vector<16xf32>
      %mul3A_815 = arith.mulf %gather3A_804, %gather3A_812 : vector<16xf32>
      %add3A_816 = arith.addf %add3A_800, %mul3A_815 : vector<16xf32>
      %add3A_817 = arith.constant 30 : i32
      %add3A_818 = vector.broadcast %add3A_817 : i32 to vector<16xi32>
      %add3A_819 = arith.addi %shift_left3A_309, %add3A_818 : vector<16xi32>
      %gather3A_820 = tpu.vector_load_idx %arg21[%add3A_303, %add3A_819] : memref<128x128xf32, #tpu.memory_space<vmem>>[vector<16xi32>, vector<16xi32>], vector<16xf32>,
      %add3A_821 = arith.constant 30 : i32
      %add3A_822 = vector.broadcast %add3A_821 : i32 to vector<16xi32>
      %add3A_823 = arith.addi %shift_left3A_317, %add3A_822 : vector<16xi32>
      %gather3A_824 = tpu.vector_load_idx %arg22[%add3A_303, %add3A_823] : memref<128x128xf32, #tpu.memory_space<vmem>>[vector<16xi32>, vector<16xi32>], vector<16xf32>,
      %add3A_825 = arith.constant 30 : i32
      %add3A_826 = vector.broadcast %add3A_825 : i32 to vector<16xi32>
      %add3A_827 = arith.addi %shift_left3A_325, %add3A_826 : vector<16xi32>
      %gather3A_828 = tpu.vector_load_idx %arg23[%add3A_303, %add3A_827] : memref<128x128xf32, #tpu.memory_space<vmem>>[vector<16xi32>, vector<16xi32>], vector<16xf32>,
      %mul3A_829 = arith.mulf %gather3A_820, %gather3A_824 : vector<16xf32>
      %add3A_830 = arith.addf %add3A_814, %mul3A_829 : vector<16xf32>
      %mul3A_831 = arith.mulf %gather3A_820, %gather3A_828 : vector<16xf32>
      %add3A_832 = arith.addf %add3A_816, %mul3A_831 : vector<16xf32>
      %add3A_833 = arith.constant 31 : i32
      %add3A_834 = vector.broadcast %add3A_833 : i32 to vector<16xi32>
      %add3A_835 = arith.addi %shift_left3A_309, %add3A_834 : vector<16xi32>
      %gather3A_836 = tpu.vector_load_idx %arg21[%add3A_303, %add3A_835] : memref<128x128xf32, #tpu.memory_space<vmem>>[vector<16xi32>, vector<16xi32>], vector<16xf32>,
      %add3A_837 = arith.constant 31 : i32
      %add3A_838 = vector.broadcast %add3A_837 : i32 to vector<16xi32>
      %add3A_839 = arith.addi %shift_left3A_317, %add3A_838 : vector<16xi32>
      %gather3A_840 = tpu.vector_load_idx %arg22[%add3A_303, %add3A_839] : memref<128x128xf32, #tpu.memory_space<vmem>>[vector<16xi32>, vector<16xi32>], vector<16xf32>,
      %add3A_841 = arith.constant 31 : i32
      %add3A_842 = vector.broadcast %add3A_841 : i32 to vector<16xi32>
      %add3A_843 = arith.addi %shift_left3A_325, %add3A_842 : vector<16xi32>
      %gather3A_844 = tpu.vector_load_idx %arg23[%add3A_303, %add3A_843] : memref<128x128xf32, #tpu.memory_space<vmem>>[vector<16xi32>, vector<16xi32>], vector<16xf32>,
      %mul3A_845 = arith.mulf %gather3A_836, %gather3A_840 : vector<16xf32>
      %add3A_846 = arith.addf %add3A_830, %mul3A_845 : vector<16xf32>
      %mul3A_847 = arith.mulf %gather3A_836, %gather3A_844 : vector<16xf32>
      %add3A_848 = arith.addf %add3A_832, %mul3A_847 : vector<16xf32>
      %swap3A = arith.index_cast %add3A_299 : i32 to index
      %swap3A_849 = tpu.vector_load %arg27[%swap3A] {strides = array<i32>} : memref<512xf32, #tpu.memory_space<vmem>>, vector<16xf32>,
      tpu.vector_store %arg27[%swap3A], %add3A_846 {strides = array<i32>} : memref<512xf32, #tpu.memory_space<vmem>>, vector<16xf32>,
      %swap3A_850 = arith.index_cast %add3A_299 : i32 to index
      %swap3A_851 = tpu.vector_load %arg28[%swap3A_850] {strides = array<i32>} : memref<512xf32, #tpu.memory_space<vmem>>, vector<16xf32>,
      tpu.vector_store %arg28[%swap3A_850], %add3A_848 {strides = array<i32>} : memref<512xf32, #tpu.memory_space<vmem>>, vector<16xf32>,
    }
    %scan3A_222 = arith.constant 8 : i32
    %dma_wait3A_223 = arith.constant 0 : i32
    %dma_wait3A_224 = tpu.memref_slice %arg24[%dma_wait3A_223] : memref<512xf32, #tpu.memory_space<vmem>> -> memref<128xf32, #tpu.memory_space<vmem>>
    %dma_wait3A_225 = arith.constant 0 : i32
    %dma_wait3A_226 = tpu.memref_slice %arg12[%dma_wait3A_225] : memref<512xi32, #tpu.memory_space<vmem>> -> memref<128xi32, #tpu.memory_space<vmem>>
    %dma_wait3A_227 = arith.constant 0 : i32
    %dma_wait3A_228 = tpu.memref_slice %arg7[%dma_wait3A_227] : memref<1000000xf32, #tpu.memory_space<hbm>> -> memref<1000000xf32, #tpu.memory_space<hbm>>
    tpu.wait_indirect_dma semaphore(%arg30 : memref<!tpu.dma_semaphore, #tpu.memory_space<semaphore_mem>>) src(%dma_wait3A_228 : memref<1000000xf32, #tpu.memory_space<hbm>>) dst(%dma_wait3A_224 : memref<128xf32, #tpu.memory_space<vmem>>)
    %dma_wait3A_229 = arith.constant 0 : i32
    %dma_wait3A_230 = tpu.memref_slice %arg25[%dma_wait3A_229] : memref<512xf32, #tpu.memory_space<vmem>> -> memref<128xf32, #tpu.memory_space<vmem>>
    %dma_wait3A_231 = arith.constant 0 : i32
    %dma_wait3A_232 = tpu.memref_slice %arg13[%dma_wait3A_231] : memref<512xi32, #tpu.memory_space<vmem>> -> memref<128xi32, #tpu.memory_space<vmem>>
    %dma_wait3A_233 = arith.constant 0 : i32
    %dma_wait3A_234 = tpu.memref_slice %arg8[%dma_wait3A_233] : memref<1000000xf32, #tpu.memory_space<hbm>> -> memref<1000000xf32, #tpu.memory_space<hbm>>
    tpu.wait_indirect_dma semaphore(%arg30 : memref<!tpu.dma_semaphore, #tpu.memory_space<semaphore_mem>>) src(%dma_wait3A_234 : memref<1000000xf32, #tpu.memory_space<hbm>>) dst(%dma_wait3A_230 : memref<128xf32, #tpu.memory_space<vmem>>)
    %dma_wait3A_235 = arith.constant 0 : i32
    %dma_wait3A_236 = tpu.memref_slice %arg26[%dma_wait3A_235] : memref<512xf32, #tpu.memory_space<vmem>> -> memref<128xf32, #tpu.memory_space<vmem>>
    %dma_wait3A_237 = arith.constant 0 : i32
    %dma_wait3A_238 = tpu.memref_slice %arg14[%dma_wait3A_237] : memref<512xi32, #tpu.memory_space<vmem>> -> memref<128xi32, #tpu.memory_space<vmem>>
    %dma_wait3A_239 = arith.constant 0 : i32
    %dma_wait3A_240 = tpu.memref_slice %arg8[%dma_wait3A_239] : memref<1000000xf32, #tpu.memory_space<hbm>> -> memref<1000000xf32, #tpu.memory_space<hbm>>
    tpu.wait_indirect_dma semaphore(%arg30 : memref<!tpu.dma_semaphore, #tpu.memory_space<semaphore_mem>>) src(%dma_wait3A_240 : memref<1000000xf32, #tpu.memory_space<hbm>>) dst(%dma_wait3A_236 : memref<128xf32, #tpu.memory_space<vmem>>)
    %dma_wait3A_241 = arith.constant 128 : i32
    %dma_wait3A_242 = tpu.memref_slice %arg24[%dma_wait3A_241] : memref<512xf32, #tpu.memory_space<vmem>> -> memref<128xf32, #tpu.memory_space<vmem>>
    %dma_wait3A_243 = arith.constant 128 : i32
    %dma_wait3A_244 = tpu.memref_slice %arg12[%dma_wait3A_243] : memref<512xi32, #tpu.memory_space<vmem>> -> memref<128xi32, #tpu.memory_space<vmem>>
    %dma_wait3A_245 = arith.constant 0 : i32
    %dma_wait3A_246 = tpu.memref_slice %arg7[%dma_wait3A_245] : memref<1000000xf32, #tpu.memory_space<hbm>> -> memref<1000000xf32, #tpu.memory_space<hbm>>
    tpu.wait_indirect_dma semaphore(%arg30 : memref<!tpu.dma_semaphore, #tpu.memory_space<semaphore_mem>>) src(%dma_wait3A_246 : memref<1000000xf32, #tpu.memory_space<hbm>>) dst(%dma_wait3A_242 : memref<128xf32, #tpu.memory_space<vmem>>)
    %dma_wait3A_247 = arith.constant 128 : i32
    %dma_wait3A_248 = tpu.memref_slice %arg25[%dma_wait3A_247] : memref<512xf32, #tpu.memory_space<vmem>> -> memref<128xf32, #tpu.memory_space<vmem>>
    %dma_wait3A_249 = arith.constant 128 : i32
    %dma_wait3A_250 = tpu.memref_slice %arg13[%dma_wait3A_249] : memref<512xi32, #tpu.memory_space<vmem>> -> memref<128xi32, #tpu.memory_space<vmem>>
    %dma_wait3A_251 = arith.constant 0 : i32
    %dma_wait3A_252 = tpu.memref_slice %arg8[%dma_wait3A_251] : memref<1000000xf32, #tpu.memory_space<hbm>> -> memref<1000000xf32, #tpu.memory_space<hbm>>
    tpu.wait_indirect_dma semaphore(%arg30 : memref<!tpu.dma_semaphore, #tpu.memory_space<semaphore_mem>>) src(%dma_wait3A_252 : memref<1000000xf32, #tpu.memory_space<hbm>>) dst(%dma_wait3A_248 : memref<128xf32, #tpu.memory_space<vmem>>)
    %dma_wait3A_253 = arith.constant 128 : i32
    %dma_wait3A_254 = tpu.memref_slice %arg26[%dma_wait3A_253] : memref<512xf32, #tpu.memory_space<vmem>> -> memref<128xf32, #tpu.memory_space<vmem>>
    %dma_wait3A_255 = arith.constant 128 : i32
    %dma_wait3A_256 = tpu.memref_slice %arg14[%dma_wait3A_255] : memref<512xi32, #tpu.memory_space<vmem>> -> memref<128xi32, #tpu.memory_space<vmem>>
    %dma_wait3A_257 = arith.constant 0 : i32
    %dma_wait3A_258 = tpu.memref_slice %arg8[%dma_wait3A_257] : memref<1000000xf32, #tpu.memory_space<hbm>> -> memref<1000000xf32, #tpu.memory_space<hbm>>
    tpu.wait_indirect_dma semaphore(%arg30 : memref<!tpu.dma_semaphore, #tpu.memory_space<semaphore_mem>>) src(%dma_wait3A_258 : memref<1000000xf32, #tpu.memory_space<hbm>>) dst(%dma_wait3A_254 : memref<128xf32, #tpu.memory_space<vmem>>)
    %dma_wait3A_259 = arith.constant 256 : i32
    %dma_wait3A_260 = tpu.memref_slice %arg24[%dma_wait3A_259] : memref<512xf32, #tpu.memory_space<vmem>> -> memref<128xf32, #tpu.memory_space<vmem>>
    %dma_wait3A_261 = arith.constant 256 : i32
    %dma_wait3A_262 = tpu.memref_slice %arg12[%dma_wait3A_261] : memref<512xi32, #tpu.memory_space<vmem>> -> memref<128xi32, #tpu.memory_space<vmem>>
    %dma_wait3A_263 = arith.constant 0 : i32
    %dma_wait3A_264 = tpu.memref_slice %arg7[%dma_wait3A_263] : memref<1000000xf32, #tpu.memory_space<hbm>> -> memref<1000000xf32, #tpu.memory_space<hbm>>
    tpu.wait_indirect_dma semaphore(%arg30 : memref<!tpu.dma_semaphore, #tpu.memory_space<semaphore_mem>>) src(%dma_wait3A_264 : memref<1000000xf32, #tpu.memory_space<hbm>>) dst(%dma_wait3A_260 : memref<128xf32, #tpu.memory_space<vmem>>)
    %dma_wait3A_265 = arith.constant 256 : i32
    %dma_wait3A_266 = tpu.memref_slice %arg25[%dma_wait3A_265] : memref<512xf32, #tpu.memory_space<vmem>> -> memref<128xf32, #tpu.memory_space<vmem>>
    %dma_wait3A_267 = arith.constant 256 : i32
    %dma_wait3A_268 = tpu.memref_slice %arg13[%dma_wait3A_267] : memref<512xi32, #tpu.memory_space<vmem>> -> memref<128xi32, #tpu.memory_space<vmem>>
    %dma_wait3A_269 = arith.constant 0 : i32
    %dma_wait3A_270 = tpu.memref_slice %arg8[%dma_wait3A_269] : memref<1000000xf32, #tpu.memory_space<hbm>> -> memref<1000000xf32, #tpu.memory_space<hbm>>
    tpu.wait_indirect_dma semaphore(%arg30 : memref<!tpu.dma_semaphore, #tpu.memory_space<semaphore_mem>>) src(%dma_wait3A_270 : memref<1000000xf32, #tpu.memory_space<hbm>>) dst(%dma_wait3A_266 : memref<128xf32, #tpu.memory_space<vmem>>)
    %dma_wait3A_271 = arith.constant 256 : i32
    %dma_wait3A_272 = tpu.memref_slice %arg26[%dma_wait3A_271] : memref<512xf32, #tpu.memory_space<vmem>> -> memref<128xf32, #tpu.memory_space<vmem>>
    %dma_wait3A_273 = arith.constant 256 : i32
    %dma_wait3A_274 = tpu.memref_slice %arg14[%dma_wait3A_273] : memref<512xi32, #tpu.memory_space<vmem>> -> memref<128xi32, #tpu.memory_space<vmem>>
    %dma_wait3A_275 = arith.constant 0 : i32
    %dma_wait3A_276 = tpu.memref_slice %arg8[%dma_wait3A_275] : memref<1000000xf32, #tpu.memory_space<hbm>> -> memref<1000000xf32, #tpu.memory_space<hbm>>
    tpu.wait_indirect_dma semaphore(%arg30 : memref<!tpu.dma_semaphore, #tpu.memory_space<semaphore_mem>>) src(%dma_wait3A_276 : memref<1000000xf32, #tpu.memory_space<hbm>>) dst(%dma_wait3A_272 : memref<128xf32, #tpu.memory_space<vmem>>)
    %dma_wait3A_277 = arith.constant 384 : i32
    %dma_wait3A_278 = tpu.memref_slice %arg24[%dma_wait3A_277] : memref<512xf32, #tpu.memory_space<vmem>> -> memref<128xf32, #tpu.memory_space<vmem>>
    %dma_wait3A_279 = arith.constant 384 : i32
    %dma_wait3A_280 = tpu.memref_slice %arg12[%dma_wait3A_279] : memref<512xi32, #tpu.memory_space<vmem>> -> memref<128xi32, #tpu.memory_space<vmem>>
    %dma_wait3A_281 = arith.constant 0 : i32
    %dma_wait3A_282 = tpu.memref_slice %arg7[%dma_wait3A_281] : memref<1000000xf32, #tpu.memory_space<hbm>> -> memref<1000000xf32, #tpu.memory_space<hbm>>
    tpu.wait_indirect_dma semaphore(%arg30 : memref<!tpu.dma_semaphore, #tpu.memory_space<semaphore_mem>>) src(%dma_wait3A_282 : memref<1000000xf32, #tpu.memory_space<hbm>>) dst(%dma_wait3A_278 : memref<128xf32, #tpu.memory_space<vmem>>)
    %dma_wait3A_283 = arith.constant 384 : i32
    %dma_wait3A_284 = tpu.memref_slice %arg25[%dma_wait3A_283] : memref<512xf32, #tpu.memory_space<vmem>> -> memref<128xf32, #tpu.memory_space<vmem>>
    %dma_wait3A_285 = arith.constant 384 : i32
    %dma_wait3A_286 = tpu.memref_slice %arg13[%dma_wait3A_285] : memref<512xi32, #tpu.memory_space<vmem>> -> memref<128xi32, #tpu.memory_space<vmem>>
    %dma_wait3A_287 = arith.constant 0 : i32
    %dma_wait3A_288 = tpu.memref_slice %arg8[%dma_wait3A_287] : memref<1000000xf32, #tpu.memory_space<hbm>> -> memref<1000000xf32, #tpu.memory_space<hbm>>
    tpu.wait_indirect_dma semaphore(%arg30 : memref<!tpu.dma_semaphore, #tpu.memory_space<semaphore_mem>>) src(%dma_wait3A_288 : memref<1000000xf32, #tpu.memory_space<hbm>>) dst(%dma_wait3A_284 : memref<128xf32, #tpu.memory_space<vmem>>)
    %dma_wait3A_289 = arith.constant 384 : i32
    %dma_wait3A_290 = tpu.memref_slice %arg26[%dma_wait3A_289] : memref<512xf32, #tpu.memory_space<vmem>> -> memref<128xf32, #tpu.memory_space<vmem>>
    %dma_wait3A_291 = arith.constant 384 : i32
    %dma_wait3A_292 = tpu.memref_slice %arg14[%dma_wait3A_291] : memref<512xi32, #tpu.memory_space<vmem>> -> memref<128xi32, #tpu.memory_space<vmem>>
    %dma_wait3A_293 = arith.constant 0 : i32
    %dma_wait3A_294 = tpu.memref_slice %arg8[%dma_wait3A_293] : memref<1000000xf32, #tpu.memory_space<hbm>> -> memref<1000000xf32, #tpu.memory_space<hbm>>
    tpu.wait_indirect_dma semaphore(%arg30 : memref<!tpu.dma_semaphore, #tpu.memory_space<semaphore_mem>>) src(%dma_wait3A_294 : memref<1000000xf32, #tpu.memory_space<hbm>>) dst(%dma_wait3A_290 : memref<128xf32, #tpu.memory_space<vmem>>)
    "tpu.region"() ({
      %run_scoped3A = tpu.sem_alloc : memref<!tpu.dma_semaphore, #tpu.memory_space<semaphore_mem>>
      %dma_start3A_295 = tpu.memref_slice %arg10[%mul3A_2] : memref<16384xf32, #tpu.memory_space<hbm>> -> memref<512xf32, #tpu.memory_space<hbm>>
      %dma_start3A_296 = tpu.memref_slice %arg10[%mul3A_2] : memref<16384xf32, #tpu.memory_space<hbm>> -> memref<512xf32, #tpu.memory_space<hbm>>
      tpu.enqueue_dma source(%arg27 : memref<512xf32, #tpu.memory_space<vmem>>) target(%dma_start3A_296 : memref<512xf32, #tpu.memory_space<hbm>>) target_semaphore(%run_scoped3A : memref<!tpu.dma_semaphore, #tpu.memory_space<semaphore_mem>>)
      %dma_wait3A_297 = tpu.memref_slice %arg10[%mul3A_2] : memref<16384xf32, #tpu.memory_space<hbm>> -> memref<512xf32, #tpu.memory_space<hbm>>
      %dma_wait3A_298 = tpu.memref_slice %arg10[%mul3A_2] : memref<16384xf32, #tpu.memory_space<hbm>> -> memref<512xf32, #tpu.memory_space<hbm>>
      tpu.wait_dma2 semaphore(%run_scoped3A : memref<!tpu.dma_semaphore, #tpu.memory_space<semaphore_mem>>) src(%arg27 : memref<512xf32, #tpu.memory_space<vmem>>) dst(%dma_wait3A_298 : memref<512xf32, #tpu.memory_space<hbm>>)
      tpu.yield
    }) : () -> ()
    "tpu.region"() ({
      %run_scoped3A = tpu.sem_alloc : memref<!tpu.dma_semaphore, #tpu.memory_space<semaphore_mem>>
      %dma_start3A_295 = tpu.memref_slice %arg11[%mul3A_2] : memref<16384xf32, #tpu.memory_space<hbm>> -> memref<512xf32, #tpu.memory_space<hbm>>
      %dma_start3A_296 = tpu.memref_slice %arg11[%mul3A_2] : memref<16384xf32, #tpu.memory_space<hbm>> -> memref<512xf32, #tpu.memory_space<hbm>>
      tpu.enqueue_dma source(%arg28 : memref<512xf32, #tpu.memory_space<vmem>>) target(%dma_start3A_296 : memref<512xf32, #tpu.memory_space<hbm>>) target_semaphore(%run_scoped3A : memref<!tpu.dma_semaphore, #tpu.memory_space<semaphore_mem>>)
      %dma_wait3A_297 = tpu.memref_slice %arg11[%mul3A_2] : memref<16384xf32, #tpu.memory_space<hbm>> -> memref<512xf32, #tpu.memory_space<hbm>>
      %dma_wait3A_298 = tpu.memref_slice %arg11[%mul3A_2] : memref<16384xf32, #tpu.memory_space<hbm>> -> memref<512xf32, #tpu.memory_space<hbm>>
      tpu.wait_dma2 semaphore(%run_scoped3A : memref<!tpu.dma_semaphore, #tpu.memory_space<semaphore_mem>>) src(%arg28 : memref<512xf32, #tpu.memory_space<vmem>>) dst(%dma_wait3A_298 : memref<512xf32, #tpu.memory_space<hbm>>)
      tpu.yield
    }) : () -> ()
    return
  }
}

</mosaic_0001>

<sc_bundles>
// kernel: kernel.3.cloned.1.call-start
scs
__scs_entry_jumppad:
0x0: {  	(pc) =	sbr.rel $0x88, $3  }
0x1: {  	(tag) =	ssettag $0x0;
	lr =	simm.s32 $0x1  }
0x2: {  	[smem:$0x3F99] =	sst lr;
	_ =	strace $0xD0000000  }
0x3: {  	_ = 	snop  }
0x4: {  	_ = 	snop  }
0x5: {  	_ = 	snop  }
0x6: {  	_ = 	snop  }
0x7: {  	_ = 	snop  }
__scs_overlays_trampoline_lowered:
0x8: {  	[smem:$0x3FA8] =	sst s0  }
0x9: {  	[smem:$0x3FA9] =	sst s1  }
0xa: {  	[smem:$0x3FAA] =	sst s2  }
0xb: {  	[smem:$0x3FAB] =	sst s3  }
0xc: {  	[smem:$0x3FAC] =	sst s4  }
0xd: {  	[smem:$0x3FAD] =	sst s5  }
0xe: {  	[smem:$0x3FAE] =	sst s6  }
0xf: {  	[smem:$0x3FAF] =	sst s7  }
0x10: {  	[smem:$0x3FB0] =	sst s8  }
0x11: {  	[smem:$0x3FB1] =	sst s9;
	s0 =	simm.s32 @!p0 $0x0  }
0x12: {  	s1 =	sld [smem:$0x3F97];
	s0 =	simm.s32 @p0 $0x1  }
0x13: {  	[smem:$0x3FB2] =	sst s0;
	s0 =	simm.s32 @!p1 $0x0  }
0x14: {  	s2 =	sld [smem:$0x3F96];
	s0 =	simm.s32 @p1 $0x1  }
0x15: {  	[smem:$0x3FB3] =	sst s0;
	s0 =	simm.s32 @!p2 $0x0  }
0x16: {  	s3 =	sld [smem:$0x3FDB];
	s0 =	simm.s32 @p2 $0x1  }
0x17: {  	s4 =	simm.s32 $0x1BF5;
	[smem:$0x3FB5] =	sst s0  }
0x18: {  	s0 =	sld [smem:$0x3F98];
	_ =	swait.ge [sflag:s4], $0x0  }
0x19: {  	s7 =	sld [smem:$0x3F99]  }
0x1a: {  	s8 =	sadd.s32 $0xFFFFE003, lr  }
0x1b: {  	s9 =	sadd.s32 $0xFFFFFEF7, lr;
	s5 =	simm.s32 $0xFFFFFFFF;
	p2 =	slt.u32 s8, $0xFFFFF086  }
0x1c: {  	p1 =	slt.u32 s9, $0xF7A;
	s5 =	simm.s32 @!p2 $0x0  }
0x1d: {  	s5 =	simm.s32 @p1 $0x1;
	p0 =	seq.s32 s7, s2  }
0x1e: {  	s7 =	smul.u32 @!p0 $0xF7A, s2;
	p2 =	seq.s32 @!p0 s5, $0x0  }
0x1f: {  	s9 =	smul.u32 $0xF7A, s1;
	s8 =	simm.s32 @!p0 $0x1BF5;
	p2 =	por !p2, p0  }
0x20: {  	[sflag:s8] =	ssyncset.s32 @!p0 $0xFFFFF086;
	s6 =	sadd.s32 @!p0 s3, s7;
	s7 =	simm.s32 @!p0 $0x108  }
0x21: {  	s3 =	sadd.s32 s3, s9;
	s6 =	sadd.s32 @!p0 $0x88, s6;
	s7 =	simm.s32 @p2 $0x1082  }
0x22: {  	[simem:s7], [sflag:s8] =	dma.local @!p0 [hbm:s6], $0xF7A  }
0x23: {  	s9 =	sor.u32 $0xD0000000, s2;
	s6 =	simm.s32 $0x108;
	_ =	swait.ge @!p0 [sflag:s8], $0x0  }
0x24: {  	s3 =	sadd.s32 $0x88, s3;
	s6 =	simm.s32 @!p1 $0x1082;
	[sflag:s4] =	ssyncset.s32 $0xFFFFF086  }
0x25: {  	[simem:s6], [sflag:s4] =	dma.local [hbm:s3], $0xF7A  }
0x26: {  	[smem:$0x3F99] =	sst s1;
	(tag) =	ssettag s2;
	_ =	strace s9  }
0x27: {  	s1 =	sld [smem:$0x3FA9]  }
0x28: {  	s2 =	sld [smem:$0x3FAA]  }
0x29: {  	s4 =	sld [smem:$0x3FAC]  }
0x2a: {  	p0 =	seq.s32 s5, $0x0;
	s5 =	sld [smem:$0x3FAD]  }
0x2b: {  	s6 =	sld [smem:$0x3FAE]  }
0x2c: {  	s7 =	sld [smem:$0x3FAF]  }
0x2d: {  	s3 =	simm.s32 $0x108;
	s8 =	sld [smem:$0x3FB0]  }
0x2e: {  	s3 =	simm.s32 @!p0 $0x1082;
	s9 =	sld [smem:$0x3FB1]  }
0x2f: {  	lr =	sadd.s32 s0, s3;
	s0 =	sld [smem:$0x3FA8]  }
0x30: {  	s3 =	sld [smem:$0x3FAB]  }
0x31: {  	[smem:$0x3FB4] =	sst s10  }
0x32: {  	s10 =	sld [smem:$0x3FB2];
	_ =	sdelay $0x3  }
0x33: {  	p0 =	seq.s32 s10, $0x1;
	s10 =	sld [smem:$0x3FB4];
	_ =	sdelay $0x3  }
0x34: {  	[smem:$0x3FB4] =	sst s10  }
0x35: {  	s10 =	sld [smem:$0x3FB3];
	_ =	sdelay $0x3  }
0x36: {  	p1 =	seq.s32 s10, $0x1;
	s10 =	sld [smem:$0x3FB4];
	_ =	sdelay $0x3  }
0x37: {  	[smem:$0x3FB4] =	sst s10  }
0x38: {  	s10 =	sld [smem:$0x3FB5]  }
0x39: {  	_ = 	snop;
	(pc) =	sbr.ind lr, $3  }
0x3a: {  	_ = 	snop  }
0x3b: {  	_ = 	snop  }
0x3c: {  	p2 =	seq.s32 s10, $0x1;
	s10 =	sld [smem:$0x3FB4]  }
0x3d: {  	_ =	shalt  }
0x3e: {  	_ =	shalt  }
0x3f: {  	_ =	shalt  }
0x40: {  	_ =	shalt  }
0x41: {  	_ =	shalt  }
0x42: {  	_ =	shalt  }
0x43: {  	_ =	shalt  }
0x44: {  	_ =	shalt  }
0x45: {  	_ =	shalt  }
0x46: {  	_ =	shalt  }
0x47: {  	_ =	shalt  }
0x48: {  	_ =	shalt  }
0x49: {  	_ =	shalt  }
0x4a: {  	_ =	shalt  }
0x4b: {  	_ =	shalt  }
0x4c: {  	_ =	shalt  }
0x4d: {  	_ =	shalt  }
0x4e: {  	_ =	shalt  }
0x4f: {  	_ =	shalt  }
0x50: {  	_ =	shalt  }
0x51: {  	_ =	shalt  }
0x52: {  	_ =	shalt  }
0x53: {  	_ =	shalt  }
0x54: {  	_ =	shalt  }
0x55: {  	_ =	shalt  }
0x56: {  	_ =	shalt  }
0x57: {  	_ =	shalt  }
0x58: {  	_ =	shalt  }
0x59: {  	_ =	shalt  }
0x5a: {  	_ =	shalt  }
0x5b: {  	_ =	shalt  }
0x5c: {  	_ =	shalt  }
0x5d: {  	_ =	shalt  }
0x5e: {  	_ =	shalt  }
0x5f: {  	_ =	shalt  }
0x60: {  	_ =	shalt  }
0x61: {  	_ =	shalt  }
0x62: {  	_ =	shalt  }
0x63: {  	_ =	shalt  }
0x64: {  	_ =	shalt  }
0x65: {  	_ =	shalt  }
0x66: {  	_ =	shalt  }
0x67: {  	_ =	shalt  }
0x68: {  	_ =	shalt  }
0x69: {  	_ =	shalt  }
0x6a: {  	_ =	shalt  }
0x6b: {  	_ =	shalt  }
0x6c: {  	_ =	shalt  }
0x6d: {  	_ =	shalt  }
0x6e: {  	_ =	shalt  }
0x6f: {  	_ =	shalt  }
0x70: {  	_ =	shalt  }
0x71: {  	_ =	shalt  }
0x72: {  	_ =	shalt  }
0x73: {  	_ =	shalt  }
0x74: {  	_ =	shalt  }
0x75: {  	_ =	shalt  }
0x76: {  	_ =	shalt  }
0x77: {  	_ =	shalt  }
0x78: {  	_ =	shalt  }
0x79: {  	_ =	shalt  }
0x7a: {  	_ =	shalt  }
0x7b: {  	_ =	shalt  }
0x7c: {  	_ =	shalt  }
0x7d: {  	_ =	shalt  }
0x7e: {  	_ =	shalt  }
0x7f: {  	_ =	shalt  }
0x80: {  	_ =	shalt  }
0x81: {  	_ =	shalt  }
0x82: {  	_ =	shalt  }
0x83: {  	_ =	shalt  }
0x84: {  	_ =	shalt  }
0x85: {  	_ =	shalt  }
0x86: {  	_ =	shalt  }
0x87: {  	_ =	shalt  }
.Lfunc_end0:
.L_simem_size_0:
called_computation_lowered:
.L_overlay_start_0:
0x88: {  	s2 =	sld [smem:$0x3FD9]  }
0x89: {  	s3 =	sld [smem:$0x3FFE];
	_ =	sdelay $0x1  }
0x8a: {  	s1 =	srdreg.scid  }
0x8b: {  	s0 =	sand.u32 $0x1, s1  }
0x8c: {  	s14 =	sshll.u32 s0, $0xA;
	s2 =	sadd.s32 s3, s2  }
0x8d: {  	s2 =	sadd.s32 s2, s14  }
0x8e: {  	[smem:$0x3FC0] =	sst s2  }
0x8f: {  	_ = 	snop  }
0x90: {  	s2 =	sld [smem:$0x3FD0]  }
0x91: {  	s15 =	sld [smem:$0x3FC9]  }
0x92: {  	s4 =	sld [smem:$0x3FC8]  }
0x93: {  	s6 =	simm.s32 $0xA;
	s7 =	simm.s32 $0x10;
	s5 =	sld [smem:$0x3FC7]  }
0x94: {  	[smem:s7], [sflag:s6] =	dma.local [hbm:s2], $0x1  }
0x95: {  	_ =	swait.eq [sflag:s6], $0x1  }
0x96: {  	[sflag:s6] =	ssyncset.done $0x0  }
0x97: {  	s16 =	sld [smem:$0x10];
	[sflag:s6] =	ssyncadd.s32 $0xFFFFFFFF  }
0x98: {  	s17 =	sld [smem:$0x11];
	(tm) =	ssettm $0x1  }
0x99: {  	s18 =	sld [smem:$0x3FFB];
	_ =	sdelay $0x3  }
0x9a: {  	_ =	strace s18  }
0x9b: {  	s7 =	sld [smem:$0x3FFC];
	_ =	sdelay $0x3  }
0x9c: {  	_ =	strace s7  }
0x9d: {  	s7 =	sld [smem:$0x3FFD];
	_ =	sdelay $0x3  }
0x9e: {  	_ =	strace s7  }
0x9f: {  	_ =	strace $0x8FFFFFFF  }
0xa0: {  	s19 =	sld [smem:$0x3FDB];
	_ =	sdelay $0x1  }
0xa1: {  	s8 =	simm.s32 $_scs_section_size  }
0xa2: {  	s9 =	simm.s32 $_size__tile_overlayer_lowered;
	s10 =	simm.s32 $_tile_overlayer_lowered  }
0xa3: {  	s22 =	simm.s32 $0x1BFF;
	s21 =	sshll.u32 s10, $0x1;
	s7 =	sadd.s32 s8, s19  }
0xa4: {  	s11 =	simm.s32 $0x0;
	s20 =	sshll.u32 s9, $0x1;
	s9 =	sadd.s32 s21, s7  }
0xa5: {  	[timem:s11], [sflag:s22] =	dma.local [hbm:s9], s20  }
0xa6: {  	_ =	swait.ge [sflag:s22], s20  }
0xa7: {  	s8 =	ssub.s32 $0x0, s20;
	[sflag:s22] =	ssyncset.done $0x0  }
0xa8: {  	[sflag:s22] =	ssyncadd.s32 s8;
	_ =	sdelay $0x1  }
0xa9: {  	s23 =	simm.s32 $0x1B8B  }
0xaa: {  	_ =	swait.ge [sflag:s23], $0x1  }
0xab: {  	[sflag:s23] =	ssyncset.done $0x0  }
0xac: {  	s25 =	simm.s32 $0x1B8E;
	s24 =	sld [smem:$0x3FFE];
	[sflag:s23] =	ssyncadd.s32 $0xFFFFFFFF  }
0xad: {  	s26 =	simm.s32 $execute0_lowered;
	[smem:$0x3FD2] =	sst s25  }
0xae: {  	s9 =	sshll.u32 s26, $0x1;
	_ =	strace $0x80000046;
	[dreg:$0x1] =	wrdreg $0xFFFFFFFF  }
0xaf: {  	s28 =	simm.s32 $_size_execute0_lowered;
	s7 =	sadd.s32 s7, s9;
	[dreg:$0x0] =	wrdreg $0x0  }
0xb0: {  	s9 =	sshll.u32 s28, $0x1;
	[dreg:$0x2] =	wrdreg s7  }
0xb1: {  	[dreg:$0x3] =	wrdreg s9  }
0xb2: {  	[dreg:$0x4] =	wrdreg $0xC0  }
0xb3: {  	_ =	task [dreg:s11], $0x5FFFF  }
0xb4: {  	[dreg:$0x1] =	wrdreg $0xFFFFFFFF  }
0xb5: {  	[dreg:$0x0] =	wrdreg $0x60  }
0xb6: {  	[dreg:$0x2] =	wrdreg s15  }
0xb7: {  	[dreg:$0x3] =	wrdreg s4  }
0xb8: {  	[dreg:$0x4] =	wrdreg s5  }
0xb9: {  	[dreg:$0x5] =	wrdreg s24  }
0xba: {  	[dreg:$0x6] =	wrdreg s16  }
0xbb: {  	[dreg:$0x7] =	wrdreg s17  }
0xbc: {  	[dreg:$0x8] =	wrdreg $0x9  }
0xbd: {  	_ =	task.clear_ibuf [dreg:s11], $0x9FFFF;
	_ =	strace $0x90000046  }
0xbe: {  	s29 =	simm.s32 $0x9;
	_ =	strace $0x80000048  }
0xbf: {  	_ =	swait.ge [sflag:s29], $0x1  }
0xc0: {  	[sflag:s29] =	ssyncadd.s32 $0xFFFFFFFF  }
0xc1: {  	_ =	strace $0x90000048  }
0xc2: {  	_ =	sfence  }
0xc3: {  	s30 =	sld [smem:$0x0];
	_ =	sdelay $0x2  }
0xc4: {  	s31 =	sshll.u32 s1, $0xD;
	s1 =	sshrl.u32 s1, $0x2  }
0xc5: {  	s3 =	sand.u32 $0x4000, s31;
	s1 =	sadd.s32 s1, s30  }
0xc6: {  	s0 =	sor.u32 s3, s0;
	s1 =	sshll.u32 s1, $0x11  }
0xc7: {  	s0 =	sor.u32 s1, s0  }
0xc8: {  	s0 =	sadd.s32 $0x8F2B, s0  }
0xc9: {  	[sflag:s0] =	ssyncadd.remote.s32 $0x1  }
0xca: {  	_ =	sfence.sel $0xFFFF  }
0xcb: {  	[dreg:$0x0] =	wrdreg $0xFFFFFFFF;
	(pc) =	sbr.abs _section_cstart, $3  }
0xcc: {  	[dreg:$0x1] =	wrdreg $0xFFFFFFFF  }
0xcd: {  	_ =	task.clear_ibuf [dreg:s11], $0x2FFFF;
	_ =	strace $0x9FFFFFFF  }
0xce: {  	(tm) =	ssettm $0x7FFFFFFF  }
0xcf: {  	_ =	shalt  }
tec
execute0_lowered:
.L_overlay_start_1:
0x0: {  	(tag) =	ssettag $0x1  }
0x1: {  	s0 =	rddreg [dreg:$0x0]  }
0x2: {  	s3 =	rddreg [dreg:$0x1]  }
0x3: {  	s10 =	rddreg [dreg:$0x2]  }
0x4: {  	s1 =	rddreg [dreg:$0x3]  }
0x5: {  	s11 =	rddreg [dreg:$0x4]  }
0x6: {  	s12 =	rddreg [dreg:$0x5]  }
0x7: {  	s2 =	simm.s32 $0x0;
	s7 =	srdreg.scid;
	s9 =	stileid.u32  }
0x8: {  	s15 =	simm.s32 $0x200;
	s16 =	simm.s32 $0x400;
	s18 =	simm.s32 $0x80  }
0x9: {  	s25 =	simm.s32 $0xC00;
	s28 =	simm.s32 $0x4C00;
	s30 =	simm.s32 $0x8C00  }
0xa: {  	s17 =	simm.s32 $0x10C00;
	s20 =	simm.s32 $0x14C00;
	s21 =	simm.s32 $0x1  }
0xb: {  	s19 =	simm.s32 $0x19400;
	s22 =	simm.s32 $0x0;
	[smem:$0x7FF] =	sst s2  }
0xc: {  	s4 =	sadd.s32 $0xF42400, s1;
	s5 =	sadd.s32 $0x1312E00, s1;
	s7 =	sand.u32 $0x1, s7  }
0xd: {  	s6 =	sadd.s32 $0x1EA00, s1;
	s9 =	sshll.u32 s9, $0x7;
	s8 =	ssub.s32 $0x2, s7  }
0xe: {  	_ =	strace $0x80000047;
	s13 =	sshll.u32 s7, $0x6;
	s14 =	sshrl.u32 s8, $0x1  }
0xf: {  	s7 =	sadd.s32 $0x3D400, s1;
	s13 =	sor.u32 s13, s9;
	s14 =	ssub.s32 s8, s14  }
0x10: {  	s8 =	sadd.s32 s0, s13;
	s9 =	sadd.s32 s3, s13;
	s10 =	sadd.s32 s10, s13  }
0x11: {  	v0 =	vlaneseq.u32;
	s11 =	sadd.s32 s11, s13;
	s12 =	sadd.s32 s12, s13;
	s0 =	simm.s32 $0xCC00  }
0x12: {  	v0 =	vmul.u32 $0x80, v0;
	s3 =	simm.s32 $0x19200;
	s13 =	smax.u32 s14, $0x1;
	s14 =	simm.s32 $0x2  }
.LBB2_1:
0x13: {  	[tilespmem:s2], [sflag:$0x2] =	stream.linear.gather [hbm4b:s8+s2], $0x200, $0x38;
	[tilespmem:$0x19680] =	vst v63  }
0x14: {  	_ =	swait.ge [sflag:s14], $0x200  }
0x15: {  	[sflag:s14] =	ssyncset.done $0x0  }
0x16: {  	[sflag:s14] =	ssyncadd.s32 $0xFFFFFE00  }
0x17: {  	[tilespmem:s15], [sflag:$0x2] =	stream.linear.gather [hbm4b:s9+s2], $0x200, $0x38;
	[tilespmem:$0x19680] =	vst v63  }
0x18: {  	_ =	swait.ge [sflag:s14], $0x200  }
0x19: {  	[sflag:s14] =	ssyncset.done $0x0  }
0x1a: {  	[sflag:s14] =	ssyncadd.s32 $0xFFFFFE00  }
0x1b: {  	[tilespmem:s16], [sflag:$0x2] =	stream.linear.gather [hbm4b:s10+s2], $0x200, $0x38;
	[tilespmem:$0x19680] =	vst v63  }
0x1c: {  	_ =	swait.ge [sflag:s14], $0x200  }
0x1d: {  	[sflag:s14] =	ssyncset.done $0x0  }
0x1e: {  	s23 =	simm.s32 $0x19600;
	[sflag:s14] =	ssyncadd.s32 $0xFFFFFE00  }
0x1f: {  	[tilespmem:s23], [sflag:$0x2] =	stream.linear.gather [hbm4b:s7+s2], $0x80, $0x38;
	[tilespmem:$0x19680] =	vst v63  }
0x20: {  	_ =	swait.ge [sflag:s14], $0x80  }
0x21: {  	[sflag:s14] =	ssyncset.done $0x0  }
0x22: {  	s26 =	simm.s32 $0x18C00;
	[sflag:s14] =	ssyncadd.s32 $0xFFFFFF80  }
0x23: {  	[tilespmem:s26], [sflag:$0x1] =	stream.indirect.gather [hbm4b:s1+s18], $0x1, s2, s18, $0xb8;
	[tilespmem:$0x19680] =	vst v63  }
0x24: {  	s29 =	simm.s32 $0x18E00  }
0x25: {  	[tilespmem:s29], [sflag:$0x1] =	stream.indirect.gather [hbm4b:s6+s18], $0x1, s15, s18, $0xb8;
	[tilespmem:$0x19680] =	vst v63  }
0x26: {  	s31 =	simm.s32 $0x19000  }
0x27: {  	[tilespmem:s31], [sflag:$0x1] =	stream.indirect.gather [hbm4b:s6+s18], $0x1, s16, s18, $0xb8;
	[tilespmem:$0x19680] =	vst v63  }
0x28: {  	s24 =	simm.s32 $0x18C80  }
0x29: {  	[tilespmem:s24], [sflag:$0x1] =	stream.indirect.gather [hbm4b:s1+s18], $0x1, s18, s18, $0xb8;
	[tilespmem:$0x19680] =	vst v63  }
0x2a: {  	s26 =	simm.s32 $0x280;
	s24 =	simm.s32 $0x18E80  }
0x2b: {  	[tilespmem:s24], [sflag:$0x1] =	stream.indirect.gather [hbm4b:s6+s18], $0x1, s26, s18, $0xb8;
	[tilespmem:$0x19680] =	vst v63  }
0x2c: {  	s29 =	simm.s32 $0x480;
	s31 =	simm.s32 $0x19080  }
0x2d: {  	[tilespmem:s31], [sflag:$0x1] =	stream.indirect.gather [hbm4b:s6+s18], $0x1, s29, s18, $0xb8;
	[tilespmem:$0x19680] =	vst v63  }
0x2e: {  	s24 =	simm.s32 $0x100;
	s26 =	simm.s32 $0x18D00  }
0x2f: {  	[tilespmem:s26], [sflag:$0x1] =	stream.indirect.gather [hbm4b:s1+s18], $0x1, s24, s18, $0xb8;
	[tilespmem:$0x19680] =	vst v63  }
0x30: {  	s29 =	simm.s32 $0x300;
	s31 =	simm.s32 $0x18F00  }
0x31: {  	[tilespmem:s31], [sflag:$0x1] =	stream.indirect.gather [hbm4b:s6+s18], $0x1, s29, s18, $0xb8;
	[tilespmem:$0x19680] =	vst v63  }
0x32: {  	s24 =	simm.s32 $0x500;
	s26 =	simm.s32 $0x19100  }
0x33: {  	[tilespmem:s26], [sflag:$0x1] =	stream.indirect.gather [hbm4b:s6+s18], $0x1, s24, s18, $0xb8;
	[tilespmem:$0x19680] =	vst v63  }
0x34: {  	s29 =	simm.s32 $0x180;
	s31 =	simm.s32 $0x18D80  }
0x35: {  	[tilespmem:s31], [sflag:$0x1] =	stream.indirect.gather [hbm4b:s1+s18], $0x1, s29, s18, $0xb8;
	[tilespmem:$0x19680] =	vst v63  }
0x36: {  	s24 =	simm.s32 $0x380;
	s26 =	simm.s32 $0x18F80  }
0x37: {  	[tilespmem:s26], [sflag:$0x1] =	stream.indirect.gather [hbm4b:s6+s18], $0x1, s24, s18, $0xb8;
	[tilespmem:$0x19680] =	vst v63  }
0x38: {  	s23 =	simm.s32 $0x0;
	s29 =	simm.s32 $0x580;
	s31 =	simm.s32 $0x19180  }
0x39: {  	[tilespmem:s31], [sflag:$0x1] =	stream.indirect.gather [hbm4b:s6+s18], $0x1, s29, s18, $0xb8;
	[tilespmem:$0x19680] =	vst v63  }
0x3a: {  	v2 =	vld [tilespmem:s23+$0x400]  }
0x3b: {  	v3 =	vld [tilespmem:s23+$0x0]  }
0x3c: {  	s24 =	simm.s32 $0x40;
	v1 =	vld [tilespmem:s23+$0x200]  }
.LBB2_2:
0x3d: {  	p0 =	sne.s32 s24, $0x7C0  }
.Ltmp0:
0x3e: {  	_ = 	snop;
	(pc) =	sbr.rel @p0 .LBB2_2-.Ltmp0, $4  }
0x3f: {  	s26 =	sshra.s32 s24, $0x2;
	v4 =	vshra.s32 v2, $0x2  }
0x40: {  	v2 =	vld [tilespmem:s26+$0x400];
	v5 =	vshra.s32 v3, $0x2;
	[tilespmem:s23+$0xA00] =	vst v4  }
0x41: {  	v3 =	vld [tilespmem:s26+$0x0];
	[tilespmem:s23+$0x600] =	vst v5;
	v4 =	vshra.s32 v1, $0x2  }
0x42: {  	s24 =	sadd.s32 $0x40, s24;
	v1 =	vld [tilespmem:s26+$0x200];
	[tilespmem:s23+$0x800] =	vst v4;
	s23 =	smov.u32 s26  }
0x43: {  	_ =	sdelay $0x1  }
0x44: {  	v2 =	vshra.s32 v2, $0x2  }
0x45: {  	v3 =	vshra.s32 v3, $0x2;
	[tilespmem:s23+$0xA00] =	vst v2  }
0x46: {  	[tilespmem:s23+$0x600] =	vst v3;
	v1 =	vshra.s32 v1, $0x2  }
0x47: {  	s29 =	simm.s32 $0x600;
	[tilespmem:s23+$0x800] =	vst v1  }
0x48: {  	v1 =	vld [tilespmem:$0x19600];
	[tilespmem:s25], [sflag:$0x1] =	stream.indirect.gather [hbm4b:s4+s18], $0x80, s29, s18, $0xb8  }
0x49: {  	s31 =	simm.s32 $0x800  }
0x4a: {  	[tilespmem:s28], [sflag:$0x1] =	stream.indirect.gather [hbm4b:s5+s18], $0x80, s31, s18, $0xb8;
	[tilespmem:$0x19680] =	vst v63  }
0x4b: {  	s24 =	simm.s32 $0xA00  }
0x4c: {  	[tilespmem:s30], [sflag:$0x1] =	stream.indirect.gather [hbm4b:s5+s18], $0x80, s24, s18, $0xb8;
	[tilespmem:$0x19680] =	vst v63  }
0x4d: {  	s26 =	simm.s32 $0x680  }
0x4e: {  	[tilespmem:s0], [sflag:$0x1] =	stream.indirect.gather [hbm4b:s4+s18], $0x80, s26, s18, $0xb8;
	[tilespmem:$0x19680] =	vst v63  }
0x4f: {  	s29 =	simm.s32 $0x880  }
0x50: {  	[tilespmem:s17], [sflag:$0x1] =	stream.indirect.gather [hbm4b:s5+s18], $0x80, s29, s18, $0xb8;
	[tilespmem:$0x19680] =	vst v63  }
0x51: {  	s31 =	simm.s32 $0xA80  }
0x52: {  	[tilespmem:s20], [sflag:$0x1] =	stream.indirect.gather [hbm4b:s5+s18], $0x80, s31, s18, $0xb8;
	[tilespmem:$0x19680] =	vst v63  }
0x53: {  	_ =	swait.ge [sflag:s21], $0x4000  }
0x54: {  	[sflag:s21] =	ssyncset.done $0x0  }
0x55: {  	[sflag:s21] =	ssyncadd.s32 $0xFFFFC000  }
0x56: {  	_ =	swait.ge [sflag:s21], $0x4000  }
0x57: {  	[sflag:s21] =	ssyncset.done $0x0  }
0x58: {  	[sflag:s21] =	ssyncadd.s32 $0xFFFFC000  }
0x59: {  	_ =	swait.ge [sflag:s21], $0x4000  }
0x5a: {  	[sflag:s21] =	ssyncset.done $0x0  }
0x5b: {  	s23 =	simm.s32 $0x0;
	[sflag:s21] =	ssyncadd.s32 $0xFFFFC000  }
0x5c: {  	v2 =	vld [tilespmem:s23+$0x0]  }
0x5d: {  	v3 =	vld [tilespmem:s23+$0x200]  }
0x5e: {  	v4 =	vld [tilespmem:s23+$0x400]  }
0x5f: {  	s24 =	simm.s32 $0x0  }
0x60: {  	v5 =	vmov s24  }
0x61: {  	v5 =	vshll.u32 v5, $0x7;
	v2 =	vshll.u32 v2, $0x5  }
0x62: {  	v5 =	vor.u32 v0, v5;
	v3 =	vshll.u32 v3, $0x5;
	v2 =	vand.u32 $0x60, v2  }
0x63: {  	v4 =	vshll.u32 v4, $0x5;
	v7 =	vor.u32 v5, v2;
	v2 =	vand.u32 $0x60, v3  }
0x64: {  	v3 =	vand.u32 $0x60, v4;
	v8 =	vor.u32 v5, v2;
	v2 =	vor.u32 $0x1, v7  }
0x65: {  	v15 =	vld [tilespmem:s23+$0x18C00];
	v9 =	vor.u32 v5, v3;
	v5 =	vor.u32 $0x2, v7  }
0x66: {  	v18 =	vld [tilespmem:s23+$0x18E00]  }
0x67: {  	v16 =	vld [tilespmem:s23+$0x19000];
	v10 =	vor.u32 $0x3, v7  }
0x68: {  	v12 =	vor.u32 $0x5, v7;
	v19 =	vld.idx.msk [tilespmem:v7+s25+$0x0], $0xffff  }
0x69: {  	v14 =	vor.u32 $0x6, v7;
	v20 =	vld.idx.msk [tilespmem:v2+s25+$0x0], $0xffff  }
0x6a: {  	v36 =	vor.u32 $0xA, v7;
	v22 =	vld.idx.msk [tilespmem:v5+s25+$0x0], $0xffff  }
0x6b: {  	v38 =	vor.u32 $0xB, v7;
	v23 =	vld.idx.msk [tilespmem:v9+s30+$0x0], $0xffff  }
0x6c: {  	v40 =	vor.u32 $0xC, v7;
	v25 =	vld.idx.msk [tilespmem:v10+s25+$0x0], $0xffff  }
0x6d: {  	v29 =	vld.idx.msk [tilespmem:v12+s25+$0x0], $0xffff  }
0x6e: {  	v46 =	vor.u32 $0x16, v7;
	v31 =	vld.idx.msk [tilespmem:v14+s25+$0x0], $0xffff  }
0x6f: {  	v49 =	vor.u32 $0x15, v7;
	v36 =	vld.idx.msk [tilespmem:v36+s25+$0x0], $0xffff  }
0x70: {  	v61 =	vor.u32 $0x14, v7;
	v38 =	vld.idx.msk [tilespmem:v38+s25+$0x0], $0xffff  }
0x71: {  	v3 =	vor.u32 $0x1E, v8;
	v40 =	vld.idx.msk [tilespmem:v40+s25+$0x0], $0xffff  }
0x72: {  	v51 =	vadd.f32 v15, v1;
	v4 =	vor.u32 $0x2, v9;
	v47 =	vld.idx.msk [tilespmem:v8+s28+$0x0], $0xffff  }
0x73: {  	v6 =	vor.u32 $0x3, v9;
	v15 =	vld.idx.msk [tilespmem:v46+s25+$0x0], $0xffff  }
0x74: {  	v53 =	vadd.f32 v16, v51;
	v11 =	vor.u32 $0x5, v9;
	v16 =	vld.idx.msk [tilespmem:v49+s25+$0x0], $0xffff  }
0x75: {  	v63 =	vadd.f32 v18, v51;
	v42 =	vor.u32 $0x1, v9;
	v18 =	vld.idx.msk [tilespmem:v61+s25+$0x0], $0xffff  }
0x76: {  	v44 =	vor.u32 $0x1, v8;
	v2 =	vld.idx.msk [tilespmem:v3+s28+$0x0], $0xffff  }
0x77: {  	v48 =	vor.u32 $0x2, v8;
	v21 =	vld.idx.msk [tilespmem:v4+s30+$0x0], $0xffff  }
0x78: {  	v50 =	vor.u32 $0x3, v8;
	v24 =	vld.idx.msk [tilespmem:v6+s30+$0x0], $0xffff  }
0x79: {  	v52 =	vor.u32 $0x4, v8;
	v28 =	vld.idx.msk [tilespmem:v11+s30+$0x0], $0xffff  }
0x7a: {  	v5 =	vor.u32 $0x4, v7;
	v42 =	vld.idx.msk [tilespmem:v42+s30+$0x0], $0xffff  }
0x7b: {  	v12 =	vor.u32 $0x7, v7;
	v60 =	vld.idx.msk [tilespmem:v44+s28+$0x0], $0xffff  }
0x7c: {  	v14 =	vor.u32 $0x8, v7;
	v46 =	vld.idx.msk [tilespmem:v48+s28+$0x0], $0xffff  }
0x7d: {  	v3 =	vor.u32 $0x1F, v7;
	v55 =	vld.idx.msk [tilespmem:v50+s28+$0x0], $0xffff  }
0x7e: {  	v4 =	vor.u32 $0x4, v9;
	v59 =	vld.idx.msk [tilespmem:v52+s28+$0x0], $0xffff  }
0x7f: {  	v6 =	vor.u32 $0x1F, v9;
	v27 =	vld.idx.msk [tilespmem:v5+s25+$0x0], $0xffff  }
0x80: {  	v13 =	vor.u32 $0x1E, v9;
	v33 =	vld.idx.msk [tilespmem:v12+s25+$0x0], $0xffff  }
0x81: {  	v11 =	vor.u32 $0x7, v9;
	v35 =	vld.idx.msk [tilespmem:v14+s25+$0x0], $0xffff  }
0x82: {  	v56 =	vor.u32 $0x12, v7;
	v3 =	vld.idx.msk [tilespmem:v3+s25+$0x0], $0xffff  }
0x83: {  	v62 =	vor.u32 $0x13, v7;
	v26 =	vld.idx.msk [tilespmem:v4+s30+$0x0], $0xffff  }
0x84: {  	v54 =	vor.u32 $0x5, v8;
	v10 =	vld.idx.msk [tilespmem:v6+s30+$0x0], $0xffff  }
0x85: {  	v57 =	vor.u32 $0x6, v8;
	v4 =	vld.idx.msk [tilespmem:v13+s30+$0x0], $0xffff  }
0x86: {  	v5 =	vor.u32 $0x6, v9;
	v23 =	vmul.f32 v23, v19;
	v19 =	vmul.f32 v47, v19;
	v32 =	vld.idx.msk [tilespmem:v11+s30+$0x0], $0xffff  }
0x87: {  	v12 =	vor.u32 $0x9, v7;
	v21 =	vmul.f32 v21, v22;
	v22 =	vmul.f32 v46, v22;
	v46 =	vld.idx.msk [tilespmem:v56+s25+$0x0], $0xffff  }
0x88: {  	v14 =	vor.u32 $0xA, v9;
	v58 =	vadd.f32 v19, v63;
	v19 =	vld.idx.msk [tilespmem:v62+s25+$0x0], $0xffff  }
0x89: {  	v61 =	vor.u32 $0x7, v8;
	v63 =	vld.idx.msk [tilespmem:v54+s28+$0x0], $0xffff  }
0x8a: {  	v6 =	vor.u32 $0xE, v7;
	v54 =	vmul.f32 v55, v25;
	v55 =	vld.idx.msk [tilespmem:v57+s28+$0x0], $0xffff  }
0x8b: {  	v13 =	vor.u32 $0x8, v9;
	v30 =	vld.idx.msk [tilespmem:v5+s30+$0x0], $0xffff  }
0x8c: {  	v11 =	vor.u32 $0x9, v9;
	v42 =	vmul.f32 v42, v20;
	v20 =	vmul.f32 v60, v20;
	v39 =	vld.idx.msk [tilespmem:v12+s25+$0x0], $0xffff  }
0x8d: {  	v60 =	vor.u32 $0x11, v7;
	v41 =	vld.idx.msk [tilespmem:v14+s30+$0x0], $0xffff  }
0x8e: {  	v52 =	vor.u32 $0x8, v8;
	v20 =	vadd.f32 v20, v58;
	v58 =	vmul.f32 v59, v27;
	v59 =	vld.idx.msk [tilespmem:v61+s28+$0x0], $0xffff  }
0x8f: {  	v23 =	vadd.f32 v23, v53;
	v62 =	vor.u32 $0x10, v7;
	v17 =	vld.idx.msk [tilespmem:v6+s25+$0x0], $0xffff  }
0x90: {  	v57 =	vor.u32 $0xA, v8;
	v34 =	vld.idx.msk [tilespmem:v13+s30+$0x0], $0xffff  }
0x91: {  	v56 =	vor.u32 $0x9, v8;
	v23 =	vadd.f32 v42, v23;
	v37 =	vld.idx.msk [tilespmem:v11+s30+$0x0], $0xffff  }
0x92: {  	v5 =	vor.u32 $0x1D, v8;
	v47 =	vld.idx.msk [tilespmem:v60+s25+$0x0], $0xffff  }
0x93: {  	v12 =	vor.u32 $0x19, v7;
	v21 =	vadd.f32 v21, v23;
	v23 =	vld.idx.msk [tilespmem:v52+s28+$0x0], $0xffff  }
0x94: {  	v24 =	vmul.f32 v24, v25;
	v14 =	vor.u32 $0xD, v7;
	v42 =	vld.idx.msk [tilespmem:v62+s25+$0x0], $0xffff  }
0x95: {  	v43 =	vor.u32 $0x17, v7;
	v28 =	vmul.f32 v28, v29;
	v62 =	vmul.f32 v63, v29;
	v29 =	vld.idx.msk [tilespmem:v57+s28+$0x0], $0xffff  }
0x96: {  	v53 =	vor.u32 $0xF, v7;
	v21 =	vadd.f32 v24, v21;
	v24 =	vld.idx.msk [tilespmem:v56+s28+$0x0], $0xffff  }
0x97: {  	v61 =	vor.u32 $0xB, v8;
	v5 =	vld.idx.msk [tilespmem:v5+s28+$0x0], $0xffff  }
0x98: {  	v48 =	vor.u32 $0xC, v9;
	v20 =	vadd.f32 v22, v20;
	v26 =	vmul.f32 v26, v27;
	v12 =	vld.idx.msk [tilespmem:v12+s25+$0x0], $0xffff  }
0x99: {  	v6 =	vor.u32 $0x1C, v8;
	v45 =	vld.idx.msk [tilespmem:v14+s25+$0x0], $0xffff  }
0x9a: {  	v13 =	vor.u32 $0x1A, v7;
	v20 =	vadd.f32 v54, v20;
	v14 =	vld.idx.msk [tilespmem:v43+s25+$0x0], $0xffff;
	v21 =	vadd.f32 v26, v21  }
0x9b: {  	v50 =	vor.u32 $0xC, v8;
	v60 =	vor.u32 $0xB, v9;
	v63 =	vmul.f32 v30, v31;
	v30 =	vld.idx.msk [tilespmem:v53+s25+$0x0], $0xffff  }
0x9c: {  	v52 =	vmul.f32 v32, v33;
	v20 =	vadd.f32 v58, v20;
	v57 =	vld.idx.msk [tilespmem:v61+s28+$0x0], $0xffff;
	v21 =	vadd.f32 v28, v21  }
0x9d: {  	v51 =	vmul.f32 v55, v31;
	v54 =	vor.u32 $0xD, v8;
	v53 =	vor.u32 $0xD, v9;
	v61 =	vld.idx.msk [tilespmem:v48+s30+$0x0], $0xffff  }
0x9e: {  	v55 =	vmul.f32 v59, v33;
	v6 =	vld.idx.msk [tilespmem:v6+s28+$0x0], $0xffff;
	v20 =	vadd.f32 v62, v20;
	v21 =	vadd.f32 v63, v21  }
0x9f: {  	v58 =	vor.u32 $0xE, v9;
	v59 =	vor.u32 $0xE, v8;
	v43 =	vor.u32 $0xF, v9;
	v11 =	vld.idx.msk [tilespmem:v13+s25+$0x0], $0xffff  }
0xa0: {  	v26 =	vld.idx.msk [tilespmem:v60+s30+$0x0], $0xffff;
	v56 =	vmul.f32 v34, v35;
	v20 =	vadd.f32 v51, v20;
	v21 =	vadd.f32 v52, v21  }
0xa1: {  	v13 =	vor.u32 $0x18, v7;
	v60 =	vmul.f32 v23, v35;
	v62 =	vmul.f32 v37, v39;
	v63 =	vld.idx.msk [tilespmem:v50+s28+$0x0], $0xffff  }
0xa2: {  	v29 =	vmul.f32 v29, v36;
	v51 =	vld.idx.msk [tilespmem:v54+s28+$0x0], $0xffff;
	v20 =	vadd.f32 v55, v20;
	v21 =	vadd.f32 v56, v21  }
0xa3: {  	v44 =	vor.u32 $0xF, v8;
	v48 =	vmul.f32 v24, v39;
	v50 =	vmul.f32 v41, v36;
	v49 =	vld.idx.msk [tilespmem:v53+s30+$0x0], $0xffff  }
0xa4: {  	v53 =	vor.u32 $0x10, v8;
	v54 =	vld.idx.msk [tilespmem:v58+s30+$0x0], $0xffff;
	v20 =	vadd.f32 v60, v20;
	v21 =	vadd.f32 v62, v21  }
0xa5: {  	v25 =	vmul.f32 v57, v38;
	v57 =	vor.u32 $0x11, v8;
	v58 =	vld.idx.msk [tilespmem:v43+s30+$0x0], $0xffff;
	v52 =	vor.u32 $0x10, v9  }
0xa6: {  	v13 =	vld.idx.msk [tilespmem:v13+s25+$0x0], $0xffff;
	v26 =	vmul.f32 v26, v38;
	v20 =	vadd.f32 v48, v20;
	v21 =	vadd.f32 v50, v21  }
0xa7: {  	v23 =	vmul.f32 v61, v40;
	v61 =	vor.u32 $0x12, v8;
	v43 =	vor.u32 $0x13, v8;
	v55 =	vld.idx.msk [tilespmem:v59+s28+$0x0], $0xffff  }
0xa8: {  	v59 =	vld.idx.msk [tilespmem:v44+s28+$0x0], $0xffff;
	v56 =	vor.u32 $0x11, v9;
	v20 =	vadd.f32 v29, v20;
	v21 =	vadd.f32 v26, v21  }
0xa9: {  	v60 =	vor.u32 $0x12, v9;
	v27 =	vmul.f32 v63, v40;
	v28 =	vmul.f32 v51, v45;
	v40 =	vld.idx.msk [tilespmem:v53+s28+$0x0], $0xffff  }
0xaa: {  	v63 =	vmul.f32 v49, v45;
	v45 =	vld.idx.msk [tilespmem:v57+s28+$0x0], $0xffff;
	v20 =	vadd.f32 v25, v20;
	v21 =	vadd.f32 v23, v21  }
0xab: {  	v41 =	vor.u32 $0x13, v9;
	v49 =	vor.u32 $0x15, v9;
	v62 =	vld.idx.msk [tilespmem:v52+s30+$0x0], $0xffff  }
0xac: {  	v22 =	vmul.f32 v54, v17;
	v52 =	vld.idx.msk [tilespmem:v61+s28+$0x0], $0xffff;
	v20 =	vadd.f32 v27, v20;
	v21 =	vadd.f32 v63, v21  }
0xad: {  	v48 =	vor.u32 $0x14, v9;
	v51 =	vmul.f32 v58, v30;
	v53 =	vor.u32 $0x14, v8;
	v44 =	vld.idx.msk [tilespmem:v56+s30+$0x0], $0xffff  }
0xae: {  	v17 =	vmul.f32 v55, v17;
	v50 =	vld.idx.msk [tilespmem:v60+s30+$0x0], $0xffff;
	v20 =	vadd.f32 v28, v20;
	v21 =	vadd.f32 v22, v21  }
0xaf: {  	v54 =	vor.u32 $0x16, v9;
	v58 =	vor.u32 $0x17, v9;
	v56 =	vld.idx.msk [tilespmem:v43+s28+$0x0], $0xffff;
	v26 =	vmul.f32 v59, v30  }
0xb0: {  	v61 =	vld.idx.msk [tilespmem:v49+s30+$0x0], $0xffff;
	v55 =	vmul.f32 v62, v42;
	v17 =	vadd.f32 v17, v20;
	v21 =	vadd.f32 v51, v21  }
0xb1: {  	v57 =	vor.u32 $0x15, v8;
	v24 =	vmul.f32 v40, v42;
	v49 =	vor.u32 $0x1B, v8;
	v20 =	vld.idx.msk [tilespmem:v41+s30+$0x0], $0xffff  }
0xb2: {  	v59 =	vld.idx.msk [tilespmem:v48+s30+$0x0], $0xffff;
	v60 =	vmul.f32 v44, v47;
	v17 =	vadd.f32 v26, v17;
	v21 =	vadd.f32 v55, v21  }
0xb3: {  	v36 =	vld.idx.msk [tilespmem:v53+s28+$0x0], $0xffff;
	v40 =	vor.u32 $0x19, v9;
	v62 =	vor.u32 $0x16, v8;
	v23 =	vmul.f32 v45, v47  }
0xb4: {  	v38 =	vld.idx.msk [tilespmem:v54+s30+$0x0], $0xffff;
	v37 =	vmul.f32 v50, v46;
	v17 =	vadd.f32 v24, v17;
	v21 =	vadd.f32 v60, v21  }
0xb5: {  	v39 =	vor.u32 $0x17, v8;
	v29 =	vmul.f32 v52, v46;
	v42 =	vld.idx.msk [tilespmem:v58+s30+$0x0], $0xffff;
	v63 =	vor.u32 $0x18, v9  }
0xb6: {  	v41 =	vld.idx.msk [tilespmem:v57+s28+$0x0], $0xffff;
	v20 =	vmul.f32 v20, v19;
	v17 =	vadd.f32 v23, v17;
	v21 =	vadd.f32 v37, v21  }
0xb7: {  	v43 =	vor.u32 $0x18, v8;
	v44 =	vor.u32 $0x1A, v9;
	v46 =	vmul.f32 v59, v18;
	v58 =	vld.idx.msk [tilespmem:v49+s28+$0x0], $0xffff  }
0xb8: {  	v45 =	vld.idx.msk [tilespmem:v62+s28+$0x0], $0xffff;
	v19 =	vmul.f32 v56, v19;
	v17 =	vadd.f32 v29, v17;
	v20 =	vadd.f32 v20, v21  }
0xb9: {  	v48 =	vor.u32 $0x19, v8;
	v52 =	vor.u32 $0x1A, v8;
	v18 =	vmul.f32 v36, v18;
	v51 =	vld.idx.msk [tilespmem:v40+s30+$0x0], $0xffff  }
0xba: {  	v50 =	vmul.f32 v61, v16;
	v17 =	vadd.f32 v19, v17;
	v19 =	vld.idx.msk [tilespmem:v39+s28+$0x0], $0xffff;
	v20 =	vadd.f32 v46, v20  }
0xbb: {  	v53 =	vor.u32 $0x1B, v7;
	v54 =	vmul.f32 v38, v15;
	v59 =	vor.u32 $0x1C, v9;
	v47 =	vld.idx.msk [tilespmem:v63+s30+$0x0], $0xffff  }
0xbc: {  	v16 =	vmul.f32 v41, v16;
	v17 =	vadd.f32 v18, v17;
	v18 =	vld.idx.msk [tilespmem:v43+s28+$0x0], $0xffff;
	v20 =	vadd.f32 v50, v20  }
0xbd: {  	v57 =	vor.u32 $0x1C, v7;
	v22 =	vmul.f32 v42, v14;
	v55 =	vld.idx.msk [tilespmem:v44+s30+$0x0], $0xffff;
	v56 =	vor.u32 $0x1B, v9  }
0xbe: {  	v15 =	vmul.f32 v45, v15;
	v16 =	vadd.f32 v16, v17;
	v17 =	vld.idx.msk [tilespmem:v48+s28+$0x0], $0xffff;
	v20 =	vadd.f32 v54, v20  }
0xbf: {  	v62 =	vor.u32 $0x1E, v7;
	v60 =	vor.u32 $0x1D, v7;
	v14 =	vmul.f32 v19, v14;
	v19 =	vld.idx.msk [tilespmem:v52+s28+$0x0], $0xffff  }
0xc0: {  	v26 =	vmul.f32 v47, v13;
	v16 =	vadd.f32 v15, v16;
	v15 =	vld.idx.msk [tilespmem:v53+s25+$0x0], $0xffff;
	v20 =	vadd.f32 v22, v20  }
0xc1: {  	v61 =	vor.u32 $0x1D, v9;
	v9 =	vmul.f32 v18, v13;
	v13 =	vld.idx.msk [tilespmem:v59+s30+$0x0], $0xffff  }
0xc2: {  	v18 =	vmul.f32 v51, v12;
	v7 =	vadd.f32 v14, v16;
	v16 =	vld.idx.msk [tilespmem:v56+s30+$0x0], $0xffff;
	v20 =	vadd.f32 v26, v20  }
0xc3: {  	v14 =	vld.idx.msk [tilespmem:v57+s25+$0x0], $0xffff;
	v12 =	vmul.f32 v17, v12;
	v17 =	vor.u32 $0x1F, v8  }
0xc4: {  	v24 =	vmul.f32 v55, v11;
	v8 =	vld.idx.msk [tilespmem:v62+s25+$0x0], $0xffff;
	v63 =	vadd.f32 v9, v7;
	v20 =	vadd.f32 v18, v20  }
0xc5: {  	v9 =	vld.idx.msk [tilespmem:v60+s25+$0x0], $0xffff;
	v7 =	vmul.f32 v10, v3;
	v19 =	vmul.f32 v19, v11  }
0xc6: {  	s26 =	simm.s32 $0x40;
	v10 =	vld.idx.msk [tilespmem:v61+s30+$0x0], $0xffff;
	v18 =	vadd.f32 v12, v63;
	v12 =	vmul.f32 v58, v15;
	v11 =	vadd.f32 v24, v20  }
.LBB2_4:
0xc7: {  	s31 =	smov.u32 s26  }
0xc8: {  	s29 =	sshra.s32 s26, $0x2;
	v18 =	vadd.f32 v19, v18;
	v15 =	vmul.f32 v16, v15;
	v16 =	vld.idx.msk [tilespmem:v17+s28+$0x0], $0xffff;
	s24 =	sadd.s32 $0x10, s24;
	s31 =	sadd.s32 $0x40, s26  }
0xc9: {  	p0 =	sne.s32 s26, $0x1C0;
	v6 =	vmul.f32 v6, v14;
	v17 =	vld [tilespmem:s29+$0x0]  }
0xca: {  	v13 =	vmul.f32 v13, v14;
	v12 =	vadd.f32 v12, v18;
	v11 =	vadd.f32 v15, v11;
	v19 =	vld [tilespmem:s29+$0x200]  }
0xcb: {  	v5 =	vmul.f32 v5, v9;
	v14 =	vld [tilespmem:s29+$0x400]  }
0xcc: {  	v9 =	vmul.f32 v10, v9;
	v6 =	vadd.f32 v6, v12;
	v11 =	vadd.f32 v13, v11;
	v15 =	vld [tilespmem:s29+$0x18C00]  }
0xcd: {  	v10 =	vmov s24;
	v2 =	vmul.f32 v2, v8;
	v4 =	vmul.f32 v4, v8;
	v12 =	vld [tilespmem:s29+$0x18E00]  }
0xce: {  	v8 =	vshll.u32 v10, $0x7;
	v3 =	vmul.f32 v16, v3;
	v10 =	vshll.u32 v17, $0x5;
	v13 =	vld [tilespmem:s29+$0x19000]  }
0xcf: {  	v9 =	vadd.f32 v9, v11;
	v10 =	vand.u32 $0x60, v10;
	v16 =	vshll.u32 v19, $0x5  }
0xd0: {  	v5 =	vadd.f32 v5, v6;
	v11 =	vshll.u32 v14, $0x5;
	v14 =	vor.u32 v0, v8  }
0xd1: {  	v4 =	vadd.f32 v4, v9;
	v6 =	vand.u32 $0x60, v11;
	v11 =	vor.u32 v14, v10  }
0xd2: {  	v9 =	vand.u32 $0x60, v16;
	v16 =	vor.u32 $0xE, v11;
	v8 =	vor.u32 $0x1E, v11  }
0xd3: {  	v2 =	vadd.f32 v2, v5;
	v17 =	vadd.f32 v15, v1;
	v10 =	vor.u32 v14, v6  }
0xd4: {  	v9 =	vor.u32 v14, v9;
	v15 =	vor.u32 $0x1, v10;
	v5 =	vor.u32 $0x1E, v10  }
0xd5: {  	v2 =	vadd.f32 v3, v2;
	v3 =	vadd.f32 v7, v4;
	v6 =	vor.u32 $0x1, v11  }
0xd6: {  	v7 =	vor.u32 $0x1E, v9;
	v19 =	vadd.f32 v12, v17;
	v4 =	vadd.f32 v13, v17  }
0xd7: {  	v12 =	vor.u32 $0x2, v10;
	[tilespmem:s23+$0x19200] =	vst v2  }
0xd8: {  	v13 =	vor.u32 $0x2, v11;
	[tilespmem:s23+$0x19400] =	vst v3;
	s23 =	smov.u32 s29  }
0xd9: {  	v17 =	vld.idx.msk [tilespmem:v11+s25+$0x0], $0xffff  }
0xda: {  	v3 =	vor.u32 $0x3, v10;
	v20 =	vld.idx.msk [tilespmem:v6+s25+$0x0], $0xffff  }
0xdb: {  	v6 =	vor.u32 $0x3, v11;
	v2 =	vld.idx.msk [tilespmem:v7+s28+$0x0], $0xffff  }
0xdc: {  	v7 =	vld.idx.msk [tilespmem:v12+s30+$0x0], $0xffff;
	v12 =	vor.u32 $0x1F, v11  }
0xdd: {  	v22 =	vld.idx.msk [tilespmem:v13+s25+$0x0], $0xffff;
	v13 =	vor.u32 $0x4, v10  }
0xde: {  	v18 =	vor.u32 $0x4, v11;
	v14 =	vld.idx.msk [tilespmem:v10+s30+$0x0], $0xffff  }
0xdf: {  	v25 =	vor.u32 $0x1F, v10;
	v21 =	vld.idx.msk [tilespmem:v3+s30+$0x0], $0xffff  }
0xe0: {  	v23 =	vld.idx.msk [tilespmem:v6+s25+$0x0], $0xffff;
	v6 =	vor.u32 $0x5, v10  }
0xe1: {  	v26 =	vor.u32 $0x5, v11;
	v3 =	vld.idx.msk [tilespmem:v12+s25+$0x0], $0xffff  }
0xe2: {  	v12 =	vld.idx.msk [tilespmem:v13+s30+$0x0], $0xffff  }
0xe3: {  	v32 =	vmul.f32 v7, v22;
	v7 =	vor.u32 $0x6, v10;
	v24 =	vld.idx.msk [tilespmem:v18+s25+$0x0], $0xffff  }
0xe4: {  	v13 =	vmul.f32 v14, v17;
	v14 =	vor.u32 $0x6, v11;
	v25 =	vld.idx.msk [tilespmem:v25+s30+$0x0], $0xffff  }
0xe5: {  	v6 =	vld.idx.msk [tilespmem:v6+s30+$0x0], $0xffff  }
0xe6: {  	v33 =	vadd.f32 v13, v4;
	v34 =	vmul.f32 v21, v23;
	v13 =	vor.u32 $0x7, v10;
	v26 =	vld.idx.msk [tilespmem:v26+s25+$0x0], $0xffff  }
0xe7: {  	v21 =	vor.u32 $0x7, v11;
	v4 =	vld.idx.msk [tilespmem:v5+s30+$0x0], $0xffff  }
0xe8: {  	v5 =	vor.u32 $0x1D, v9;
	v29 =	vld.idx.msk [tilespmem:v7+s30+$0x0], $0xffff  }
0xe9: {  	v35 =	vmul.f32 v12, v24;
	v12 =	vor.u32 $0x8, v10;
	v27 =	vld.idx.msk [tilespmem:v14+s25+$0x0], $0xffff  }
0xea: {  	v14 =	vor.u32 $0x8, v11;
	v7 =	vmul.f32 v25, v3;
	v18 =	vld.idx.msk [tilespmem:v16+s25+$0x0], $0xffff  }
0xeb: {  	v16 =	vor.u32 $0x1C, v9;
	v13 =	vld.idx.msk [tilespmem:v13+s30+$0x0], $0xffff  }
0xec: {  	v36 =	vmul.f32 v6, v26;
	v28 =	vld.idx.msk [tilespmem:v21+s25+$0x0], $0xffff;
	v21 =	vor.u32 $0x9, v10  }
0xed: {  	v25 =	vor.u32 $0x9, v11;
	v5 =	vld.idx.msk [tilespmem:v5+s28+$0x0], $0xffff  }
0xee: {  	v30 =	vld.idx.msk [tilespmem:v12+s30+$0x0], $0xffff;
	v12 =	vor.u32 $0x1A, v11  }
0xef: {  	v37 =	vmul.f32 v29, v27;
	v29 =	vld.idx.msk [tilespmem:v14+s25+$0x0], $0xffff;
	v14 =	vor.u32 $0xA, v10  }
0xf0: {  	v38 =	vor.u32 $0xA, v11;
	v6 =	vld.idx.msk [tilespmem:v16+s28+$0x0], $0xffff  }
0xf1: {  	v16 =	vld.idx.msk [tilespmem:v21+s30+$0x0], $0xffff;
	v21 =	vor.u32 $0xB, v11  }
0xf2: {  	v39 =	vmul.f32 v13, v28;
	v13 =	vor.u32 $0x19, v11;
	v31 =	vld.idx.msk [tilespmem:v25+s25+$0x0], $0xffff  }
0xf3: {  	v25 =	vor.u32 $0xC, v11;
	v12 =	vld.idx.msk [tilespmem:v12+s25+$0x0], $0xffff  }
0xf4: {  	v40 =	vld.idx.msk [tilespmem:v14+s30+$0x0], $0xffff;
	v14 =	vor.u32 $0x18, v11  }
0xf5: {  	v42 =	vor.u32 $0xD, v11;
	v41 =	vmul.f32 v30, v29;
	v38 =	vld.idx.msk [tilespmem:v38+s25+$0x0], $0xffff  }
0xf6: {  	v30 =	vld.idx.msk [tilespmem:v21+s25+$0x0], $0xffff  }
0xf7: {  	v13 =	vld.idx.msk [tilespmem:v13+s25+$0x0], $0xffff  }
0xf8: {  	v43 =	vmul.f32 v16, v31;
	v16 =	vor.u32 $0x17, v11;
	v25 =	vld.idx.msk [tilespmem:v25+s25+$0x0], $0xffff  }
0xf9: {  	v44 =	vor.u32 $0x1, v9;
	v14 =	vld.idx.msk [tilespmem:v14+s25+$0x0], $0xffff  }
0xfa: {  	v21 =	vld.idx.msk [tilespmem:v42+s25+$0x0], $0xffff;
	v42 =	vor.u32 $0x16, v11  }
0xfb: {  	v46 =	vor.u32 $0x2, v9;
	v40 =	vmul.f32 v40, v38;
	v45 =	vld.idx.msk [tilespmem:v9+s28+$0x0], $0xffff  }
0xfc: {  	v48 =	vor.u32 $0x15, v11;
	v47 =	vld.idx.msk [tilespmem:v15+s30+$0x0], $0xffff  }
0xfd: {  	v49 =	vor.u32 $0x3, v9;
	v15 =	vld.idx.msk [tilespmem:v16+s25+$0x0], $0xffff  }
0xfe: {  	v50 =	vor.u32 $0x14, v11;
	v44 =	vld.idx.msk [tilespmem:v44+s28+$0x0], $0xffff  }
0xff: {  	v51 =	vor.u32 $0x4, v9;
	v16 =	vld.idx.msk [tilespmem:v42+s25+$0x0], $0xffff  }
0x100: {  	v42 =	vld.idx.msk [tilespmem:v46+s28+$0x0], $0xffff;
	v46 =	vor.u32 $0x13, v11  }
0x101: {  	v52 =	vor.u32 $0x5, v9;
	v45 =	vmul.f32 v45, v17;
	v17 =	vld.idx.msk [tilespmem:v48+s25+$0x0], $0xffff  }
0x102: {  	v47 =	vmul.f32 v47, v20;
	v48 =	vld.idx.msk [tilespmem:v49+s28+$0x0], $0xffff;
	v49 =	vor.u32 $0x12, v11  }
0x103: {  	v53 =	vor.u32 $0x6, v9;
	v45 =	vadd.f32 v45, v19;
	v19 =	vld.idx.msk [tilespmem:v50+s25+$0x0], $0xffff  }
0x104: {  	v44 =	vmul.f32 v44, v20;
	v33 =	vadd.f32 v47, v33;
	v50 =	vor.u32 $0x11, v11;
	v47 =	vld.idx.msk [tilespmem:v51+s28+$0x0], $0xffff  }
0x105: {  	v54 =	vor.u32 $0x10, v11;
	v51 =	vor.u32 $0x7, v9;
	v20 =	vld.idx.msk [tilespmem:v46+s25+$0x0], $0xffff  }
0x106: {  	v44 =	vadd.f32 v44, v45;
	v42 =	vmul.f32 v42, v22;
	v32 =	vadd.f32 v32, v33;
	v33 =	vld.idx.msk [tilespmem:v52+s28+$0x0], $0xffff  }
0x107: {  	v45 =	vor.u32 $0x8, v9;
	v46 =	vor.u32 $0xF, v11;
	v22 =	vld.idx.msk [tilespmem:v49+s25+$0x0], $0xffff  }
0x108: {  	v42 =	vadd.f32 v42, v44;
	v23 =	vmul.f32 v48, v23;
	v32 =	vadd.f32 v34, v32;
	v34 =	vld.idx.msk [tilespmem:v53+s28+$0x0], $0xffff  }
0x109: {  	v44 =	vor.u32 $0x9, v9;
	v48 =	vor.u32 $0xA, v9;
	v49 =	vld.idx.msk [tilespmem:v50+s25+$0x0], $0xffff  }
0x10a: {  	v23 =	vadd.f32 v23, v42;
	v24 =	vmul.f32 v47, v24;
	v32 =	vadd.f32 v35, v32;
	v35 =	vld.idx.msk [tilespmem:v51+s28+$0x0], $0xffff  }
0x10b: {  	v42 =	vor.u32 $0xB, v9;
	v47 =	vor.u32 $0xB, v10;
	v50 =	vld.idx.msk [tilespmem:v54+s25+$0x0], $0xffff  }
0x10c: {  	v23 =	vadd.f32 v24, v23;
	v24 =	vmul.f32 v33, v26;
	v26 =	vadd.f32 v36, v32;
	v32 =	vld.idx.msk [tilespmem:v45+s28+$0x0], $0xffff  }
0x10d: {  	v33 =	vor.u32 $0xC, v9;
	v36 =	vor.u32 $0xC, v10;
	v45 =	vld.idx.msk [tilespmem:v46+s25+$0x0], $0xffff  }
0x10e: {  	v23 =	vadd.f32 v24, v23;
	v24 =	vmul.f32 v34, v27;
	v26 =	vadd.f32 v37, v26;
	v27 =	vld.idx.msk [tilespmem:v44+s28+$0x0], $0xffff  }
0x10f: {  	v37 =	vor.u32 $0xD, v9;
	v44 =	vor.u32 $0xD, v10;
	v34 =	vld.idx.msk [tilespmem:v48+s28+$0x0], $0xffff  }
0x110: {  	v23 =	vadd.f32 v24, v23;
	v24 =	vmul.f32 v35, v28;
	v26 =	vadd.f32 v39, v26;
	v28 =	vld.idx.msk [tilespmem:v47+s30+$0x0], $0xffff  }
0x111: {  	v39 =	vor.u32 $0xE, v9;
	v35 =	vld.idx.msk [tilespmem:v42+s28+$0x0], $0xffff;
	v42 =	vor.u32 $0xE, v10  }
0x112: {  	v23 =	vadd.f32 v24, v23;
	v24 =	vmul.f32 v32, v29;
	v26 =	vadd.f32 v41, v26;
	v29 =	vld.idx.msk [tilespmem:v36+s30+$0x0], $0xffff  }
0x113: {  	v36 =	vor.u32 $0xF, v10;
	v32 =	vld.idx.msk [tilespmem:v33+s28+$0x0], $0xffff;
	v33 =	vor.u32 $0xF, v9  }
0x114: {  	v23 =	vadd.f32 v24, v23;
	v24 =	vmul.f32 v27, v31;
	v26 =	vadd.f32 v43, v26;
	v27 =	vld.idx.msk [tilespmem:v44+s30+$0x0], $0xffff  }
0x115: {  	v31 =	vmul.f32 v34, v38;
	v38 =	vor.u32 $0x10, v10;
	v34 =	vld.idx.msk [tilespmem:v37+s28+$0x0], $0xffff;
	v37 =	vor.u32 $0x10, v9  }
0x116: {  	v23 =	vadd.f32 v24, v23;
	v24 =	vadd.f32 v40, v26;
	v26 =	vmul.f32 v28, v30;
	v28 =	vld.idx.msk [tilespmem:v42+s30+$0x0], $0xffff  }
0x117: {  	v40 =	vor.u32 $0x11, v10;
	v30 =	vmul.f32 v35, v30;
	v35 =	vld.idx.msk [tilespmem:v39+s28+$0x0], $0xffff;
	v39 =	vor.u32 $0x11, v9  }
0x118: {  	v23 =	vadd.f32 v31, v23;
	v24 =	vadd.f32 v26, v24;
	v26 =	vmul.f32 v29, v25;
	v29 =	vld.idx.msk [tilespmem:v36+s30+$0x0], $0xffff  }
0x119: {  	v25 =	vmul.f32 v32, v25;
	v32 =	vor.u32 $0x12, v9;
	v31 =	vld.idx.msk [tilespmem:v33+s28+$0x0], $0xffff;
	v33 =	vor.u32 $0x12, v10  }
0x11a: {  	v23 =	vadd.f32 v30, v23;
	v24 =	vadd.f32 v26, v24;
	v26 =	vmul.f32 v27, v21;
	v27 =	vld.idx.msk [tilespmem:v38+s30+$0x0], $0xffff  }
0x11b: {  	v36 =	vor.u32 $0x13, v10;
	v21 =	vmul.f32 v34, v21;
	v34 =	vor.u32 $0x13, v9;
	v30 =	vld.idx.msk [tilespmem:v37+s28+$0x0], $0xffff  }
0x11c: {  	v23 =	vadd.f32 v25, v23;
	v24 =	vadd.f32 v26, v24;
	v25 =	vmul.f32 v28, v18;
	v26 =	vld.idx.msk [tilespmem:v40+s30+$0x0], $0xffff  }
0x11d: {  	v37 =	vor.u32 $0x15, v10;
	v18 =	vmul.f32 v35, v18;
	v35 =	vor.u32 $0x14, v10;
	v28 =	vld.idx.msk [tilespmem:v39+s28+$0x0], $0xffff  }
0x11e: {  	v21 =	vadd.f32 v21, v23;
	v23 =	vadd.f32 v25, v24;
	v24 =	vmul.f32 v29, v45;
	v25 =	vld.idx.msk [tilespmem:v33+s30+$0x0], $0xffff  }
0x11f: {  	v29 =	vmul.f32 v31, v45;
	v33 =	vor.u32 $0x16, v10;
	v31 =	vld.idx.msk [tilespmem:v32+s28+$0x0], $0xffff;
	v32 =	vor.u32 $0x14, v9  }
0x120: {  	v18 =	vadd.f32 v18, v21;
	v21 =	vadd.f32 v24, v23;
	v23 =	vmul.f32 v27, v50;
	v24 =	vld.idx.msk [tilespmem:v36+s30+$0x0], $0xffff  }
0x121: {  	v27 =	vmul.f32 v30, v50;
	v36 =	vor.u32 $0x17, v10;
	v30 =	vld.idx.msk [tilespmem:v34+s28+$0x0], $0xffff;
	v34 =	vor.u32 $0x15, v9  }
0x122: {  	v18 =	vadd.f32 v29, v18;
	v21 =	vadd.f32 v23, v21;
	v23 =	vmul.f32 v26, v49;
	v26 =	vld.idx.msk [tilespmem:v35+s30+$0x0], $0xffff  }
0x123: {  	v28 =	vmul.f32 v28, v49;
	v35 =	vor.u32 $0x16, v9;
	v29 =	vld.idx.msk [tilespmem:v37+s30+$0x0], $0xffff;
	v37 =	vor.u32 $0x18, v10  }
0x124: {  	v18 =	vadd.f32 v27, v18;
	v21 =	vadd.f32 v23, v21;
	v23 =	vmul.f32 v25, v22;
	v25 =	vld.idx.msk [tilespmem:v32+s28+$0x0], $0xffff  }
0x125: {  	v22 =	vmul.f32 v31, v22;
	v31 =	vor.u32 $0x17, v9;
	v32 =	vor.u32 $0x19, v10;
	v27 =	vld.idx.msk [tilespmem:v33+s30+$0x0], $0xffff  }
0x126: {  	v18 =	vadd.f32 v28, v18;
	v21 =	vadd.f32 v23, v21;
	v23 =	vmul.f32 v24, v20;
	v24 =	vld.idx.msk [tilespmem:v34+s28+$0x0], $0xffff  }
0x127: {  	v33 =	vor.u32 $0x1A, v10;
	v20 =	vmul.f32 v30, v20;
	v30 =	vor.u32 $0x18, v9;
	v28 =	vld.idx.msk [tilespmem:v36+s30+$0x0], $0xffff  }
0x128: {  	v18 =	vadd.f32 v22, v18;
	v21 =	vadd.f32 v23, v21;
	v22 =	vmul.f32 v26, v19;
	v23 =	vld.idx.msk [tilespmem:v35+s28+$0x0], $0xffff  }
0x129: {  	v34 =	vor.u32 $0x19, v9;
	v26 =	vmul.f32 v29, v17;
	v35 =	vor.u32 $0x1B, v9;
	v29 =	vld.idx.msk [tilespmem:v37+s30+$0x0], $0xffff  }
0x12a: {  	v18 =	vadd.f32 v20, v18;
	v19 =	vmul.f32 v25, v19;
	v20 =	vadd.f32 v22, v21;
	v21 =	vld.idx.msk [tilespmem:v31+s28+$0x0], $0xffff  }
0x12b: {  	v22 =	vmul.f32 v27, v16;
	v27 =	vor.u32 $0x1A, v9;
	v31 =	vor.u32 $0x1B, v11;
	v25 =	vld.idx.msk [tilespmem:v32+s30+$0x0], $0xffff  }
0x12c: {  	v18 =	vadd.f32 v19, v18;
	v17 =	vmul.f32 v24, v17;
	v19 =	vadd.f32 v26, v20;
	v20 =	vld.idx.msk [tilespmem:v30+s28+$0x0], $0xffff  }
0x12d: {  	v24 =	vmul.f32 v28, v15;
	v28 =	vor.u32 $0x1B, v10;
	v30 =	vor.u32 $0x1C, v11;
	v26 =	vld.idx.msk [tilespmem:v33+s30+$0x0], $0xffff  }
0x12e: {  	v17 =	vadd.f32 v17, v18;
	v16 =	vmul.f32 v23, v16;
	v18 =	vadd.f32 v22, v19;
	v19 =	vld.idx.msk [tilespmem:v34+s28+$0x0], $0xffff  }
0x12f: {  	v11 =	vor.u32 $0x1D, v11;
	v22 =	vmul.f32 v29, v14;
	v29 =	vor.u32 $0x1C, v10;
	v23 =	vld.idx.msk [tilespmem:v35+s28+$0x0], $0xffff  }
0x130: {  	v16 =	vadd.f32 v16, v17;
	v17 =	vmul.f32 v21, v15;
	v18 =	vadd.f32 v24, v18;
	v21 =	vld.idx.msk [tilespmem:v27+s28+$0x0], $0xffff  }
0x131: {  	v10 =	vor.u32 $0x1D, v10;
	v24 =	vmul.f32 v25, v13;
	v15 =	vld.idx.msk [tilespmem:v31+s25+$0x0], $0xffff  }
0x132: {  	v25 =	vadd.f32 v17, v16;
	v20 =	vmul.f32 v20, v14;
	v18 =	vadd.f32 v22, v18;
	v16 =	vld.idx.msk [tilespmem:v28+s30+$0x0], $0xffff  }
.Ltmp1:
0x133: {  	v17 =	vor.u32 $0x1F, v9;
	v22 =	vmul.f32 v26, v12;
	v14 =	vld.idx.msk [tilespmem:v30+s25+$0x0], $0xffff;
	(pc) =	sbr.rel @p0 .LBB2_4-.Ltmp1, $4  }
0x134: {  	v20 =	vadd.f32 v20, v25;
	v19 =	vmul.f32 v19, v13;
	v24 =	vadd.f32 v24, v18;
	v13 =	vld.idx.msk [tilespmem:v29+s30+$0x0], $0xffff  }
0x135: {  	v9 =	vld.idx.msk [tilespmem:v11+s25+$0x0], $0xffff  }
0x136: {  	v18 =	vadd.f32 v19, v20;
	v19 =	vmul.f32 v21, v12;
	v11 =	vadd.f32 v22, v24;
	v10 =	vld.idx.msk [tilespmem:v10+s30+$0x0], $0xffff  }
0x137: {  	s26 =	smov.u32 s31;
	v12 =	vmul.f32 v23, v15;
	v8 =	vld.idx.msk [tilespmem:v8+s25+$0x0], $0xffff  }
0x138: {  	_ = 	snop  }
0x139: {  	v18 =	vadd.f32 v19, v18  }
0x13a: {  	v15 =	vmul.f32 v16, v15  }
0x13b: {  	v6 =	vmul.f32 v6, v14;
	v12 =	vadd.f32 v12, v18  }
0x13c: {  	v16 =	vld.idx.msk [tilespmem:v17+s28+$0x0], $0xffff;
	v13 =	vmul.f32 v13, v14;
	v11 =	vadd.f32 v15, v11  }
0x13d: {  	v5 =	vmul.f32 v5, v9;
	v6 =	vadd.f32 v6, v12  }
0x13e: {  	v9 =	vmul.f32 v10, v9;
	v11 =	vadd.f32 v13, v11  }
0x13f: {  	v2 =	vmul.f32 v2, v8;
	v5 =	vadd.f32 v5, v6  }
0x140: {  	v4 =	vmul.f32 v4, v8;
	v6 =	vadd.f32 v9, v11  }
0x141: {  	v3 =	vmul.f32 v16, v3;
	v2 =	vadd.f32 v2, v5  }
0x142: {  	v4 =	vadd.f32 v4, v6  }
0x143: {  	v2 =	vadd.f32 v3, v2  }
0x144: {  	v3 =	vadd.f32 v7, v4  }
0x145: {  	[tilespmem:s23+$0x19200] =	vst v2  }
0x146: {  	s24 =	simm.s32 $0x700;
	[tilespmem:s23+$0x19400] =	vst v3  }
0x147: {  	[tilespmem:s25], [sflag:$0x1] =	stream.indirect.gather [hbm4b:s4+s18], $0x80, s24, s18, $0xb8;
	[tilespmem:$0x19680] =	vst v63  }
0x148: {  	s26 =	simm.s32 $0x900  }
0x149: {  	[tilespmem:s28], [sflag:$0x1] =	stream.indirect.gather [hbm4b:s5+s18], $0x80, s26, s18, $0xb8;
	[tilespmem:$0x19680] =	vst v63  }
0x14a: {  	s29 =	simm.s32 $0xB00  }
0x14b: {  	[tilespmem:s30], [sflag:$0x1] =	stream.indirect.gather [hbm4b:s5+s18], $0x80, s29, s18, $0xb8;
	[tilespmem:$0x19680] =	vst v63  }
0x14c: {  	_ =	swait.ge [sflag:s21], $0x4000  }
0x14d: {  	[sflag:s21] =	ssyncset.done $0x0  }
0x14e: {  	[sflag:s21] =	ssyncadd.s32 $0xFFFFC000  }
0x14f: {  	_ =	swait.ge [sflag:s21], $0x4000  }
0x150: {  	[sflag:s21] =	ssyncset.done $0x0  }
0x151: {  	[sflag:s21] =	ssyncadd.s32 $0xFFFFC000  }
0x152: {  	_ =	swait.ge [sflag:s21], $0x4000  }
0x153: {  	[sflag:s21] =	ssyncset.done $0x0  }
0x154: {  	s23 =	simm.s32 $0x80;
	[sflag:s21] =	ssyncadd.s32 $0xFFFFC000  }
0x155: {  	v2 =	vld [tilespmem:s23+$0x0]  }
0x156: {  	v3 =	vld [tilespmem:s23+$0x200]  }
0x157: {  	v4 =	vld [tilespmem:s23+$0x400]  }
0x158: {  	s24 =	simm.s32 $0x0  }
0x159: {  	v5 =	vmov s24  }
0x15a: {  	v5 =	vshll.u32 v5, $0x7;
	v2 =	vshll.u32 v2, $0x5  }
0x15b: {  	v5 =	vor.u32 v0, v5;
	v3 =	vshll.u32 v3, $0x5;
	v2 =	vand.u32 $0x60, v2  }
0x15c: {  	v4 =	vshll.u32 v4, $0x5;
	v7 =	vor.u32 v5, v2;
	v2 =	vand.u32 $0x60, v3  }
0x15d: {  	v3 =	vand.u32 $0x60, v4;
	v8 =	vor.u32 v5, v2;
	v2 =	vor.u32 $0x1, v7  }
0x15e: {  	v15 =	vld [tilespmem:s23+$0x18C00];
	v9 =	vor.u32 v5, v3;
	v5 =	vor.u32 $0x2, v7  }
0x15f: {  	v18 =	vld [tilespmem:s23+$0x18E00]  }
0x160: {  	v16 =	vld [tilespmem:s23+$0x19000];
	v10 =	vor.u32 $0x3, v7  }
0x161: {  	v12 =	vor.u32 $0x5, v7;
	v19 =	vld.idx.msk [tilespmem:v7+s0+$0x0], $0xffff  }
0x162: {  	v14 =	vor.u32 $0x6, v7;
	v20 =	vld.idx.msk [tilespmem:v2+s0+$0x0], $0xffff  }
0x163: {  	v36 =	vor.u32 $0xA, v7;
	v22 =	vld.idx.msk [tilespmem:v5+s0+$0x0], $0xffff  }
0x164: {  	v38 =	vor.u32 $0xB, v7;
	v23 =	vld.idx.msk [tilespmem:v9+s20+$0x0], $0xffff  }
0x165: {  	v40 =	vor.u32 $0xC, v7;
	v25 =	vld.idx.msk [tilespmem:v10+s0+$0x0], $0xffff  }
0x166: {  	v29 =	vld.idx.msk [tilespmem:v12+s0+$0x0], $0xffff  }
0x167: {  	v46 =	vor.u32 $0x16, v7;
	v31 =	vld.idx.msk [tilespmem:v14+s0+$0x0], $0xffff  }
0x168: {  	v49 =	vor.u32 $0x15, v7;
	v36 =	vld.idx.msk [tilespmem:v36+s0+$0x0], $0xffff  }
0x169: {  	v61 =	vor.u32 $0x14, v7;
	v38 =	vld.idx.msk [tilespmem:v38+s0+$0x0], $0xffff  }
0x16a: {  	v3 =	vor.u32 $0x1E, v8;
	v40 =	vld.idx.msk [tilespmem:v40+s0+$0x0], $0xffff  }
0x16b: {  	v51 =	vadd.f32 v15, v1;
	v4 =	vor.u32 $0x2, v9;
	v47 =	vld.idx.msk [tilespmem:v8+s17+$0x0], $0xffff  }
0x16c: {  	v6 =	vor.u32 $0x3, v9;
	v15 =	vld.idx.msk [tilespmem:v46+s0+$0x0], $0xffff  }
0x16d: {  	v53 =	vadd.f32 v16, v51;
	v11 =	vor.u32 $0x5, v9;
	v16 =	vld.idx.msk [tilespmem:v49+s0+$0x0], $0xffff  }
0x16e: {  	v63 =	vadd.f32 v18, v51;
	v42 =	vor.u32 $0x1, v9;
	v18 =	vld.idx.msk [tilespmem:v61+s0+$0x0], $0xffff  }
0x16f: {  	v44 =	vor.u32 $0x1, v8;
	v2 =	vld.idx.msk [tilespmem:v3+s17+$0x0], $0xffff  }
0x170: {  	v48 =	vor.u32 $0x2, v8;
	v21 =	vld.idx.msk [tilespmem:v4+s20+$0x0], $0xffff  }
0x171: {  	v50 =	vor.u32 $0x3, v8;
	v24 =	vld.idx.msk [tilespmem:v6+s20+$0x0], $0xffff  }
0x172: {  	v52 =	vor.u32 $0x4, v8;
	v28 =	vld.idx.msk [tilespmem:v11+s20+$0x0], $0xffff  }
0x173: {  	v5 =	vor.u32 $0x4, v7;
	v42 =	vld.idx.msk [tilespmem:v42+s20+$0x0], $0xffff  }
0x174: {  	v12 =	vor.u32 $0x7, v7;
	v60 =	vld.idx.msk [tilespmem:v44+s17+$0x0], $0xffff  }
0x175: {  	v14 =	vor.u32 $0x8, v7;
	v46 =	vld.idx.msk [tilespmem:v48+s17+$0x0], $0xffff  }
0x176: {  	v3 =	vor.u32 $0x1F, v7;
	v55 =	vld.idx.msk [tilespmem:v50+s17+$0x0], $0xffff  }
0x177: {  	v4 =	vor.u32 $0x4, v9;
	v59 =	vld.idx.msk [tilespmem:v52+s17+$0x0], $0xffff  }
0x178: {  	v6 =	vor.u32 $0x1F, v9;
	v27 =	vld.idx.msk [tilespmem:v5+s0+$0x0], $0xffff  }
0x179: {  	v13 =	vor.u32 $0x1E, v9;
	v33 =	vld.idx.msk [tilespmem:v12+s0+$0x0], $0xffff  }
0x17a: {  	v11 =	vor.u32 $0x7, v9;
	v35 =	vld.idx.msk [tilespmem:v14+s0+$0x0], $0xffff  }
0x17b: {  	v56 =	vor.u32 $0x12, v7;
	v3 =	vld.idx.msk [tilespmem:v3+s0+$0x0], $0xffff  }
0x17c: {  	v62 =	vor.u32 $0x13, v7;
	v26 =	vld.idx.msk [tilespmem:v4+s20+$0x0], $0xffff  }
0x17d: {  	v54 =	vor.u32 $0x5, v8;
	v10 =	vld.idx.msk [tilespmem:v6+s20+$0x0], $0xffff  }
0x17e: {  	v57 =	vor.u32 $0x6, v8;
	v4 =	vld.idx.msk [tilespmem:v13+s20+$0x0], $0xffff  }
0x17f: {  	v5 =	vor.u32 $0x6, v9;
	v23 =	vmul.f32 v23, v19;
	v19 =	vmul.f32 v47, v19;
	v32 =	vld.idx.msk [tilespmem:v11+s20+$0x0], $0xffff  }
0x180: {  	v12 =	vor.u32 $0x9, v7;
	v21 =	vmul.f32 v21, v22;
	v22 =	vmul.f32 v46, v22;
	v46 =	vld.idx.msk [tilespmem:v56+s0+$0x0], $0xffff  }
0x181: {  	v14 =	vor.u32 $0xA, v9;
	v58 =	vadd.f32 v19, v63;
	v19 =	vld.idx.msk [tilespmem:v62+s0+$0x0], $0xffff  }
0x182: {  	v61 =	vor.u32 $0x7, v8;
	v63 =	vld.idx.msk [tilespmem:v54+s17+$0x0], $0xffff  }
0x183: {  	v6 =	vor.u32 $0xE, v7;
	v54 =	vmul.f32 v55, v25;
	v55 =	vld.idx.msk [tilespmem:v57+s17+$0x0], $0xffff  }
0x184: {  	v13 =	vor.u32 $0x8, v9;
	v30 =	vld.idx.msk [tilespmem:v5+s20+$0x0], $0xffff  }
0x185: {  	v11 =	vor.u32 $0x9, v9;
	v42 =	vmul.f32 v42, v20;
	v20 =	vmul.f32 v60, v20;
	v39 =	vld.idx.msk [tilespmem:v12+s0+$0x0], $0xffff  }
0x186: {  	v60 =	vor.u32 $0x11, v7;
	v41 =	vld.idx.msk [tilespmem:v14+s20+$0x0], $0xffff  }
0x187: {  	v52 =	vor.u32 $0x8, v8;
	v20 =	vadd.f32 v20, v58;
	v58 =	vmul.f32 v59, v27;
	v59 =	vld.idx.msk [tilespmem:v61+s17+$0x0], $0xffff  }
0x188: {  	v23 =	vadd.f32 v23, v53;
	v62 =	vor.u32 $0x10, v7;
	v17 =	vld.idx.msk [tilespmem:v6+s0+$0x0], $0xffff  }
0x189: {  	v57 =	vor.u32 $0xA, v8;
	v34 =	vld.idx.msk [tilespmem:v13+s20+$0x0], $0xffff  }
0x18a: {  	v56 =	vor.u32 $0x9, v8;
	v23 =	vadd.f32 v42, v23;
	v37 =	vld.idx.msk [tilespmem:v11+s20+$0x0], $0xffff  }
0x18b: {  	v5 =	vor.u32 $0x1D, v8;
	v47 =	vld.idx.msk [tilespmem:v60+s0+$0x0], $0xffff  }
0x18c: {  	v12 =	vor.u32 $0x19, v7;
	v21 =	vadd.f32 v21, v23;
	v23 =	vld.idx.msk [tilespmem:v52+s17+$0x0], $0xffff  }
0x18d: {  	v24 =	vmul.f32 v24, v25;
	v14 =	vor.u32 $0xD, v7;
	v42 =	vld.idx.msk [tilespmem:v62+s0+$0x0], $0xffff  }
0x18e: {  	v43 =	vor.u32 $0x17, v7;
	v28 =	vmul.f32 v28, v29;
	v62 =	vmul.f32 v63, v29;
	v29 =	vld.idx.msk [tilespmem:v57+s17+$0x0], $0xffff  }
0x18f: {  	v53 =	vor.u32 $0xF, v7;
	v21 =	vadd.f32 v24, v21;
	v24 =	vld.idx.msk [tilespmem:v56+s17+$0x0], $0xffff  }
0x190: {  	v61 =	vor.u32 $0xB, v8;
	v5 =	vld.idx.msk [tilespmem:v5+s17+$0x0], $0xffff  }
0x191: {  	v48 =	vor.u32 $0xC, v9;
	v20 =	vadd.f32 v22, v20;
	v26 =	vmul.f32 v26, v27;
	v12 =	vld.idx.msk [tilespmem:v12+s0+$0x0], $0xffff  }
0x192: {  	v6 =	vor.u32 $0x1C, v8;
	v45 =	vld.idx.msk [tilespmem:v14+s0+$0x0], $0xffff  }
0x193: {  	v13 =	vor.u32 $0x1A, v7;
	v20 =	vadd.f32 v54, v20;
	v14 =	vld.idx.msk [tilespmem:v43+s0+$0x0], $0xffff;
	v21 =	vadd.f32 v26, v21  }
0x194: {  	v50 =	vor.u32 $0xC, v8;
	v60 =	vor.u32 $0xB, v9;
	v63 =	vmul.f32 v30, v31;
	v30 =	vld.idx.msk [tilespmem:v53+s0+$0x0], $0xffff  }
0x195: {  	v52 =	vmul.f32 v32, v33;
	v20 =	vadd.f32 v58, v20;
	v57 =	vld.idx.msk [tilespmem:v61+s17+$0x0], $0xffff;
	v21 =	vadd.f32 v28, v21  }
0x196: {  	v51 =	vmul.f32 v55, v31;
	v54 =	vor.u32 $0xD, v8;
	v53 =	vor.u32 $0xD, v9;
	v61 =	vld.idx.msk [tilespmem:v48+s20+$0x0], $0xffff  }
0x197: {  	v55 =	vmul.f32 v59, v33;
	v6 =	vld.idx.msk [tilespmem:v6+s17+$0x0], $0xffff;
	v20 =	vadd.f32 v62, v20;
	v21 =	vadd.f32 v63, v21  }
0x198: {  	v58 =	vor.u32 $0xE, v9;
	v59 =	vor.u32 $0xE, v8;
	v43 =	vor.u32 $0xF, v9;
	v11 =	vld.idx.msk [tilespmem:v13+s0+$0x0], $0xffff  }
0x199: {  	v26 =	vld.idx.msk [tilespmem:v60+s20+$0x0], $0xffff;
	v56 =	vmul.f32 v34, v35;
	v20 =	vadd.f32 v51, v20;
	v21 =	vadd.f32 v52, v21  }
0x19a: {  	v13 =	vor.u32 $0x18, v7;
	v60 =	vmul.f32 v23, v35;
	v62 =	vmul.f32 v37, v39;
	v63 =	vld.idx.msk [tilespmem:v50+s17+$0x0], $0xffff  }
0x19b: {  	v29 =	vmul.f32 v29, v36;
	v51 =	vld.idx.msk [tilespmem:v54+s17+$0x0], $0xffff;
	v20 =	vadd.f32 v55, v20;
	v21 =	vadd.f32 v56, v21  }
0x19c: {  	v44 =	vor.u32 $0xF, v8;
	v48 =	vmul.f32 v24, v39;
	v50 =	vmul.f32 v41, v36;
	v49 =	vld.idx.msk [tilespmem:v53+s20+$0x0], $0xffff  }
0x19d: {  	v53 =	vor.u32 $0x10, v8;
	v54 =	vld.idx.msk [tilespmem:v58+s20+$0x0], $0xffff;
	v20 =	vadd.f32 v60, v20;
	v21 =	vadd.f32 v62, v21  }
0x19e: {  	v25 =	vmul.f32 v57, v38;
	v57 =	vor.u32 $0x11, v8;
	v58 =	vld.idx.msk [tilespmem:v43+s20+$0x0], $0xffff;
	v52 =	vor.u32 $0x10, v9  }
0x19f: {  	v13 =	vld.idx.msk [tilespmem:v13+s0+$0x0], $0xffff;
	v26 =	vmul.f32 v26, v38;
	v20 =	vadd.f32 v48, v20;
	v21 =	vadd.f32 v50, v21  }
0x1a0: {  	v23 =	vmul.f32 v61, v40;
	v61 =	vor.u32 $0x12, v8;
	v43 =	vor.u32 $0x13, v8;
	v55 =	vld.idx.msk [tilespmem:v59+s17+$0x0], $0xffff  }
0x1a1: {  	v59 =	vld.idx.msk [tilespmem:v44+s17+$0x0], $0xffff;
	v56 =	vor.u32 $0x11, v9;
	v20 =	vadd.f32 v29, v20;
	v21 =	vadd.f32 v26, v21  }
0x1a2: {  	v60 =	vor.u32 $0x12, v9;
	v27 =	vmul.f32 v63, v40;
	v28 =	vmul.f32 v51, v45;
	v40 =	vld.idx.msk [tilespmem:v53+s17+$0x0], $0xffff  }
0x1a3: {  	v63 =	vmul.f32 v49, v45;
	v45 =	vld.idx.msk [tilespmem:v57+s17+$0x0], $0xffff;
	v20 =	vadd.f32 v25, v20;
	v21 =	vadd.f32 v23, v21  }
0x1a4: {  	v41 =	vor.u32 $0x13, v9;
	v49 =	vor.u32 $0x15, v9;
	v62 =	vld.idx.msk [tilespmem:v52+s20+$0x0], $0xffff  }
0x1a5: {  	v22 =	vmul.f32 v54, v17;
	v52 =	vld.idx.msk [tilespmem:v61+s17+$0x0], $0xffff;
	v20 =	vadd.f32 v27, v20;
	v21 =	vadd.f32 v63, v21  }
0x1a6: {  	v48 =	vor.u32 $0x14, v9;
	v51 =	vmul.f32 v58, v30;
	v53 =	vor.u32 $0x14, v8;
	v44 =	vld.idx.msk [tilespmem:v56+s20+$0x0], $0xffff  }
0x1a7: {  	v17 =	vmul.f32 v55, v17;
	v50 =	vld.idx.msk [tilespmem:v60+s20+$0x0], $0xffff;
	v20 =	vadd.f32 v28, v20;
	v21 =	vadd.f32 v22, v21  }
0x1a8: {  	v54 =	vor.u32 $0x16, v9;
	v58 =	vor.u32 $0x17, v9;
	v56 =	vld.idx.msk [tilespmem:v43+s17+$0x0], $0xffff;
	v26 =	vmul.f32 v59, v30  }
0x1a9: {  	v61 =	vld.idx.msk [tilespmem:v49+s20+$0x0], $0xffff;
	v55 =	vmul.f32 v62, v42;
	v17 =	vadd.f32 v17, v20;
	v21 =	vadd.f32 v51, v21  }
0x1aa: {  	v57 =	vor.u32 $0x15, v8;
	v24 =	vmul.f32 v40, v42;
	v49 =	vor.u32 $0x1B, v8;
	v20 =	vld.idx.msk [tilespmem:v41+s20+$0x0], $0xffff  }
0x1ab: {  	v59 =	vld.idx.msk [tilespmem:v48+s20+$0x0], $0xffff;
	v60 =	vmul.f32 v44, v47;
	v17 =	vadd.f32 v26, v17;
	v21 =	vadd.f32 v55, v21  }
0x1ac: {  	v36 =	vld.idx.msk [tilespmem:v53+s17+$0x0], $0xffff;
	v40 =	vor.u32 $0x19, v9;
	v62 =	vor.u32 $0x16, v8;
	v23 =	vmul.f32 v45, v47  }
0x1ad: {  	v38 =	vld.idx.msk [tilespmem:v54+s20+$0x0], $0xffff;
	v37 =	vmul.f32 v50, v46;
	v17 =	vadd.f32 v24, v17;
	v21 =	vadd.f32 v60, v21  }
0x1ae: {  	v39 =	vor.u32 $0x17, v8;
	v29 =	vmul.f32 v52, v46;
	v42 =	vld.idx.msk [tilespmem:v58+s20+$0x0], $0xffff;
	v63 =	vor.u32 $0x18, v9  }
0x1af: {  	v41 =	vld.idx.msk [tilespmem:v57+s17+$0x0], $0xffff;
	v20 =	vmul.f32 v20, v19;
	v17 =	vadd.f32 v23, v17;
	v21 =	vadd.f32 v37, v21  }
0x1b0: {  	v43 =	vor.u32 $0x18, v8;
	v44 =	vor.u32 $0x1A, v9;
	v46 =	vmul.f32 v59, v18;
	v58 =	vld.idx.msk [tilespmem:v49+s17+$0x0], $0xffff  }
0x1b1: {  	v45 =	vld.idx.msk [tilespmem:v62+s17+$0x0], $0xffff;
	v19 =	vmul.f32 v56, v19;
	v17 =	vadd.f32 v29, v17;
	v20 =	vadd.f32 v20, v21  }
0x1b2: {  	v48 =	vor.u32 $0x19, v8;
	v52 =	vor.u32 $0x1A, v8;
	v18 =	vmul.f32 v36, v18;
	v51 =	vld.idx.msk [tilespmem:v40+s20+$0x0], $0xffff  }
0x1b3: {  	v50 =	vmul.f32 v61, v16;
	v17 =	vadd.f32 v19, v17;
	v19 =	vld.idx.msk [tilespmem:v39+s17+$0x0], $0xffff;
	v20 =	vadd.f32 v46, v20  }
0x1b4: {  	v53 =	vor.u32 $0x1B, v7;
	v54 =	vmul.f32 v38, v15;
	v59 =	vor.u32 $0x1C, v9;
	v47 =	vld.idx.msk [tilespmem:v63+s20+$0x0], $0xffff  }
0x1b5: {  	v16 =	vmul.f32 v41, v16;
	v17 =	vadd.f32 v18, v17;
	v18 =	vld.idx.msk [tilespmem:v43+s17+$0x0], $0xffff;
	v20 =	vadd.f32 v50, v20  }
0x1b6: {  	v57 =	vor.u32 $0x1C, v7;
	v22 =	vmul.f32 v42, v14;
	v55 =	vld.idx.msk [tilespmem:v44+s20+$0x0], $0xffff;
	v56 =	vor.u32 $0x1B, v9  }
0x1b7: {  	v15 =	vmul.f32 v45, v15;
	v16 =	vadd.f32 v16, v17;
	v17 =	vld.idx.msk [tilespmem:v48+s17+$0x0], $0xffff;
	v20 =	vadd.f32 v54, v20  }
0x1b8: {  	v62 =	vor.u32 $0x1E, v7;
	v60 =	vor.u32 $0x1D, v7;
	v14 =	vmul.f32 v19, v14;
	v19 =	vld.idx.msk [tilespmem:v52+s17+$0x0], $0xffff  }
0x1b9: {  	v26 =	vmul.f32 v47, v13;
	v16 =	vadd.f32 v15, v16;
	v15 =	vld.idx.msk [tilespmem:v53+s0+$0x0], $0xffff;
	v20 =	vadd.f32 v22, v20  }
0x1ba: {  	v61 =	vor.u32 $0x1D, v9;
	v9 =	vmul.f32 v18, v13;
	v13 =	vld.idx.msk [tilespmem:v59+s20+$0x0], $0xffff  }
0x1bb: {  	v18 =	vmul.f32 v51, v12;
	v7 =	vadd.f32 v14, v16;
	v16 =	vld.idx.msk [tilespmem:v56+s20+$0x0], $0xffff;
	v20 =	vadd.f32 v26, v20  }
0x1bc: {  	v14 =	vld.idx.msk [tilespmem:v57+s0+$0x0], $0xffff;
	v12 =	vmul.f32 v17, v12;
	v17 =	vor.u32 $0x1F, v8  }
0x1bd: {  	v24 =	vmul.f32 v55, v11;
	v8 =	vld.idx.msk [tilespmem:v62+s0+$0x0], $0xffff;
	v63 =	vadd.f32 v9, v7;
	v20 =	vadd.f32 v18, v20  }
0x1be: {  	v9 =	vld.idx.msk [tilespmem:v60+s0+$0x0], $0xffff;
	v7 =	vmul.f32 v10, v3;
	v19 =	vmul.f32 v19, v11  }
0x1bf: {  	s31 =	simm.s32 $0x240;
	v10 =	vld.idx.msk [tilespmem:v61+s20+$0x0], $0xffff;
	v18 =	vadd.f32 v12, v63;
	v12 =	vmul.f32 v58, v15;
	v11 =	vadd.f32 v24, v20  }
.LBB2_6:
0x1c0: {  	s26 =	smov.u32 s31  }
0x1c1: {  	s29 =	sshra.s32 s31, $0x2;
	v18 =	vadd.f32 v19, v18;
	v15 =	vmul.f32 v16, v15;
	v16 =	vld.idx.msk [tilespmem:v17+s17+$0x0], $0xffff;
	s24 =	sadd.s32 $0x10, s24;
	s26 =	sadd.s32 $0x40, s31  }
0x1c2: {  	p0 =	sne.s32 s31, $0x3C0;
	v6 =	vmul.f32 v6, v14;
	v17 =	vld [tilespmem:s29+$0x0]  }
0x1c3: {  	v13 =	vmul.f32 v13, v14;
	v12 =	vadd.f32 v12, v18;
	v11 =	vadd.f32 v15, v11;
	v19 =	vld [tilespmem:s29+$0x200]  }
0x1c4: {  	v5 =	vmul.f32 v5, v9;
	v14 =	vld [tilespmem:s29+$0x400]  }
0x1c5: {  	v9 =	vmul.f32 v10, v9;
	v6 =	vadd.f32 v6, v12;
	v11 =	vadd.f32 v13, v11;
	v15 =	vld [tilespmem:s29+$0x18C00]  }
0x1c6: {  	v10 =	vmov s24;
	v2 =	vmul.f32 v2, v8;
	v4 =	vmul.f32 v4, v8;
	v12 =	vld [tilespmem:s29+$0x18E00]  }
0x1c7: {  	v8 =	vshll.u32 v10, $0x7;
	v3 =	vmul.f32 v16, v3;
	v10 =	vshll.u32 v17, $0x5;
	v13 =	vld [tilespmem:s29+$0x19000]  }
0x1c8: {  	v9 =	vadd.f32 v9, v11;
	v10 =	vand.u32 $0x60, v10;
	v16 =	vshll.u32 v19, $0x5  }
0x1c9: {  	v5 =	vadd.f32 v5, v6;
	v11 =	vshll.u32 v14, $0x5;
	v14 =	vor.u32 v0, v8  }
0x1ca: {  	v4 =	vadd.f32 v4, v9;
	v6 =	vand.u32 $0x60, v11;
	v11 =	vor.u32 v14, v10  }
0x1cb: {  	v9 =	vand.u32 $0x60, v16;
	v16 =	vor.u32 $0xE, v11;
	v8 =	vor.u32 $0x1E, v11  }
0x1cc: {  	v2 =	vadd.f32 v2, v5;
	v17 =	vadd.f32 v15, v1;
	v10 =	vor.u32 v14, v6  }
0x1cd: {  	v9 =	vor.u32 v14, v9;
	v15 =	vor.u32 $0x1, v10;
	v5 =	vor.u32 $0x1E, v10  }
0x1ce: {  	v2 =	vadd.f32 v3, v2;
	v3 =	vadd.f32 v7, v4;
	v6 =	vor.u32 $0x1, v11  }
0x1cf: {  	v7 =	vor.u32 $0x1E, v9;
	v19 =	vadd.f32 v12, v17;
	v4 =	vadd.f32 v13, v17  }
0x1d0: {  	v12 =	vor.u32 $0x2, v10;
	[tilespmem:s23+$0x19200] =	vst v2  }
0x1d1: {  	v13 =	vor.u32 $0x2, v11;
	[tilespmem:s23+$0x19400] =	vst v3;
	s23 =	smov.u32 s29  }
0x1d2: {  	v17 =	vld.idx.msk [tilespmem:v11+s0+$0x0], $0xffff  }
0x1d3: {  	v3 =	vor.u32 $0x3, v10;
	v20 =	vld.idx.msk [tilespmem:v6+s0+$0x0], $0xffff  }
0x1d4: {  	v6 =	vor.u32 $0x3, v11;
	v2 =	vld.idx.msk [tilespmem:v7+s17+$0x0], $0xffff  }
0x1d5: {  	v7 =	vld.idx.msk [tilespmem:v12+s20+$0x0], $0xffff;
	v12 =	vor.u32 $0x1F, v11  }
0x1d6: {  	v22 =	vld.idx.msk [tilespmem:v13+s0+$0x0], $0xffff;
	v13 =	vor.u32 $0x4, v10  }
0x1d7: {  	v18 =	vor.u32 $0x4, v11;
	v14 =	vld.idx.msk [tilespmem:v10+s20+$0x0], $0xffff  }
0x1d8: {  	v25 =	vor.u32 $0x1F, v10;
	v21 =	vld.idx.msk [tilespmem:v3+s20+$0x0], $0xffff  }
0x1d9: {  	v23 =	vld.idx.msk [tilespmem:v6+s0+$0x0], $0xffff;
	v6 =	vor.u32 $0x5, v10  }
0x1da: {  	v26 =	vor.u32 $0x5, v11;
	v3 =	vld.idx.msk [tilespmem:v12+s0+$0x0], $0xffff  }
0x1db: {  	v12 =	vld.idx.msk [tilespmem:v13+s20+$0x0], $0xffff  }
0x1dc: {  	v32 =	vmul.f32 v7, v22;
	v7 =	vor.u32 $0x6, v10;
	v24 =	vld.idx.msk [tilespmem:v18+s0+$0x0], $0xffff  }
0x1dd: {  	v13 =	vmul.f32 v14, v17;
	v14 =	vor.u32 $0x6, v11;
	v25 =	vld.idx.msk [tilespmem:v25+s20+$0x0], $0xffff  }
0x1de: {  	v6 =	vld.idx.msk [tilespmem:v6+s20+$0x0], $0xffff  }
0x1df: {  	v33 =	vadd.f32 v13, v4;
	v34 =	vmul.f32 v21, v23;
	v13 =	vor.u32 $0x7, v10;
	v26 =	vld.idx.msk [tilespmem:v26+s0+$0x0], $0xffff  }
0x1e0: {  	v21 =	vor.u32 $0x7, v11;
	v4 =	vld.idx.msk [tilespmem:v5+s20+$0x0], $0xffff  }
0x1e1: {  	v5 =	vor.u32 $0x1D, v9;
	v29 =	vld.idx.msk [tilespmem:v7+s20+$0x0], $0xffff  }
0x1e2: {  	v35 =	vmul.f32 v12, v24;
	v12 =	vor.u32 $0x8, v10;
	v27 =	vld.idx.msk [tilespmem:v14+s0+$0x0], $0xffff  }
0x1e3: {  	v14 =	vor.u32 $0x8, v11;
	v7 =	vmul.f32 v25, v3;
	v18 =	vld.idx.msk [tilespmem:v16+s0+$0x0], $0xffff  }
0x1e4: {  	v16 =	vor.u32 $0x1C, v9;
	v13 =	vld.idx.msk [tilespmem:v13+s20+$0x0], $0xffff  }
0x1e5: {  	v36 =	vmul.f32 v6, v26;
	v28 =	vld.idx.msk [tilespmem:v21+s0+$0x0], $0xffff;
	v21 =	vor.u32 $0x9, v10  }
0x1e6: {  	v25 =	vor.u32 $0x9, v11;
	v5 =	vld.idx.msk [tilespmem:v5+s17+$0x0], $0xffff  }
0x1e7: {  	v30 =	vld.idx.msk [tilespmem:v12+s20+$0x0], $0xffff;
	v12 =	vor.u32 $0x1A, v11  }
0x1e8: {  	v37 =	vmul.f32 v29, v27;
	v29 =	vld.idx.msk [tilespmem:v14+s0+$0x0], $0xffff;
	v14 =	vor.u32 $0xA, v10  }
0x1e9: {  	v38 =	vor.u32 $0xA, v11;
	v6 =	vld.idx.msk [tilespmem:v16+s17+$0x0], $0xffff  }
0x1ea: {  	v16 =	vld.idx.msk [tilespmem:v21+s20+$0x0], $0xffff;
	v21 =	vor.u32 $0xB, v11  }
0x1eb: {  	v39 =	vmul.f32 v13, v28;
	v13 =	vor.u32 $0x19, v11;
	v31 =	vld.idx.msk [tilespmem:v25+s0+$0x0], $0xffff  }
0x1ec: {  	v25 =	vor.u32 $0xC, v11;
	v12 =	vld.idx.msk [tilespmem:v12+s0+$0x0], $0xffff  }
0x1ed: {  	v40 =	vld.idx.msk [tilespmem:v14+s20+$0x0], $0xffff;
	v14 =	vor.u32 $0x18, v11  }
0x1ee: {  	v42 =	vor.u32 $0xD, v11;
	v41 =	vmul.f32 v30, v29;
	v38 =	vld.idx.msk [tilespmem:v38+s0+$0x0], $0xffff  }
0x1ef: {  	v30 =	vld.idx.msk [tilespmem:v21+s0+$0x0], $0xffff  }
0x1f0: {  	v13 =	vld.idx.msk [tilespmem:v13+s0+$0x0], $0xffff  }
0x1f1: {  	v43 =	vmul.f32 v16, v31;
	v16 =	vor.u32 $0x17, v11;
	v25 =	vld.idx.msk [tilespmem:v25+s0+$0x0], $0xffff  }
0x1f2: {  	v44 =	vor.u32 $0x1, v9;
	v14 =	vld.idx.msk [tilespmem:v14+s0+$0x0], $0xffff  }
0x1f3: {  	v21 =	vld.idx.msk [tilespmem:v42+s0+$0x0], $0xffff;
	v42 =	vor.u32 $0x16, v11  }
0x1f4: {  	v46 =	vor.u32 $0x2, v9;
	v40 =	vmul.f32 v40, v38;
	v45 =	vld.idx.msk [tilespmem:v9+s17+$0x0], $0xffff  }
0x1f5: {  	v48 =	vor.u32 $0x15, v11;
	v47 =	vld.idx.msk [tilespmem:v15+s20+$0x0], $0xffff  }
0x1f6: {  	v49 =	vor.u32 $0x3, v9;
	v15 =	vld.idx.msk [tilespmem:v16+s0+$0x0], $0xffff  }
0x1f7: {  	v50 =	vor.u32 $0x14, v11;
	v44 =	vld.idx.msk [tilespmem:v44+s17+$0x0], $0xffff  }
0x1f8: {  	v51 =	vor.u32 $0x4, v9;
	v16 =	vld.idx.msk [tilespmem:v42+s0+$0x0], $0xffff  }
0x1f9: {  	v42 =	vld.idx.msk [tilespmem:v46+s17+$0x0], $0xffff;
	v46 =	vor.u32 $0x13, v11  }
0x1fa: {  	v52 =	vor.u32 $0x5, v9;
	v45 =	vmul.f32 v45, v17;
	v17 =	vld.idx.msk [tilespmem:v48+s0+$0x0], $0xffff  }
0x1fb: {  	v47 =	vmul.f32 v47, v20;
	v48 =	vld.idx.msk [tilespmem:v49+s17+$0x0], $0xffff;
	v49 =	vor.u32 $0x12, v11  }
0x1fc: {  	v53 =	vor.u32 $0x6, v9;
	v45 =	vadd.f32 v45, v19;
	v19 =	vld.idx.msk [tilespmem:v50+s0+$0x0], $0xffff  }
0x1fd: {  	v44 =	vmul.f32 v44, v20;
	v33 =	vadd.f32 v47, v33;
	v50 =	vor.u32 $0x11, v11;
	v47 =	vld.idx.msk [tilespmem:v51+s17+$0x0], $0xffff  }
0x1fe: {  	v54 =	vor.u32 $0x10, v11;
	v51 =	vor.u32 $0x7, v9;
	v20 =	vld.idx.msk [tilespmem:v46+s0+$0x0], $0xffff  }
0x1ff: {  	v44 =	vadd.f32 v44, v45;
	v42 =	vmul.f32 v42, v22;
	v32 =	vadd.f32 v32, v33;
	v33 =	vld.idx.msk [tilespmem:v52+s17+$0x0], $0xffff  }
0x200: {  	v45 =	vor.u32 $0x8, v9;
	v46 =	vor.u32 $0xF, v11;
	v22 =	vld.idx.msk [tilespmem:v49+s0+$0x0], $0xffff  }
0x201: {  	v42 =	vadd.f32 v42, v44;
	v23 =	vmul.f32 v48, v23;
	v32 =	vadd.f32 v34, v32;
	v34 =	vld.idx.msk [tilespmem:v53+s17+$0x0], $0xffff  }
0x202: {  	v44 =	vor.u32 $0x9, v9;
	v48 =	vor.u32 $0xA, v9;
	v49 =	vld.idx.msk [tilespmem:v50+s0+$0x0], $0xffff  }
0x203: {  	v23 =	vadd.f32 v23, v42;
	v24 =	vmul.f32 v47, v24;
	v32 =	vadd.f32 v35, v32;
	v35 =	vld.idx.msk [tilespmem:v51+s17+$0x0], $0xffff  }
0x204: {  	v42 =	vor.u32 $0xB, v9;
	v47 =	vor.u32 $0xB, v10;
	v50 =	vld.idx.msk [tilespmem:v54+s0+$0x0], $0xffff  }
0x205: {  	v23 =	vadd.f32 v24, v23;
	v24 =	vmul.f32 v33, v26;
	v26 =	vadd.f32 v36, v32;
	v32 =	vld.idx.msk [tilespmem:v45+s17+$0x0], $0xffff  }
0x206: {  	v33 =	vor.u32 $0xC, v9;
	v36 =	vor.u32 $0xC, v10;
	v45 =	vld.idx.msk [tilespmem:v46+s0+$0x0], $0xffff  }
0x207: {  	v23 =	vadd.f32 v24, v23;
	v24 =	vmul.f32 v34, v27;
	v26 =	vadd.f32 v37, v26;
	v27 =	vld.idx.msk [tilespmem:v44+s17+$0x0], $0xffff  }
0x208: {  	v37 =	vor.u32 $0xD, v9;
	v44 =	vor.u32 $0xD, v10;
	v34 =	vld.idx.msk [tilespmem:v48+s17+$0x0], $0xffff  }
0x209: {  	v23 =	vadd.f32 v24, v23;
	v24 =	vmul.f32 v35, v28;
	v26 =	vadd.f32 v39, v26;
	v28 =	vld.idx.msk [tilespmem:v47+s20+$0x0], $0xffff  }
0x20a: {  	v39 =	vor.u32 $0xE, v9;
	v35 =	vld.idx.msk [tilespmem:v42+s17+$0x0], $0xffff;
	v42 =	vor.u32 $0xE, v10  }
0x20b: {  	v23 =	vadd.f32 v24, v23;
	v24 =	vmul.f32 v32, v29;
	v26 =	vadd.f32 v41, v26;
	v29 =	vld.idx.msk [tilespmem:v36+s20+$0x0], $0xffff  }
0x20c: {  	v36 =	vor.u32 $0xF, v10;
	v32 =	vld.idx.msk [tilespmem:v33+s17+$0x0], $0xffff;
	v33 =	vor.u32 $0xF, v9  }
0x20d: {  	v23 =	vadd.f32 v24, v23;
	v24 =	vmul.f32 v27, v31;
	v26 =	vadd.f32 v43, v26;
	v27 =	vld.idx.msk [tilespmem:v44+s20+$0x0], $0xffff  }
0x20e: {  	v31 =	vmul.f32 v34, v38;
	v38 =	vor.u32 $0x10, v10;
	v34 =	vld.idx.msk [tilespmem:v37+s17+$0x0], $0xffff;
	v37 =	vor.u32 $0x10, v9  }
0x20f: {  	v23 =	vadd.f32 v24, v23;
	v24 =	vadd.f32 v40, v26;
	v26 =	vmul.f32 v28, v30;
	v28 =	vld.idx.msk [tilespmem:v42+s20+$0x0], $0xffff  }
0x210: {  	v40 =	vor.u32 $0x11, v10;
	v30 =	vmul.f32 v35, v30;
	v35 =	vld.idx.msk [tilespmem:v39+s17+$0x0], $0xffff;
	v39 =	vor.u32 $0x11, v9  }
0x211: {  	v23 =	vadd.f32 v31, v23;
	v24 =	vadd.f32 v26, v24;
	v26 =	vmul.f32 v29, v25;
	v29 =	vld.idx.msk [tilespmem:v36+s20+$0x0], $0xffff  }
0x212: {  	v25 =	vmul.f32 v32, v25;
	v32 =	vor.u32 $0x12, v9;
	v31 =	vld.idx.msk [tilespmem:v33+s17+$0x0], $0xffff;
	v33 =	vor.u32 $0x12, v10  }
0x213: {  	v23 =	vadd.f32 v30, v23;
	v24 =	vadd.f32 v26, v24;
	v26 =	vmul.f32 v27, v21;
	v27 =	vld.idx.msk [tilespmem:v38+s20+$0x0], $0xffff  }
0x214: {  	v36 =	vor.u32 $0x13, v10;
	v21 =	vmul.f32 v34, v21;
	v34 =	vor.u32 $0x13, v9;
	v30 =	vld.idx.msk [tilespmem:v37+s17+$0x0], $0xffff  }
0x215: {  	v23 =	vadd.f32 v25, v23;
	v24 =	vadd.f32 v26, v24;
	v25 =	vmul.f32 v28, v18;
	v26 =	vld.idx.msk [tilespmem:v40+s20+$0x0], $0xffff  }
0x216: {  	v37 =	vor.u32 $0x15, v10;
	v18 =	vmul.f32 v35, v18;
	v35 =	vor.u32 $0x14, v10;
	v28 =	vld.idx.msk [tilespmem:v39+s17+$0x0], $0xffff  }
0x217: {  	v21 =	vadd.f32 v21, v23;
	v23 =	vadd.f32 v25, v24;
	v24 =	vmul.f32 v29, v45;
	v25 =	vld.idx.msk [tilespmem:v33+s20+$0x0], $0xffff  }
0x218: {  	v29 =	vmul.f32 v31, v45;
	v33 =	vor.u32 $0x16, v10;
	v31 =	vld.idx.msk [tilespmem:v32+s17+$0x0], $0xffff;
	v32 =	vor.u32 $0x14, v9  }
0x219: {  	v18 =	vadd.f32 v18, v21;
	v21 =	vadd.f32 v24, v23;
	v23 =	vmul.f32 v27, v50;
	v24 =	vld.idx.msk [tilespmem:v36+s20+$0x0], $0xffff  }
0x21a: {  	v27 =	vmul.f32 v30, v50;
	v36 =	vor.u32 $0x17, v10;
	v30 =	vld.idx.msk [tilespmem:v34+s17+$0x0], $0xffff;
	v34 =	vor.u32 $0x15, v9  }
0x21b: {  	v18 =	vadd.f32 v29, v18;
	v21 =	vadd.f32 v23, v21;
	v23 =	vmul.f32 v26, v49;
	v26 =	vld.idx.msk [tilespmem:v35+s20+$0x0], $0xffff  }
0x21c: {  	v28 =	vmul.f32 v28, v49;
	v35 =	vor.u32 $0x16, v9;
	v29 =	vld.idx.msk [tilespmem:v37+s20+$0x0], $0xffff;
	v37 =	vor.u32 $0x18, v10  }
0x21d: {  	v18 =	vadd.f32 v27, v18;
	v21 =	vadd.f32 v23, v21;
	v23 =	vmul.f32 v25, v22;
	v25 =	vld.idx.msk [tilespmem:v32+s17+$0x0], $0xffff  }
0x21e: {  	v22 =	vmul.f32 v31, v22;
	v31 =	vor.u32 $0x17, v9;
	v32 =	vor.u32 $0x19, v10;
	v27 =	vld.idx.msk [tilespmem:v33+s20+$0x0], $0xffff  }
0x21f: {  	v18 =	vadd.f32 v28, v18;
	v21 =	vadd.f32 v23, v21;
	v23 =	vmul.f32 v24, v20;
	v24 =	vld.idx.msk [tilespmem:v34+s17+$0x0], $0xffff  }
0x220: {  	v33 =	vor.u32 $0x1A, v10;
	v20 =	vmul.f32 v30, v20;
	v30 =	vor.u32 $0x18, v9;
	v28 =	vld.idx.msk [tilespmem:v36+s20+$0x0], $0xffff  }
0x221: {  	v18 =	vadd.f32 v22, v18;
	v21 =	vadd.f32 v23, v21;
	v22 =	vmul.f32 v26, v19;
	v23 =	vld.idx.msk [tilespmem:v35+s17+$0x0], $0xffff  }
0x222: {  	v34 =	vor.u32 $0x19, v9;
	v26 =	vmul.f32 v29, v17;
	v35 =	vor.u32 $0x1B, v9;
	v29 =	vld.idx.msk [tilespmem:v37+s20+$0x0], $0xffff  }
0x223: {  	v18 =	vadd.f32 v20, v18;
	v19 =	vmul.f32 v25, v19;
	v20 =	vadd.f32 v22, v21;
	v21 =	vld.idx.msk [tilespmem:v31+s17+$0x0], $0xffff  }
0x224: {  	v22 =	vmul.f32 v27, v16;
	v27 =	vor.u32 $0x1A, v9;
	v31 =	vor.u32 $0x1B, v11;
	v25 =	vld.idx.msk [tilespmem:v32+s20+$0x0], $0xffff  }
0x225: {  	v18 =	vadd.f32 v19, v18;
	v17 =	vmul.f32 v24, v17;
	v19 =	vadd.f32 v26, v20;
	v20 =	vld.idx.msk [tilespmem:v30+s17+$0x0], $0xffff  }
0x226: {  	v24 =	vmul.f32 v28, v15;
	v28 =	vor.u32 $0x1B, v10;
	v30 =	vor.u32 $0x1C, v11;
	v26 =	vld.idx.msk [tilespmem:v33+s20+$0x0], $0xffff  }
0x227: {  	v17 =	vadd.f32 v17, v18;
	v16 =	vmul.f32 v23, v16;
	v18 =	vadd.f32 v22, v19;
	v19 =	vld.idx.msk [tilespmem:v34+s17+$0x0], $0xffff  }
0x228: {  	v11 =	vor.u32 $0x1D, v11;
	v22 =	vmul.f32 v29, v14;
	v29 =	vor.u32 $0x1C, v10;
	v23 =	vld.idx.msk [tilespmem:v35+s17+$0x0], $0xffff  }
0x229: {  	v16 =	vadd.f32 v16, v17;
	v17 =	vmul.f32 v21, v15;
	v18 =	vadd.f32 v24, v18;
	v21 =	vld.idx.msk [tilespmem:v27+s17+$0x0], $0xffff  }
0x22a: {  	v10 =	vor.u32 $0x1D, v10;
	v24 =	vmul.f32 v25, v13;
	v15 =	vld.idx.msk [tilespmem:v31+s0+$0x0], $0xffff  }
0x22b: {  	v25 =	vadd.f32 v17, v16;
	v20 =	vmul.f32 v20, v14;
	v18 =	vadd.f32 v22, v18;
	v16 =	vld.idx.msk [tilespmem:v28+s20+$0x0], $0xffff  }
.Ltmp2:
0x22c: {  	v17 =	vor.u32 $0x1F, v9;
	v22 =	vmul.f32 v26, v12;
	v14 =	vld.idx.msk [tilespmem:v30+s0+$0x0], $0xffff;
	(pc) =	sbr.rel @p0 .LBB2_6-.Ltmp2, $4  }
0x22d: {  	v20 =	vadd.f32 v20, v25;
	v19 =	vmul.f32 v19, v13;
	v24 =	vadd.f32 v24, v18;
	v13 =	vld.idx.msk [tilespmem:v29+s20+$0x0], $0xffff  }
0x22e: {  	v9 =	vld.idx.msk [tilespmem:v11+s0+$0x0], $0xffff  }
0x22f: {  	v18 =	vadd.f32 v19, v20;
	v19 =	vmul.f32 v21, v12;
	v11 =	vadd.f32 v22, v24;
	v10 =	vld.idx.msk [tilespmem:v10+s20+$0x0], $0xffff  }
0x230: {  	s31 =	smov.u32 s26;
	v12 =	vmul.f32 v23, v15;
	v8 =	vld.idx.msk [tilespmem:v8+s0+$0x0], $0xffff  }
0x231: {  	_ = 	snop  }
0x232: {  	v18 =	vadd.f32 v19, v18  }
0x233: {  	v15 =	vmul.f32 v16, v15  }
0x234: {  	v6 =	vmul.f32 v6, v14;
	v12 =	vadd.f32 v12, v18  }
0x235: {  	v16 =	vld.idx.msk [tilespmem:v17+s17+$0x0], $0xffff;
	v13 =	vmul.f32 v13, v14;
	v11 =	vadd.f32 v15, v11  }
0x236: {  	v5 =	vmul.f32 v5, v9;
	v6 =	vadd.f32 v6, v12  }
0x237: {  	v9 =	vmul.f32 v10, v9;
	v11 =	vadd.f32 v13, v11  }
0x238: {  	v2 =	vmul.f32 v2, v8;
	v5 =	vadd.f32 v5, v6  }
0x239: {  	v4 =	vmul.f32 v4, v8;
	v6 =	vadd.f32 v9, v11  }
0x23a: {  	v3 =	vmul.f32 v16, v3;
	v2 =	vadd.f32 v2, v5  }
0x23b: {  	v4 =	vadd.f32 v4, v6  }
0x23c: {  	v2 =	vadd.f32 v3, v2  }
0x23d: {  	v3 =	vadd.f32 v7, v4  }
0x23e: {  	[tilespmem:s23+$0x19200] =	vst v2  }
0x23f: {  	s24 =	simm.s32 $0x780;
	[tilespmem:s23+$0x19400] =	vst v3  }
0x240: {  	[tilespmem:s0], [sflag:$0x1] =	stream.indirect.gather [hbm4b:s4+s18], $0x80, s24, s18, $0xb8;
	[tilespmem:$0x19680] =	vst v63  }
0x241: {  	s26 =	simm.s32 $0x980  }
0x242: {  	[tilespmem:s17], [sflag:$0x1] =	stream.indirect.gather [hbm4b:s5+s18], $0x80, s26, s18, $0xb8;
	[tilespmem:$0x19680] =	vst v63  }
0x243: {  	s29 =	simm.s32 $0xB80  }
0x244: {  	[tilespmem:s20], [sflag:$0x1] =	stream.indirect.gather [hbm4b:s5+s18], $0x80, s29, s18, $0xb8;
	[tilespmem:$0x19680] =	vst v63  }
0x245: {  	_ =	swait.ge [sflag:s21], $0x4000  }
0x246: {  	[sflag:s21] =	ssyncset.done $0x0  }
0x247: {  	[sflag:s21] =	ssyncadd.s32 $0xFFFFC000  }
0x248: {  	_ =	swait.ge [sflag:s21], $0x4000  }
0x249: {  	[sflag:s21] =	ssyncset.done $0x0  }
0x24a: {  	[sflag:s21] =	ssyncadd.s32 $0xFFFFC000  }
0x24b: {  	_ =	swait.ge [sflag:s21], $0x4000  }
0x24c: {  	[sflag:s21] =	ssyncset.done $0x0  }
0x24d: {  	s23 =	simm.s32 $0x100;
	[sflag:s21] =	ssyncadd.s32 $0xFFFFC000  }
0x24e: {  	v2 =	vld [tilespmem:s23+$0x0]  }
0x24f: {  	v3 =	vld [tilespmem:s23+$0x200]  }
0x250: {  	v4 =	vld [tilespmem:s23+$0x400]  }
0x251: {  	s24 =	simm.s32 $0x0  }
0x252: {  	v5 =	vmov s24  }
0x253: {  	v5 =	vshll.u32 v5, $0x7;
	v2 =	vshll.u32 v2, $0x5  }
0x254: {  	v5 =	vor.u32 v0, v5;
	v3 =	vshll.u32 v3, $0x5;
	v2 =	vand.u32 $0x60, v2  }
0x255: {  	v4 =	vshll.u32 v4, $0x5;
	v7 =	vor.u32 v5, v2;
	v2 =	vand.u32 $0x60, v3  }
0x256: {  	v3 =	vand.u32 $0x60, v4;
	v8 =	vor.u32 v5, v2;
	v2 =	vor.u32 $0x1, v7  }
0x257: {  	v15 =	vld [tilespmem:s23+$0x18C00];
	v9 =	vor.u32 v5, v3;
	v5 =	vor.u32 $0x2, v7  }
0x258: {  	v18 =	vld [tilespmem:s23+$0x18E00]  }
0x259: {  	v16 =	vld [tilespmem:s23+$0x19000];
	v10 =	vor.u32 $0x3, v7  }
0x25a: {  	v12 =	vor.u32 $0x5, v7;
	v19 =	vld.idx.msk [tilespmem:v7+s25+$0x0], $0xffff  }
0x25b: {  	v14 =	vor.u32 $0x6, v7;
	v20 =	vld.idx.msk [tilespmem:v2+s25+$0x0], $0xffff  }
0x25c: {  	v36 =	vor.u32 $0xA, v7;
	v22 =	vld.idx.msk [tilespmem:v5+s25+$0x0], $0xffff  }
0x25d: {  	v38 =	vor.u32 $0xB, v7;
	v23 =	vld.idx.msk [tilespmem:v9+s30+$0x0], $0xffff  }
0x25e: {  	v40 =	vor.u32 $0xC, v7;
	v25 =	vld.idx.msk [tilespmem:v10+s25+$0x0], $0xffff  }
0x25f: {  	v29 =	vld.idx.msk [tilespmem:v12+s25+$0x0], $0xffff  }
0x260: {  	v46 =	vor.u32 $0x16, v7;
	v31 =	vld.idx.msk [tilespmem:v14+s25+$0x0], $0xffff  }
0x261: {  	v49 =	vor.u32 $0x15, v7;
	v36 =	vld.idx.msk [tilespmem:v36+s25+$0x0], $0xffff  }
0x262: {  	v61 =	vor.u32 $0x14, v7;
	v38 =	vld.idx.msk [tilespmem:v38+s25+$0x0], $0xffff  }
0x263: {  	v3 =	vor.u32 $0x1E, v8;
	v40 =	vld.idx.msk [tilespmem:v40+s25+$0x0], $0xffff  }
0x264: {  	v51 =	vadd.f32 v15, v1;
	v4 =	vor.u32 $0x2, v9;
	v47 =	vld.idx.msk [tilespmem:v8+s28+$0x0], $0xffff  }
0x265: {  	v6 =	vor.u32 $0x3, v9;
	v15 =	vld.idx.msk [tilespmem:v46+s25+$0x0], $0xffff  }
0x266: {  	v53 =	vadd.f32 v16, v51;
	v11 =	vor.u32 $0x5, v9;
	v16 =	vld.idx.msk [tilespmem:v49+s25+$0x0], $0xffff  }
0x267: {  	v63 =	vadd.f32 v18, v51;
	v42 =	vor.u32 $0x1, v9;
	v18 =	vld.idx.msk [tilespmem:v61+s25+$0x0], $0xffff  }
0x268: {  	v44 =	vor.u32 $0x1, v8;
	v2 =	vld.idx.msk [tilespmem:v3+s28+$0x0], $0xffff  }
0x269: {  	v48 =	vor.u32 $0x2, v8;
	v21 =	vld.idx.msk [tilespmem:v4+s30+$0x0], $0xffff  }
0x26a: {  	v50 =	vor.u32 $0x3, v8;
	v24 =	vld.idx.msk [tilespmem:v6+s30+$0x0], $0xffff  }
0x26b: {  	v52 =	vor.u32 $0x4, v8;
	v28 =	vld.idx.msk [tilespmem:v11+s30+$0x0], $0xffff  }
0x26c: {  	v5 =	vor.u32 $0x4, v7;
	v42 =	vld.idx.msk [tilespmem:v42+s30+$0x0], $0xffff  }
0x26d: {  	v12 =	vor.u32 $0x7, v7;
	v60 =	vld.idx.msk [tilespmem:v44+s28+$0x0], $0xffff  }
0x26e: {  	v14 =	vor.u32 $0x8, v7;
	v46 =	vld.idx.msk [tilespmem:v48+s28+$0x0], $0xffff  }
0x26f: {  	v3 =	vor.u32 $0x1F, v7;
	v55 =	vld.idx.msk [tilespmem:v50+s28+$0x0], $0xffff  }
0x270: {  	v4 =	vor.u32 $0x4, v9;
	v59 =	vld.idx.msk [tilespmem:v52+s28+$0x0], $0xffff  }
0x271: {  	v6 =	vor.u32 $0x1F, v9;
	v27 =	vld.idx.msk [tilespmem:v5+s25+$0x0], $0xffff  }
0x272: {  	v13 =	vor.u32 $0x1E, v9;
	v33 =	vld.idx.msk [tilespmem:v12+s25+$0x0], $0xffff  }
0x273: {  	v11 =	vor.u32 $0x7, v9;
	v35 =	vld.idx.msk [tilespmem:v14+s25+$0x0], $0xffff  }
0x274: {  	v56 =	vor.u32 $0x12, v7;
	v3 =	vld.idx.msk [tilespmem:v3+s25+$0x0], $0xffff  }
0x275: {  	v62 =	vor.u32 $0x13, v7;
	v26 =	vld.idx.msk [tilespmem:v4+s30+$0x0], $0xffff  }
0x276: {  	v54 =	vor.u32 $0x5, v8;
	v10 =	vld.idx.msk [tilespmem:v6+s30+$0x0], $0xffff  }
0x277: {  	v57 =	vor.u32 $0x6, v8;
	v4 =	vld.idx.msk [tilespmem:v13+s30+$0x0], $0xffff  }
0x278: {  	v5 =	vor.u32 $0x6, v9;
	v23 =	vmul.f32 v23, v19;
	v19 =	vmul.f32 v47, v19;
	v32 =	vld.idx.msk [tilespmem:v11+s30+$0x0], $0xffff  }
0x279: {  	v12 =	vor.u32 $0x9, v7;
	v21 =	vmul.f32 v21, v22;
	v22 =	vmul.f32 v46, v22;
	v46 =	vld.idx.msk [tilespmem:v56+s25+$0x0], $0xffff  }
0x27a: {  	v14 =	vor.u32 $0xA, v9;
	v58 =	vadd.f32 v19, v63;
	v19 =	vld.idx.msk [tilespmem:v62+s25+$0x0], $0xffff  }
0x27b: {  	v61 =	vor.u32 $0x7, v8;
	v63 =	vld.idx.msk [tilespmem:v54+s28+$0x0], $0xffff  }
0x27c: {  	v6 =	vor.u32 $0xE, v7;
	v54 =	vmul.f32 v55, v25;
	v55 =	vld.idx.msk [tilespmem:v57+s28+$0x0], $0xffff  }
0x27d: {  	v13 =	vor.u32 $0x8, v9;
	v30 =	vld.idx.msk [tilespmem:v5+s30+$0x0], $0xffff  }
0x27e: {  	v11 =	vor.u32 $0x9, v9;
	v42 =	vmul.f32 v42, v20;
	v20 =	vmul.f32 v60, v20;
	v39 =	vld.idx.msk [tilespmem:v12+s25+$0x0], $0xffff  }
0x27f: {  	v60 =	vor.u32 $0x11, v7;
	v41 =	vld.idx.msk [tilespmem:v14+s30+$0x0], $0xffff  }
0x280: {  	v52 =	vor.u32 $0x8, v8;
	v20 =	vadd.f32 v20, v58;
	v58 =	vmul.f32 v59, v27;
	v59 =	vld.idx.msk [tilespmem:v61+s28+$0x0], $0xffff  }
0x281: {  	v23 =	vadd.f32 v23, v53;
	v62 =	vor.u32 $0x10, v7;
	v17 =	vld.idx.msk [tilespmem:v6+s25+$0x0], $0xffff  }
0x282: {  	v57 =	vor.u32 $0xA, v8;
	v34 =	vld.idx.msk [tilespmem:v13+s30+$0x0], $0xffff  }
0x283: {  	v56 =	vor.u32 $0x9, v8;
	v23 =	vadd.f32 v42, v23;
	v37 =	vld.idx.msk [tilespmem:v11+s30+$0x0], $0xffff  }
0x284: {  	v5 =	vor.u32 $0x1D, v8;
	v47 =	vld.idx.msk [tilespmem:v60+s25+$0x0], $0xffff  }
0x285: {  	v12 =	vor.u32 $0x19, v7;
	v21 =	vadd.f32 v21, v23;
	v23 =	vld.idx.msk [tilespmem:v52+s28+$0x0], $0xffff  }
0x286: {  	v24 =	vmul.f32 v24, v25;
	v14 =	vor.u32 $0xD, v7;
	v42 =	vld.idx.msk [tilespmem:v62+s25+$0x0], $0xffff  }
0x287: {  	v43 =	vor.u32 $0x17, v7;
	v28 =	vmul.f32 v28, v29;
	v62 =	vmul.f32 v63, v29;
	v29 =	vld.idx.msk [tilespmem:v57+s28+$0x0], $0xffff  }
0x288: {  	v53 =	vor.u32 $0xF, v7;
	v21 =	vadd.f32 v24, v21;
	v24 =	vld.idx.msk [tilespmem:v56+s28+$0x0], $0xffff  }
0x289: {  	v61 =	vor.u32 $0xB, v8;
	v5 =	vld.idx.msk [tilespmem:v5+s28+$0x0], $0xffff  }
0x28a: {  	v48 =	vor.u32 $0xC, v9;
	v20 =	vadd.f32 v22, v20;
	v26 =	vmul.f32 v26, v27;
	v12 =	vld.idx.msk [tilespmem:v12+s25+$0x0], $0xffff  }
0x28b: {  	v6 =	vor.u32 $0x1C, v8;
	v45 =	vld.idx.msk [tilespmem:v14+s25+$0x0], $0xffff  }
0x28c: {  	v13 =	vor.u32 $0x1A, v7;
	v20 =	vadd.f32 v54, v20;
	v14 =	vld.idx.msk [tilespmem:v43+s25+$0x0], $0xffff;
	v21 =	vadd.f32 v26, v21  }
0x28d: {  	v50 =	vor.u32 $0xC, v8;
	v60 =	vor.u32 $0xB, v9;
	v63 =	vmul.f32 v30, v31;
	v30 =	vld.idx.msk [tilespmem:v53+s25+$0x0], $0xffff  }
0x28e: {  	v52 =	vmul.f32 v32, v33;
	v20 =	vadd.f32 v58, v20;
	v57 =	vld.idx.msk [tilespmem:v61+s28+$0x0], $0xffff;
	v21 =	vadd.f32 v28, v21  }
0x28f: {  	v51 =	vmul.f32 v55, v31;
	v54 =	vor.u32 $0xD, v8;
	v53 =	vor.u32 $0xD, v9;
	v61 =	vld.idx.msk [tilespmem:v48+s30+$0x0], $0xffff  }
0x290: {  	v55 =	vmul.f32 v59, v33;
	v6 =	vld.idx.msk [tilespmem:v6+s28+$0x0], $0xffff;
	v20 =	vadd.f32 v62, v20;
	v21 =	vadd.f32 v63, v21  }
0x291: {  	v58 =	vor.u32 $0xE, v9;
	v59 =	vor.u32 $0xE, v8;
	v43 =	vor.u32 $0xF, v9;
	v11 =	vld.idx.msk [tilespmem:v13+s25+$0x0], $0xffff  }
0x292: {  	v26 =	vld.idx.msk [tilespmem:v60+s30+$0x0], $0xffff;
	v56 =	vmul.f32 v34, v35;
	v20 =	vadd.f32 v51, v20;
	v21 =	vadd.f32 v52, v21  }
0x293: {  	v13 =	vor.u32 $0x18, v7;
	v60 =	vmul.f32 v23, v35;
	v62 =	vmul.f32 v37, v39;
	v63 =	vld.idx.msk [tilespmem:v50+s28+$0x0], $0xffff  }
0x294: {  	v29 =	vmul.f32 v29, v36;
	v51 =	vld.idx.msk [tilespmem:v54+s28+$0x0], $0xffff;
	v20 =	vadd.f32 v55, v20;
	v21 =	vadd.f32 v56, v21  }
0x295: {  	v44 =	vor.u32 $0xF, v8;
	v48 =	vmul.f32 v24, v39;
	v50 =	vmul.f32 v41, v36;
	v49 =	vld.idx.msk [tilespmem:v53+s30+$0x0], $0xffff  }
0x296: {  	v53 =	vor.u32 $0x10, v8;
	v54 =	vld.idx.msk [tilespmem:v58+s30+$0x0], $0xffff;
	v20 =	vadd.f32 v60, v20;
	v21 =	vadd.f32 v62, v21  }
0x297: {  	v25 =	vmul.f32 v57, v38;
	v57 =	vor.u32 $0x11, v8;
	v58 =	vld.idx.msk [tilespmem:v43+s30+$0x0], $0xffff;
	v52 =	vor.u32 $0x10, v9  }
0x298: {  	v13 =	vld.idx.msk [tilespmem:v13+s25+$0x0], $0xffff;
	v26 =	vmul.f32 v26, v38;
	v20 =	vadd.f32 v48, v20;
	v21 =	vadd.f32 v50, v21  }
0x299: {  	v23 =	vmul.f32 v61, v40;
	v61 =	vor.u32 $0x12, v8;
	v43 =	vor.u32 $0x13, v8;
	v55 =	vld.idx.msk [tilespmem:v59+s28+$0x0], $0xffff  }
0x29a: {  	v59 =	vld.idx.msk [tilespmem:v44+s28+$0x0], $0xffff;
	v56 =	vor.u32 $0x11, v9;
	v20 =	vadd.f32 v29, v20;
	v21 =	vadd.f32 v26, v21  }
0x29b: {  	v60 =	vor.u32 $0x12, v9;
	v27 =	vmul.f32 v63, v40;
	v28 =	vmul.f32 v51, v45;
	v40 =	vld.idx.msk [tilespmem:v53+s28+$0x0], $0xffff  }
0x29c: {  	v63 =	vmul.f32 v49, v45;
	v45 =	vld.idx.msk [tilespmem:v57+s28+$0x0], $0xffff;
	v20 =	vadd.f32 v25, v20;
	v21 =	vadd.f32 v23, v21  }
0x29d: {  	v41 =	vor.u32 $0x13, v9;
	v49 =	vor.u32 $0x15, v9;
	v62 =	vld.idx.msk [tilespmem:v52+s30+$0x0], $0xffff  }
0x29e: {  	v22 =	vmul.f32 v54, v17;
	v52 =	vld.idx.msk [tilespmem:v61+s28+$0x0], $0xffff;
	v20 =	vadd.f32 v27, v20;
	v21 =	vadd.f32 v63, v21  }
0x29f: {  	v48 =	vor.u32 $0x14, v9;
	v51 =	vmul.f32 v58, v30;
	v53 =	vor.u32 $0x14, v8;
	v44 =	vld.idx.msk [tilespmem:v56+s30+$0x0], $0xffff  }
0x2a0: {  	v17 =	vmul.f32 v55, v17;
	v50 =	vld.idx.msk [tilespmem:v60+s30+$0x0], $0xffff;
	v20 =	vadd.f32 v28, v20;
	v21 =	vadd.f32 v22, v21  }
0x2a1: {  	v54 =	vor.u32 $0x16, v9;
	v58 =	vor.u32 $0x17, v9;
	v56 =	vld.idx.msk [tilespmem:v43+s28+$0x0], $0xffff;
	v26 =	vmul.f32 v59, v30  }
0x2a2: {  	v61 =	vld.idx.msk [tilespmem:v49+s30+$0x0], $0xffff;
	v55 =	vmul.f32 v62, v42;
	v17 =	vadd.f32 v17, v20;
	v21 =	vadd.f32 v51, v21  }
0x2a3: {  	v57 =	vor.u32 $0x15, v8;
	v24 =	vmul.f32 v40, v42;
	v49 =	vor.u32 $0x1B, v8;
	v20 =	vld.idx.msk [tilespmem:v41+s30+$0x0], $0xffff  }
0x2a4: {  	v59 =	vld.idx.msk [tilespmem:v48+s30+$0x0], $0xffff;
	v60 =	vmul.f32 v44, v47;
	v17 =	vadd.f32 v26, v17;
	v21 =	vadd.f32 v55, v21  }
0x2a5: {  	v36 =	vld.idx.msk [tilespmem:v53+s28+$0x0], $0xffff;
	v40 =	vor.u32 $0x19, v9;
	v62 =	vor.u32 $0x16, v8;
	v23 =	vmul.f32 v45, v47  }
0x2a6: {  	v38 =	vld.idx.msk [tilespmem:v54+s30+$0x0], $0xffff;
	v37 =	vmul.f32 v50, v46;
	v17 =	vadd.f32 v24, v17;
	v21 =	vadd.f32 v60, v21  }
0x2a7: {  	v39 =	vor.u32 $0x17, v8;
	v29 =	vmul.f32 v52, v46;
	v42 =	vld.idx.msk [tilespmem:v58+s30+$0x0], $0xffff;
	v63 =	vor.u32 $0x18, v9  }
0x2a8: {  	v41 =	vld.idx.msk [tilespmem:v57+s28+$0x0], $0xffff;
	v20 =	vmul.f32 v20, v19;
	v17 =	vadd.f32 v23, v17;
	v21 =	vadd.f32 v37, v21  }
0x2a9: {  	v43 =	vor.u32 $0x18, v8;
	v44 =	vor.u32 $0x1A, v9;
	v46 =	vmul.f32 v59, v18;
	v58 =	vld.idx.msk [tilespmem:v49+s28+$0x0], $0xffff  }
0x2aa: {  	v45 =	vld.idx.msk [tilespmem:v62+s28+$0x0], $0xffff;
	v19 =	vmul.f32 v56, v19;
	v17 =	vadd.f32 v29, v17;
	v20 =	vadd.f32 v20, v21  }
0x2ab: {  	v48 =	vor.u32 $0x19, v8;
	v52 =	vor.u32 $0x1A, v8;
	v18 =	vmul.f32 v36, v18;
	v51 =	vld.idx.msk [tilespmem:v40+s30+$0x0], $0xffff  }
0x2ac: {  	v50 =	vmul.f32 v61, v16;
	v17 =	vadd.f32 v19, v17;
	v19 =	vld.idx.msk [tilespmem:v39+s28+$0x0], $0xffff;
	v20 =	vadd.f32 v46, v20  }
0x2ad: {  	v53 =	vor.u32 $0x1B, v7;
	v54 =	vmul.f32 v38, v15;
	v59 =	vor.u32 $0x1C, v9;
	v47 =	vld.idx.msk [tilespmem:v63+s30+$0x0], $0xffff  }
0x2ae: {  	v16 =	vmul.f32 v41, v16;
	v17 =	vadd.f32 v18, v17;
	v18 =	vld.idx.msk [tilespmem:v43+s28+$0x0], $0xffff;
	v20 =	vadd.f32 v50, v20  }
0x2af: {  	v57 =	vor.u32 $0x1C, v7;
	v22 =	vmul.f32 v42, v14;
	v55 =	vld.idx.msk [tilespmem:v44+s30+$0x0], $0xffff;
	v56 =	vor.u32 $0x1B, v9  }
0x2b0: {  	v15 =	vmul.f32 v45, v15;
	v16 =	vadd.f32 v16, v17;
	v17 =	vld.idx.msk [tilespmem:v48+s28+$0x0], $0xffff;
	v20 =	vadd.f32 v54, v20  }
0x2b1: {  	v62 =	vor.u32 $0x1E, v7;
	v60 =	vor.u32 $0x1D, v7;
	v14 =	vmul.f32 v19, v14;
	v19 =	vld.idx.msk [tilespmem:v52+s28+$0x0], $0xffff  }
0x2b2: {  	v26 =	vmul.f32 v47, v13;
	v16 =	vadd.f32 v15, v16;
	v15 =	vld.idx.msk [tilespmem:v53+s25+$0x0], $0xffff;
	v20 =	vadd.f32 v22, v20  }
0x2b3: {  	v61 =	vor.u32 $0x1D, v9;
	v9 =	vmul.f32 v18, v13;
	v13 =	vld.idx.msk [tilespmem:v59+s30+$0x0], $0xffff  }
0x2b4: {  	v18 =	vmul.f32 v51, v12;
	v7 =	vadd.f32 v14, v16;
	v16 =	vld.idx.msk [tilespmem:v56+s30+$0x0], $0xffff;
	v20 =	vadd.f32 v26, v20  }
0x2b5: {  	v14 =	vld.idx.msk [tilespmem:v57+s25+$0x0], $0xffff;
	v12 =	vmul.f32 v17, v12;
	v17 =	vor.u32 $0x1F, v8  }
0x2b6: {  	v24 =	vmul.f32 v55, v11;
	v8 =	vld.idx.msk [tilespmem:v62+s25+$0x0], $0xffff;
	v63 =	vadd.f32 v9, v7;
	v20 =	vadd.f32 v18, v20  }
0x2b7: {  	v9 =	vld.idx.msk [tilespmem:v60+s25+$0x0], $0xffff;
	v7 =	vmul.f32 v10, v3;
	v19 =	vmul.f32 v19, v11  }
0x2b8: {  	s31 =	simm.s32 $0x440;
	v10 =	vld.idx.msk [tilespmem:v61+s30+$0x0], $0xffff;
	v18 =	vadd.f32 v12, v63;
	v12 =	vmul.f32 v58, v15;
	v11 =	vadd.f32 v24, v20  }
.LBB2_8:
0x2b9: {  	s26 =	smov.u32 s31  }
0x2ba: {  	s29 =	sshra.s32 s31, $0x2;
	v18 =	vadd.f32 v19, v18;
	v15 =	vmul.f32 v16, v15;
	v16 =	vld.idx.msk [tilespmem:v17+s28+$0x0], $0xffff;
	s24 =	sadd.s32 $0x10, s24;
	s26 =	sadd.s32 $0x40, s31  }
0x2bb: {  	p0 =	sne.s32 s31, $0x5C0;
	v6 =	vmul.f32 v6, v14;
	v17 =	vld [tilespmem:s29+$0x0]  }
0x2bc: {  	v13 =	vmul.f32 v13, v14;
	v12 =	vadd.f32 v12, v18;
	v11 =	vadd.f32 v15, v11;
	v19 =	vld [tilespmem:s29+$0x200]  }
0x2bd: {  	v5 =	vmul.f32 v5, v9;
	v14 =	vld [tilespmem:s29+$0x400]  }
0x2be: {  	v9 =	vmul.f32 v10, v9;
	v6 =	vadd.f32 v6, v12;
	v11 =	vadd.f32 v13, v11;
	v15 =	vld [tilespmem:s29+$0x18C00]  }
0x2bf: {  	v10 =	vmov s24;
	v2 =	vmul.f32 v2, v8;
	v4 =	vmul.f32 v4, v8;
	v12 =	vld [tilespmem:s29+$0x18E00]  }
0x2c0: {  	v8 =	vshll.u32 v10, $0x7;
	v3 =	vmul.f32 v16, v3;
	v10 =	vshll.u32 v17, $0x5;
	v13 =	vld [tilespmem:s29+$0x19000]  }
0x2c1: {  	v9 =	vadd.f32 v9, v11;
	v10 =	vand.u32 $0x60, v10;
	v16 =	vshll.u32 v19, $0x5  }
0x2c2: {  	v5 =	vadd.f32 v5, v6;
	v11 =	vshll.u32 v14, $0x5;
	v14 =	vor.u32 v0, v8  }
0x2c3: {  	v4 =	vadd.f32 v4, v9;
	v6 =	vand.u32 $0x60, v11;
	v11 =	vor.u32 v14, v10  }
0x2c4: {  	v9 =	vand.u32 $0x60, v16;
	v16 =	vor.u32 $0xE, v11;
	v8 =	vor.u32 $0x1E, v11  }
0x2c5: {  	v2 =	vadd.f32 v2, v5;
	v17 =	vadd.f32 v15, v1;
	v10 =	vor.u32 v14, v6  }
0x2c6: {  	v9 =	vor.u32 v14, v9;
	v15 =	vor.u32 $0x1, v10;
	v5 =	vor.u32 $0x1E, v10  }
0x2c7: {  	v2 =	vadd.f32 v3, v2;
	v3 =	vadd.f32 v7, v4;
	v6 =	vor.u32 $0x1, v11  }
0x2c8: {  	v7 =	vor.u32 $0x1E, v9;
	v19 =	vadd.f32 v12, v17;
	v4 =	vadd.f32 v13, v17  }
0x2c9: {  	v12 =	vor.u32 $0x2, v10;
	[tilespmem:s23+$0x19200] =	vst v2  }
0x2ca: {  	v13 =	vor.u32 $0x2, v11;
	[tilespmem:s23+$0x19400] =	vst v3;
	s23 =	smov.u32 s29  }
0x2cb: {  	v17 =	vld.idx.msk [tilespmem:v11+s25+$0x0], $0xffff  }
0x2cc: {  	v3 =	vor.u32 $0x3, v10;
	v20 =	vld.idx.msk [tilespmem:v6+s25+$0x0], $0xffff  }
0x2cd: {  	v6 =	vor.u32 $0x3, v11;
	v2 =	vld.idx.msk [tilespmem:v7+s28+$0x0], $0xffff  }
0x2ce: {  	v7 =	vld.idx.msk [tilespmem:v12+s30+$0x0], $0xffff;
	v12 =	vor.u32 $0x1F, v11  }
0x2cf: {  	v22 =	vld.idx.msk [tilespmem:v13+s25+$0x0], $0xffff;
	v13 =	vor.u32 $0x4, v10  }
0x2d0: {  	v18 =	vor.u32 $0x4, v11;
	v14 =	vld.idx.msk [tilespmem:v10+s30+$0x0], $0xffff  }
0x2d1: {  	v25 =	vor.u32 $0x1F, v10;
	v21 =	vld.idx.msk [tilespmem:v3+s30+$0x0], $0xffff  }
0x2d2: {  	v23 =	vld.idx.msk [tilespmem:v6+s25+$0x0], $0xffff;
	v6 =	vor.u32 $0x5, v10  }
0x2d3: {  	v26 =	vor.u32 $0x5, v11;
	v3 =	vld.idx.msk [tilespmem:v12+s25+$0x0], $0xffff  }
0x2d4: {  	v12 =	vld.idx.msk [tilespmem:v13+s30+$0x0], $0xffff  }
0x2d5: {  	v32 =	vmul.f32 v7, v22;
	v7 =	vor.u32 $0x6, v10;
	v24 =	vld.idx.msk [tilespmem:v18+s25+$0x0], $0xffff  }
0x2d6: {  	v13 =	vmul.f32 v14, v17;
	v14 =	vor.u32 $0x6, v11;
	v25 =	vld.idx.msk [tilespmem:v25+s30+$0x0], $0xffff  }
0x2d7: {  	v6 =	vld.idx.msk [tilespmem:v6+s30+$0x0], $0xffff  }
0x2d8: {  	v33 =	vadd.f32 v13, v4;
	v34 =	vmul.f32 v21, v23;
	v13 =	vor.u32 $0x7, v10;
	v26 =	vld.idx.msk [tilespmem:v26+s25+$0x0], $0xffff  }
0x2d9: {  	v21 =	vor.u32 $0x7, v11;
	v4 =	vld.idx.msk [tilespmem:v5+s30+$0x0], $0xffff  }
0x2da: {  	v5 =	vor.u32 $0x1D, v9;
	v29 =	vld.idx.msk [tilespmem:v7+s30+$0x0], $0xffff  }
0x2db: {  	v35 =	vmul.f32 v12, v24;
	v12 =	vor.u32 $0x8, v10;
	v27 =	vld.idx.msk [tilespmem:v14+s25+$0x0], $0xffff  }
0x2dc: {  	v14 =	vor.u32 $0x8, v11;
	v7 =	vmul.f32 v25, v3;
	v18 =	vld.idx.msk [tilespmem:v16+s25+$0x0], $0xffff  }
0x2dd: {  	v16 =	vor.u32 $0x1C, v9;
	v13 =	vld.idx.msk [tilespmem:v13+s30+$0x0], $0xffff  }
0x2de: {  	v36 =	vmul.f32 v6, v26;
	v28 =	vld.idx.msk [tilespmem:v21+s25+$0x0], $0xffff;
	v21 =	vor.u32 $0x9, v10  }
0x2df: {  	v25 =	vor.u32 $0x9, v11;
	v5 =	vld.idx.msk [tilespmem:v5+s28+$0x0], $0xffff  }
0x2e0: {  	v30 =	vld.idx.msk [tilespmem:v12+s30+$0x0], $0xffff;
	v12 =	vor.u32 $0x1A, v11  }
0x2e1: {  	v37 =	vmul.f32 v29, v27;
	v29 =	vld.idx.msk [tilespmem:v14+s25+$0x0], $0xffff;
	v14 =	vor.u32 $0xA, v10  }
0x2e2: {  	v38 =	vor.u32 $0xA, v11;
	v6 =	vld.idx.msk [tilespmem:v16+s28+$0x0], $0xffff  }
0x2e3: {  	v16 =	vld.idx.msk [tilespmem:v21+s30+$0x0], $0xffff;
	v21 =	vor.u32 $0xB, v11  }
0x2e4: {  	v39 =	vmul.f32 v13, v28;
	v13 =	vor.u32 $0x19, v11;
	v31 =	vld.idx.msk [tilespmem:v25+s25+$0x0], $0xffff  }
0x2e5: {  	v25 =	vor.u32 $0xC, v11;
	v12 =	vld.idx.msk [tilespmem:v12+s25+$0x0], $0xffff  }
0x2e6: {  	v40 =	vld.idx.msk [tilespmem:v14+s30+$0x0], $0xffff;
	v14 =	vor.u32 $0x18, v11  }
0x2e7: {  	v42 =	vor.u32 $0xD, v11;
	v41 =	vmul.f32 v30, v29;
	v38 =	vld.idx.msk [tilespmem:v38+s25+$0x0], $0xffff  }
0x2e8: {  	v30 =	vld.idx.msk [tilespmem:v21+s25+$0x0], $0xffff  }
0x2e9: {  	v13 =	vld.idx.msk [tilespmem:v13+s25+$0x0], $0xffff  }
0x2ea: {  	v43 =	vmul.f32 v16, v31;
	v16 =	vor.u32 $0x17, v11;
	v25 =	vld.idx.msk [tilespmem:v25+s25+$0x0], $0xffff  }
0x2eb: {  	v44 =	vor.u32 $0x1, v9;
	v14 =	vld.idx.msk [tilespmem:v14+s25+$0x0], $0xffff  }
0x2ec: {  	v21 =	vld.idx.msk [tilespmem:v42+s25+$0x0], $0xffff;
	v42 =	vor.u32 $0x16, v11  }
0x2ed: {  	v46 =	vor.u32 $0x2, v9;
	v40 =	vmul.f32 v40, v38;
	v45 =	vld.idx.msk [tilespmem:v9+s28+$0x0], $0xffff  }
0x2ee: {  	v48 =	vor.u32 $0x15, v11;
	v47 =	vld.idx.msk [tilespmem:v15+s30+$0x0], $0xffff  }
0x2ef: {  	v49 =	vor.u32 $0x3, v9;
	v15 =	vld.idx.msk [tilespmem:v16+s25+$0x0], $0xffff  }
0x2f0: {  	v50 =	vor.u32 $0x14, v11;
	v44 =	vld.idx.msk [tilespmem:v44+s28+$0x0], $0xffff  }
0x2f1: {  	v51 =	vor.u32 $0x4, v9;
	v16 =	vld.idx.msk [tilespmem:v42+s25+$0x0], $0xffff  }
0x2f2: {  	v42 =	vld.idx.msk [tilespmem:v46+s28+$0x0], $0xffff;
	v46 =	vor.u32 $0x13, v11  }
0x2f3: {  	v52 =	vor.u32 $0x5, v9;
	v45 =	vmul.f32 v45, v17;
	v17 =	vld.idx.msk [tilespmem:v48+s25+$0x0], $0xffff  }
0x2f4: {  	v47 =	vmul.f32 v47, v20;
	v48 =	vld.idx.msk [tilespmem:v49+s28+$0x0], $0xffff;
	v49 =	vor.u32 $0x12, v11  }
0x2f5: {  	v53 =	vor.u32 $0x6, v9;
	v45 =	vadd.f32 v45, v19;
	v19 =	vld.idx.msk [tilespmem:v50+s25+$0x0], $0xffff  }
0x2f6: {  	v44 =	vmul.f32 v44, v20;
	v33 =	vadd.f32 v47, v33;
	v50 =	vor.u32 $0x11, v11;
	v47 =	vld.idx.msk [tilespmem:v51+s28+$0x0], $0xffff  }
0x2f7: {  	v54 =	vor.u32 $0x10, v11;
	v51 =	vor.u32 $0x7, v9;
	v20 =	vld.idx.msk [tilespmem:v46+s25+$0x0], $0xffff  }
0x2f8: {  	v44 =	vadd.f32 v44, v45;
	v42 =	vmul.f32 v42, v22;
	v32 =	vadd.f32 v32, v33;
	v33 =	vld.idx.msk [tilespmem:v52+s28+$0x0], $0xffff  }
0x2f9: {  	v45 =	vor.u32 $0x8, v9;
	v46 =	vor.u32 $0xF, v11;
	v22 =	vld.idx.msk [tilespmem:v49+s25+$0x0], $0xffff  }
0x2fa: {  	v42 =	vadd.f32 v42, v44;
	v23 =	vmul.f32 v48, v23;
	v32 =	vadd.f32 v34, v32;
	v34 =	vld.idx.msk [tilespmem:v53+s28+$0x0], $0xffff  }
0x2fb: {  	v44 =	vor.u32 $0x9, v9;
	v48 =	vor.u32 $0xA, v9;
	v49 =	vld.idx.msk [tilespmem:v50+s25+$0x0], $0xffff  }
0x2fc: {  	v23 =	vadd.f32 v23, v42;
	v24 =	vmul.f32 v47, v24;
	v32 =	vadd.f32 v35, v32;
	v35 =	vld.idx.msk [tilespmem:v51+s28+$0x0], $0xffff  }
0x2fd: {  	v42 =	vor.u32 $0xB, v9;
	v47 =	vor.u32 $0xB, v10;
	v50 =	vld.idx.msk [tilespmem:v54+s25+$0x0], $0xffff  }
0x2fe: {  	v23 =	vadd.f32 v24, v23;
	v24 =	vmul.f32 v33, v26;
	v26 =	vadd.f32 v36, v32;
	v32 =	vld.idx.msk [tilespmem:v45+s28+$0x0], $0xffff  }
0x2ff: {  	v33 =	vor.u32 $0xC, v9;
	v36 =	vor.u32 $0xC, v10;
	v45 =	vld.idx.msk [tilespmem:v46+s25+$0x0], $0xffff  }
0x300: {  	v23 =	vadd.f32 v24, v23;
	v24 =	vmul.f32 v34, v27;
	v26 =	vadd.f32 v37, v26;
	v27 =	vld.idx.msk [tilespmem:v44+s28+$0x0], $0xffff  }
0x301: {  	v37 =	vor.u32 $0xD, v9;
	v44 =	vor.u32 $0xD, v10;
	v34 =	vld.idx.msk [tilespmem:v48+s28+$0x0], $0xffff  }
0x302: {  	v23 =	vadd.f32 v24, v23;
	v24 =	vmul.f32 v35, v28;
	v26 =	vadd.f32 v39, v26;
	v28 =	vld.idx.msk [tilespmem:v47+s30+$0x0], $0xffff  }
0x303: {  	v39 =	vor.u32 $0xE, v9;
	v35 =	vld.idx.msk [tilespmem:v42+s28+$0x0], $0xffff;
	v42 =	vor.u32 $0xE, v10  }
0x304: {  	v23 =	vadd.f32 v24, v23;
	v24 =	vmul.f32 v32, v29;
	v26 =	vadd.f32 v41, v26;
	v29 =	vld.idx.msk [tilespmem:v36+s30+$0x0], $0xffff  }
0x305: {  	v36 =	vor.u32 $0xF, v10;
	v32 =	vld.idx.msk [tilespmem:v33+s28+$0x0], $0xffff;
	v33 =	vor.u32 $0xF, v9  }
0x306: {  	v23 =	vadd.f32 v24, v23;
	v24 =	vmul.f32 v27, v31;
	v26 =	vadd.f32 v43, v26;
	v27 =	vld.idx.msk [tilespmem:v44+s30+$0x0], $0xffff  }
0x307: {  	v31 =	vmul.f32 v34, v38;
	v38 =	vor.u32 $0x10, v10;
	v34 =	vld.idx.msk [tilespmem:v37+s28+$0x0], $0xffff;
	v37 =	vor.u32 $0x10, v9  }
0x308: {  	v23 =	vadd.f32 v24, v23;
	v24 =	vadd.f32 v40, v26;
	v26 =	vmul.f32 v28, v30;
	v28 =	vld.idx.msk [tilespmem:v42+s30+$0x0], $0xffff  }
0x309: {  	v40 =	vor.u32 $0x11, v10;
	v30 =	vmul.f32 v35, v30;
	v35 =	vld.idx.msk [tilespmem:v39+s28+$0x0], $0xffff;
	v39 =	vor.u32 $0x11, v9  }
0x30a: {  	v23 =	vadd.f32 v31, v23;
	v24 =	vadd.f32 v26, v24;
	v26 =	vmul.f32 v29, v25;
	v29 =	vld.idx.msk [tilespmem:v36+s30+$0x0], $0xffff  }
0x30b: {  	v25 =	vmul.f32 v32, v25;
	v32 =	vor.u32 $0x12, v9;
	v31 =	vld.idx.msk [tilespmem:v33+s28+$0x0], $0xffff;
	v33 =	vor.u32 $0x12, v10  }
0x30c: {  	v23 =	vadd.f32 v30, v23;
	v24 =	vadd.f32 v26, v24;
	v26 =	vmul.f32 v27, v21;
	v27 =	vld.idx.msk [tilespmem:v38+s30+$0x0], $0xffff  }
0x30d: {  	v36 =	vor.u32 $0x13, v10;
	v21 =	vmul.f32 v34, v21;
	v34 =	vor.u32 $0x13, v9;
	v30 =	vld.idx.msk [tilespmem:v37+s28+$0x0], $0xffff  }
0x30e: {  	v23 =	vadd.f32 v25, v23;
	v24 =	vadd.f32 v26, v24;
	v25 =	vmul.f32 v28, v18;
	v26 =	vld.idx.msk [tilespmem:v40+s30+$0x0], $0xffff  }
0x30f: {  	v37 =	vor.u32 $0x15, v10;
	v18 =	vmul.f32 v35, v18;
	v35 =	vor.u32 $0x14, v10;
	v28 =	vld.idx.msk [tilespmem:v39+s28+$0x0], $0xffff  }
0x310: {  	v21 =	vadd.f32 v21, v23;
	v23 =	vadd.f32 v25, v24;
	v24 =	vmul.f32 v29, v45;
	v25 =	vld.idx.msk [tilespmem:v33+s30+$0x0], $0xffff  }
0x311: {  	v29 =	vmul.f32 v31, v45;
	v33 =	vor.u32 $0x16, v10;
	v31 =	vld.idx.msk [tilespmem:v32+s28+$0x0], $0xffff;
	v32 =	vor.u32 $0x14, v9  }
0x312: {  	v18 =	vadd.f32 v18, v21;
	v21 =	vadd.f32 v24, v23;
	v23 =	vmul.f32 v27, v50;
	v24 =	vld.idx.msk [tilespmem:v36+s30+$0x0], $0xffff  }
0x313: {  	v27 =	vmul.f32 v30, v50;
	v36 =	vor.u32 $0x17, v10;
	v30 =	vld.idx.msk [tilespmem:v34+s28+$0x0], $0xffff;
	v34 =	vor.u32 $0x15, v9  }
0x314: {  	v18 =	vadd.f32 v29, v18;
	v21 =	vadd.f32 v23, v21;
	v23 =	vmul.f32 v26, v49;
	v26 =	vld.idx.msk [tilespmem:v35+s30+$0x0], $0xffff  }
0x315: {  	v28 =	vmul.f32 v28, v49;
	v35 =	vor.u32 $0x16, v9;
	v29 =	vld.idx.msk [tilespmem:v37+s30+$0x0], $0xffff;
	v37 =	vor.u32 $0x18, v10  }
0x316: {  	v18 =	vadd.f32 v27, v18;
	v21 =	vadd.f32 v23, v21;
	v23 =	vmul.f32 v25, v22;
	v25 =	vld.idx.msk [tilespmem:v32+s28+$0x0], $0xffff  }
0x317: {  	v22 =	vmul.f32 v31, v22;
	v31 =	vor.u32 $0x17, v9;
	v32 =	vor.u32 $0x19, v10;
	v27 =	vld.idx.msk [tilespmem:v33+s30+$0x0], $0xffff  }
0x318: {  	v18 =	vadd.f32 v28, v18;
	v21 =	vadd.f32 v23, v21;
	v23 =	vmul.f32 v24, v20;
	v24 =	vld.idx.msk [tilespmem:v34+s28+$0x0], $0xffff  }
0x319: {  	v33 =	vor.u32 $0x1A, v10;
	v20 =	vmul.f32 v30, v20;
	v30 =	vor.u32 $0x18, v9;
	v28 =	vld.idx.msk [tilespmem:v36+s30+$0x0], $0xffff  }
0x31a: {  	v18 =	vadd.f32 v22, v18;
	v21 =	vadd.f32 v23, v21;
	v22 =	vmul.f32 v26, v19;
	v23 =	vld.idx.msk [tilespmem:v35+s28+$0x0], $0xffff  }
0x31b: {  	v34 =	vor.u32 $0x19, v9;
	v26 =	vmul.f32 v29, v17;
	v35 =	vor.u32 $0x1B, v9;
	v29 =	vld.idx.msk [tilespmem:v37+s30+$0x0], $0xffff  }
0x31c: {  	v18 =	vadd.f32 v20, v18;
	v19 =	vmul.f32 v25, v19;
	v20 =	vadd.f32 v22, v21;
	v21 =	vld.idx.msk [tilespmem:v31+s28+$0x0], $0xffff  }
0x31d: {  	v22 =	vmul.f32 v27, v16;
	v27 =	vor.u32 $0x1A, v9;
	v31 =	vor.u32 $0x1B, v11;
	v25 =	vld.idx.msk [tilespmem:v32+s30+$0x0], $0xffff  }
0x31e: {  	v18 =	vadd.f32 v19, v18;
	v17 =	vmul.f32 v24, v17;
	v19 =	vadd.f32 v26, v20;
	v20 =	vld.idx.msk [tilespmem:v30+s28+$0x0], $0xffff  }
0x31f: {  	v24 =	vmul.f32 v28, v15;
	v28 =	vor.u32 $0x1B, v10;
	v30 =	vor.u32 $0x1C, v11;
	v26 =	vld.idx.msk [tilespmem:v33+s30+$0x0], $0xffff  }
0x320: {  	v17 =	vadd.f32 v17, v18;
	v16 =	vmul.f32 v23, v16;
	v18 =	vadd.f32 v22, v19;
	v19 =	vld.idx.msk [tilespmem:v34+s28+$0x0], $0xffff  }
0x321: {  	v11 =	vor.u32 $0x1D, v11;
	v22 =	vmul.f32 v29, v14;
	v29 =	vor.u32 $0x1C, v10;
	v23 =	vld.idx.msk [tilespmem:v35+s28+$0x0], $0xffff  }
0x322: {  	v16 =	vadd.f32 v16, v17;
	v17 =	vmul.f32 v21, v15;
	v18 =	vadd.f32 v24, v18;
	v21 =	vld.idx.msk [tilespmem:v27+s28+$0x0], $0xffff  }
0x323: {  	v10 =	vor.u32 $0x1D, v10;
	v24 =	vmul.f32 v25, v13;
	v15 =	vld.idx.msk [tilespmem:v31+s25+$0x0], $0xffff  }
0x324: {  	v25 =	vadd.f32 v17, v16;
	v20 =	vmul.f32 v20, v14;
	v18 =	vadd.f32 v22, v18;
	v16 =	vld.idx.msk [tilespmem:v28+s30+$0x0], $0xffff  }
.Ltmp3:
0x325: {  	v17 =	vor.u32 $0x1F, v9;
	v22 =	vmul.f32 v26, v12;
	v14 =	vld.idx.msk [tilespmem:v30+s25+$0x0], $0xffff;
	(pc) =	sbr.rel @p0 .LBB2_8-.Ltmp3, $4  }
0x326: {  	v20 =	vadd.f32 v20, v25;
	v19 =	vmul.f32 v19, v13;
	v24 =	vadd.f32 v24, v18;
	v13 =	vld.idx.msk [tilespmem:v29+s30+$0x0], $0xffff  }
0x327: {  	v9 =	vld.idx.msk [tilespmem:v11+s25+$0x0], $0xffff  }
0x328: {  	v18 =	vadd.f32 v19, v20;
	v19 =	vmul.f32 v21, v12;
	v11 =	vadd.f32 v22, v24;
	v10 =	vld.idx.msk [tilespmem:v10+s30+$0x0], $0xffff  }
0x329: {  	s31 =	smov.u32 s26;
	v12 =	vmul.f32 v23, v15;
	v8 =	vld.idx.msk [tilespmem:v8+s25+$0x0], $0xffff  }
0x32a: {  	_ = 	snop  }
0x32b: {  	v18 =	vadd.f32 v19, v18  }
0x32c: {  	v15 =	vmul.f32 v16, v15  }
0x32d: {  	v6 =	vmul.f32 v6, v14;
	v12 =	vadd.f32 v12, v18  }
0x32e: {  	v16 =	vld.idx.msk [tilespmem:v17+s28+$0x0], $0xffff;
	v13 =	vmul.f32 v13, v14;
	v11 =	vadd.f32 v15, v11  }
0x32f: {  	v5 =	vmul.f32 v5, v9;
	v6 =	vadd.f32 v6, v12  }
0x330: {  	v9 =	vmul.f32 v10, v9;
	v11 =	vadd.f32 v13, v11  }
0x331: {  	v2 =	vmul.f32 v2, v8;
	v5 =	vadd.f32 v5, v6  }
0x332: {  	v4 =	vmul.f32 v4, v8;
	v6 =	vadd.f32 v9, v11  }
0x333: {  	v3 =	vmul.f32 v16, v3;
	v2 =	vadd.f32 v2, v5  }
0x334: {  	v4 =	vadd.f32 v4, v6  }
0x335: {  	v2 =	vadd.f32 v3, v2  }
0x336: {  	v3 =	vadd.f32 v7, v4  }
0x337: {  	[tilespmem:s23+$0x19200] =	vst v2  }
0x338: {  	[tilespmem:s23+$0x19400] =	vst v3  }
0x339: {  	_ =	swait.ge [sflag:s21], $0x4000  }
0x33a: {  	[sflag:s21] =	ssyncset.done $0x0  }
0x33b: {  	[sflag:s21] =	ssyncadd.s32 $0xFFFFC000  }
0x33c: {  	_ =	swait.ge [sflag:s21], $0x4000  }
0x33d: {  	[sflag:s21] =	ssyncset.done $0x0  }
0x33e: {  	[sflag:s21] =	ssyncadd.s32 $0xFFFFC000  }
0x33f: {  	_ =	swait.ge [sflag:s21], $0x4000  }
0x340: {  	[sflag:s21] =	ssyncset.done $0x0  }
0x341: {  	s23 =	simm.s32 $0x180;
	[sflag:s21] =	ssyncadd.s32 $0xFFFFC000  }
0x342: {  	v2 =	vld [tilespmem:s23+$0x0]  }
0x343: {  	v3 =	vld [tilespmem:s23+$0x200]  }
0x344: {  	v4 =	vld [tilespmem:s23+$0x400]  }
0x345: {  	s24 =	simm.s32 $0x0  }
0x346: {  	v5 =	vmov s24  }
0x347: {  	v5 =	vshll.u32 v5, $0x7;
	v2 =	vshll.u32 v2, $0x5  }
0x348: {  	v5 =	vor.u32 v0, v5;
	v3 =	vshll.u32 v3, $0x5;
	v2 =	vand.u32 $0x60, v2  }
0x349: {  	v4 =	vshll.u32 v4, $0x5;
	v7 =	vor.u32 v5, v2;
	v2 =	vand.u32 $0x60, v3  }
0x34a: {  	v3 =	vand.u32 $0x60, v4;
	v8 =	vor.u32 v5, v2;
	v2 =	vor.u32 $0x1, v7  }
0x34b: {  	v15 =	vld [tilespmem:s23+$0x18C00];
	v9 =	vor.u32 v5, v3;
	v5 =	vor.u32 $0x2, v7  }
0x34c: {  	v18 =	vld [tilespmem:s23+$0x18E00]  }
0x34d: {  	v16 =	vld [tilespmem:s23+$0x19000];
	v10 =	vor.u32 $0x3, v7  }
0x34e: {  	v12 =	vor.u32 $0x5, v7;
	v19 =	vld.idx.msk [tilespmem:v7+s0+$0x0], $0xffff  }
0x34f: {  	v14 =	vor.u32 $0x6, v7;
	v20 =	vld.idx.msk [tilespmem:v2+s0+$0x0], $0xffff  }
0x350: {  	v36 =	vor.u32 $0xA, v7;
	v22 =	vld.idx.msk [tilespmem:v5+s0+$0x0], $0xffff  }
0x351: {  	v38 =	vor.u32 $0xB, v7;
	v23 =	vld.idx.msk [tilespmem:v9+s20+$0x0], $0xffff  }
0x352: {  	v40 =	vor.u32 $0xC, v7;
	v25 =	vld.idx.msk [tilespmem:v10+s0+$0x0], $0xffff  }
0x353: {  	v29 =	vld.idx.msk [tilespmem:v12+s0+$0x0], $0xffff  }
0x354: {  	v46 =	vor.u32 $0x16, v7;
	v31 =	vld.idx.msk [tilespmem:v14+s0+$0x0], $0xffff  }
0x355: {  	v49 =	vor.u32 $0x15, v7;
	v36 =	vld.idx.msk [tilespmem:v36+s0+$0x0], $0xffff  }
0x356: {  	v61 =	vor.u32 $0x14, v7;
	v38 =	vld.idx.msk [tilespmem:v38+s0+$0x0], $0xffff  }
0x357: {  	v3 =	vor.u32 $0x1E, v8;
	v40 =	vld.idx.msk [tilespmem:v40+s0+$0x0], $0xffff  }
0x358: {  	v51 =	vadd.f32 v15, v1;
	v4 =	vor.u32 $0x2, v9;
	v47 =	vld.idx.msk [tilespmem:v8+s17+$0x0], $0xffff  }
0x359: {  	v6 =	vor.u32 $0x3, v9;
	v15 =	vld.idx.msk [tilespmem:v46+s0+$0x0], $0xffff  }
0x35a: {  	v53 =	vadd.f32 v16, v51;
	v11 =	vor.u32 $0x5, v9;
	v16 =	vld.idx.msk [tilespmem:v49+s0+$0x0], $0xffff  }
0x35b: {  	v63 =	vadd.f32 v18, v51;
	v42 =	vor.u32 $0x1, v9;
	v18 =	vld.idx.msk [tilespmem:v61+s0+$0x0], $0xffff  }
0x35c: {  	v44 =	vor.u32 $0x1, v8;
	v2 =	vld.idx.msk [tilespmem:v3+s17+$0x0], $0xffff  }
0x35d: {  	v48 =	vor.u32 $0x2, v8;
	v21 =	vld.idx.msk [tilespmem:v4+s20+$0x0], $0xffff  }
0x35e: {  	v50 =	vor.u32 $0x3, v8;
	v24 =	vld.idx.msk [tilespmem:v6+s20+$0x0], $0xffff  }
0x35f: {  	v52 =	vor.u32 $0x4, v8;
	v28 =	vld.idx.msk [tilespmem:v11+s20+$0x0], $0xffff  }
0x360: {  	v5 =	vor.u32 $0x4, v7;
	v42 =	vld.idx.msk [tilespmem:v42+s20+$0x0], $0xffff  }
0x361: {  	v12 =	vor.u32 $0x7, v7;
	v60 =	vld.idx.msk [tilespmem:v44+s17+$0x0], $0xffff  }
0x362: {  	v14 =	vor.u32 $0x8, v7;
	v46 =	vld.idx.msk [tilespmem:v48+s17+$0x0], $0xffff  }
0x363: {  	v3 =	vor.u32 $0x1F, v7;
	v55 =	vld.idx.msk [tilespmem:v50+s17+$0x0], $0xffff  }
0x364: {  	v4 =	vor.u32 $0x4, v9;
	v59 =	vld.idx.msk [tilespmem:v52+s17+$0x0], $0xffff  }
0x365: {  	v6 =	vor.u32 $0x1F, v9;
	v27 =	vld.idx.msk [tilespmem:v5+s0+$0x0], $0xffff  }
0x366: {  	v13 =	vor.u32 $0x1E, v9;
	v33 =	vld.idx.msk [tilespmem:v12+s0+$0x0], $0xffff  }
0x367: {  	v11 =	vor.u32 $0x7, v9;
	v35 =	vld.idx.msk [tilespmem:v14+s0+$0x0], $0xffff  }
0x368: {  	v56 =	vor.u32 $0x12, v7;
	v3 =	vld.idx.msk [tilespmem:v3+s0+$0x0], $0xffff  }
0x369: {  	v62 =	vor.u32 $0x13, v7;
	v26 =	vld.idx.msk [tilespmem:v4+s20+$0x0], $0xffff  }
0x36a: {  	v54 =	vor.u32 $0x5, v8;
	v10 =	vld.idx.msk [tilespmem:v6+s20+$0x0], $0xffff  }
0x36b: {  	v57 =	vor.u32 $0x6, v8;
	v4 =	vld.idx.msk [tilespmem:v13+s20+$0x0], $0xffff  }
0x36c: {  	v5 =	vor.u32 $0x6, v9;
	v23 =	vmul.f32 v23, v19;
	v19 =	vmul.f32 v47, v19;
	v32 =	vld.idx.msk [tilespmem:v11+s20+$0x0], $0xffff  }
0x36d: {  	v12 =	vor.u32 $0x9, v7;
	v21 =	vmul.f32 v21, v22;
	v22 =	vmul.f32 v46, v22;
	v46 =	vld.idx.msk [tilespmem:v56+s0+$0x0], $0xffff  }
0x36e: {  	v14 =	vor.u32 $0xA, v9;
	v58 =	vadd.f32 v19, v63;
	v19 =	vld.idx.msk [tilespmem:v62+s0+$0x0], $0xffff  }
0x36f: {  	v61 =	vor.u32 $0x7, v8;
	v63 =	vld.idx.msk [tilespmem:v54+s17+$0x0], $0xffff  }
0x370: {  	v6 =	vor.u32 $0xE, v7;
	v54 =	vmul.f32 v55, v25;
	v55 =	vld.idx.msk [tilespmem:v57+s17+$0x0], $0xffff  }
0x371: {  	v13 =	vor.u32 $0x8, v9;
	v30 =	vld.idx.msk [tilespmem:v5+s20+$0x0], $0xffff  }
0x372: {  	v11 =	vor.u32 $0x9, v9;
	v42 =	vmul.f32 v42, v20;
	v20 =	vmul.f32 v60, v20;
	v39 =	vld.idx.msk [tilespmem:v12+s0+$0x0], $0xffff  }
0x373: {  	v60 =	vor.u32 $0x11, v7;
	v41 =	vld.idx.msk [tilespmem:v14+s20+$0x0], $0xffff  }
0x374: {  	v52 =	vor.u32 $0x8, v8;
	v20 =	vadd.f32 v20, v58;
	v58 =	vmul.f32 v59, v27;
	v59 =	vld.idx.msk [tilespmem:v61+s17+$0x0], $0xffff  }
0x375: {  	v23 =	vadd.f32 v23, v53;
	v62 =	vor.u32 $0x10, v7;
	v17 =	vld.idx.msk [tilespmem:v6+s0+$0x0], $0xffff  }
0x376: {  	v57 =	vor.u32 $0xA, v8;
	v34 =	vld.idx.msk [tilespmem:v13+s20+$0x0], $0xffff  }
0x377: {  	v56 =	vor.u32 $0x9, v8;
	v23 =	vadd.f32 v42, v23;
	v37 =	vld.idx.msk [tilespmem:v11+s20+$0x0], $0xffff  }
0x378: {  	v5 =	vor.u32 $0x1D, v8;
	v47 =	vld.idx.msk [tilespmem:v60+s0+$0x0], $0xffff  }
0x379: {  	v12 =	vor.u32 $0x19, v7;
	v21 =	vadd.f32 v21, v23;
	v23 =	vld.idx.msk [tilespmem:v52+s17+$0x0], $0xffff  }
0x37a: {  	v24 =	vmul.f32 v24, v25;
	v14 =	vor.u32 $0xD, v7;
	v42 =	vld.idx.msk [tilespmem:v62+s0+$0x0], $0xffff  }
0x37b: {  	v43 =	vor.u32 $0x17, v7;
	v28 =	vmul.f32 v28, v29;
	v62 =	vmul.f32 v63, v29;
	v29 =	vld.idx.msk [tilespmem:v57+s17+$0x0], $0xffff  }
0x37c: {  	v53 =	vor.u32 $0xF, v7;
	v21 =	vadd.f32 v24, v21;
	v24 =	vld.idx.msk [tilespmem:v56+s17+$0x0], $0xffff  }
0x37d: {  	v61 =	vor.u32 $0xB, v8;
	v5 =	vld.idx.msk [tilespmem:v5+s17+$0x0], $0xffff  }
0x37e: {  	v48 =	vor.u32 $0xC, v9;
	v20 =	vadd.f32 v22, v20;
	v26 =	vmul.f32 v26, v27;
	v12 =	vld.idx.msk [tilespmem:v12+s0+$0x0], $0xffff  }
0x37f: {  	v6 =	vor.u32 $0x1C, v8;
	v45 =	vld.idx.msk [tilespmem:v14+s0+$0x0], $0xffff  }
0x380: {  	v13 =	vor.u32 $0x1A, v7;
	v20 =	vadd.f32 v54, v20;
	v14 =	vld.idx.msk [tilespmem:v43+s0+$0x0], $0xffff;
	v21 =	vadd.f32 v26, v21  }
0x381: {  	v50 =	vor.u32 $0xC, v8;
	v60 =	vor.u32 $0xB, v9;
	v63 =	vmul.f32 v30, v31;
	v30 =	vld.idx.msk [tilespmem:v53+s0+$0x0], $0xffff  }
0x382: {  	v52 =	vmul.f32 v32, v33;
	v20 =	vadd.f32 v58, v20;
	v57 =	vld.idx.msk [tilespmem:v61+s17+$0x0], $0xffff;
	v21 =	vadd.f32 v28, v21  }
0x383: {  	v51 =	vmul.f32 v55, v31;
	v54 =	vor.u32 $0xD, v8;
	v53 =	vor.u32 $0xD, v9;
	v61 =	vld.idx.msk [tilespmem:v48+s20+$0x0], $0xffff  }
0x384: {  	v55 =	vmul.f32 v59, v33;
	v6 =	vld.idx.msk [tilespmem:v6+s17+$0x0], $0xffff;
	v20 =	vadd.f32 v62, v20;
	v21 =	vadd.f32 v63, v21  }
0x385: {  	v58 =	vor.u32 $0xE, v9;
	v59 =	vor.u32 $0xE, v8;
	v43 =	vor.u32 $0xF, v9;
	v11 =	vld.idx.msk [tilespmem:v13+s0+$0x0], $0xffff  }
0x386: {  	v26 =	vld.idx.msk [tilespmem:v60+s20+$0x0], $0xffff;
	v56 =	vmul.f32 v34, v35;
	v20 =	vadd.f32 v51, v20;
	v21 =	vadd.f32 v52, v21  }
0x387: {  	v13 =	vor.u32 $0x18, v7;
	v60 =	vmul.f32 v23, v35;
	v62 =	vmul.f32 v37, v39;
	v63 =	vld.idx.msk [tilespmem:v50+s17+$0x0], $0xffff  }
0x388: {  	v29 =	vmul.f32 v29, v36;
	v51 =	vld.idx.msk [tilespmem:v54+s17+$0x0], $0xffff;
	v20 =	vadd.f32 v55, v20;
	v21 =	vadd.f32 v56, v21  }
0x389: {  	v44 =	vor.u32 $0xF, v8;
	v48 =	vmul.f32 v24, v39;
	v50 =	vmul.f32 v41, v36;
	v49 =	vld.idx.msk [tilespmem:v53+s20+$0x0], $0xffff  }
0x38a: {  	v53 =	vor.u32 $0x10, v8;
	v54 =	vld.idx.msk [tilespmem:v58+s20+$0x0], $0xffff;
	v20 =	vadd.f32 v60, v20;
	v21 =	vadd.f32 v62, v21  }
0x38b: {  	v25 =	vmul.f32 v57, v38;
	v57 =	vor.u32 $0x11, v8;
	v58 =	vld.idx.msk [tilespmem:v43+s20+$0x0], $0xffff;
	v52 =	vor.u32 $0x10, v9  }
0x38c: {  	v13 =	vld.idx.msk [tilespmem:v13+s0+$0x0], $0xffff;
	v26 =	vmul.f32 v26, v38;
	v20 =	vadd.f32 v48, v20;
	v21 =	vadd.f32 v50, v21  }
0x38d: {  	v23 =	vmul.f32 v61, v40;
	v61 =	vor.u32 $0x12, v8;
	v43 =	vor.u32 $0x13, v8;
	v55 =	vld.idx.msk [tilespmem:v59+s17+$0x0], $0xffff  }
0x38e: {  	v59 =	vld.idx.msk [tilespmem:v44+s17+$0x0], $0xffff;
	v56 =	vor.u32 $0x11, v9;
	v20 =	vadd.f32 v29, v20;
	v21 =	vadd.f32 v26, v21  }
0x38f: {  	v60 =	vor.u32 $0x12, v9;
	v27 =	vmul.f32 v63, v40;
	v28 =	vmul.f32 v51, v45;
	v40 =	vld.idx.msk [tilespmem:v53+s17+$0x0], $0xffff  }
0x390: {  	v63 =	vmul.f32 v49, v45;
	v45 =	vld.idx.msk [tilespmem:v57+s17+$0x0], $0xffff;
	v20 =	vadd.f32 v25, v20;
	v21 =	vadd.f32 v23, v21  }
0x391: {  	v41 =	vor.u32 $0x13, v9;
	v49 =	vor.u32 $0x15, v9;
	v62 =	vld.idx.msk [tilespmem:v52+s20+$0x0], $0xffff  }
0x392: {  	v22 =	vmul.f32 v54, v17;
	v52 =	vld.idx.msk [tilespmem:v61+s17+$0x0], $0xffff;
	v20 =	vadd.f32 v27, v20;
	v21 =	vadd.f32 v63, v21  }
0x393: {  	v48 =	vor.u32 $0x14, v9;
	v51 =	vmul.f32 v58, v30;
	v53 =	vor.u32 $0x14, v8;
	v44 =	vld.idx.msk [tilespmem:v56+s20+$0x0], $0xffff  }
0x394: {  	v17 =	vmul.f32 v55, v17;
	v50 =	vld.idx.msk [tilespmem:v60+s20+$0x0], $0xffff;
	v20 =	vadd.f32 v28, v20;
	v21 =	vadd.f32 v22, v21  }
0x395: {  	v54 =	vor.u32 $0x16, v9;
	v58 =	vor.u32 $0x17, v9;
	v56 =	vld.idx.msk [tilespmem:v43+s17+$0x0], $0xffff;
	v26 =	vmul.f32 v59, v30  }
0x396: {  	v61 =	vld.idx.msk [tilespmem:v49+s20+$0x0], $0xffff;
	v55 =	vmul.f32 v62, v42;
	v17 =	vadd.f32 v17, v20;
	v21 =	vadd.f32 v51, v21  }
0x397: {  	v57 =	vor.u32 $0x15, v8;
	v24 =	vmul.f32 v40, v42;
	v49 =	vor.u32 $0x1B, v8;
	v20 =	vld.idx.msk [tilespmem:v41+s20+$0x0], $0xffff  }
0x398: {  	v59 =	vld.idx.msk [tilespmem:v48+s20+$0x0], $0xffff;
	v60 =	vmul.f32 v44, v47;
	v17 =	vadd.f32 v26, v17;
	v21 =	vadd.f32 v55, v21  }
0x399: {  	v36 =	vld.idx.msk [tilespmem:v53+s17+$0x0], $0xffff;
	v40 =	vor.u32 $0x19, v9;
	v62 =	vor.u32 $0x16, v8;
	v23 =	vmul.f32 v45, v47  }
0x39a: {  	v38 =	vld.idx.msk [tilespmem:v54+s20+$0x0], $0xffff;
	v37 =	vmul.f32 v50, v46;
	v17 =	vadd.f32 v24, v17;
	v21 =	vadd.f32 v60, v21  }
0x39b: {  	v39 =	vor.u32 $0x17, v8;
	v29 =	vmul.f32 v52, v46;
	v42 =	vld.idx.msk [tilespmem:v58+s20+$0x0], $0xffff;
	v63 =	vor.u32 $0x18, v9  }
0x39c: {  	v41 =	vld.idx.msk [tilespmem:v57+s17+$0x0], $0xffff;
	v20 =	vmul.f32 v20, v19;
	v17 =	vadd.f32 v23, v17;
	v21 =	vadd.f32 v37, v21  }
0x39d: {  	v43 =	vor.u32 $0x18, v8;
	v44 =	vor.u32 $0x1A, v9;
	v46 =	vmul.f32 v59, v18;
	v58 =	vld.idx.msk [tilespmem:v49+s17+$0x0], $0xffff  }
0x39e: {  	v45 =	vld.idx.msk [tilespmem:v62+s17+$0x0], $0xffff;
	v19 =	vmul.f32 v56, v19;
	v17 =	vadd.f32 v29, v17;
	v20 =	vadd.f32 v20, v21  }
0x39f: {  	v48 =	vor.u32 $0x19, v8;
	v52 =	vor.u32 $0x1A, v8;
	v18 =	vmul.f32 v36, v18;
	v51 =	vld.idx.msk [tilespmem:v40+s20+$0x0], $0xffff  }
0x3a0: {  	v50 =	vmul.f32 v61, v16;
	v17 =	vadd.f32 v19, v17;
	v19 =	vld.idx.msk [tilespmem:v39+s17+$0x0], $0xffff;
	v20 =	vadd.f32 v46, v20  }
0x3a1: {  	v53 =	vor.u32 $0x1B, v7;
	v54 =	vmul.f32 v38, v15;
	v59 =	vor.u32 $0x1C, v9;
	v47 =	vld.idx.msk [tilespmem:v63+s20+$0x0], $0xffff  }
0x3a2: {  	v16 =	vmul.f32 v41, v16;
	v17 =	vadd.f32 v18, v17;
	v18 =	vld.idx.msk [tilespmem:v43+s17+$0x0], $0xffff;
	v20 =	vadd.f32 v50, v20  }
0x3a3: {  	v57 =	vor.u32 $0x1C, v7;
	v22 =	vmul.f32 v42, v14;
	v55 =	vld.idx.msk [tilespmem:v44+s20+$0x0], $0xffff;
	v56 =	vor.u32 $0x1B, v9  }
0x3a4: {  	v15 =	vmul.f32 v45, v15;
	v16 =	vadd.f32 v16, v17;
	v17 =	vld.idx.msk [tilespmem:v48+s17+$0x0], $0xffff;
	v20 =	vadd.f32 v54, v20  }
0x3a5: {  	v62 =	vor.u32 $0x1E, v7;
	v60 =	vor.u32 $0x1D, v7;
	v14 =	vmul.f32 v19, v14;
	v19 =	vld.idx.msk [tilespmem:v52+s17+$0x0], $0xffff  }
0x3a6: {  	v26 =	vmul.f32 v47, v13;
	v16 =	vadd.f32 v15, v16;
	v15 =	vld.idx.msk [tilespmem:v53+s0+$0x0], $0xffff;
	v20 =	vadd.f32 v22, v20  }
0x3a7: {  	v61 =	vor.u32 $0x1D, v9;
	v9 =	vmul.f32 v18, v13;
	v13 =	vld.idx.msk [tilespmem:v59+s20+$0x0], $0xffff  }
0x3a8: {  	v18 =	vmul.f32 v51, v12;
	v7 =	vadd.f32 v14, v16;
	v16 =	vld.idx.msk [tilespmem:v56+s20+$0x0], $0xffff;
	v20 =	vadd.f32 v26, v20  }
0x3a9: {  	v14 =	vld.idx.msk [tilespmem:v57+s0+$0x0], $0xffff;
	v12 =	vmul.f32 v17, v12;
	v17 =	vor.u32 $0x1F, v8  }
0x3aa: {  	v24 =	vmul.f32 v55, v11;
	v8 =	vld.idx.msk [tilespmem:v62+s0+$0x0], $0xffff;
	v63 =	vadd.f32 v9, v7;
	v20 =	vadd.f32 v18, v20  }
0x3ab: {  	v9 =	vld.idx.msk [tilespmem:v60+s0+$0x0], $0xffff;
	v7 =	vmul.f32 v10, v3;
	v19 =	vmul.f32 v19, v11  }
0x3ac: {  	s31 =	simm.s32 $0x640;
	v10 =	vld.idx.msk [tilespmem:v61+s20+$0x0], $0xffff;
	v18 =	vadd.f32 v12, v63;
	v12 =	vmul.f32 v58, v15;
	v11 =	vadd.f32 v24, v20  }
.LBB2_10:
0x3ad: {  	s26 =	smov.u32 s31  }
0x3ae: {  	s29 =	sshra.s32 s31, $0x2;
	v18 =	vadd.f32 v19, v18;
	v15 =	vmul.f32 v16, v15;
	v16 =	vld.idx.msk [tilespmem:v17+s17+$0x0], $0xffff;
	s24 =	sadd.s32 $0x10, s24;
	s26 =	sadd.s32 $0x40, s31  }
0x3af: {  	p0 =	sne.s32 s31, $0x7C0;
	v6 =	vmul.f32 v6, v14;
	v17 =	vld [tilespmem:s29+$0x0]  }
0x3b0: {  	v13 =	vmul.f32 v13, v14;
	v12 =	vadd.f32 v12, v18;
	v11 =	vadd.f32 v15, v11;
	v19 =	vld [tilespmem:s29+$0x200]  }
0x3b1: {  	v5 =	vmul.f32 v5, v9;
	v14 =	vld [tilespmem:s29+$0x400]  }
0x3b2: {  	v9 =	vmul.f32 v10, v9;
	v6 =	vadd.f32 v6, v12;
	v11 =	vadd.f32 v13, v11;
	v15 =	vld [tilespmem:s29+$0x18C00]  }
0x3b3: {  	v10 =	vmov s24;
	v2 =	vmul.f32 v2, v8;
	v4 =	vmul.f32 v4, v8;
	v12 =	vld [tilespmem:s29+$0x18E00]  }
0x3b4: {  	v8 =	vshll.u32 v10, $0x7;
	v3 =	vmul.f32 v16, v3;
	v10 =	vshll.u32 v17, $0x5;
	v13 =	vld [tilespmem:s29+$0x19000]  }
0x3b5: {  	v9 =	vadd.f32 v9, v11;
	v10 =	vand.u32 $0x60, v10;
	v16 =	vshll.u32 v19, $0x5  }
0x3b6: {  	v5 =	vadd.f32 v5, v6;
	v11 =	vshll.u32 v14, $0x5;
	v14 =	vor.u32 v0, v8  }
0x3b7: {  	v4 =	vadd.f32 v4, v9;
	v6 =	vand.u32 $0x60, v11;
	v11 =	vor.u32 v14, v10  }
0x3b8: {  	v9 =	vand.u32 $0x60, v16;
	v16 =	vor.u32 $0xE, v11;
	v8 =	vor.u32 $0x1E, v11  }
0x3b9: {  	v2 =	vadd.f32 v2, v5;
	v17 =	vadd.f32 v15, v1;
	v10 =	vor.u32 v14, v6  }
0x3ba: {  	v9 =	vor.u32 v14, v9;
	v15 =	vor.u32 $0x1, v10;
	v5 =	vor.u32 $0x1E, v10  }
0x3bb: {  	v2 =	vadd.f32 v3, v2;
	v3 =	vadd.f32 v7, v4;
	v6 =	vor.u32 $0x1, v11  }
0x3bc: {  	v7 =	vor.u32 $0x1E, v9;
	v19 =	vadd.f32 v12, v17;
	v4 =	vadd.f32 v13, v17  }
0x3bd: {  	v12 =	vor.u32 $0x2, v10;
	[tilespmem:s23+$0x19200] =	vst v2  }
0x3be: {  	v13 =	vor.u32 $0x2, v11;
	[tilespmem:s23+$0x19400] =	vst v3;
	s23 =	smov.u32 s29  }
0x3bf: {  	v17 =	vld.idx.msk [tilespmem:v11+s0+$0x0], $0xffff  }
0x3c0: {  	v3 =	vor.u32 $0x3, v10;
	v20 =	vld.idx.msk [tilespmem:v6+s0+$0x0], $0xffff  }
0x3c1: {  	v6 =	vor.u32 $0x3, v11;
	v2 =	vld.idx.msk [tilespmem:v7+s17+$0x0], $0xffff  }
0x3c2: {  	v7 =	vld.idx.msk [tilespmem:v12+s20+$0x0], $0xffff;
	v12 =	vor.u32 $0x1F, v11  }
0x3c3: {  	v22 =	vld.idx.msk [tilespmem:v13+s0+$0x0], $0xffff;
	v13 =	vor.u32 $0x4, v10  }
0x3c4: {  	v18 =	vor.u32 $0x4, v11;
	v14 =	vld.idx.msk [tilespmem:v10+s20+$0x0], $0xffff  }
0x3c5: {  	v25 =	vor.u32 $0x1F, v10;
	v21 =	vld.idx.msk [tilespmem:v3+s20+$0x0], $0xffff  }
0x3c6: {  	v23 =	vld.idx.msk [tilespmem:v6+s0+$0x0], $0xffff;
	v6 =	vor.u32 $0x5, v10  }
0x3c7: {  	v26 =	vor.u32 $0x5, v11;
	v3 =	vld.idx.msk [tilespmem:v12+s0+$0x0], $0xffff  }
0x3c8: {  	v12 =	vld.idx.msk [tilespmem:v13+s20+$0x0], $0xffff  }
0x3c9: {  	v32 =	vmul.f32 v7, v22;
	v7 =	vor.u32 $0x6, v10;
	v24 =	vld.idx.msk [tilespmem:v18+s0+$0x0], $0xffff  }
0x3ca: {  	v13 =	vmul.f32 v14, v17;
	v14 =	vor.u32 $0x6, v11;
	v25 =	vld.idx.msk [tilespmem:v25+s20+$0x0], $0xffff  }
0x3cb: {  	v6 =	vld.idx.msk [tilespmem:v6+s20+$0x0], $0xffff  }
0x3cc: {  	v33 =	vadd.f32 v13, v4;
	v34 =	vmul.f32 v21, v23;
	v13 =	vor.u32 $0x7, v10;
	v26 =	vld.idx.msk [tilespmem:v26+s0+$0x0], $0xffff  }
0x3cd: {  	v21 =	vor.u32 $0x7, v11;
	v4 =	vld.idx.msk [tilespmem:v5+s20+$0x0], $0xffff  }
0x3ce: {  	v5 =	vor.u32 $0x1D, v9;
	v29 =	vld.idx.msk [tilespmem:v7+s20+$0x0], $0xffff  }
0x3cf: {  	v35 =	vmul.f32 v12, v24;
	v12 =	vor.u32 $0x8, v10;
	v27 =	vld.idx.msk [tilespmem:v14+s0+$0x0], $0xffff  }
0x3d0: {  	v14 =	vor.u32 $0x8, v11;
	v7 =	vmul.f32 v25, v3;
	v18 =	vld.idx.msk [tilespmem:v16+s0+$0x0], $0xffff  }
0x3d1: {  	v16 =	vor.u32 $0x1C, v9;
	v13 =	vld.idx.msk [tilespmem:v13+s20+$0x0], $0xffff  }
0x3d2: {  	v36 =	vmul.f32 v6, v26;
	v28 =	vld.idx.msk [tilespmem:v21+s0+$0x0], $0xffff;
	v21 =	vor.u32 $0x9, v10  }
0x3d3: {  	v25 =	vor.u32 $0x9, v11;
	v5 =	vld.idx.msk [tilespmem:v5+s17+$0x0], $0xffff  }
0x3d4: {  	v30 =	vld.idx.msk [tilespmem:v12+s20+$0x0], $0xffff;
	v12 =	vor.u32 $0x1A, v11  }
0x3d5: {  	v37 =	vmul.f32 v29, v27;
	v29 =	vld.idx.msk [tilespmem:v14+s0+$0x0], $0xffff;
	v14 =	vor.u32 $0xA, v10  }
0x3d6: {  	v38 =	vor.u32 $0xA, v11;
	v6 =	vld.idx.msk [tilespmem:v16+s17+$0x0], $0xffff  }
0x3d7: {  	v16 =	vld.idx.msk [tilespmem:v21+s20+$0x0], $0xffff;
	v21 =	vor.u32 $0xB, v11  }
0x3d8: {  	v39 =	vmul.f32 v13, v28;
	v13 =	vor.u32 $0x19, v11;
	v31 =	vld.idx.msk [tilespmem:v25+s0+$0x0], $0xffff  }
0x3d9: {  	v25 =	vor.u32 $0xC, v11;
	v12 =	vld.idx.msk [tilespmem:v12+s0+$0x0], $0xffff  }
0x3da: {  	v40 =	vld.idx.msk [tilespmem:v14+s20+$0x0], $0xffff;
	v14 =	vor.u32 $0x18, v11  }
0x3db: {  	v42 =	vor.u32 $0xD, v11;
	v41 =	vmul.f32 v30, v29;
	v38 =	vld.idx.msk [tilespmem:v38+s0+$0x0], $0xffff  }
0x3dc: {  	v30 =	vld.idx.msk [tilespmem:v21+s0+$0x0], $0xffff  }
0x3dd: {  	v13 =	vld.idx.msk [tilespmem:v13+s0+$0x0], $0xffff  }
0x3de: {  	v43 =	vmul.f32 v16, v31;
	v16 =	vor.u32 $0x17, v11;
	v25 =	vld.idx.msk [tilespmem:v25+s0+$0x0], $0xffff  }
0x3df: {  	v44 =	vor.u32 $0x1, v9;
	v14 =	vld.idx.msk [tilespmem:v14+s0+$0x0], $0xffff  }
0x3e0: {  	v21 =	vld.idx.msk [tilespmem:v42+s0+$0x0], $0xffff;
	v42 =	vor.u32 $0x16, v11  }
0x3e1: {  	v46 =	vor.u32 $0x2, v9;
	v40 =	vmul.f32 v40, v38;
	v45 =	vld.idx.msk [tilespmem:v9+s17+$0x0], $0xffff  }
0x3e2: {  	v48 =	vor.u32 $0x15, v11;
	v47 =	vld.idx.msk [tilespmem:v15+s20+$0x0], $0xffff  }
0x3e3: {  	v49 =	vor.u32 $0x3, v9;
	v15 =	vld.idx.msk [tilespmem:v16+s0+$0x0], $0xffff  }
0x3e4: {  	v50 =	vor.u32 $0x14, v11;
	v44 =	vld.idx.msk [tilespmem:v44+s17+$0x0], $0xffff  }
0x3e5: {  	v51 =	vor.u32 $0x4, v9;
	v16 =	vld.idx.msk [tilespmem:v42+s0+$0x0], $0xffff  }
0x3e6: {  	v42 =	vld.idx.msk [tilespmem:v46+s17+$0x0], $0xffff;
	v46 =	vor.u32 $0x13, v11  }
0x3e7: {  	v52 =	vor.u32 $0x5, v9;
	v45 =	vmul.f32 v45, v17;
	v17 =	vld.idx.msk [tilespmem:v48+s0+$0x0], $0xffff  }
0x3e8: {  	v47 =	vmul.f32 v47, v20;
	v48 =	vld.idx.msk [tilespmem:v49+s17+$0x0], $0xffff;
	v49 =	vor.u32 $0x12, v11  }
0x3e9: {  	v53 =	vor.u32 $0x6, v9;
	v45 =	vadd.f32 v45, v19;
	v19 =	vld.idx.msk [tilespmem:v50+s0+$0x0], $0xffff  }
0x3ea: {  	v44 =	vmul.f32 v44, v20;
	v33 =	vadd.f32 v47, v33;
	v50 =	vor.u32 $0x11, v11;
	v47 =	vld.idx.msk [tilespmem:v51+s17+$0x0], $0xffff  }
0x3eb: {  	v54 =	vor.u32 $0x10, v11;
	v51 =	vor.u32 $0x7, v9;
	v20 =	vld.idx.msk [tilespmem:v46+s0+$0x0], $0xffff  }
0x3ec: {  	v44 =	vadd.f32 v44, v45;
	v42 =	vmul.f32 v42, v22;
	v32 =	vadd.f32 v32, v33;
	v33 =	vld.idx.msk [tilespmem:v52+s17+$0x0], $0xffff  }
0x3ed: {  	v45 =	vor.u32 $0x8, v9;
	v46 =	vor.u32 $0xF, v11;
	v22 =	vld.idx.msk [tilespmem:v49+s0+$0x0], $0xffff  }
0x3ee: {  	v42 =	vadd.f32 v42, v44;
	v23 =	vmul.f32 v48, v23;
	v32 =	vadd.f32 v34, v32;
	v34 =	vld.idx.msk [tilespmem:v53+s17+$0x0], $0xffff  }
0x3ef: {  	v44 =	vor.u32 $0x9, v9;
	v48 =	vor.u32 $0xA, v9;
	v49 =	vld.idx.msk [tilespmem:v50+s0+$0x0], $0xffff  }
0x3f0: {  	v23 =	vadd.f32 v23, v42;
	v24 =	vmul.f32 v47, v24;
	v32 =	vadd.f32 v35, v32;
	v35 =	vld.idx.msk [tilespmem:v51+s17+$0x0], $0xffff  }
0x3f1: {  	v42 =	vor.u32 $0xB, v9;
	v47 =	vor.u32 $0xB, v10;
	v50 =	vld.idx.msk [tilespmem:v54+s0+$0x0], $0xffff  }
0x3f2: {  	v23 =	vadd.f32 v24, v23;
	v24 =	vmul.f32 v33, v26;
	v26 =	vadd.f32 v36, v32;
	v32 =	vld.idx.msk [tilespmem:v45+s17+$0x0], $0xffff  }
0x3f3: {  	v33 =	vor.u32 $0xC, v9;
	v36 =	vor.u32 $0xC, v10;
	v45 =	vld.idx.msk [tilespmem:v46+s0+$0x0], $0xffff  }
0x3f4: {  	v23 =	vadd.f32 v24, v23;
	v24 =	vmul.f32 v34, v27;
	v26 =	vadd.f32 v37, v26;
	v27 =	vld.idx.msk [tilespmem:v44+s17+$0x0], $0xffff  }
0x3f5: {  	v37 =	vor.u32 $0xD, v9;
	v44 =	vor.u32 $0xD, v10;
	v34 =	vld.idx.msk [tilespmem:v48+s17+$0x0], $0xffff  }
0x3f6: {  	v23 =	vadd.f32 v24, v23;
	v24 =	vmul.f32 v35, v28;
	v26 =	vadd.f32 v39, v26;
	v28 =	vld.idx.msk [tilespmem:v47+s20+$0x0], $0xffff  }
0x3f7: {  	v39 =	vor.u32 $0xE, v9;
	v35 =	vld.idx.msk [tilespmem:v42+s17+$0x0], $0xffff;
	v42 =	vor.u32 $0xE, v10  }
0x3f8: {  	v23 =	vadd.f32 v24, v23;
	v24 =	vmul.f32 v32, v29;
	v26 =	vadd.f32 v41, v26;
	v29 =	vld.idx.msk [tilespmem:v36+s20+$0x0], $0xffff  }
0x3f9: {  	v36 =	vor.u32 $0xF, v10;
	v32 =	vld.idx.msk [tilespmem:v33+s17+$0x0], $0xffff;
	v33 =	vor.u32 $0xF, v9  }
0x3fa: {  	v23 =	vadd.f32 v24, v23;
	v24 =	vmul.f32 v27, v31;
	v26 =	vadd.f32 v43, v26;
	v27 =	vld.idx.msk [tilespmem:v44+s20+$0x0], $0xffff  }
0x3fb: {  	v31 =	vmul.f32 v34, v38;
	v38 =	vor.u32 $0x10, v10;
	v34 =	vld.idx.msk [tilespmem:v37+s17+$0x0], $0xffff;
	v37 =	vor.u32 $0x10, v9  }
0x3fc: {  	v23 =	vadd.f32 v24, v23;
	v24 =	vadd.f32 v40, v26;
	v26 =	vmul.f32 v28, v30;
	v28 =	vld.idx.msk [tilespmem:v42+s20+$0x0], $0xffff  }
0x3fd: {  	v40 =	vor.u32 $0x11, v10;
	v30 =	vmul.f32 v35, v30;
	v35 =	vld.idx.msk [tilespmem:v39+s17+$0x0], $0xffff;
	v39 =	vor.u32 $0x11, v9  }
0x3fe: {  	v23 =	vadd.f32 v31, v23;
	v24 =	vadd.f32 v26, v24;
	v26 =	vmul.f32 v29, v25;
	v29 =	vld.idx.msk [tilespmem:v36+s20+$0x0], $0xffff  }
0x3ff: {  	v25 =	vmul.f32 v32, v25;
	v32 =	vor.u32 $0x12, v9;
	v31 =	vld.idx.msk [tilespmem:v33+s17+$0x0], $0xffff;
	v33 =	vor.u32 $0x12, v10  }
0x400: {  	v23 =	vadd.f32 v30, v23;
	v24 =	vadd.f32 v26, v24;
	v26 =	vmul.f32 v27, v21;
	v27 =	vld.idx.msk [tilespmem:v38+s20+$0x0], $0xffff  }
0x401: {  	v36 =	vor.u32 $0x13, v10;
	v21 =	vmul.f32 v34, v21;
	v34 =	vor.u32 $0x13, v9;
	v30 =	vld.idx.msk [tilespmem:v37+s17+$0x0], $0xffff  }
0x402: {  	v23 =	vadd.f32 v25, v23;
	v24 =	vadd.f32 v26, v24;
	v25 =	vmul.f32 v28, v18;
	v26 =	vld.idx.msk [tilespmem:v40+s20+$0x0], $0xffff  }
0x403: {  	v37 =	vor.u32 $0x15, v10;
	v18 =	vmul.f32 v35, v18;
	v35 =	vor.u32 $0x14, v10;
	v28 =	vld.idx.msk [tilespmem:v39+s17+$0x0], $0xffff  }
0x404: {  	v21 =	vadd.f32 v21, v23;
	v23 =	vadd.f32 v25, v24;
	v24 =	vmul.f32 v29, v45;
	v25 =	vld.idx.msk [tilespmem:v33+s20+$0x0], $0xffff  }
0x405: {  	v29 =	vmul.f32 v31, v45;
	v33 =	vor.u32 $0x16, v10;
	v31 =	vld.idx.msk [tilespmem:v32+s17+$0x0], $0xffff;
	v32 =	vor.u32 $0x14, v9  }
0x406: {  	v18 =	vadd.f32 v18, v21;
	v21 =	vadd.f32 v24, v23;
	v23 =	vmul.f32 v27, v50;
	v24 =	vld.idx.msk [tilespmem:v36+s20+$0x0], $0xffff  }
0x407: {  	v27 =	vmul.f32 v30, v50;
	v36 =	vor.u32 $0x17, v10;
	v30 =	vld.idx.msk [tilespmem:v34+s17+$0x0], $0xffff;
	v34 =	vor.u32 $0x15, v9  }
0x408: {  	v18 =	vadd.f32 v29, v18;
	v21 =	vadd.f32 v23, v21;
	v23 =	vmul.f32 v26, v49;
	v26 =	vld.idx.msk [tilespmem:v35+s20+$0x0], $0xffff  }
0x409: {  	v28 =	vmul.f32 v28, v49;
	v35 =	vor.u32 $0x16, v9;
	v29 =	vld.idx.msk [tilespmem:v37+s20+$0x0], $0xffff;
	v37 =	vor.u32 $0x18, v10  }
0x40a: {  	v18 =	vadd.f32 v27, v18;
	v21 =	vadd.f32 v23, v21;
	v23 =	vmul.f32 v25, v22;
	v25 =	vld.idx.msk [tilespmem:v32+s17+$0x0], $0xffff  }
0x40b: {  	v22 =	vmul.f32 v31, v22;
	v31 =	vor.u32 $0x17, v9;
	v32 =	vor.u32 $0x19, v10;
	v27 =	vld.idx.msk [tilespmem:v33+s20+$0x0], $0xffff  }
0x40c: {  	v18 =	vadd.f32 v28, v18;
	v21 =	vadd.f32 v23, v21;
	v23 =	vmul.f32 v24, v20;
	v24 =	vld.idx.msk [tilespmem:v34+s17+$0x0], $0xffff  }
0x40d: {  	v33 =	vor.u32 $0x1A, v10;
	v20 =	vmul.f32 v30, v20;
	v30 =	vor.u32 $0x18, v9;
	v28 =	vld.idx.msk [tilespmem:v36+s20+$0x0], $0xffff  }
0x40e: {  	v18 =	vadd.f32 v22, v18;
	v21 =	vadd.f32 v23, v21;
	v22 =	vmul.f32 v26, v19;
	v23 =	vld.idx.msk [tilespmem:v35+s17+$0x0], $0xffff  }
0x40f: {  	v34 =	vor.u32 $0x19, v9;
	v26 =	vmul.f32 v29, v17;
	v35 =	vor.u32 $0x1B, v9;
	v29 =	vld.idx.msk [tilespmem:v37+s20+$0x0], $0xffff  }
0x410: {  	v18 =	vadd.f32 v20, v18;
	v19 =	vmul.f32 v25, v19;
	v20 =	vadd.f32 v22, v21;
	v21 =	vld.idx.msk [tilespmem:v31+s17+$0x0], $0xffff  }
0x411: {  	v22 =	vmul.f32 v27, v16;
	v27 =	vor.u32 $0x1A, v9;
	v31 =	vor.u32 $0x1B, v11;
	v25 =	vld.idx.msk [tilespmem:v32+s20+$0x0], $0xffff  }
0x412: {  	v18 =	vadd.f32 v19, v18;
	v17 =	vmul.f32 v24, v17;
	v19 =	vadd.f32 v26, v20;
	v20 =	vld.idx.msk [tilespmem:v30+s17+$0x0], $0xffff  }
0x413: {  	v24 =	vmul.f32 v28, v15;
	v28 =	vor.u32 $0x1B, v10;
	v30 =	vor.u32 $0x1C, v11;
	v26 =	vld.idx.msk [tilespmem:v33+s20+$0x0], $0xffff  }
0x414: {  	v17 =	vadd.f32 v17, v18;
	v16 =	vmul.f32 v23, v16;
	v18 =	vadd.f32 v22, v19;
	v19 =	vld.idx.msk [tilespmem:v34+s17+$0x0], $0xffff  }
0x415: {  	v11 =	vor.u32 $0x1D, v11;
	v22 =	vmul.f32 v29, v14;
	v29 =	vor.u32 $0x1C, v10;
	v23 =	vld.idx.msk [tilespmem:v35+s17+$0x0], $0xffff  }
0x416: {  	v16 =	vadd.f32 v16, v17;
	v17 =	vmul.f32 v21, v15;
	v18 =	vadd.f32 v24, v18;
	v21 =	vld.idx.msk [tilespmem:v27+s17+$0x0], $0xffff  }
0x417: {  	v10 =	vor.u32 $0x1D, v10;
	v24 =	vmul.f32 v25, v13;
	v15 =	vld.idx.msk [tilespmem:v31+s0+$0x0], $0xffff  }
0x418: {  	v25 =	vadd.f32 v17, v16;
	v20 =	vmul.f32 v20, v14;
	v18 =	vadd.f32 v22, v18;
	v16 =	vld.idx.msk [tilespmem:v28+s20+$0x0], $0xffff  }
.Ltmp4:
0x419: {  	v17 =	vor.u32 $0x1F, v9;
	v22 =	vmul.f32 v26, v12;
	v14 =	vld.idx.msk [tilespmem:v30+s0+$0x0], $0xffff;
	(pc) =	sbr.rel @p0 .LBB2_10-.Ltmp4, $4  }
0x41a: {  	v20 =	vadd.f32 v20, v25;
	v19 =	vmul.f32 v19, v13;
	v24 =	vadd.f32 v24, v18;
	v13 =	vld.idx.msk [tilespmem:v29+s20+$0x0], $0xffff  }
0x41b: {  	v9 =	vld.idx.msk [tilespmem:v11+s0+$0x0], $0xffff  }
0x41c: {  	v18 =	vadd.f32 v19, v20;
	v19 =	vmul.f32 v21, v12;
	v11 =	vadd.f32 v22, v24;
	v10 =	vld.idx.msk [tilespmem:v10+s20+$0x0], $0xffff  }
0x41d: {  	s31 =	smov.u32 s26;
	v12 =	vmul.f32 v23, v15;
	v8 =	vld.idx.msk [tilespmem:v8+s0+$0x0], $0xffff  }
0x41e: {  	_ = 	snop  }
0x41f: {  	v1 =	vadd.f32 v19, v18  }
0x420: {  	v15 =	vmul.f32 v16, v15  }
0x421: {  	v6 =	vmul.f32 v6, v14;
	v1 =	vadd.f32 v12, v1  }
0x422: {  	v60 =	vld.idx.msk [tilespmem:v17+s17+$0x0], $0xffff;
	v13 =	vmul.f32 v13, v14;
	v11 =	vadd.f32 v15, v11  }
0x423: {  	v5 =	vmul.f32 v5, v9;
	v1 =	vadd.f32 v6, v1  }
0x424: {  	v62 =	vmul.f32 v10, v9;
	v61 =	vadd.f32 v13, v11  }
0x425: {  	v2 =	vmul.f32 v2, v8;
	v1 =	vadd.f32 v5, v1  }
0x426: {  	v4 =	vmul.f32 v4, v8;
	v63 =	vadd.f32 v62, v61  }
0x427: {  	v3 =	vmul.f32 v60, v3;
	v1 =	vadd.f32 v2, v1  }
0x428: {  	v2 =	vadd.f32 v4, v63  }
0x429: {  	v1 =	vadd.f32 v3, v1  }
0x42a: {  	v2 =	vadd.f32 v7, v2  }
0x42b: {  	[tilespmem:s23+$0x19200] =	vst v1  }
0x42c: {  	[tilespmem:s23+$0x19400] =	vst v2  }
0x42d: {  	_ =	swait.ge [sflag:s21], $0x80  }
0x42e: {  	[sflag:s21] =	ssyncset.done $0x0  }
0x42f: {  	[sflag:s21] =	ssyncadd.s32 $0xFFFFFF80  }
0x430: {  	_ =	swait.ge [sflag:s21], $0x80  }
0x431: {  	[sflag:s21] =	ssyncset.done $0x0  }
0x432: {  	[sflag:s21] =	ssyncadd.s32 $0xFFFFFF80  }
0x433: {  	_ =	swait.ge [sflag:s21], $0x80  }
0x434: {  	[sflag:s21] =	ssyncset.done $0x0  }
0x435: {  	[sflag:s21] =	ssyncadd.s32 $0xFFFFFF80  }
0x436: {  	_ =	swait.ge [sflag:s21], $0x80  }
0x437: {  	[sflag:s21] =	ssyncset.done $0x0  }
0x438: {  	[sflag:s21] =	ssyncadd.s32 $0xFFFFFF80  }
0x439: {  	_ =	swait.ge [sflag:s21], $0x80  }
0x43a: {  	[sflag:s21] =	ssyncset.done $0x0  }
0x43b: {  	[sflag:s21] =	ssyncadd.s32 $0xFFFFFF80  }
0x43c: {  	_ =	swait.ge [sflag:s21], $0x80  }
0x43d: {  	[sflag:s21] =	ssyncset.done $0x0  }
0x43e: {  	[sflag:s21] =	ssyncadd.s32 $0xFFFFFF80  }
0x43f: {  	_ =	swait.ge [sflag:s21], $0x80  }
0x440: {  	[sflag:s21] =	ssyncset.done $0x0  }
0x441: {  	[sflag:s21] =	ssyncadd.s32 $0xFFFFFF80  }
0x442: {  	_ =	swait.ge [sflag:s21], $0x80  }
0x443: {  	[sflag:s21] =	ssyncset.done $0x0  }
0x444: {  	[sflag:s21] =	ssyncadd.s32 $0xFFFFFF80  }
0x445: {  	_ =	swait.ge [sflag:s21], $0x80  }
0x446: {  	[sflag:s21] =	ssyncset.done $0x0  }
0x447: {  	[sflag:s21] =	ssyncadd.s32 $0xFFFFFF80  }
0x448: {  	_ =	swait.ge [sflag:s21], $0x80  }
0x449: {  	[sflag:s21] =	ssyncset.done $0x0  }
0x44a: {  	[sflag:s21] =	ssyncadd.s32 $0xFFFFFF80  }
0x44b: {  	_ =	swait.ge [sflag:s21], $0x80  }
0x44c: {  	[sflag:s21] =	ssyncset.done $0x0  }
0x44d: {  	[sflag:s21] =	ssyncadd.s32 $0xFFFFFF80  }
0x44e: {  	_ =	swait.ge [sflag:s21], $0x80  }
0x44f: {  	[sflag:s21] =	ssyncset.done $0x0  }
0x450: {  	[sflag:s21] =	ssyncadd.s32 $0xFFFFFF80  }
0x451: {  	[hbm4b:s11+s2] =	stream.linear.scatter [tilespmem:s3], [sflag:$0x2], $0x200, $0x38;
	[tilespmem:$0x19680] =	vst v63  }
0x452: {  	s22 =	sadd.s32 $0x1, s22;
	_ =	swait.ge [sflag:s14], $0x200  }
0x453: {  	p0 =	sne.s32 s22, s13;
	[sflag:s14] =	ssyncset.done $0x0  }
.Ltmp5:
0x454: {  	[sflag:s14] =	ssyncadd.s32 $0xFFFFFE00;
	(pc) =	sbr.rel @p0 .LBB2_1-.Ltmp5, $4  }
0x455: {  	[hbm4b:s12+s2] =	stream.linear.scatter [tilespmem:s19], [sflag:$0x2], $0x200, $0x38;
	[tilespmem:$0x19680] =	vst v63  }
0x456: {  	_ =	swait.ge [sflag:s14], $0x200  }
0x457: {  	[sflag:s14] =	ssyncset.done $0x0  }
0x458: {  	[sflag:s14] =	ssyncadd.s32 $0xFFFFFE00  }
0x459: {  	_ =	sfence.sel $0x180000  }
0x45a: {  	[bflag:$0x0] =	sbarrier.arrive $0xFFFF  }
0x45b: {  	_ =	strace $0x90000047  }
0x45c: {  	s0 =	stileid.u32;
	[bflag:$0x2] =	sbarrier.arrive $0xFFFF  }
0x45d: {  	p0 =	sne.s32 s0, $0x0;
	s0 =	rddreg [dreg:$0x6]  }
0x45e: {  	s0 =	sadd.s32 @!p0 $0x100000, s0  }
0x45f: {  	[sflag:s0] =	ssyncadd.tile.s32 @!p0 $0x1;
	_ =	shalt  }
.Lfunc_end2:
_tile_overlayer_lowered:
.L_overlay_start_2:
0x460: {  	(tag) =	ssettag $0x2  }
0x461: {  	s0 =	rddreg [dreg:$0x0];
	s2 =	stileid.u32  }
0x462: {  	s1 =	rddreg [dreg:$0x1];
	p0 =	sne.s32 s2, $0x0  }
0x463: {  	s3 =	rddreg [dreg:$0x2];
	[bflag:$0x3] =	sbarrier.arrive $0xFFFF;
	s2 =	simm.s32 @!p0 $0x1C02  }
0x464: {  	[timem:s3], [sflag:s2] =	dma.local @!p0 [hbm:s0], s1  }
0x465: {  	s0 =	simm.s32 @!p0 $0x2  }
0x466: {  	_ =	swait.ge @!p0 [sflag:s0], s1  }
0x467: {  	s1 =	ssub.s32 @!p0 $0x0, s1;
	[sflag:s0] =	ssyncset.done @!p0 $0x0  }
0x468: {  	[sflag:s0] =	ssyncadd.s32 @!p0 s1  }
0x469: {  	[bflag:$0x3] =	sbarrier.arrive $0xFFFF  }
0x46a: {  	_ =	shalt  }

</sc_bundles>
